<compile_context>
chip_gen: v7x
topology: tpu7x:2x2x1
jax: 0.10.2.dev20260603
libtpu: 0.0.44.dev20260713+nightly
codegen_flags: <defaults>
</compile_context>

<pallas_src>
import functools

import jax
import jax.numpy as jnp
from jax import lax
from jax.experimental import pallas as pl
from jax.experimental.pallas import tpu as pltpu
from jax.experimental.pallas import tpu_sc as plsc

B = 8
T = 512
D = 384
F = 1600
TBL = B * T

NC, NS = 2, 16
NW = NC * NS
ROWS_PER_W = (B * F) // NW
CHUNK = 80
NCH = ROWS_PER_W // CHUNK
LPC = CHUNK // 16


def _idx_body(pd_ref, idx_ref):
    b = pl.program_id(0)
    d = jnp.round(jnp.clip(pd_ref[...], 1.0, 20.0)).reshape(T, 1)
    rows = lax.broadcasted_iota(jnp.int32, (T, T), 0)
    cols = lax.broadcasted_iota(jnp.int32, (T, T), 1)
    tril = (rows >= cols).astype(jnp.float32)
    cum = jnp.dot(tril, d, preferred_element_type=jnp.float32)
    pos = lax.broadcasted_iota(jnp.int32, (T, F), 1).astype(jnp.float32)
    m = (pos >= cum).astype(jnp.float32)
    tok = jnp.dot(jnp.ones((1, T), jnp.float32), m,
                  preferred_element_type=jnp.float32)
    raw = tok.astype(jnp.int32)
    flat = jnp.where(raw < T, b * T + raw, TBL)
    idx_ref[...] = flat.reshape(1, 1, F)


_idx_call = pl.pallas_call(
    _idx_body,
    grid=(B,),
    in_specs=[pl.BlockSpec((1, T, 1), lambda b: (b, 0, 0))],
    out_specs=pl.BlockSpec((1, 1, F), lambda b: (b, 0, 0)),
    out_shape=jax.ShapeDtypeStruct((B, 1, F), jnp.int32),
)


_sc_mesh = plsc.VectorSubcoreMesh(core_axis_name="c", subcore_axis_name="s")


@functools.partial(
    pl.kernel,
    mesh=_sc_mesh,
    out_type=jax.ShapeDtypeStruct((B * F, D), jnp.float32),
    scratch_types=[
        pltpu.VMEM((ROWS_PER_W,), jnp.int32),
        pltpu.VMEM((ROWS_PER_W,), jnp.int32),
        pltpu.VMEM((CHUNK, D), jnp.float32),
        pltpu.VMEM((CHUNK, D), jnp.float32),
        pltpu.SemaphoreType.DMA,
        pltpu.SemaphoreType.DMA,
        pltpu.SemaphoreType.DMA,
        pltpu.SemaphoreType.DMA,
    ],
)
def _sc_gather(table_hbm, idx_hbm, out_hbm, idx_v, idx2_v, buf0, buf1,
               gsem0, gsem1, ssem0, ssem1):
    wid = lax.axis_index("s") * NC + lax.axis_index("c")
    base = wid * ROWS_PER_W
    pltpu.sync_copy(idx_hbm.at[pl.ds(base, ROWS_PER_W)], idx_v)

    lanes = lax.iota(jnp.int32, 16)
    acc = jnp.zeros((16,), jnp.int32)
    for c in range(NCH):
        for k in range(LPC):
            off = c * CHUNK + k * 16
            v = idx_v[pl.ds(off, 16)]
            acc = acc + jnp.where(v < TBL, 1, 0).astype(jnp.int32)
            idx2_v[pl.ds(off, 16)] = jnp.minimum(v, TBL - 1)
    for sh in (8, 4, 2, 1):
        acc = acc + acc.at[(lanes + sh) % 16].get(mode="promise_in_bounds")
    nvalid = acc[0]
    zstarts = [jnp.clip(nvalid - c * CHUNK, 0, CHUNK) for c in range(NCH)]

    bufs = (buf0, buf1)
    gsems = (gsem0, gsem1)
    ssems = (ssem0, ssem1)
    gcp = [None, None]
    scp = [None, None]

    def zero_tail(buf, zstart):
        @pl.when(zstart < CHUNK)
        def _():
            def zrow(r, carry):
                for k in range(D // 16):
                    buf[r, pl.ds(k * 16, 16)] = jnp.zeros((16,), jnp.float32)
                return carry
            lax.fori_loop(zstart, CHUNK, zrow, 0)

    gcp[0] = pltpu.async_copy(
        table_hbm.at[idx2_v.at[pl.ds(0, CHUNK)]], buf0, gsem0)
    for c in range(NCH):
        nxt = c + 1
        if nxt < NCH:
            if c >= 1:
                scp[nxt % 2].wait()
            gcp[nxt % 2] = pltpu.async_copy(
                table_hbm.at[idx2_v.at[pl.ds(nxt * CHUNK, CHUNK)]],
                bufs[nxt % 2], gsems[nxt % 2])
        gcp[c % 2].wait()
        zero_tail(bufs[c % 2], zstarts[c])
        scp[c % 2] = pltpu.async_copy(
            bufs[c % 2], out_hbm.at[pl.ds(base + c * CHUNK, CHUNK)],
            ssems[c % 2])
    scp[(NCH - 2) % 2].wait()
    scp[(NCH - 1) % 2].wait()


def kernel(batch, predicted_durations):
    idx = _idx_call(predicted_durations)
    out = _sc_gather(batch.reshape(TBL, D), idx.reshape(B * F))
    return out.reshape(B, F, D)

# --- scband reference (transcript-rebuilt; emitter-appended) ---
"""Pipeline reference for scband-length-regulator-20890720928379 (READ-ONLY COPY).

The authoritative reference and input builder live on the scoring server;
editing this copy changes nothing except your own understanding.
"""

import jax, jax.numpy as jnp
import numpy as np

HIDDEN_DIM = 384
SAMPLE_RATE = 24000
HOP_LENGTH = 300
MAX_DURATION = 20
MIN_DURATION = 1.0
B, T = 8, 512


def setup_inputs(seed: int = 0) -> dict:
    key = jax.random.key(seed)
    k1, k2 = jax.random.split(key)
    batch = jax.random.normal(k1, (B, T, HIDDEN_DIM), dtype=jnp.float32)
    # predicted durations in frames per token, roughly U[0, 6)
    predicted_durations = jax.random.uniform(k2, (B, T, 1), dtype=jnp.float32) * 6.0
    return {"batch": batch, "predicted_durations": predicted_durations}


def reference(batch, predicted_durations):
    # clip + round durations to ints (matches tf.clip_by_value + tf.round + cast)
    clipped = jnp.clip(predicted_durations, MIN_DURATION, float(MAX_DURATION))
    int_durations = jnp.round(clipped).astype(jnp.int32)
    int_durations = jnp.squeeze(int_durations, axis=-1)  # [B, T]

    target_frames = SAMPLE_RATE * MAX_DURATION // HOP_LENGTH  # 1600

    # Inclusive cumulative durations: token t occupies output frames
    # [cum[t-1], cum[t]) in the expanded (repeated) sequence.
    cum = jnp.cumsum(int_durations, axis=1)  # [B, T]
    positions = jnp.arange(target_frames, dtype=cum.dtype)  # [target_frames]

    # For each output frame, find the source token index.
    token_idx = jax.vmap(
        lambda c: jnp.searchsorted(c, positions, side="right")
    )(cum)  # [B, target_frames]

    ntok = batch.shape[1]
    token_idx_clamped = jnp.clip(token_idx, 0, ntok - 1)
    gathered = jnp.take_along_axis(
        batch, token_idx_clamped[:, :, None], axis=1
    )  # [B, target_frames, D]

    # Frames at or beyond each batch element's total expanded length are zero
    # padding, exactly as produced by the original pad-to-max then pad/slice
    # to target_frames.
    total_len = cum[:, -1:]  # [B, 1]
    valid = positions[None, :] < total_len  # [B, target_frames]
    out = jnp.where(valid[:, :, None], gathered, jnp.zeros((), dtype=batch.dtype))
    return out

if __name__ == "__main__":
    import jax
    _d = setup_inputs()
    print(jax.jit(kernel)(*tuple(_d.values())))

</pallas_src>

<mosaic_0001>
#map = affine_map<(d0, d1) -> (0, 0)>
#map1 = affine_map<(d0, d1) -> (0)>
module attributes {stable_mosaic.version = 14 : i64} {
  func.func @_sc_gather(%arg0: i32, %arg1: i32, %arg2: memref<4096x384xf32, #tpu.memory_space<hbm>>, %arg3: memref<12800xi32, #tpu.memory_space<hbm>>, %arg4: memref<12800x384xf32, #tpu.memory_space<hbm>>, %arg5: memref<400xi32, #tpu.memory_space<vmem>>, %arg6: memref<400xi32, #tpu.memory_space<vmem>>, %arg7: memref<80x384xf32, #tpu.memory_space<vmem>>, %arg8: memref<80x384xf32, #tpu.memory_space<vmem>>, %arg9: memref<!tpu.dma_semaphore, #tpu.memory_space<semaphore_mem>>, %arg10: memref<!tpu.dma_semaphore, #tpu.memory_space<semaphore_mem>>, %arg11: memref<!tpu.dma_semaphore, #tpu.memory_space<semaphore_mem>>, %arg12: memref<!tpu.dma_semaphore, #tpu.memory_space<semaphore_mem>>) attributes {dimension_semantics = [#tpu.dimension_semantics<core_parallel>, #tpu.dimension_semantics<subcore_parallel>], iteration_bounds = array<i64: 2, 16>, scalar_prefetch = 0 : i64, scratch_operands = 8 : i64, tpu.core_type = #tpu.core_type<sc_vector_subcore>, window_params = [{transform_indices = #map}, {transform_indices = #map1}, {transform_indices = #map}]} {
    %mul3A = arith.constant 2 : i32
    %mul3A_0 = arith.muli %arg1, %mul3A : i32
    %add3A = arith.addi %mul3A_0, %arg0 : i32
    %mul3A_1 = arith.constant 400 : i32
    %mul3A_2 = arith.muli %add3A, %mul3A_1 : i32
    "tpu.region"() ({
      %run_scoped3A = tpu.sem_alloc : memref<!tpu.dma_semaphore, #tpu.memory_space<semaphore_mem>>
      %dma_start3A_761 = tpu.memref_slice %arg3[%mul3A_2] : memref<12800xi32, #tpu.memory_space<hbm>> -> memref<400xi32, #tpu.memory_space<hbm>>
      %dma_start3A_762 = tpu.memref_slice %arg3[%mul3A_2] : memref<12800xi32, #tpu.memory_space<hbm>> -> memref<400xi32, #tpu.memory_space<hbm>>
      tpu.enqueue_dma source(%dma_start3A_762 : memref<400xi32, #tpu.memory_space<hbm>>) target(%arg5 : memref<400xi32, #tpu.memory_space<vmem>>) target_semaphore(%run_scoped3A : memref<!tpu.dma_semaphore, #tpu.memory_space<semaphore_mem>>)
      %dma_wait3A_763 = tpu.memref_slice %arg3[%mul3A_2] : memref<12800xi32, #tpu.memory_space<hbm>> -> memref<400xi32, #tpu.memory_space<hbm>>
      %dma_wait3A_764 = tpu.memref_slice %arg3[%mul3A_2] : memref<12800xi32, #tpu.memory_space<hbm>> -> memref<400xi32, #tpu.memory_space<hbm>>
      tpu.wait_dma2 semaphore(%run_scoped3A : memref<!tpu.dma_semaphore, #tpu.memory_space<semaphore_mem>>) src(%dma_wait3A_764 : memref<400xi32, #tpu.memory_space<hbm>>) dst(%arg5 : memref<400xi32, #tpu.memory_space<vmem>>)
      tpu.yield
    }) : () -> ()
    %iota3A = tpu.iota {dimensions = array<i32: 0>} : vector<16xi32>
    %broadcast_in_dim3A = arith.constant 0 : i32
    %broadcast_in_dim3A_3 = vector.broadcast %broadcast_in_dim3A : i32 to vector<16xi32>
    %get3A = arith.constant 0 : index
    %get3A_4 = tpu.vector_load %arg5[%get3A] {strides = array<i32>} : memref<400xi32, #tpu.memory_space<vmem>>, vector<16xi32>,
    %get3A_5 = vector.shape_cast %get3A_4 : vector<16xi32> to vector<16xi32>
    %lt3A = arith.constant 4096 : i32
    %lt3A_6 = vector.broadcast %lt3A : i32 to vector<16xi32>
    %lt3A_7 = arith.cmpi slt, %get3A_5, %lt3A_6 : vector<16xi32>
    %jit3A = arith.constant 1 : i32
    %jit3A_8 = arith.constant 0 : i32
    %broadcast_in_dim3A_9 = vector.broadcast %jit3A : i32 to vector<16xi32>
    %broadcast_in_dim3A_10 = vector.broadcast %jit3A_8 : i32 to vector<16xi32>
    %select_n3A = arith.select %lt3A_7, %broadcast_in_dim3A_9, %broadcast_in_dim3A_10 : vector<16xi1>, vector<16xi32>
    %add3A_11 = arith.addi %broadcast_in_dim3A_3, %select_n3A : vector<16xi32>
    %min3A = arith.constant 4095 : i32
    %min3A_12 = vector.broadcast %min3A : i32 to vector<16xi32>
    %min3A_13 = arith.minsi %get3A_5, %min3A_12 : vector<16xi32>
    %swap3A = arith.constant 0 : index
    %swap3A_14 = tpu.vector_load %arg6[%swap3A] {strides = array<i32>} : memref<400xi32, #tpu.memory_space<vmem>>, vector<16xi32>,
    %swap3A_15 = vector.shape_cast %swap3A_14 : vector<16xi32> to vector<16xi32>
    %swap3A_16 = vector.shape_cast %min3A_13 : vector<16xi32> to vector<16xi32>
    tpu.vector_store %arg6[%swap3A], %swap3A_16 {strides = array<i32>} : memref<400xi32, #tpu.memory_space<vmem>>, vector<16xi32>,
    %get3A_17 = arith.constant 16 : index
    %get3A_18 = tpu.vector_load %arg5[%get3A_17] {strides = array<i32>} : memref<400xi32, #tpu.memory_space<vmem>>, vector<16xi32>,
    %get3A_19 = vector.shape_cast %get3A_18 : vector<16xi32> to vector<16xi32>
    %lt3A_20 = arith.constant 4096 : i32
    %lt3A_21 = vector.broadcast %lt3A_20 : i32 to vector<16xi32>
    %lt3A_22 = arith.cmpi slt, %get3A_19, %lt3A_21 : vector<16xi32>
    %jit3A_23 = arith.constant 1 : i32
    %jit3A_24 = arith.constant 0 : i32
    %broadcast_in_dim3A_25 = vector.broadcast %jit3A_23 : i32 to vector<16xi32>
    %broadcast_in_dim3A_26 = vector.broadcast %jit3A_24 : i32 to vector<16xi32>
    %select_n3A_27 = arith.select %lt3A_22, %broadcast_in_dim3A_25, %broadcast_in_dim3A_26 : vector<16xi1>, vector<16xi32>
    %add3A_28 = arith.addi %add3A_11, %select_n3A_27 : vector<16xi32>
    %min3A_29 = arith.constant 4095 : i32
    %min3A_30 = vector.broadcast %min3A_29 : i32 to vector<16xi32>
    %min3A_31 = arith.minsi %get3A_19, %min3A_30 : vector<16xi32>
    %swap3A_32 = arith.constant 16 : index
    %swap3A_33 = tpu.vector_load %arg6[%swap3A_32] {strides = array<i32>} : memref<400xi32, #tpu.memory_space<vmem>>, vector<16xi32>,
    %swap3A_34 = vector.shape_cast %swap3A_33 : vector<16xi32> to vector<16xi32>
    %swap3A_35 = vector.shape_cast %min3A_31 : vector<16xi32> to vector<16xi32>
    tpu.vector_store %arg6[%swap3A_32], %swap3A_35 {strides = array<i32>} : memref<400xi32, #tpu.memory_space<vmem>>, vector<16xi32>,
    %get3A_36 = arith.constant 32 : index
    %get3A_37 = tpu.vector_load %arg5[%get3A_36] {strides = array<i32>} : memref<400xi32, #tpu.memory_space<vmem>>, vector<16xi32>,
    %get3A_38 = vector.shape_cast %get3A_37 : vector<16xi32> to vector<16xi32>
    %lt3A_39 = arith.constant 4096 : i32
    %lt3A_40 = vector.broadcast %lt3A_39 : i32 to vector<16xi32>
    %lt3A_41 = arith.cmpi slt, %get3A_38, %lt3A_40 : vector<16xi32>
    %jit3A_42 = arith.constant 1 : i32
    %jit3A_43 = arith.constant 0 : i32
    %broadcast_in_dim3A_44 = vector.broadcast %jit3A_42 : i32 to vector<16xi32>
    %broadcast_in_dim3A_45 = vector.broadcast %jit3A_43 : i32 to vector<16xi32>
    %select_n3A_46 = arith.select %lt3A_41, %broadcast_in_dim3A_44, %broadcast_in_dim3A_45 : vector<16xi1>, vector<16xi32>
    %add3A_47 = arith.addi %add3A_28, %select_n3A_46 : vector<16xi32>
    %min3A_48 = arith.constant 4095 : i32
    %min3A_49 = vector.broadcast %min3A_48 : i32 to vector<16xi32>
    %min3A_50 = arith.minsi %get3A_38, %min3A_49 : vector<16xi32>
    %swap3A_51 = arith.constant 32 : index
    %swap3A_52 = tpu.vector_load %arg6[%swap3A_51] {strides = array<i32>} : memref<400xi32, #tpu.memory_space<vmem>>, vector<16xi32>,
    %swap3A_53 = vector.shape_cast %swap3A_52 : vector<16xi32> to vector<16xi32>
    %swap3A_54 = vector.shape_cast %min3A_50 : vector<16xi32> to vector<16xi32>
    tpu.vector_store %arg6[%swap3A_51], %swap3A_54 {strides = array<i32>} : memref<400xi32, #tpu.memory_space<vmem>>, vector<16xi32>,
    %get3A_55 = arith.constant 48 : index
    %get3A_56 = tpu.vector_load %arg5[%get3A_55] {strides = array<i32>} : memref<400xi32, #tpu.memory_space<vmem>>, vector<16xi32>,
    %get3A_57 = vector.shape_cast %get3A_56 : vector<16xi32> to vector<16xi32>
    %lt3A_58 = arith.constant 4096 : i32
    %lt3A_59 = vector.broadcast %lt3A_58 : i32 to vector<16xi32>
    %lt3A_60 = arith.cmpi slt, %get3A_57, %lt3A_59 : vector<16xi32>
    %jit3A_61 = arith.constant 1 : i32
    %jit3A_62 = arith.constant 0 : i32
    %broadcast_in_dim3A_63 = vector.broadcast %jit3A_61 : i32 to vector<16xi32>
    %broadcast_in_dim3A_64 = vector.broadcast %jit3A_62 : i32 to vector<16xi32>
    %select_n3A_65 = arith.select %lt3A_60, %broadcast_in_dim3A_63, %broadcast_in_dim3A_64 : vector<16xi1>, vector<16xi32>
    %add3A_66 = arith.addi %add3A_47, %select_n3A_65 : vector<16xi32>
    %min3A_67 = arith.constant 4095 : i32
    %min3A_68 = vector.broadcast %min3A_67 : i32 to vector<16xi32>
    %min3A_69 = arith.minsi %get3A_57, %min3A_68 : vector<16xi32>
    %swap3A_70 = arith.constant 48 : index
    %swap3A_71 = tpu.vector_load %arg6[%swap3A_70] {strides = array<i32>} : memref<400xi32, #tpu.memory_space<vmem>>, vector<16xi32>,
    %swap3A_72 = vector.shape_cast %swap3A_71 : vector<16xi32> to vector<16xi32>
    %swap3A_73 = vector.shape_cast %min3A_69 : vector<16xi32> to vector<16xi32>
    tpu.vector_store %arg6[%swap3A_70], %swap3A_73 {strides = array<i32>} : memref<400xi32, #tpu.memory_space<vmem>>, vector<16xi32>,
    %get3A_74 = arith.constant 64 : index
    %get3A_75 = tpu.vector_load %arg5[%get3A_74] {strides = array<i32>} : memref<400xi32, #tpu.memory_space<vmem>>, vector<16xi32>,
    %get3A_76 = vector.shape_cast %get3A_75 : vector<16xi32> to vector<16xi32>
    %lt3A_77 = arith.constant 4096 : i32
    %lt3A_78 = vector.broadcast %lt3A_77 : i32 to vector<16xi32>
    %lt3A_79 = arith.cmpi slt, %get3A_76, %lt3A_78 : vector<16xi32>
    %jit3A_80 = arith.constant 1 : i32
    %jit3A_81 = arith.constant 0 : i32
    %broadcast_in_dim3A_82 = vector.broadcast %jit3A_80 : i32 to vector<16xi32>
    %broadcast_in_dim3A_83 = vector.broadcast %jit3A_81 : i32 to vector<16xi32>
    %select_n3A_84 = arith.select %lt3A_79, %broadcast_in_dim3A_82, %broadcast_in_dim3A_83 : vector<16xi1>, vector<16xi32>
    %add3A_85 = arith.addi %add3A_66, %select_n3A_84 : vector<16xi32>
    %min3A_86 = arith.constant 4095 : i32
    %min3A_87 = vector.broadcast %min3A_86 : i32 to vector<16xi32>
    %min3A_88 = arith.minsi %get3A_76, %min3A_87 : vector<16xi32>
    %swap3A_89 = arith.constant 64 : index
    %swap3A_90 = tpu.vector_load %arg6[%swap3A_89] {strides = array<i32>} : memref<400xi32, #tpu.memory_space<vmem>>, vector<16xi32>,
    %swap3A_91 = vector.shape_cast %swap3A_90 : vector<16xi32> to vector<16xi32>
    %swap3A_92 = vector.shape_cast %min3A_88 : vector<16xi32> to vector<16xi32>
    tpu.vector_store %arg6[%swap3A_89], %swap3A_92 {strides = array<i32>} : memref<400xi32, #tpu.memory_space<vmem>>, vector<16xi32>,
    %get3A_93 = arith.constant 80 : index
    %get3A_94 = tpu.vector_load %arg5[%get3A_93] {strides = array<i32>} : memref<400xi32, #tpu.memory_space<vmem>>, vector<16xi32>,
    %get3A_95 = vector.shape_cast %get3A_94 : vector<16xi32> to vector<16xi32>
    %lt3A_96 = arith.constant 4096 : i32
    %lt3A_97 = vector.broadcast %lt3A_96 : i32 to vector<16xi32>
    %lt3A_98 = arith.cmpi slt, %get3A_95, %lt3A_97 : vector<16xi32>
    %jit3A_99 = arith.constant 1 : i32
    %jit3A_100 = arith.constant 0 : i32
    %broadcast_in_dim3A_101 = vector.broadcast %jit3A_99 : i32 to vector<16xi32>
    %broadcast_in_dim3A_102 = vector.broadcast %jit3A_100 : i32 to vector<16xi32>
    %select_n3A_103 = arith.select %lt3A_98, %broadcast_in_dim3A_101, %broadcast_in_dim3A_102 : vector<16xi1>, vector<16xi32>
    %add3A_104 = arith.addi %add3A_85, %select_n3A_103 : vector<16xi32>
    %min3A_105 = arith.constant 4095 : i32
    %min3A_106 = vector.broadcast %min3A_105 : i32 to vector<16xi32>
    %min3A_107 = arith.minsi %get3A_95, %min3A_106 : vector<16xi32>
    %swap3A_108 = arith.constant 80 : index
    %swap3A_109 = tpu.vector_load %arg6[%swap3A_108] {strides = array<i32>} : memref<400xi32, #tpu.memory_space<vmem>>, vector<16xi32>,
    %swap3A_110 = vector.shape_cast %swap3A_109 : vector<16xi32> to vector<16xi32>
    %swap3A_111 = vector.shape_cast %min3A_107 : vector<16xi32> to vector<16xi32>
    tpu.vector_store %arg6[%swap3A_108], %swap3A_111 {strides = array<i32>} : memref<400xi32, #tpu.memory_space<vmem>>, vector<16xi32>,
    %get3A_112 = arith.constant 96 : index
    %get3A_113 = tpu.vector_load %arg5[%get3A_112] {strides = array<i32>} : memref<400xi32, #tpu.memory_space<vmem>>, vector<16xi32>,
    %get3A_114 = vector.shape_cast %get3A_113 : vector<16xi32> to vector<16xi32>
    %lt3A_115 = arith.constant 4096 : i32
    %lt3A_116 = vector.broadcast %lt3A_115 : i32 to vector<16xi32>
    %lt3A_117 = arith.cmpi slt, %get3A_114, %lt3A_116 : vector<16xi32>
    %jit3A_118 = arith.constant 1 : i32
    %jit3A_119 = arith.constant 0 : i32
    %broadcast_in_dim3A_120 = vector.broadcast %jit3A_118 : i32 to vector<16xi32>
    %broadcast_in_dim3A_121 = vector.broadcast %jit3A_119 : i32 to vector<16xi32>
    %select_n3A_122 = arith.select %lt3A_117, %broadcast_in_dim3A_120, %broadcast_in_dim3A_121 : vector<16xi1>, vector<16xi32>
    %add3A_123 = arith.addi %add3A_104, %select_n3A_122 : vector<16xi32>
    %min3A_124 = arith.constant 4095 : i32
    %min3A_125 = vector.broadcast %min3A_124 : i32 to vector<16xi32>
    %min3A_126 = arith.minsi %get3A_114, %min3A_125 : vector<16xi32>
    %swap3A_127 = arith.constant 96 : index
    %swap3A_128 = tpu.vector_load %arg6[%swap3A_127] {strides = array<i32>} : memref<400xi32, #tpu.memory_space<vmem>>, vector<16xi32>,
    %swap3A_129 = vector.shape_cast %swap3A_128 : vector<16xi32> to vector<16xi32>
    %swap3A_130 = vector.shape_cast %min3A_126 : vector<16xi32> to vector<16xi32>
    tpu.vector_store %arg6[%swap3A_127], %swap3A_130 {strides = array<i32>} : memref<400xi32, #tpu.memory_space<vmem>>, vector<16xi32>,
    %get3A_131 = arith.constant 112 : index
    %get3A_132 = tpu.vector_load %arg5[%get3A_131] {strides = array<i32>} : memref<400xi32, #tpu.memory_space<vmem>>, vector<16xi32>,
    %get3A_133 = vector.shape_cast %get3A_132 : vector<16xi32> to vector<16xi32>
    %lt3A_134 = arith.constant 4096 : i32
    %lt3A_135 = vector.broadcast %lt3A_134 : i32 to vector<16xi32>
    %lt3A_136 = arith.cmpi slt, %get3A_133, %lt3A_135 : vector<16xi32>
    %jit3A_137 = arith.constant 1 : i32
    %jit3A_138 = arith.constant 0 : i32
    %broadcast_in_dim3A_139 = vector.broadcast %jit3A_137 : i32 to vector<16xi32>
    %broadcast_in_dim3A_140 = vector.broadcast %jit3A_138 : i32 to vector<16xi32>
    %select_n3A_141 = arith.select %lt3A_136, %broadcast_in_dim3A_139, %broadcast_in_dim3A_140 : vector<16xi1>, vector<16xi32>
    %add3A_142 = arith.addi %add3A_123, %select_n3A_141 : vector<16xi32>
    %min3A_143 = arith.constant 4095 : i32
    %min3A_144 = vector.broadcast %min3A_143 : i32 to vector<16xi32>
    %min3A_145 = arith.minsi %get3A_133, %min3A_144 : vector<16xi32>
    %swap3A_146 = arith.constant 112 : index
    %swap3A_147 = tpu.vector_load %arg6[%swap3A_146] {strides = array<i32>} : memref<400xi32, #tpu.memory_space<vmem>>, vector<16xi32>,
    %swap3A_148 = vector.shape_cast %swap3A_147 : vector<16xi32> to vector<16xi32>
    %swap3A_149 = vector.shape_cast %min3A_145 : vector<16xi32> to vector<16xi32>
    tpu.vector_store %arg6[%swap3A_146], %swap3A_149 {strides = array<i32>} : memref<400xi32, #tpu.memory_space<vmem>>, vector<16xi32>,
    %get3A_150 = arith.constant 128 : index
    %get3A_151 = tpu.vector_load %arg5[%get3A_150] {strides = array<i32>} : memref<400xi32, #tpu.memory_space<vmem>>, vector<16xi32>,
    %get3A_152 = vector.shape_cast %get3A_151 : vector<16xi32> to vector<16xi32>
    %lt3A_153 = arith.constant 4096 : i32
    %lt3A_154 = vector.broadcast %lt3A_153 : i32 to vector<16xi32>
    %lt3A_155 = arith.cmpi slt, %get3A_152, %lt3A_154 : vector<16xi32>
    %jit3A_156 = arith.constant 1 : i32
    %jit3A_157 = arith.constant 0 : i32
    %broadcast_in_dim3A_158 = vector.broadcast %jit3A_156 : i32 to vector<16xi32>
    %broadcast_in_dim3A_159 = vector.broadcast %jit3A_157 : i32 to vector<16xi32>
    %select_n3A_160 = arith.select %lt3A_155, %broadcast_in_dim3A_158, %broadcast_in_dim3A_159 : vector<16xi1>, vector<16xi32>
    %add3A_161 = arith.addi %add3A_142, %select_n3A_160 : vector<16xi32>
    %min3A_162 = arith.constant 4095 : i32
    %min3A_163 = vector.broadcast %min3A_162 : i32 to vector<16xi32>
    %min3A_164 = arith.minsi %get3A_152, %min3A_163 : vector<16xi32>
    %swap3A_165 = arith.constant 128 : index
    %swap3A_166 = tpu.vector_load %arg6[%swap3A_165] {strides = array<i32>} : memref<400xi32, #tpu.memory_space<vmem>>, vector<16xi32>,
    %swap3A_167 = vector.shape_cast %swap3A_166 : vector<16xi32> to vector<16xi32>
    %swap3A_168 = vector.shape_cast %min3A_164 : vector<16xi32> to vector<16xi32>
    tpu.vector_store %arg6[%swap3A_165], %swap3A_168 {strides = array<i32>} : memref<400xi32, #tpu.memory_space<vmem>>, vector<16xi32>,
    %get3A_169 = arith.constant 144 : index
    %get3A_170 = tpu.vector_load %arg5[%get3A_169] {strides = array<i32>} : memref<400xi32, #tpu.memory_space<vmem>>, vector<16xi32>,
    %get3A_171 = vector.shape_cast %get3A_170 : vector<16xi32> to vector<16xi32>
    %lt3A_172 = arith.constant 4096 : i32
    %lt3A_173 = vector.broadcast %lt3A_172 : i32 to vector<16xi32>
    %lt3A_174 = arith.cmpi slt, %get3A_171, %lt3A_173 : vector<16xi32>
    %jit3A_175 = arith.constant 1 : i32
    %jit3A_176 = arith.constant 0 : i32
    %broadcast_in_dim3A_177 = vector.broadcast %jit3A_175 : i32 to vector<16xi32>
    %broadcast_in_dim3A_178 = vector.broadcast %jit3A_176 : i32 to vector<16xi32>
    %select_n3A_179 = arith.select %lt3A_174, %broadcast_in_dim3A_177, %broadcast_in_dim3A_178 : vector<16xi1>, vector<16xi32>
    %add3A_180 = arith.addi %add3A_161, %select_n3A_179 : vector<16xi32>
    %min3A_181 = arith.constant 4095 : i32
    %min3A_182 = vector.broadcast %min3A_181 : i32 to vector<16xi32>
    %min3A_183 = arith.minsi %get3A_171, %min3A_182 : vector<16xi32>
    %swap3A_184 = arith.constant 144 : index
    %swap3A_185 = tpu.vector_load %arg6[%swap3A_184] {strides = array<i32>} : memref<400xi32, #tpu.memory_space<vmem>>, vector<16xi32>,
    %swap3A_186 = vector.shape_cast %swap3A_185 : vector<16xi32> to vector<16xi32>
    %swap3A_187 = vector.shape_cast %min3A_183 : vector<16xi32> to vector<16xi32>
    tpu.vector_store %arg6[%swap3A_184], %swap3A_187 {strides = array<i32>} : memref<400xi32, #tpu.memory_space<vmem>>, vector<16xi32>,
    %get3A_188 = arith.constant 160 : index
    %get3A_189 = tpu.vector_load %arg5[%get3A_188] {strides = array<i32>} : memref<400xi32, #tpu.memory_space<vmem>>, vector<16xi32>,
    %get3A_190 = vector.shape_cast %get3A_189 : vector<16xi32> to vector<16xi32>
    %lt3A_191 = arith.constant 4096 : i32
    %lt3A_192 = vector.broadcast %lt3A_191 : i32 to vector<16xi32>
    %lt3A_193 = arith.cmpi slt, %get3A_190, %lt3A_192 : vector<16xi32>
    %jit3A_194 = arith.constant 1 : i32
    %jit3A_195 = arith.constant 0 : i32
    %broadcast_in_dim3A_196 = vector.broadcast %jit3A_194 : i32 to vector<16xi32>
    %broadcast_in_dim3A_197 = vector.broadcast %jit3A_195 : i32 to vector<16xi32>
    %select_n3A_198 = arith.select %lt3A_193, %broadcast_in_dim3A_196, %broadcast_in_dim3A_197 : vector<16xi1>, vector<16xi32>
    %add3A_199 = arith.addi %add3A_180, %select_n3A_198 : vector<16xi32>
    %min3A_200 = arith.constant 4095 : i32
    %min3A_201 = vector.broadcast %min3A_200 : i32 to vector<16xi32>
    %min3A_202 = arith.minsi %get3A_190, %min3A_201 : vector<16xi32>
    %swap3A_203 = arith.constant 160 : index
    %swap3A_204 = tpu.vector_load %arg6[%swap3A_203] {strides = array<i32>} : memref<400xi32, #tpu.memory_space<vmem>>, vector<16xi32>,
    %swap3A_205 = vector.shape_cast %swap3A_204 : vector<16xi32> to vector<16xi32>
    %swap3A_206 = vector.shape_cast %min3A_202 : vector<16xi32> to vector<16xi32>
    tpu.vector_store %arg6[%swap3A_203], %swap3A_206 {strides = array<i32>} : memref<400xi32, #tpu.memory_space<vmem>>, vector<16xi32>,
    %get3A_207 = arith.constant 176 : index
    %get3A_208 = tpu.vector_load %arg5[%get3A_207] {strides = array<i32>} : memref<400xi32, #tpu.memory_space<vmem>>, vector<16xi32>,
    %get3A_209 = vector.shape_cast %get3A_208 : vector<16xi32> to vector<16xi32>
    %lt3A_210 = arith.constant 4096 : i32
    %lt3A_211 = vector.broadcast %lt3A_210 : i32 to vector<16xi32>
    %lt3A_212 = arith.cmpi slt, %get3A_209, %lt3A_211 : vector<16xi32>
    %jit3A_213 = arith.constant 1 : i32
    %jit3A_214 = arith.constant 0 : i32
    %broadcast_in_dim3A_215 = vector.broadcast %jit3A_213 : i32 to vector<16xi32>
    %broadcast_in_dim3A_216 = vector.broadcast %jit3A_214 : i32 to vector<16xi32>
    %select_n3A_217 = arith.select %lt3A_212, %broadcast_in_dim3A_215, %broadcast_in_dim3A_216 : vector<16xi1>, vector<16xi32>
    %add3A_218 = arith.addi %add3A_199, %select_n3A_217 : vector<16xi32>
    %min3A_219 = arith.constant 4095 : i32
    %min3A_220 = vector.broadcast %min3A_219 : i32 to vector<16xi32>
    %min3A_221 = arith.minsi %get3A_209, %min3A_220 : vector<16xi32>
    %swap3A_222 = arith.constant 176 : index
    %swap3A_223 = tpu.vector_load %arg6[%swap3A_222] {strides = array<i32>} : memref<400xi32, #tpu.memory_space<vmem>>, vector<16xi32>,
    %swap3A_224 = vector.shape_cast %swap3A_223 : vector<16xi32> to vector<16xi32>
    %swap3A_225 = vector.shape_cast %min3A_221 : vector<16xi32> to vector<16xi32>
    tpu.vector_store %arg6[%swap3A_222], %swap3A_225 {strides = array<i32>} : memref<400xi32, #tpu.memory_space<vmem>>, vector<16xi32>,
    %get3A_226 = arith.constant 192 : index
    %get3A_227 = tpu.vector_load %arg5[%get3A_226] {strides = array<i32>} : memref<400xi32, #tpu.memory_space<vmem>>, vector<16xi32>,
    %get3A_228 = vector.shape_cast %get3A_227 : vector<16xi32> to vector<16xi32>
    %lt3A_229 = arith.constant 4096 : i32
    %lt3A_230 = vector.broadcast %lt3A_229 : i32 to vector<16xi32>
    %lt3A_231 = arith.cmpi slt, %get3A_228, %lt3A_230 : vector<16xi32>
    %jit3A_232 = arith.constant 1 : i32
    %jit3A_233 = arith.constant 0 : i32
    %broadcast_in_dim3A_234 = vector.broadcast %jit3A_232 : i32 to vector<16xi32>
    %broadcast_in_dim3A_235 = vector.broadcast %jit3A_233 : i32 to vector<16xi32>
    %select_n3A_236 = arith.select %lt3A_231, %broadcast_in_dim3A_234, %broadcast_in_dim3A_235 : vector<16xi1>, vector<16xi32>
    %add3A_237 = arith.addi %add3A_218, %select_n3A_236 : vector<16xi32>
    %min3A_238 = arith.constant 4095 : i32
    %min3A_239 = vector.broadcast %min3A_238 : i32 to vector<16xi32>
    %min3A_240 = arith.minsi %get3A_228, %min3A_239 : vector<16xi32>
    %swap3A_241 = arith.constant 192 : index
    %swap3A_242 = tpu.vector_load %arg6[%swap3A_241] {strides = array<i32>} : memref<400xi32, #tpu.memory_space<vmem>>, vector<16xi32>,
    %swap3A_243 = vector.shape_cast %swap3A_242 : vector<16xi32> to vector<16xi32>
    %swap3A_244 = vector.shape_cast %min3A_240 : vector<16xi32> to vector<16xi32>
    tpu.vector_store %arg6[%swap3A_241], %swap3A_244 {strides = array<i32>} : memref<400xi32, #tpu.memory_space<vmem>>, vector<16xi32>,
    %get3A_245 = arith.constant 208 : index
    %get3A_246 = tpu.vector_load %arg5[%get3A_245] {strides = array<i32>} : memref<400xi32, #tpu.memory_space<vmem>>, vector<16xi32>,
    %get3A_247 = vector.shape_cast %get3A_246 : vector<16xi32> to vector<16xi32>
    %lt3A_248 = arith.constant 4096 : i32
    %lt3A_249 = vector.broadcast %lt3A_248 : i32 to vector<16xi32>
    %lt3A_250 = arith.cmpi slt, %get3A_247, %lt3A_249 : vector<16xi32>
    %jit3A_251 = arith.constant 1 : i32
    %jit3A_252 = arith.constant 0 : i32
    %broadcast_in_dim3A_253 = vector.broadcast %jit3A_251 : i32 to vector<16xi32>
    %broadcast_in_dim3A_254 = vector.broadcast %jit3A_252 : i32 to vector<16xi32>
    %select_n3A_255 = arith.select %lt3A_250, %broadcast_in_dim3A_253, %broadcast_in_dim3A_254 : vector<16xi1>, vector<16xi32>
    %add3A_256 = arith.addi %add3A_237, %select_n3A_255 : vector<16xi32>
    %min3A_257 = arith.constant 4095 : i32
    %min3A_258 = vector.broadcast %min3A_257 : i32 to vector<16xi32>
    %min3A_259 = arith.minsi %get3A_247, %min3A_258 : vector<16xi32>
    %swap3A_260 = arith.constant 208 : index
    %swap3A_261 = tpu.vector_load %arg6[%swap3A_260] {strides = array<i32>} : memref<400xi32, #tpu.memory_space<vmem>>, vector<16xi32>,
    %swap3A_262 = vector.shape_cast %swap3A_261 : vector<16xi32> to vector<16xi32>
    %swap3A_263 = vector.shape_cast %min3A_259 : vector<16xi32> to vector<16xi32>
    tpu.vector_store %arg6[%swap3A_260], %swap3A_263 {strides = array<i32>} : memref<400xi32, #tpu.memory_space<vmem>>, vector<16xi32>,
    %get3A_264 = arith.constant 224 : index
    %get3A_265 = tpu.vector_load %arg5[%get3A_264] {strides = array<i32>} : memref<400xi32, #tpu.memory_space<vmem>>, vector<16xi32>,
    %get3A_266 = vector.shape_cast %get3A_265 : vector<16xi32> to vector<16xi32>
    %lt3A_267 = arith.constant 4096 : i32
    %lt3A_268 = vector.broadcast %lt3A_267 : i32 to vector<16xi32>
    %lt3A_269 = arith.cmpi slt, %get3A_266, %lt3A_268 : vector<16xi32>
    %jit3A_270 = arith.constant 1 : i32
    %jit3A_271 = arith.constant 0 : i32
    %broadcast_in_dim3A_272 = vector.broadcast %jit3A_270 : i32 to vector<16xi32>
    %broadcast_in_dim3A_273 = vector.broadcast %jit3A_271 : i32 to vector<16xi32>
    %select_n3A_274 = arith.select %lt3A_269, %broadcast_in_dim3A_272, %broadcast_in_dim3A_273 : vector<16xi1>, vector<16xi32>
    %add3A_275 = arith.addi %add3A_256, %select_n3A_274 : vector<16xi32>
    %min3A_276 = arith.constant 4095 : i32
    %min3A_277 = vector.broadcast %min3A_276 : i32 to vector<16xi32>
    %min3A_278 = arith.minsi %get3A_266, %min3A_277 : vector<16xi32>
    %swap3A_279 = arith.constant 224 : index
    %swap3A_280 = tpu.vector_load %arg6[%swap3A_279] {strides = array<i32>} : memref<400xi32, #tpu.memory_space<vmem>>, vector<16xi32>,
    %swap3A_281 = vector.shape_cast %swap3A_280 : vector<16xi32> to vector<16xi32>
    %swap3A_282 = vector.shape_cast %min3A_278 : vector<16xi32> to vector<16xi32>
    tpu.vector_store %arg6[%swap3A_279], %swap3A_282 {strides = array<i32>} : memref<400xi32, #tpu.memory_space<vmem>>, vector<16xi32>,
    %get3A_283 = arith.constant 240 : index
    %get3A_284 = tpu.vector_load %arg5[%get3A_283] {strides = array<i32>} : memref<400xi32, #tpu.memory_space<vmem>>, vector<16xi32>,
    %get3A_285 = vector.shape_cast %get3A_284 : vector<16xi32> to vector<16xi32>
    %lt3A_286 = arith.constant 4096 : i32
    %lt3A_287 = vector.broadcast %lt3A_286 : i32 to vector<16xi32>
    %lt3A_288 = arith.cmpi slt, %get3A_285, %lt3A_287 : vector<16xi32>
    %jit3A_289 = arith.constant 1 : i32
    %jit3A_290 = arith.constant 0 : i32
    %broadcast_in_dim3A_291 = vector.broadcast %jit3A_289 : i32 to vector<16xi32>
    %broadcast_in_dim3A_292 = vector.broadcast %jit3A_290 : i32 to vector<16xi32>
    %select_n3A_293 = arith.select %lt3A_288, %broadcast_in_dim3A_291, %broadcast_in_dim3A_292 : vector<16xi1>, vector<16xi32>
    %add3A_294 = arith.addi %add3A_275, %select_n3A_293 : vector<16xi32>
    %min3A_295 = arith.constant 4095 : i32
    %min3A_296 = vector.broadcast %min3A_295 : i32 to vector<16xi32>
    %min3A_297 = arith.minsi %get3A_285, %min3A_296 : vector<16xi32>
    %swap3A_298 = arith.constant 240 : index
    %swap3A_299 = tpu.vector_load %arg6[%swap3A_298] {strides = array<i32>} : memref<400xi32, #tpu.memory_space<vmem>>, vector<16xi32>,
    %swap3A_300 = vector.shape_cast %swap3A_299 : vector<16xi32> to vector<16xi32>
    %swap3A_301 = vector.shape_cast %min3A_297 : vector<16xi32> to vector<16xi32>
    tpu.vector_store %arg6[%swap3A_298], %swap3A_301 {strides = array<i32>} : memref<400xi32, #tpu.memory_space<vmem>>, vector<16xi32>,
    %get3A_302 = arith.constant 256 : index
    %get3A_303 = tpu.vector_load %arg5[%get3A_302] {strides = array<i32>} : memref<400xi32, #tpu.memory_space<vmem>>, vector<16xi32>,
    %get3A_304 = vector.shape_cast %get3A_303 : vector<16xi32> to vector<16xi32>
    %lt3A_305 = arith.constant 4096 : i32
    %lt3A_306 = vector.broadcast %lt3A_305 : i32 to vector<16xi32>
    %lt3A_307 = arith.cmpi slt, %get3A_304, %lt3A_306 : vector<16xi32>
    %jit3A_308 = arith.constant 1 : i32
    %jit3A_309 = arith.constant 0 : i32
    %broadcast_in_dim3A_310 = vector.broadcast %jit3A_308 : i32 to vector<16xi32>
    %broadcast_in_dim3A_311 = vector.broadcast %jit3A_309 : i32 to vector<16xi32>
    %select_n3A_312 = arith.select %lt3A_307, %broadcast_in_dim3A_310, %broadcast_in_dim3A_311 : vector<16xi1>, vector<16xi32>
    %add3A_313 = arith.addi %add3A_294, %select_n3A_312 : vector<16xi32>
    %min3A_314 = arith.constant 4095 : i32
    %min3A_315 = vector.broadcast %min3A_314 : i32 to vector<16xi32>
    %min3A_316 = arith.minsi %get3A_304, %min3A_315 : vector<16xi32>
    %swap3A_317 = arith.constant 256 : index
    %swap3A_318 = tpu.vector_load %arg6[%swap3A_317] {strides = array<i32>} : memref<400xi32, #tpu.memory_space<vmem>>, vector<16xi32>,
    %swap3A_319 = vector.shape_cast %swap3A_318 : vector<16xi32> to vector<16xi32>
    %swap3A_320 = vector.shape_cast %min3A_316 : vector<16xi32> to vector<16xi32>
    tpu.vector_store %arg6[%swap3A_317], %swap3A_320 {strides = array<i32>} : memref<400xi32, #tpu.memory_space<vmem>>, vector<16xi32>,
    %get3A_321 = arith.constant 272 : index
    %get3A_322 = tpu.vector_load %arg5[%get3A_321] {strides = array<i32>} : memref<400xi32, #tpu.memory_space<vmem>>, vector<16xi32>,
    %get3A_323 = vector.shape_cast %get3A_322 : vector<16xi32> to vector<16xi32>
    %lt3A_324 = arith.constant 4096 : i32
    %lt3A_325 = vector.broadcast %lt3A_324 : i32 to vector<16xi32>
    %lt3A_326 = arith.cmpi slt, %get3A_323, %lt3A_325 : vector<16xi32>
    %jit3A_327 = arith.constant 1 : i32
    %jit3A_328 = arith.constant 0 : i32
    %broadcast_in_dim3A_329 = vector.broadcast %jit3A_327 : i32 to vector<16xi32>
    %broadcast_in_dim3A_330 = vector.broadcast %jit3A_328 : i32 to vector<16xi32>
    %select_n3A_331 = arith.select %lt3A_326, %broadcast_in_dim3A_329, %broadcast_in_dim3A_330 : vector<16xi1>, vector<16xi32>
    %add3A_332 = arith.addi %add3A_313, %select_n3A_331 : vector<16xi32>
    %min3A_333 = arith.constant 4095 : i32
    %min3A_334 = vector.broadcast %min3A_333 : i32 to vector<16xi32>
    %min3A_335 = arith.minsi %get3A_323, %min3A_334 : vector<16xi32>
    %swap3A_336 = arith.constant 272 : index
    %swap3A_337 = tpu.vector_load %arg6[%swap3A_336] {strides = array<i32>} : memref<400xi32, #tpu.memory_space<vmem>>, vector<16xi32>,
    %swap3A_338 = vector.shape_cast %swap3A_337 : vector<16xi32> to vector<16xi32>
    %swap3A_339 = vector.shape_cast %min3A_335 : vector<16xi32> to vector<16xi32>
    tpu.vector_store %arg6[%swap3A_336], %swap3A_339 {strides = array<i32>} : memref<400xi32, #tpu.memory_space<vmem>>, vector<16xi32>,
    %get3A_340 = arith.constant 288 : index
    %get3A_341 = tpu.vector_load %arg5[%get3A_340] {strides = array<i32>} : memref<400xi32, #tpu.memory_space<vmem>>, vector<16xi32>,
    %get3A_342 = vector.shape_cast %get3A_341 : vector<16xi32> to vector<16xi32>
    %lt3A_343 = arith.constant 4096 : i32
    %lt3A_344 = vector.broadcast %lt3A_343 : i32 to vector<16xi32>
    %lt3A_345 = arith.cmpi slt, %get3A_342, %lt3A_344 : vector<16xi32>
    %jit3A_346 = arith.constant 1 : i32
    %jit3A_347 = arith.constant 0 : i32
    %broadcast_in_dim3A_348 = vector.broadcast %jit3A_346 : i32 to vector<16xi32>
    %broadcast_in_dim3A_349 = vector.broadcast %jit3A_347 : i32 to vector<16xi32>
    %select_n3A_350 = arith.select %lt3A_345, %broadcast_in_dim3A_348, %broadcast_in_dim3A_349 : vector<16xi1>, vector<16xi32>
    %add3A_351 = arith.addi %add3A_332, %select_n3A_350 : vector<16xi32>
    %min3A_352 = arith.constant 4095 : i32
    %min3A_353 = vector.broadcast %min3A_352 : i32 to vector<16xi32>
    %min3A_354 = arith.minsi %get3A_342, %min3A_353 : vector<16xi32>
    %swap3A_355 = arith.constant 288 : index
    %swap3A_356 = tpu.vector_load %arg6[%swap3A_355] {strides = array<i32>} : memref<400xi32, #tpu.memory_space<vmem>>, vector<16xi32>,
    %swap3A_357 = vector.shape_cast %swap3A_356 : vector<16xi32> to vector<16xi32>
    %swap3A_358 = vector.shape_cast %min3A_354 : vector<16xi32> to vector<16xi32>
    tpu.vector_store %arg6[%swap3A_355], %swap3A_358 {strides = array<i32>} : memref<400xi32, #tpu.memory_space<vmem>>, vector<16xi32>,
    %get3A_359 = arith.constant 304 : index
    %get3A_360 = tpu.vector_load %arg5[%get3A_359] {strides = array<i32>} : memref<400xi32, #tpu.memory_space<vmem>>, vector<16xi32>,
    %get3A_361 = vector.shape_cast %get3A_360 : vector<16xi32> to vector<16xi32>
    %lt3A_362 = arith.constant 4096 : i32
    %lt3A_363 = vector.broadcast %lt3A_362 : i32 to vector<16xi32>
    %lt3A_364 = arith.cmpi slt, %get3A_361, %lt3A_363 : vector<16xi32>
    %jit3A_365 = arith.constant 1 : i32
    %jit3A_366 = arith.constant 0 : i32
    %broadcast_in_dim3A_367 = vector.broadcast %jit3A_365 : i32 to vector<16xi32>
    %broadcast_in_dim3A_368 = vector.broadcast %jit3A_366 : i32 to vector<16xi32>
    %select_n3A_369 = arith.select %lt3A_364, %broadcast_in_dim3A_367, %broadcast_in_dim3A_368 : vector<16xi1>, vector<16xi32>
    %add3A_370 = arith.addi %add3A_351, %select_n3A_369 : vector<16xi32>
    %min3A_371 = arith.constant 4095 : i32
    %min3A_372 = vector.broadcast %min3A_371 : i32 to vector<16xi32>
    %min3A_373 = arith.minsi %get3A_361, %min3A_372 : vector<16xi32>
    %swap3A_374 = arith.constant 304 : index
    %swap3A_375 = tpu.vector_load %arg6[%swap3A_374] {strides = array<i32>} : memref<400xi32, #tpu.memory_space<vmem>>, vector<16xi32>,
    %swap3A_376 = vector.shape_cast %swap3A_375 : vector<16xi32> to vector<16xi32>
    %swap3A_377 = vector.shape_cast %min3A_373 : vector<16xi32> to vector<16xi32>
    tpu.vector_store %arg6[%swap3A_374], %swap3A_377 {strides = array<i32>} : memref<400xi32, #tpu.memory_space<vmem>>, vector<16xi32>,
    %get3A_378 = arith.constant 320 : index
    %get3A_379 = tpu.vector_load %arg5[%get3A_378] {strides = array<i32>} : memref<400xi32, #tpu.memory_space<vmem>>, vector<16xi32>,
    %get3A_380 = vector.shape_cast %get3A_379 : vector<16xi32> to vector<16xi32>
    %lt3A_381 = arith.constant 4096 : i32
    %lt3A_382 = vector.broadcast %lt3A_381 : i32 to vector<16xi32>
    %lt3A_383 = arith.cmpi slt, %get3A_380, %lt3A_382 : vector<16xi32>
    %jit3A_384 = arith.constant 1 : i32
    %jit3A_385 = arith.constant 0 : i32
    %broadcast_in_dim3A_386 = vector.broadcast %jit3A_384 : i32 to vector<16xi32>
    %broadcast_in_dim3A_387 = vector.broadcast %jit3A_385 : i32 to vector<16xi32>
    %select_n3A_388 = arith.select %lt3A_383, %broadcast_in_dim3A_386, %broadcast_in_dim3A_387 : vector<16xi1>, vector<16xi32>
    %add3A_389 = arith.addi %add3A_370, %select_n3A_388 : vector<16xi32>
    %min3A_390 = arith.constant 4095 : i32
    %min3A_391 = vector.broadcast %min3A_390 : i32 to vector<16xi32>
    %min3A_392 = arith.minsi %get3A_380, %min3A_391 : vector<16xi32>
    %swap3A_393 = arith.constant 320 : index
    %swap3A_394 = tpu.vector_load %arg6[%swap3A_393] {strides = array<i32>} : memref<400xi32, #tpu.memory_space<vmem>>, vector<16xi32>,
    %swap3A_395 = vector.shape_cast %swap3A_394 : vector<16xi32> to vector<16xi32>
    %swap3A_396 = vector.shape_cast %min3A_392 : vector<16xi32> to vector<16xi32>
    tpu.vector_store %arg6[%swap3A_393], %swap3A_396 {strides = array<i32>} : memref<400xi32, #tpu.memory_space<vmem>>, vector<16xi32>,
    %get3A_397 = arith.constant 336 : index
    %get3A_398 = tpu.vector_load %arg5[%get3A_397] {strides = array<i32>} : memref<400xi32, #tpu.memory_space<vmem>>, vector<16xi32>,
    %get3A_399 = vector.shape_cast %get3A_398 : vector<16xi32> to vector<16xi32>
    %lt3A_400 = arith.constant 4096 : i32
    %lt3A_401 = vector.broadcast %lt3A_400 : i32 to vector<16xi32>
    %lt3A_402 = arith.cmpi slt, %get3A_399, %lt3A_401 : vector<16xi32>
    %jit3A_403 = arith.constant 1 : i32
    %jit3A_404 = arith.constant 0 : i32
    %broadcast_in_dim3A_405 = vector.broadcast %jit3A_403 : i32 to vector<16xi32>
    %broadcast_in_dim3A_406 = vector.broadcast %jit3A_404 : i32 to vector<16xi32>
    %select_n3A_407 = arith.select %lt3A_402, %broadcast_in_dim3A_405, %broadcast_in_dim3A_406 : vector<16xi1>, vector<16xi32>
    %add3A_408 = arith.addi %add3A_389, %select_n3A_407 : vector<16xi32>
    %min3A_409 = arith.constant 4095 : i32
    %min3A_410 = vector.broadcast %min3A_409 : i32 to vector<16xi32>
    %min3A_411 = arith.minsi %get3A_399, %min3A_410 : vector<16xi32>
    %swap3A_412 = arith.constant 336 : index
    %swap3A_413 = tpu.vector_load %arg6[%swap3A_412] {strides = array<i32>} : memref<400xi32, #tpu.memory_space<vmem>>, vector<16xi32>,
    %swap3A_414 = vector.shape_cast %swap3A_413 : vector<16xi32> to vector<16xi32>
    %swap3A_415 = vector.shape_cast %min3A_411 : vector<16xi32> to vector<16xi32>
    tpu.vector_store %arg6[%swap3A_412], %swap3A_415 {strides = array<i32>} : memref<400xi32, #tpu.memory_space<vmem>>, vector<16xi32>,
    %get3A_416 = arith.constant 352 : index
    %get3A_417 = tpu.vector_load %arg5[%get3A_416] {strides = array<i32>} : memref<400xi32, #tpu.memory_space<vmem>>, vector<16xi32>,
    %get3A_418 = vector.shape_cast %get3A_417 : vector<16xi32> to vector<16xi32>
    %lt3A_419 = arith.constant 4096 : i32
    %lt3A_420 = vector.broadcast %lt3A_419 : i32 to vector<16xi32>
    %lt3A_421 = arith.cmpi slt, %get3A_418, %lt3A_420 : vector<16xi32>
    %jit3A_422 = arith.constant 1 : i32
    %jit3A_423 = arith.constant 0 : i32
    %broadcast_in_dim3A_424 = vector.broadcast %jit3A_422 : i32 to vector<16xi32>
    %broadcast_in_dim3A_425 = vector.broadcast %jit3A_423 : i32 to vector<16xi32>
    %select_n3A_426 = arith.select %lt3A_421, %broadcast_in_dim3A_424, %broadcast_in_dim3A_425 : vector<16xi1>, vector<16xi32>
    %add3A_427 = arith.addi %add3A_408, %select_n3A_426 : vector<16xi32>
    %min3A_428 = arith.constant 4095 : i32
    %min3A_429 = vector.broadcast %min3A_428 : i32 to vector<16xi32>
    %min3A_430 = arith.minsi %get3A_418, %min3A_429 : vector<16xi32>
    %swap3A_431 = arith.constant 352 : index
    %swap3A_432 = tpu.vector_load %arg6[%swap3A_431] {strides = array<i32>} : memref<400xi32, #tpu.memory_space<vmem>>, vector<16xi32>,
    %swap3A_433 = vector.shape_cast %swap3A_432 : vector<16xi32> to vector<16xi32>
    %swap3A_434 = vector.shape_cast %min3A_430 : vector<16xi32> to vector<16xi32>
    tpu.vector_store %arg6[%swap3A_431], %swap3A_434 {strides = array<i32>} : memref<400xi32, #tpu.memory_space<vmem>>, vector<16xi32>,
    %get3A_435 = arith.constant 368 : index
    %get3A_436 = tpu.vector_load %arg5[%get3A_435] {strides = array<i32>} : memref<400xi32, #tpu.memory_space<vmem>>, vector<16xi32>,
    %get3A_437 = vector.shape_cast %get3A_436 : vector<16xi32> to vector<16xi32>
    %lt3A_438 = arith.constant 4096 : i32
    %lt3A_439 = vector.broadcast %lt3A_438 : i32 to vector<16xi32>
    %lt3A_440 = arith.cmpi slt, %get3A_437, %lt3A_439 : vector<16xi32>
    %jit3A_441 = arith.constant 1 : i32
    %jit3A_442 = arith.constant 0 : i32
    %broadcast_in_dim3A_443 = vector.broadcast %jit3A_441 : i32 to vector<16xi32>
    %broadcast_in_dim3A_444 = vector.broadcast %jit3A_442 : i32 to vector<16xi32>
    %select_n3A_445 = arith.select %lt3A_440, %broadcast_in_dim3A_443, %broadcast_in_dim3A_444 : vector<16xi1>, vector<16xi32>
    %add3A_446 = arith.addi %add3A_427, %select_n3A_445 : vector<16xi32>
    %min3A_447 = arith.constant 4095 : i32
    %min3A_448 = vector.broadcast %min3A_447 : i32 to vector<16xi32>
    %min3A_449 = arith.minsi %get3A_437, %min3A_448 : vector<16xi32>
    %swap3A_450 = arith.constant 368 : index
    %swap3A_451 = tpu.vector_load %arg6[%swap3A_450] {strides = array<i32>} : memref<400xi32, #tpu.memory_space<vmem>>, vector<16xi32>,
    %swap3A_452 = vector.shape_cast %swap3A_451 : vector<16xi32> to vector<16xi32>
    %swap3A_453 = vector.shape_cast %min3A_449 : vector<16xi32> to vector<16xi32>
    tpu.vector_store %arg6[%swap3A_450], %swap3A_453 {strides = array<i32>} : memref<400xi32, #tpu.memory_space<vmem>>, vector<16xi32>,
    %get3A_454 = arith.constant 384 : index
    %get3A_455 = tpu.vector_load %arg5[%get3A_454] {strides = array<i32>} : memref<400xi32, #tpu.memory_space<vmem>>, vector<16xi32>,
    %get3A_456 = vector.shape_cast %get3A_455 : vector<16xi32> to vector<16xi32>
    %lt3A_457 = arith.constant 4096 : i32
    %lt3A_458 = vector.broadcast %lt3A_457 : i32 to vector<16xi32>
    %lt3A_459 = arith.cmpi slt, %get3A_456, %lt3A_458 : vector<16xi32>
    %jit3A_460 = arith.constant 1 : i32
    %jit3A_461 = arith.constant 0 : i32
    %broadcast_in_dim3A_462 = vector.broadcast %jit3A_460 : i32 to vector<16xi32>
    %broadcast_in_dim3A_463 = vector.broadcast %jit3A_461 : i32 to vector<16xi32>
    %select_n3A_464 = arith.select %lt3A_459, %broadcast_in_dim3A_462, %broadcast_in_dim3A_463 : vector<16xi1>, vector<16xi32>
    %add3A_465 = arith.addi %add3A_446, %select_n3A_464 : vector<16xi32>
    %min3A_466 = arith.constant 4095 : i32
    %min3A_467 = vector.broadcast %min3A_466 : i32 to vector<16xi32>
    %min3A_468 = arith.minsi %get3A_456, %min3A_467 : vector<16xi32>
    %swap3A_469 = arith.constant 384 : index
    %swap3A_470 = tpu.vector_load %arg6[%swap3A_469] {strides = array<i32>} : memref<400xi32, #tpu.memory_space<vmem>>, vector<16xi32>,
    %swap3A_471 = vector.shape_cast %swap3A_470 : vector<16xi32> to vector<16xi32>
    %swap3A_472 = vector.shape_cast %min3A_468 : vector<16xi32> to vector<16xi32>
    tpu.vector_store %arg6[%swap3A_469], %swap3A_472 {strides = array<i32>} : memref<400xi32, #tpu.memory_space<vmem>>, vector<16xi32>,
    %add3A_473 = arith.constant 8 : i32
    %add3A_474 = vector.broadcast %add3A_473 : i32 to vector<16xi32>
    %add3A_475 = arith.addi %iota3A, %add3A_474 : vector<16xi32>
    %jit3A_476 = arith.constant 16 : i32
    %eq3A = arith.constant 0 : i32
    %eq3A_477 = arith.cmpi eq, %jit3A_476, %eq3A : i32
    %jit3A_478 = arith.constant 1 : i32
    %select_n3A_479 = arith.select %eq3A_477, %jit3A_478, %jit3A_476 : i32
    %rem3A = vector.broadcast %select_n3A_479 : i32 to vector<16xi32>
    %rem3A_480 = arith.remsi %add3A_475, %rem3A : vector<16xi32>
    %ne3A = arith.constant 0 : i32
    %ne3A_481 = vector.broadcast %ne3A : i32 to vector<16xi32>
    %ne3A_482 = arith.cmpi ne, %rem3A_480, %ne3A_481 : vector<16xi32>
    %lt3A_483 = arith.constant 0 : i32
    %lt3A_484 = vector.broadcast %lt3A_483 : i32 to vector<16xi32>
    %lt3A_485 = arith.cmpi slt, %rem3A_480, %lt3A_484 : vector<16xi32>
    %lt3A_486 = arith.constant 0 : i32
    %lt3A_487 = arith.cmpi slt, %select_n3A_479, %lt3A_486 : i32
    %ne3A_488 = vector.broadcast %lt3A_487 : i1 to vector<16xi1>
    %ne3A_489 = vector.broadcast %ne3A_488 : vector<16xi1> to vector<16xi1>
    %ne3A_490 = arith.xori %lt3A_485, %ne3A_489 : vector<16xi1>
    %and3A = arith.andi %ne3A_490, %ne3A_482 : vector<16xi1>
    %add3A_491 = vector.broadcast %select_n3A_479 : i32 to vector<16xi32>
    %add3A_492 = arith.addi %rem3A_480, %add3A_491 : vector<16xi32>
    %select_n3A_493 = arith.select %and3A, %add3A_492, %rem3A_480 : vector<16xi1>, vector<16xi32>
    %lt3A_494 = arith.constant 0 : i32
    %lt3A_495 = vector.broadcast %lt3A_494 : i32 to vector<16xi32>
    %lt3A_496 = arith.cmpi slt, %select_n3A_493, %lt3A_495 : vector<16xi32>
    %add3A_497 = arith.constant 16 : i32
    %add3A_498 = vector.broadcast %add3A_497 : i32 to vector<16xi32>
    %add3A_499 = arith.addi %select_n3A_493, %add3A_498 : vector<16xi32>
    %select_n3A_500 = arith.select %lt3A_496, %add3A_499, %select_n3A_493 : vector<16xi1>, vector<16xi32>
    %broadcast_in_dim3A_501 = vector.shape_cast %select_n3A_500 : vector<16xi32> to vector<16x1xi32>
    %gather3A = vector.shape_cast %broadcast_in_dim3A_501 : vector<16x1xi32> to vector<16xi32>
    %gather3A_502 = tpu.dynamic_gather %add3A_465[%gather3A] in [0] : vector<16xi32>, vector<16xi32> -> vector<16xi32>
    %add3A_503 = arith.addi %add3A_465, %gather3A_502 : vector<16xi32>
    %add3A_504 = arith.constant 4 : i32
    %add3A_505 = vector.broadcast %add3A_504 : i32 to vector<16xi32>
    %add3A_506 = arith.addi %iota3A, %add3A_505 : vector<16xi32>
    %jit3A_507 = arith.constant 16 : i32
    %eq3A_508 = arith.constant 0 : i32
    %eq3A_509 = arith.cmpi eq, %jit3A_507, %eq3A_508 : i32
    %jit3A_510 = arith.constant 1 : i32
    %select_n3A_511 = arith.select %eq3A_509, %jit3A_510, %jit3A_507 : i32
    %rem3A_512 = vector.broadcast %select_n3A_511 : i32 to vector<16xi32>
    %rem3A_513 = arith.remsi %add3A_506, %rem3A_512 : vector<16xi32>
    %ne3A_514 = arith.constant 0 : i32
    %ne3A_515 = vector.broadcast %ne3A_514 : i32 to vector<16xi32>
    %ne3A_516 = arith.cmpi ne, %rem3A_513, %ne3A_515 : vector<16xi32>
    %lt3A_517 = arith.constant 0 : i32
    %lt3A_518 = vector.broadcast %lt3A_517 : i32 to vector<16xi32>
    %lt3A_519 = arith.cmpi slt, %rem3A_513, %lt3A_518 : vector<16xi32>
    %lt3A_520 = arith.constant 0 : i32
    %lt3A_521 = arith.cmpi slt, %select_n3A_511, %lt3A_520 : i32
    %ne3A_522 = vector.broadcast %lt3A_521 : i1 to vector<16xi1>
    %ne3A_523 = vector.broadcast %ne3A_522 : vector<16xi1> to vector<16xi1>
    %ne3A_524 = arith.xori %lt3A_519, %ne3A_523 : vector<16xi1>
    %and3A_525 = arith.andi %ne3A_524, %ne3A_516 : vector<16xi1>
    %add3A_526 = vector.broadcast %select_n3A_511 : i32 to vector<16xi32>
    %add3A_527 = arith.addi %rem3A_513, %add3A_526 : vector<16xi32>
    %select_n3A_528 = arith.select %and3A_525, %add3A_527, %rem3A_513 : vector<16xi1>, vector<16xi32>
    %lt3A_529 = arith.constant 0 : i32
    %lt3A_530 = vector.broadcast %lt3A_529 : i32 to vector<16xi32>
    %lt3A_531 = arith.cmpi slt, %select_n3A_528, %lt3A_530 : vector<16xi32>
    %add3A_532 = arith.constant 16 : i32
    %add3A_533 = vector.broadcast %add3A_532 : i32 to vector<16xi32>
    %add3A_534 = arith.addi %select_n3A_528, %add3A_533 : vector<16xi32>
    %select_n3A_535 = arith.select %lt3A_531, %add3A_534, %select_n3A_528 : vector<16xi1>, vector<16xi32>
    %broadcast_in_dim3A_536 = vector.shape_cast %select_n3A_535 : vector<16xi32> to vector<16x1xi32>
    %gather3A_537 = vector.shape_cast %broadcast_in_dim3A_536 : vector<16x1xi32> to vector<16xi32>
    %gather3A_538 = tpu.dynamic_gather %add3A_503[%gather3A_537] in [0] : vector<16xi32>, vector<16xi32> -> vector<16xi32>
    %add3A_539 = arith.addi %add3A_503, %gather3A_538 : vector<16xi32>
    %add3A_540 = arith.constant 2 : i32
    %add3A_541 = vector.broadcast %add3A_540 : i32 to vector<16xi32>
    %add3A_542 = arith.addi %iota3A, %add3A_541 : vector<16xi32>
    %jit3A_543 = arith.constant 16 : i32
    %eq3A_544 = arith.constant 0 : i32
    %eq3A_545 = arith.cmpi eq, %jit3A_543, %eq3A_544 : i32
    %jit3A_546 = arith.constant 1 : i32
    %select_n3A_547 = arith.select %eq3A_545, %jit3A_546, %jit3A_543 : i32
    %rem3A_548 = vector.broadcast %select_n3A_547 : i32 to vector<16xi32>
    %rem3A_549 = arith.remsi %add3A_542, %rem3A_548 : vector<16xi32>
    %ne3A_550 = arith.constant 0 : i32
    %ne3A_551 = vector.broadcast %ne3A_550 : i32 to vector<16xi32>
    %ne3A_552 = arith.cmpi ne, %rem3A_549, %ne3A_551 : vector<16xi32>
    %lt3A_553 = arith.constant 0 : i32
    %lt3A_554 = vector.broadcast %lt3A_553 : i32 to vector<16xi32>
    %lt3A_555 = arith.cmpi slt, %rem3A_549, %lt3A_554 : vector<16xi32>
    %lt3A_556 = arith.constant 0 : i32
    %lt3A_557 = arith.cmpi slt, %select_n3A_547, %lt3A_556 : i32
    %ne3A_558 = vector.broadcast %lt3A_557 : i1 to vector<16xi1>
    %ne3A_559 = vector.broadcast %ne3A_558 : vector<16xi1> to vector<16xi1>
    %ne3A_560 = arith.xori %lt3A_555, %ne3A_559 : vector<16xi1>
    %and3A_561 = arith.andi %ne3A_560, %ne3A_552 : vector<16xi1>
    %add3A_562 = vector.broadcast %select_n3A_547 : i32 to vector<16xi32>
    %add3A_563 = arith.addi %rem3A_549, %add3A_562 : vector<16xi32>
    %select_n3A_564 = arith.select %and3A_561, %add3A_563, %rem3A_549 : vector<16xi1>, vector<16xi32>
    %lt3A_565 = arith.constant 0 : i32
    %lt3A_566 = vector.broadcast %lt3A_565 : i32 to vector<16xi32>
    %lt3A_567 = arith.cmpi slt, %select_n3A_564, %lt3A_566 : vector<16xi32>
    %add3A_568 = arith.constant 16 : i32
    %add3A_569 = vector.broadcast %add3A_568 : i32 to vector<16xi32>
    %add3A_570 = arith.addi %select_n3A_564, %add3A_569 : vector<16xi32>
    %select_n3A_571 = arith.select %lt3A_567, %add3A_570, %select_n3A_564 : vector<16xi1>, vector<16xi32>
    %broadcast_in_dim3A_572 = vector.shape_cast %select_n3A_571 : vector<16xi32> to vector<16x1xi32>
    %gather3A_573 = vector.shape_cast %broadcast_in_dim3A_572 : vector<16x1xi32> to vector<16xi32>
    %gather3A_574 = tpu.dynamic_gather %add3A_539[%gather3A_573] in [0] : vector<16xi32>, vector<16xi32> -> vector<16xi32>
    %add3A_575 = arith.addi %add3A_539, %gather3A_574 : vector<16xi32>
    %add3A_576 = arith.constant 1 : i32
    %add3A_577 = vector.broadcast %add3A_576 : i32 to vector<16xi32>
    %add3A_578 = arith.addi %iota3A, %add3A_577 : vector<16xi32>
    %jit3A_579 = arith.constant 16 : i32
    %eq3A_580 = arith.constant 0 : i32
    %eq3A_581 = arith.cmpi eq, %jit3A_579, %eq3A_580 : i32
    %jit3A_582 = arith.constant 1 : i32
    %select_n3A_583 = arith.select %eq3A_581, %jit3A_582, %jit3A_579 : i32
    %rem3A_584 = vector.broadcast %select_n3A_583 : i32 to vector<16xi32>
    %rem3A_585 = arith.remsi %add3A_578, %rem3A_584 : vector<16xi32>
    %ne3A_586 = arith.constant 0 : i32
    %ne3A_587 = vector.broadcast %ne3A_586 : i32 to vector<16xi32>
    %ne3A_588 = arith.cmpi ne, %rem3A_585, %ne3A_587 : vector<16xi32>
    %lt3A_589 = arith.constant 0 : i32
    %lt3A_590 = vector.broadcast %lt3A_589 : i32 to vector<16xi32>
    %lt3A_591 = arith.cmpi slt, %rem3A_585, %lt3A_590 : vector<16xi32>
    %lt3A_592 = arith.constant 0 : i32
    %lt3A_593 = arith.cmpi slt, %select_n3A_583, %lt3A_592 : i32
    %ne3A_594 = vector.broadcast %lt3A_593 : i1 to vector<16xi1>
    %ne3A_595 = vector.broadcast %ne3A_594 : vector<16xi1> to vector<16xi1>
    %ne3A_596 = arith.xori %lt3A_591, %ne3A_595 : vector<16xi1>
    %and3A_597 = arith.andi %ne3A_596, %ne3A_588 : vector<16xi1>
    %add3A_598 = vector.broadcast %select_n3A_583 : i32 to vector<16xi32>
    %add3A_599 = arith.addi %rem3A_585, %add3A_598 : vector<16xi32>
    %select_n3A_600 = arith.select %and3A_597, %add3A_599, %rem3A_585 : vector<16xi1>, vector<16xi32>
    %lt3A_601 = arith.constant 0 : i32
    %lt3A_602 = vector.broadcast %lt3A_601 : i32 to vector<16xi32>
    %lt3A_603 = arith.cmpi slt, %select_n3A_600, %lt3A_602 : vector<16xi32>
    %add3A_604 = arith.constant 16 : i32
    %add3A_605 = vector.broadcast %add3A_604 : i32 to vector<16xi32>
    %add3A_606 = arith.addi %select_n3A_600, %add3A_605 : vector<16xi32>
    %select_n3A_607 = arith.select %lt3A_603, %add3A_606, %select_n3A_600 : vector<16xi1>, vector<16xi32>
    %broadcast_in_dim3A_608 = vector.shape_cast %select_n3A_607 : vector<16xi32> to vector<16x1xi32>
    %gather3A_609 = vector.shape_cast %broadcast_in_dim3A_608 : vector<16x1xi32> to vector<16xi32>
    %gather3A_610 = tpu.dynamic_gather %add3A_575[%gather3A_609] in [0] : vector<16xi32>, vector<16xi32> -> vector<16xi32>
    %add3A_611 = arith.addi %add3A_575, %gather3A_610 : vector<16xi32>
    %slice3A = vector.extract_strided_slice %add3A_611 {offsets = [0], sizes = [1], strides = [1]} : vector<16xi32> to vector<1xi32>
    %squeeze3A = vector.extract %slice3A[0] : i32 from vector<1xi32>
    %sub3A = arith.constant 0 : i32
    %sub3A_612 = arith.subi %squeeze3A, %sub3A : i32
    %jit3A_613 = arith.constant 0 : i32
    %jit3A_614 = arith.constant 80 : i32
    %max3A = arith.maxsi %jit3A_613, %sub3A_612 : i32
    %min3A_615 = arith.minsi %jit3A_614, %max3A : i32
    %sub3A_616 = arith.constant 80 : i32
    %sub3A_617 = arith.subi %squeeze3A, %sub3A_616 : i32
    %jit3A_618 = arith.constant 0 : i32
    %jit3A_619 = arith.constant 80 : i32
    %max3A_620 = arith.maxsi %jit3A_618, %sub3A_617 : i32
    %min3A_621 = arith.minsi %jit3A_619, %max3A_620 : i32
    %sub3A_622 = arith.constant 160 : i32
    %sub3A_623 = arith.subi %squeeze3A, %sub3A_622 : i32
    %jit3A_624 = arith.constant 0 : i32
    %jit3A_625 = arith.constant 80 : i32
    %max3A_626 = arith.maxsi %jit3A_624, %sub3A_623 : i32
    %min3A_627 = arith.minsi %jit3A_625, %max3A_626 : i32
    %sub3A_628 = arith.constant 240 : i32
    %sub3A_629 = arith.subi %squeeze3A, %sub3A_628 : i32
    %jit3A_630 = arith.constant 0 : i32
    %jit3A_631 = arith.constant 80 : i32
    %max3A_632 = arith.maxsi %jit3A_630, %sub3A_629 : i32
    %min3A_633 = arith.minsi %jit3A_631, %max3A_632 : i32
    %sub3A_634 = arith.constant 320 : i32
    %sub3A_635 = arith.subi %squeeze3A, %sub3A_634 : i32
    %jit3A_636 = arith.constant 0 : i32
    %jit3A_637 = arith.constant 80 : i32
    %max3A_638 = arith.maxsi %jit3A_636, %sub3A_635 : i32
    %min3A_639 = arith.minsi %jit3A_637, %max3A_638 : i32
    %dma_start3A = arith.constant 0 : i32
    %dma_start3A_640 = tpu.memref_slice %arg6[%dma_start3A] : memref<400xi32, #tpu.memory_space<vmem>> -> memref<80xi32, #tpu.memory_space<vmem>>
    %dma_start3A_641 = arith.constant 0 : i32
    %dma_start3A_642 = arith.constant 0 : i32
    %dma_start3A_643 = tpu.memref_slice %arg2[%dma_start3A_641, %dma_start3A_642] : memref<4096x384xf32, #tpu.memory_space<hbm>> -> memref<4096x384xf32, #tpu.memory_space<hbm>>
    tpu.enqueue_indirect_dma source(%dma_start3A_643 : memref<4096x384xf32, #tpu.memory_space<hbm>>) target(%arg7 : memref<80x384xf32, #tpu.memory_space<vmem>>) offsets(%dma_start3A_640 : memref<80xi32, #tpu.memory_space<vmem>>) semaphore(%arg9 : memref<!tpu.dma_semaphore, #tpu.memory_space<semaphore_mem>>)
    %dma_start3A_644 = arith.constant 80 : i32
    %dma_start3A_645 = tpu.memref_slice %arg6[%dma_start3A_644] : memref<400xi32, #tpu.memory_space<vmem>> -> memref<80xi32, #tpu.memory_space<vmem>>
    %dma_start3A_646 = arith.constant 0 : i32
    %dma_start3A_647 = arith.constant 0 : i32
    %dma_start3A_648 = tpu.memref_slice %arg2[%dma_start3A_646, %dma_start3A_647] : memref<4096x384xf32, #tpu.memory_space<hbm>> -> memref<4096x384xf32, #tpu.memory_space<hbm>>
    tpu.enqueue_indirect_dma source(%dma_start3A_648 : memref<4096x384xf32, #tpu.memory_space<hbm>>) target(%arg8 : memref<80x384xf32, #tpu.memory_space<vmem>>) offsets(%dma_start3A_645 : memref<80xi32, #tpu.memory_space<vmem>>) semaphore(%arg10 : memref<!tpu.dma_semaphore, #tpu.memory_space<semaphore_mem>>)
    %dma_wait3A = arith.constant 0 : i32
    %dma_wait3A_649 = tpu.memref_slice %arg6[%dma_wait3A] : memref<400xi32, #tpu.memory_space<vmem>> -> memref<80xi32, #tpu.memory_space<vmem>>
    %dma_wait3A_650 = arith.constant 0 : i32
    %dma_wait3A_651 = arith.constant 0 : i32
    %dma_wait3A_652 = tpu.memref_slice %arg2[%dma_wait3A_650, %dma_wait3A_651] : memref<4096x384xf32, #tpu.memory_space<hbm>> -> memref<4096x384xf32, #tpu.memory_space<hbm>>
    tpu.wait_indirect_dma semaphore(%arg9 : memref<!tpu.dma_semaphore, #tpu.memory_space<semaphore_mem>>) src(%dma_wait3A_652 : memref<4096x384xf32, #tpu.memory_space<hbm>>) dst(%arg7 : memref<80x384xf32, #tpu.memory_space<vmem>>)
    %lt3A_653 = arith.constant 80 : i32
    %lt3A_654 = arith.cmpi slt, %min3A_615, %lt3A_653 : i32
    %convert_element_type3A = arith.extui %lt3A_654 : i1 to i32
    %cond3A = arith.constant 0 : i32
    %cond3A_655 = arith.cmpi ne, %convert_element_type3A, %cond3A : i32
    scf.if %cond3A_655 {
      %while3A = arith.constant 0 : i32
      %while3A_761 = arith.constant 80 : i32
      %while3A_762 = arith.subi %while3A_761, %min3A_615 : i32
      %while3A_763 = arith.addi %min3A_615, %while3A_762 : i32
      %while3A_764 = arith.constant 1 : i32
      %while3A_765 = arith.divsi %while3A_762, %while3A_764 : i32
      %while3A_766 = arith.muli %while3A_765, %while3A_764 : i32
      %while3A_767 = arith.addi %min3A_615, %while3A_766 : i32
      %while3A_768 = arith.constant 1 : i32
      scf.for %while3A_770 = %min3A_615 to %while3A_767 step %while3A_768  : i32 {
        %broadcast_in_dim3A_771 = arith.constant 0.000000e+00 : f32
        %broadcast_in_dim3A_772 = vector.broadcast %broadcast_in_dim3A_771 : f32 to vector<16xf32>
        %swap3A_773 = arith.index_cast %while3A_770 : i32 to index
        %swap3A_774 = arith.constant 0 : index
        %swap3A_775 = tpu.vector_load %arg7[%swap3A_773, %swap3A_774] {strides = array<i32>} : memref<80x384xf32, #tpu.memory_space<vmem>>, vector<1x16xf32>,
        %swap3A_776 = vector.shape_cast %swap3A_775 : vector<1x16xf32> to vector<16xf32>
        %swap3A_777 = vector.shape_cast %broadcast_in_dim3A_772 : vector<16xf32> to vector<1x16xf32>
        tpu.vector_store %arg7[%swap3A_773, %swap3A_774], %swap3A_777 {strides = array<i32>} : memref<80x384xf32, #tpu.memory_space<vmem>>, vector<1x16xf32>,
        %broadcast_in_dim3A_778 = arith.constant 0.000000e+00 : f32
        %broadcast_in_dim3A_779 = vector.broadcast %broadcast_in_dim3A_778 : f32 to vector<16xf32>
        %swap3A_780 = arith.index_cast %while3A_770 : i32 to index
        %swap3A_781 = arith.constant 16 : index
        %swap3A_782 = tpu.vector_load %arg7[%swap3A_780, %swap3A_781] {strides = array<i32>} : memref<80x384xf32, #tpu.memory_space<vmem>>, vector<1x16xf32>,
        %swap3A_783 = vector.shape_cast %swap3A_782 : vector<1x16xf32> to vector<16xf32>
        %swap3A_784 = vector.shape_cast %broadcast_in_dim3A_779 : vector<16xf32> to vector<1x16xf32>
        tpu.vector_store %arg7[%swap3A_780, %swap3A_781], %swap3A_784 {strides = array<i32>} : memref<80x384xf32, #tpu.memory_space<vmem>>, vector<1x16xf32>,
        %broadcast_in_dim3A_785 = arith.constant 0.000000e+00 : f32
        %broadcast_in_dim3A_786 = vector.broadcast %broadcast_in_dim3A_785 : f32 to vector<16xf32>
        %swap3A_787 = arith.index_cast %while3A_770 : i32 to index
        %swap3A_788 = arith.constant 32 : index
        %swap3A_789 = tpu.vector_load %arg7[%swap3A_787, %swap3A_788] {strides = array<i32>} : memref<80x384xf32, #tpu.memory_space<vmem>>, vector<1x16xf32>,
        %swap3A_790 = vector.shape_cast %swap3A_789 : vector<1x16xf32> to vector<16xf32>
        %swap3A_791 = vector.shape_cast %broadcast_in_dim3A_786 : vector<16xf32> to vector<1x16xf32>
        tpu.vector_store %arg7[%swap3A_787, %swap3A_788], %swap3A_791 {strides = array<i32>} : memref<80x384xf32, #tpu.memory_space<vmem>>, vector<1x16xf32>,
        %broadcast_in_dim3A_792 = arith.constant 0.000000e+00 : f32
        %broadcast_in_dim3A_793 = vector.broadcast %broadcast_in_dim3A_792 : f32 to vector<16xf32>
        %swap3A_794 = arith.index_cast %while3A_770 : i32 to index
        %swap3A_795 = arith.constant 48 : index
        %swap3A_796 = tpu.vector_load %arg7[%swap3A_794, %swap3A_795] {strides = array<i32>} : memref<80x384xf32, #tpu.memory_space<vmem>>, vector<1x16xf32>,
        %swap3A_797 = vector.shape_cast %swap3A_796 : vector<1x16xf32> to vector<16xf32>
        %swap3A_798 = vector.shape_cast %broadcast_in_dim3A_793 : vector<16xf32> to vector<1x16xf32>
        tpu.vector_store %arg7[%swap3A_794, %swap3A_795], %swap3A_798 {strides = array<i32>} : memref<80x384xf32, #tpu.memory_space<vmem>>, vector<1x16xf32>,
        %broadcast_in_dim3A_799 = arith.constant 0.000000e+00 : f32
        %broadcast_in_dim3A_800 = vector.broadcast %broadcast_in_dim3A_799 : f32 to vector<16xf32>
        %swap3A_801 = arith.index_cast %while3A_770 : i32 to index
        %swap3A_802 = arith.constant 64 : index
        %swap3A_803 = tpu.vector_load %arg7[%swap3A_801, %swap3A_802] {strides = array<i32>} : memref<80x384xf32, #tpu.memory_space<vmem>>, vector<1x16xf32>,
        %swap3A_804 = vector.shape_cast %swap3A_803 : vector<1x16xf32> to vector<16xf32>
        %swap3A_805 = vector.shape_cast %broadcast_in_dim3A_800 : vector<16xf32> to vector<1x16xf32>
        tpu.vector_store %arg7[%swap3A_801, %swap3A_802], %swap3A_805 {strides = array<i32>} : memref<80x384xf32, #tpu.memory_space<vmem>>, vector<1x16xf32>,
        %broadcast_in_dim3A_806 = arith.constant 0.000000e+00 : f32
        %broadcast_in_dim3A_807 = vector.broadcast %broadcast_in_dim3A_806 : f32 to vector<16xf32>
        %swap3A_808 = arith.index_cast %while3A_770 : i32 to index
        %swap3A_809 = arith.constant 80 : index
        %swap3A_810 = tpu.vector_load %arg7[%swap3A_808, %swap3A_809] {strides = array<i32>} : memref<80x384xf32, #tpu.memory_space<vmem>>, vector<1x16xf32>,
        %swap3A_811 = vector.shape_cast %swap3A_810 : vector<1x16xf32> to vector<16xf32>
        %swap3A_812 = vector.shape_cast %broadcast_in_dim3A_807 : vector<16xf32> to vector<1x16xf32>
        tpu.vector_store %arg7[%swap3A_808, %swap3A_809], %swap3A_812 {strides = array<i32>} : memref<80x384xf32, #tpu.memory_space<vmem>>, vector<1x16xf32>,
        %broadcast_in_dim3A_813 = arith.constant 0.000000e+00 : f32
        %broadcast_in_dim3A_814 = vector.broadcast %broadcast_in_dim3A_813 : f32 to vector<16xf32>
        %swap3A_815 = arith.index_cast %while3A_770 : i32 to index
        %swap3A_816 = arith.constant 96 : index
        %swap3A_817 = tpu.vector_load %arg7[%swap3A_815, %swap3A_816] {strides = array<i32>} : memref<80x384xf32, #tpu.memory_space<vmem>>, vector<1x16xf32>,
        %swap3A_818 = vector.shape_cast %swap3A_817 : vector<1x16xf32> to vector<16xf32>
        %swap3A_819 = vector.shape_cast %broadcast_in_dim3A_814 : vector<16xf32> to vector<1x16xf32>
        tpu.vector_store %arg7[%swap3A_815, %swap3A_816], %swap3A_819 {strides = array<i32>} : memref<80x384xf32, #tpu.memory_space<vmem>>, vector<1x16xf32>,
        %broadcast_in_dim3A_820 = arith.constant 0.000000e+00 : f32
        %broadcast_in_dim3A_821 = vector.broadcast %broadcast_in_dim3A_820 : f32 to vector<16xf32>
        %swap3A_822 = arith.index_cast %while3A_770 : i32 to index
        %swap3A_823 = arith.constant 112 : index
        %swap3A_824 = tpu.vector_load %arg7[%swap3A_822, %swap3A_823] {strides = array<i32>} : memref<80x384xf32, #tpu.memory_space<vmem>>, vector<1x16xf32>,
        %swap3A_825 = vector.shape_cast %swap3A_824 : vector<1x16xf32> to vector<16xf32>
        %swap3A_826 = vector.shape_cast %broadcast_in_dim3A_821 : vector<16xf32> to vector<1x16xf32>
        tpu.vector_store %arg7[%swap3A_822, %swap3A_823], %swap3A_826 {strides = array<i32>} : memref<80x384xf32, #tpu.memory_space<vmem>>, vector<1x16xf32>,
        %broadcast_in_dim3A_827 = arith.constant 0.000000e+00 : f32
        %broadcast_in_dim3A_828 = vector.broadcast %broadcast_in_dim3A_827 : f32 to vector<16xf32>
        %swap3A_829 = arith.index_cast %while3A_770 : i32 to index
        %swap3A_830 = arith.constant 128 : index
        %swap3A_831 = tpu.vector_load %arg7[%swap3A_829, %swap3A_830] {strides = array<i32>} : memref<80x384xf32, #tpu.memory_space<vmem>>, vector<1x16xf32>,
        %swap3A_832 = vector.shape_cast %swap3A_831 : vector<1x16xf32> to vector<16xf32>
        %swap3A_833 = vector.shape_cast %broadcast_in_dim3A_828 : vector<16xf32> to vector<1x16xf32>
        tpu.vector_store %arg7[%swap3A_829, %swap3A_830], %swap3A_833 {strides = array<i32>} : memref<80x384xf32, #tpu.memory_space<vmem>>, vector<1x16xf32>,
        %broadcast_in_dim3A_834 = arith.constant 0.000000e+00 : f32
        %broadcast_in_dim3A_835 = vector.broadcast %broadcast_in_dim3A_834 : f32 to vector<16xf32>
        %swap3A_836 = arith.index_cast %while3A_770 : i32 to index
        %swap3A_837 = arith.constant 144 : index
        %swap3A_838 = tpu.vector_load %arg7[%swap3A_836, %swap3A_837] {strides = array<i32>} : memref<80x384xf32, #tpu.memory_space<vmem>>, vector<1x16xf32>,
        %swap3A_839 = vector.shape_cast %swap3A_838 : vector<1x16xf32> to vector<16xf32>
        %swap3A_840 = vector.shape_cast %broadcast_in_dim3A_835 : vector<16xf32> to vector<1x16xf32>
        tpu.vector_store %arg7[%swap3A_836, %swap3A_837], %swap3A_840 {strides = array<i32>} : memref<80x384xf32, #tpu.memory_space<vmem>>, vector<1x16xf32>,
        %broadcast_in_dim3A_841 = arith.constant 0.000000e+00 : f32
        %broadcast_in_dim3A_842 = vector.broadcast %broadcast_in_dim3A_841 : f32 to vector<16xf32>
        %swap3A_843 = arith.index_cast %while3A_770 : i32 to index
        %swap3A_844 = arith.constant 160 : index
        %swap3A_845 = tpu.vector_load %arg7[%swap3A_843, %swap3A_844] {strides = array<i32>} : memref<80x384xf32, #tpu.memory_space<vmem>>, vector<1x16xf32>,
        %swap3A_846 = vector.shape_cast %swap3A_845 : vector<1x16xf32> to vector<16xf32>
        %swap3A_847 = vector.shape_cast %broadcast_in_dim3A_842 : vector<16xf32> to vector<1x16xf32>
        tpu.vector_store %arg7[%swap3A_843, %swap3A_844], %swap3A_847 {strides = array<i32>} : memref<80x384xf32, #tpu.memory_space<vmem>>, vector<1x16xf32>,
        %broadcast_in_dim3A_848 = arith.constant 0.000000e+00 : f32
        %broadcast_in_dim3A_849 = vector.broadcast %broadcast_in_dim3A_848 : f32 to vector<16xf32>
        %swap3A_850 = arith.index_cast %while3A_770 : i32 to index
        %swap3A_851 = arith.constant 176 : index
        %swap3A_852 = tpu.vector_load %arg7[%swap3A_850, %swap3A_851] {strides = array<i32>} : memref<80x384xf32, #tpu.memory_space<vmem>>, vector<1x16xf32>,
        %swap3A_853 = vector.shape_cast %swap3A_852 : vector<1x16xf32> to vector<16xf32>
        %swap3A_854 = vector.shape_cast %broadcast_in_dim3A_849 : vector<16xf32> to vector<1x16xf32>
        tpu.vector_store %arg7[%swap3A_850, %swap3A_851], %swap3A_854 {strides = array<i32>} : memref<80x384xf32, #tpu.memory_space<vmem>>, vector<1x16xf32>,
        %broadcast_in_dim3A_855 = arith.constant 0.000000e+00 : f32
        %broadcast_in_dim3A_856 = vector.broadcast %broadcast_in_dim3A_855 : f32 to vector<16xf32>
        %swap3A_857 = arith.index_cast %while3A_770 : i32 to index
        %swap3A_858 = arith.constant 192 : index
        %swap3A_859 = tpu.vector_load %arg7[%swap3A_857, %swap3A_858] {strides = array<i32>} : memref<80x384xf32, #tpu.memory_space<vmem>>, vector<1x16xf32>,
        %swap3A_860 = vector.shape_cast %swap3A_859 : vector<1x16xf32> to vector<16xf32>
        %swap3A_861 = vector.shape_cast %broadcast_in_dim3A_856 : vector<16xf32> to vector<1x16xf32>
        tpu.vector_store %arg7[%swap3A_857, %swap3A_858], %swap3A_861 {strides = array<i32>} : memref<80x384xf32, #tpu.memory_space<vmem>>, vector<1x16xf32>,
        %broadcast_in_dim3A_862 = arith.constant 0.000000e+00 : f32
        %broadcast_in_dim3A_863 = vector.broadcast %broadcast_in_dim3A_862 : f32 to vector<16xf32>
        %swap3A_864 = arith.index_cast %while3A_770 : i32 to index
        %swap3A_865 = arith.constant 208 : index
        %swap3A_866 = tpu.vector_load %arg7[%swap3A_864, %swap3A_865] {strides = array<i32>} : memref<80x384xf32, #tpu.memory_space<vmem>>, vector<1x16xf32>,
        %swap3A_867 = vector.shape_cast %swap3A_866 : vector<1x16xf32> to vector<16xf32>
        %swap3A_868 = vector.shape_cast %broadcast_in_dim3A_863 : vector<16xf32> to vector<1x16xf32>
        tpu.vector_store %arg7[%swap3A_864, %swap3A_865], %swap3A_868 {strides = array<i32>} : memref<80x384xf32, #tpu.memory_space<vmem>>, vector<1x16xf32>,
        %broadcast_in_dim3A_869 = arith.constant 0.000000e+00 : f32
        %broadcast_in_dim3A_870 = vector.broadcast %broadcast_in_dim3A_869 : f32 to vector<16xf32>
        %swap3A_871 = arith.index_cast %while3A_770 : i32 to index
        %swap3A_872 = arith.constant 224 : index
        %swap3A_873 = tpu.vector_load %arg7[%swap3A_871, %swap3A_872] {strides = array<i32>} : memref<80x384xf32, #tpu.memory_space<vmem>>, vector<1x16xf32>,
        %swap3A_874 = vector.shape_cast %swap3A_873 : vector<1x16xf32> to vector<16xf32>
        %swap3A_875 = vector.shape_cast %broadcast_in_dim3A_870 : vector<16xf32> to vector<1x16xf32>
        tpu.vector_store %arg7[%swap3A_871, %swap3A_872], %swap3A_875 {strides = array<i32>} : memref<80x384xf32, #tpu.memory_space<vmem>>, vector<1x16xf32>,
        %broadcast_in_dim3A_876 = arith.constant 0.000000e+00 : f32
        %broadcast_in_dim3A_877 = vector.broadcast %broadcast_in_dim3A_876 : f32 to vector<16xf32>
        %swap3A_878 = arith.index_cast %while3A_770 : i32 to index
        %swap3A_879 = arith.constant 240 : index
        %swap3A_880 = tpu.vector_load %arg7[%swap3A_878, %swap3A_879] {strides = array<i32>} : memref<80x384xf32, #tpu.memory_space<vmem>>, vector<1x16xf32>,
        %swap3A_881 = vector.shape_cast %swap3A_880 : vector<1x16xf32> to vector<16xf32>
        %swap3A_882 = vector.shape_cast %broadcast_in_dim3A_877 : vector<16xf32> to vector<1x16xf32>
        tpu.vector_store %arg7[%swap3A_878, %swap3A_879], %swap3A_882 {strides = array<i32>} : memref<80x384xf32, #tpu.memory_space<vmem>>, vector<1x16xf32>,
        %broadcast_in_dim3A_883 = arith.constant 0.000000e+00 : f32
        %broadcast_in_dim3A_884 = vector.broadcast %broadcast_in_dim3A_883 : f32 to vector<16xf32>
        %swap3A_885 = arith.index_cast %while3A_770 : i32 to index
        %swap3A_886 = arith.constant 256 : index
        %swap3A_887 = tpu.vector_load %arg7[%swap3A_885, %swap3A_886] {strides = array<i32>} : memref<80x384xf32, #tpu.memory_space<vmem>>, vector<1x16xf32>,
        %swap3A_888 = vector.shape_cast %swap3A_887 : vector<1x16xf32> to vector<16xf32>
        %swap3A_889 = vector.shape_cast %broadcast_in_dim3A_884 : vector<16xf32> to vector<1x16xf32>
        tpu.vector_store %arg7[%swap3A_885, %swap3A_886], %swap3A_889 {strides = array<i32>} : memref<80x384xf32, #tpu.memory_space<vmem>>, vector<1x16xf32>,
        %broadcast_in_dim3A_890 = arith.constant 0.000000e+00 : f32
        %broadcast_in_dim3A_891 = vector.broadcast %broadcast_in_dim3A_890 : f32 to vector<16xf32>
        %swap3A_892 = arith.index_cast %while3A_770 : i32 to index
        %swap3A_893 = arith.constant 272 : index
        %swap3A_894 = tpu.vector_load %arg7[%swap3A_892, %swap3A_893] {strides = array<i32>} : memref<80x384xf32, #tpu.memory_space<vmem>>, vector<1x16xf32>,
        %swap3A_895 = vector.shape_cast %swap3A_894 : vector<1x16xf32> to vector<16xf32>
        %swap3A_896 = vector.shape_cast %broadcast_in_dim3A_891 : vector<16xf32> to vector<1x16xf32>
        tpu.vector_store %arg7[%swap3A_892, %swap3A_893], %swap3A_896 {strides = array<i32>} : memref<80x384xf32, #tpu.memory_space<vmem>>, vector<1x16xf32>,
        %broadcast_in_dim3A_897 = arith.constant 0.000000e+00 : f32
        %broadcast_in_dim3A_898 = vector.broadcast %broadcast_in_dim3A_897 : f32 to vector<16xf32>
        %swap3A_899 = arith.index_cast %while3A_770 : i32 to index
        %swap3A_900 = arith.constant 288 : index
        %swap3A_901 = tpu.vector_load %arg7[%swap3A_899, %swap3A_900] {strides = array<i32>} : memref<80x384xf32, #tpu.memory_space<vmem>>, vector<1x16xf32>,
        %swap3A_902 = vector.shape_cast %swap3A_901 : vector<1x16xf32> to vector<16xf32>
        %swap3A_903 = vector.shape_cast %broadcast_in_dim3A_898 : vector<16xf32> to vector<1x16xf32>
        tpu.vector_store %arg7[%swap3A_899, %swap3A_900], %swap3A_903 {strides = array<i32>} : memref<80x384xf32, #tpu.memory_space<vmem>>, vector<1x16xf32>,
        %broadcast_in_dim3A_904 = arith.constant 0.000000e+00 : f32
        %broadcast_in_dim3A_905 = vector.broadcast %broadcast_in_dim3A_904 : f32 to vector<16xf32>
        %swap3A_906 = arith.index_cast %while3A_770 : i32 to index
        %swap3A_907 = arith.constant 304 : index
        %swap3A_908 = tpu.vector_load %arg7[%swap3A_906, %swap3A_907] {strides = array<i32>} : memref<80x384xf32, #tpu.memory_space<vmem>>, vector<1x16xf32>,
        %swap3A_909 = vector.shape_cast %swap3A_908 : vector<1x16xf32> to vector<16xf32>
        %swap3A_910 = vector.shape_cast %broadcast_in_dim3A_905 : vector<16xf32> to vector<1x16xf32>
        tpu.vector_store %arg7[%swap3A_906, %swap3A_907], %swap3A_910 {strides = array<i32>} : memref<80x384xf32, #tpu.memory_space<vmem>>, vector<1x16xf32>,
        %broadcast_in_dim3A_911 = arith.constant 0.000000e+00 : f32
        %broadcast_in_dim3A_912 = vector.broadcast %broadcast_in_dim3A_911 : f32 to vector<16xf32>
        %swap3A_913 = arith.index_cast %while3A_770 : i32 to index
        %swap3A_914 = arith.constant 320 : index
        %swap3A_915 = tpu.vector_load %arg7[%swap3A_913, %swap3A_914] {strides = array<i32>} : memref<80x384xf32, #tpu.memory_space<vmem>>, vector<1x16xf32>,
        %swap3A_916 = vector.shape_cast %swap3A_915 : vector<1x16xf32> to vector<16xf32>
        %swap3A_917 = vector.shape_cast %broadcast_in_dim3A_912 : vector<16xf32> to vector<1x16xf32>
        tpu.vector_store %arg7[%swap3A_913, %swap3A_914], %swap3A_917 {strides = array<i32>} : memref<80x384xf32, #tpu.memory_space<vmem>>, vector<1x16xf32>,
        %broadcast_in_dim3A_918 = arith.constant 0.000000e+00 : f32
        %broadcast_in_dim3A_919 = vector.broadcast %broadcast_in_dim3A_918 : f32 to vector<16xf32>
        %swap3A_920 = arith.index_cast %while3A_770 : i32 to index
        %swap3A_921 = arith.constant 336 : index
        %swap3A_922 = tpu.vector_load %arg7[%swap3A_920, %swap3A_921] {strides = array<i32>} : memref<80x384xf32, #tpu.memory_space<vmem>>, vector<1x16xf32>,
        %swap3A_923 = vector.shape_cast %swap3A_922 : vector<1x16xf32> to vector<16xf32>
        %swap3A_924 = vector.shape_cast %broadcast_in_dim3A_919 : vector<16xf32> to vector<1x16xf32>
        tpu.vector_store %arg7[%swap3A_920, %swap3A_921], %swap3A_924 {strides = array<i32>} : memref<80x384xf32, #tpu.memory_space<vmem>>, vector<1x16xf32>,
        %broadcast_in_dim3A_925 = arith.constant 0.000000e+00 : f32
        %broadcast_in_dim3A_926 = vector.broadcast %broadcast_in_dim3A_925 : f32 to vector<16xf32>
        %swap3A_927 = arith.index_cast %while3A_770 : i32 to index
        %swap3A_928 = arith.constant 352 : index
        %swap3A_929 = tpu.vector_load %arg7[%swap3A_927, %swap3A_928] {strides = array<i32>} : memref<80x384xf32, #tpu.memory_space<vmem>>, vector<1x16xf32>,
        %swap3A_930 = vector.shape_cast %swap3A_929 : vector<1x16xf32> to vector<16xf32>
        %swap3A_931 = vector.shape_cast %broadcast_in_dim3A_926 : vector<16xf32> to vector<1x16xf32>
        tpu.vector_store %arg7[%swap3A_927, %swap3A_928], %swap3A_931 {strides = array<i32>} : memref<80x384xf32, #tpu.memory_space<vmem>>, vector<1x16xf32>,
        %broadcast_in_dim3A_932 = arith.constant 0.000000e+00 : f32
        %broadcast_in_dim3A_933 = vector.broadcast %broadcast_in_dim3A_932 : f32 to vector<16xf32>
        %swap3A_934 = arith.index_cast %while3A_770 : i32 to index
        %swap3A_935 = arith.constant 368 : index
        %swap3A_936 = tpu.vector_load %arg7[%swap3A_934, %swap3A_935] {strides = array<i32>} : memref<80x384xf32, #tpu.memory_space<vmem>>, vector<1x16xf32>,
        %swap3A_937 = vector.shape_cast %swap3A_936 : vector<1x16xf32> to vector<16xf32>
        %swap3A_938 = vector.shape_cast %broadcast_in_dim3A_933 : vector<16xf32> to vector<1x16xf32>
        tpu.vector_store %arg7[%swap3A_934, %swap3A_935], %swap3A_938 {strides = array<i32>} : memref<80x384xf32, #tpu.memory_space<vmem>>, vector<1x16xf32>,
      }
      %while3A_769 = arith.constant 1 : i32
      scf.for %while3A_770 = %while3A_767 to %while3A_763 step %while3A_769  : i32 {
        %broadcast_in_dim3A_771 = arith.constant 0.000000e+00 : f32
        %broadcast_in_dim3A_772 = vector.broadcast %broadcast_in_dim3A_771 : f32 to vector<16xf32>
        %swap3A_773 = arith.index_cast %while3A_770 : i32 to index
        %swap3A_774 = arith.constant 0 : index
        %swap3A_775 = tpu.vector_load %arg7[%swap3A_773, %swap3A_774] {strides = array<i32>} : memref<80x384xf32, #tpu.memory_space<vmem>>, vector<1x16xf32>,
        %swap3A_776 = vector.shape_cast %swap3A_775 : vector<1x16xf32> to vector<16xf32>
        %swap3A_777 = vector.shape_cast %broadcast_in_dim3A_772 : vector<16xf32> to vector<1x16xf32>
        tpu.vector_store %arg7[%swap3A_773, %swap3A_774], %swap3A_777 {strides = array<i32>} : memref<80x384xf32, #tpu.memory_space<vmem>>, vector<1x16xf32>,
        %broadcast_in_dim3A_778 = arith.constant 0.000000e+00 : f32
        %broadcast_in_dim3A_779 = vector.broadcast %broadcast_in_dim3A_778 : f32 to vector<16xf32>
        %swap3A_780 = arith.index_cast %while3A_770 : i32 to index
        %swap3A_781 = arith.constant 16 : index
        %swap3A_782 = tpu.vector_load %arg7[%swap3A_780, %swap3A_781] {strides = array<i32>} : memref<80x384xf32, #tpu.memory_space<vmem>>, vector<1x16xf32>,
        %swap3A_783 = vector.shape_cast %swap3A_782 : vector<1x16xf32> to vector<16xf32>
        %swap3A_784 = vector.shape_cast %broadcast_in_dim3A_779 : vector<16xf32> to vector<1x16xf32>
        tpu.vector_store %arg7[%swap3A_780, %swap3A_781], %swap3A_784 {strides = array<i32>} : memref<80x384xf32, #tpu.memory_space<vmem>>, vector<1x16xf32>,
        %broadcast_in_dim3A_785 = arith.constant 0.000000e+00 : f32
        %broadcast_in_dim3A_786 = vector.broadcast %broadcast_in_dim3A_785 : f32 to vector<16xf32>
        %swap3A_787 = arith.index_cast %while3A_770 : i32 to index
        %swap3A_788 = arith.constant 32 : index
        %swap3A_789 = tpu.vector_load %arg7[%swap3A_787, %swap3A_788] {strides = array<i32>} : memref<80x384xf32, #tpu.memory_space<vmem>>, vector<1x16xf32>,
        %swap3A_790 = vector.shape_cast %swap3A_789 : vector<1x16xf32> to vector<16xf32>
        %swap3A_791 = vector.shape_cast %broadcast_in_dim3A_786 : vector<16xf32> to vector<1x16xf32>
        tpu.vector_store %arg7[%swap3A_787, %swap3A_788], %swap3A_791 {strides = array<i32>} : memref<80x384xf32, #tpu.memory_space<vmem>>, vector<1x16xf32>,
        %broadcast_in_dim3A_792 = arith.constant 0.000000e+00 : f32
        %broadcast_in_dim3A_793 = vector.broadcast %broadcast_in_dim3A_792 : f32 to vector<16xf32>
        %swap3A_794 = arith.index_cast %while3A_770 : i32 to index
        %swap3A_795 = arith.constant 48 : index
        %swap3A_796 = tpu.vector_load %arg7[%swap3A_794, %swap3A_795] {strides = array<i32>} : memref<80x384xf32, #tpu.memory_space<vmem>>, vector<1x16xf32>,
        %swap3A_797 = vector.shape_cast %swap3A_796 : vector<1x16xf32> to vector<16xf32>
        %swap3A_798 = vector.shape_cast %broadcast_in_dim3A_793 : vector<16xf32> to vector<1x16xf32>
        tpu.vector_store %arg7[%swap3A_794, %swap3A_795], %swap3A_798 {strides = array<i32>} : memref<80x384xf32, #tpu.memory_space<vmem>>, vector<1x16xf32>,
        %broadcast_in_dim3A_799 = arith.constant 0.000000e+00 : f32
        %broadcast_in_dim3A_800 = vector.broadcast %broadcast_in_dim3A_799 : f32 to vector<16xf32>
        %swap3A_801 = arith.index_cast %while3A_770 : i32 to index
        %swap3A_802 = arith.constant 64 : index
        %swap3A_803 = tpu.vector_load %arg7[%swap3A_801, %swap3A_802] {strides = array<i32>} : memref<80x384xf32, #tpu.memory_space<vmem>>, vector<1x16xf32>,
        %swap3A_804 = vector.shape_cast %swap3A_803 : vector<1x16xf32> to vector<16xf32>
        %swap3A_805 = vector.shape_cast %broadcast_in_dim3A_800 : vector<16xf32> to vector<1x16xf32>
        tpu.vector_store %arg7[%swap3A_801, %swap3A_802], %swap3A_805 {strides = array<i32>} : memref<80x384xf32, #tpu.memory_space<vmem>>, vector<1x16xf32>,
        %broadcast_in_dim3A_806 = arith.constant 0.000000e+00 : f32
        %broadcast_in_dim3A_807 = vector.broadcast %broadcast_in_dim3A_806 : f32 to vector<16xf32>
        %swap3A_808 = arith.index_cast %while3A_770 : i32 to index
        %swap3A_809 = arith.constant 80 : index
        %swap3A_810 = tpu.vector_load %arg7[%swap3A_808, %swap3A_809] {strides = array<i32>} : memref<80x384xf32, #tpu.memory_space<vmem>>, vector<1x16xf32>,
        %swap3A_811 = vector.shape_cast %swap3A_810 : vector<1x16xf32> to vector<16xf32>
        %swap3A_812 = vector.shape_cast %broadcast_in_dim3A_807 : vector<16xf32> to vector<1x16xf32>
        tpu.vector_store %arg7[%swap3A_808, %swap3A_809], %swap3A_812 {strides = array<i32>} : memref<80x384xf32, #tpu.memory_space<vmem>>, vector<1x16xf32>,
        %broadcast_in_dim3A_813 = arith.constant 0.000000e+00 : f32
        %broadcast_in_dim3A_814 = vector.broadcast %broadcast_in_dim3A_813 : f32 to vector<16xf32>
        %swap3A_815 = arith.index_cast %while3A_770 : i32 to index
        %swap3A_816 = arith.constant 96 : index
        %swap3A_817 = tpu.vector_load %arg7[%swap3A_815, %swap3A_816] {strides = array<i32>} : memref<80x384xf32, #tpu.memory_space<vmem>>, vector<1x16xf32>,
        %swap3A_818 = vector.shape_cast %swap3A_817 : vector<1x16xf32> to vector<16xf32>
        %swap3A_819 = vector.shape_cast %broadcast_in_dim3A_814 : vector<16xf32> to vector<1x16xf32>
        tpu.vector_store %arg7[%swap3A_815, %swap3A_816], %swap3A_819 {strides = array<i32>} : memref<80x384xf32, #tpu.memory_space<vmem>>, vector<1x16xf32>,
        %broadcast_in_dim3A_820 = arith.constant 0.000000e+00 : f32
        %broadcast_in_dim3A_821 = vector.broadcast %broadcast_in_dim3A_820 : f32 to vector<16xf32>
        %swap3A_822 = arith.index_cast %while3A_770 : i32 to index
        %swap3A_823 = arith.constant 112 : index
        %swap3A_824 = tpu.vector_load %arg7[%swap3A_822, %swap3A_823] {strides = array<i32>} : memref<80x384xf32, #tpu.memory_space<vmem>>, vector<1x16xf32>,
        %swap3A_825 = vector.shape_cast %swap3A_824 : vector<1x16xf32> to vector<16xf32>
        %swap3A_826 = vector.shape_cast %broadcast_in_dim3A_821 : vector<16xf32> to vector<1x16xf32>
        tpu.vector_store %arg7[%swap3A_822, %swap3A_823], %swap3A_826 {strides = array<i32>} : memref<80x384xf32, #tpu.memory_space<vmem>>, vector<1x16xf32>,
        %broadcast_in_dim3A_827 = arith.constant 0.000000e+00 : f32
        %broadcast_in_dim3A_828 = vector.broadcast %broadcast_in_dim3A_827 : f32 to vector<16xf32>
        %swap3A_829 = arith.index_cast %while3A_770 : i32 to index
        %swap3A_830 = arith.constant 128 : index
        %swap3A_831 = tpu.vector_load %arg7[%swap3A_829, %swap3A_830] {strides = array<i32>} : memref<80x384xf32, #tpu.memory_space<vmem>>, vector<1x16xf32>,
        %swap3A_832 = vector.shape_cast %swap3A_831 : vector<1x16xf32> to vector<16xf32>
        %swap3A_833 = vector.shape_cast %broadcast_in_dim3A_828 : vector<16xf32> to vector<1x16xf32>
        tpu.vector_store %arg7[%swap3A_829, %swap3A_830], %swap3A_833 {strides = array<i32>} : memref<80x384xf32, #tpu.memory_space<vmem>>, vector<1x16xf32>,
        %broadcast_in_dim3A_834 = arith.constant 0.000000e+00 : f32
        %broadcast_in_dim3A_835 = vector.broadcast %broadcast_in_dim3A_834 : f32 to vector<16xf32>
        %swap3A_836 = arith.index_cast %while3A_770 : i32 to index
        %swap3A_837 = arith.constant 144 : index
        %swap3A_838 = tpu.vector_load %arg7[%swap3A_836, %swap3A_837] {strides = array<i32>} : memref<80x384xf32, #tpu.memory_space<vmem>>, vector<1x16xf32>,
        %swap3A_839 = vector.shape_cast %swap3A_838 : vector<1x16xf32> to vector<16xf32>
        %swap3A_840 = vector.shape_cast %broadcast_in_dim3A_835 : vector<16xf32> to vector<1x16xf32>
        tpu.vector_store %arg7[%swap3A_836, %swap3A_837], %swap3A_840 {strides = array<i32>} : memref<80x384xf32, #tpu.memory_space<vmem>>, vector<1x16xf32>,
        %broadcast_in_dim3A_841 = arith.constant 0.000000e+00 : f32
        %broadcast_in_dim3A_842 = vector.broadcast %broadcast_in_dim3A_841 : f32 to vector<16xf32>
        %swap3A_843 = arith.index_cast %while3A_770 : i32 to index
        %swap3A_844 = arith.constant 160 : index
        %swap3A_845 = tpu.vector_load %arg7[%swap3A_843, %swap3A_844] {strides = array<i32>} : memref<80x384xf32, #tpu.memory_space<vmem>>, vector<1x16xf32>,
        %swap3A_846 = vector.shape_cast %swap3A_845 : vector<1x16xf32> to vector<16xf32>
        %swap3A_847 = vector.shape_cast %broadcast_in_dim3A_842 : vector<16xf32> to vector<1x16xf32>
        tpu.vector_store %arg7[%swap3A_843, %swap3A_844], %swap3A_847 {strides = array<i32>} : memref<80x384xf32, #tpu.memory_space<vmem>>, vector<1x16xf32>,
        %broadcast_in_dim3A_848 = arith.constant 0.000000e+00 : f32
        %broadcast_in_dim3A_849 = vector.broadcast %broadcast_in_dim3A_848 : f32 to vector<16xf32>
        %swap3A_850 = arith.index_cast %while3A_770 : i32 to index
        %swap3A_851 = arith.constant 176 : index
        %swap3A_852 = tpu.vector_load %arg7[%swap3A_850, %swap3A_851] {strides = array<i32>} : memref<80x384xf32, #tpu.memory_space<vmem>>, vector<1x16xf32>,
        %swap3A_853 = vector.shape_cast %swap3A_852 : vector<1x16xf32> to vector<16xf32>
        %swap3A_854 = vector.shape_cast %broadcast_in_dim3A_849 : vector<16xf32> to vector<1x16xf32>
        tpu.vector_store %arg7[%swap3A_850, %swap3A_851], %swap3A_854 {strides = array<i32>} : memref<80x384xf32, #tpu.memory_space<vmem>>, vector<1x16xf32>,
        %broadcast_in_dim3A_855 = arith.constant 0.000000e+00 : f32
        %broadcast_in_dim3A_856 = vector.broadcast %broadcast_in_dim3A_855 : f32 to vector<16xf32>
        %swap3A_857 = arith.index_cast %while3A_770 : i32 to index
        %swap3A_858 = arith.constant 192 : index
        %swap3A_859 = tpu.vector_load %arg7[%swap3A_857, %swap3A_858] {strides = array<i32>} : memref<80x384xf32, #tpu.memory_space<vmem>>, vector<1x16xf32>,
        %swap3A_860 = vector.shape_cast %swap3A_859 : vector<1x16xf32> to vector<16xf32>
        %swap3A_861 = vector.shape_cast %broadcast_in_dim3A_856 : vector<16xf32> to vector<1x16xf32>
        tpu.vector_store %arg7[%swap3A_857, %swap3A_858], %swap3A_861 {strides = array<i32>} : memref<80x384xf32, #tpu.memory_space<vmem>>, vector<1x16xf32>,
        %broadcast_in_dim3A_862 = arith.constant 0.000000e+00 : f32
        %broadcast_in_dim3A_863 = vector.broadcast %broadcast_in_dim3A_862 : f32 to vector<16xf32>
        %swap3A_864 = arith.index_cast %while3A_770 : i32 to index
        %swap3A_865 = arith.constant 208 : index
        %swap3A_866 = tpu.vector_load %arg7[%swap3A_864, %swap3A_865] {strides = array<i32>} : memref<80x384xf32, #tpu.memory_space<vmem>>, vector<1x16xf32>,
        %swap3A_867 = vector.shape_cast %swap3A_866 : vector<1x16xf32> to vector<16xf32>
        %swap3A_868 = vector.shape_cast %broadcast_in_dim3A_863 : vector<16xf32> to vector<1x16xf32>
        tpu.vector_store %arg7[%swap3A_864, %swap3A_865], %swap3A_868 {strides = array<i32>} : memref<80x384xf32, #tpu.memory_space<vmem>>, vector<1x16xf32>,
        %broadcast_in_dim3A_869 = arith.constant 0.000000e+00 : f32
        %broadcast_in_dim3A_870 = vector.broadcast %broadcast_in_dim3A_869 : f32 to vector<16xf32>
        %swap3A_871 = arith.index_cast %while3A_770 : i32 to index
        %swap3A_872 = arith.constant 224 : index
        %swap3A_873 = tpu.vector_load %arg7[%swap3A_871, %swap3A_872] {strides = array<i32>} : memref<80x384xf32, #tpu.memory_space<vmem>>, vector<1x16xf32>,
        %swap3A_874 = vector.shape_cast %swap3A_873 : vector<1x16xf32> to vector<16xf32>
        %swap3A_875 = vector.shape_cast %broadcast_in_dim3A_870 : vector<16xf32> to vector<1x16xf32>
        tpu.vector_store %arg7[%swap3A_871, %swap3A_872], %swap3A_875 {strides = array<i32>} : memref<80x384xf32, #tpu.memory_space<vmem>>, vector<1x16xf32>,
        %broadcast_in_dim3A_876 = arith.constant 0.000000e+00 : f32
        %broadcast_in_dim3A_877 = vector.broadcast %broadcast_in_dim3A_876 : f32 to vector<16xf32>
        %swap3A_878 = arith.index_cast %while3A_770 : i32 to index
        %swap3A_879 = arith.constant 240 : index
        %swap3A_880 = tpu.vector_load %arg7[%swap3A_878, %swap3A_879] {strides = array<i32>} : memref<80x384xf32, #tpu.memory_space<vmem>>, vector<1x16xf32>,
        %swap3A_881 = vector.shape_cast %swap3A_880 : vector<1x16xf32> to vector<16xf32>
        %swap3A_882 = vector.shape_cast %broadcast_in_dim3A_877 : vector<16xf32> to vector<1x16xf32>
        tpu.vector_store %arg7[%swap3A_878, %swap3A_879], %swap3A_882 {strides = array<i32>} : memref<80x384xf32, #tpu.memory_space<vmem>>, vector<1x16xf32>,
        %broadcast_in_dim3A_883 = arith.constant 0.000000e+00 : f32
        %broadcast_in_dim3A_884 = vector.broadcast %broadcast_in_dim3A_883 : f32 to vector<16xf32>
        %swap3A_885 = arith.index_cast %while3A_770 : i32 to index
        %swap3A_886 = arith.constant 256 : index
        %swap3A_887 = tpu.vector_load %arg7[%swap3A_885, %swap3A_886] {strides = array<i32>} : memref<80x384xf32, #tpu.memory_space<vmem>>, vector<1x16xf32>,
        %swap3A_888 = vector.shape_cast %swap3A_887 : vector<1x16xf32> to vector<16xf32>
        %swap3A_889 = vector.shape_cast %broadcast_in_dim3A_884 : vector<16xf32> to vector<1x16xf32>
        tpu.vector_store %arg7[%swap3A_885, %swap3A_886], %swap3A_889 {strides = array<i32>} : memref<80x384xf32, #tpu.memory_space<vmem>>, vector<1x16xf32>,
        %broadcast_in_dim3A_890 = arith.constant 0.000000e+00 : f32
        %broadcast_in_dim3A_891 = vector.broadcast %broadcast_in_dim3A_890 : f32 to vector<16xf32>
        %swap3A_892 = arith.index_cast %while3A_770 : i32 to index
        %swap3A_893 = arith.constant 272 : index
        %swap3A_894 = tpu.vector_load %arg7[%swap3A_892, %swap3A_893] {strides = array<i32>} : memref<80x384xf32, #tpu.memory_space<vmem>>, vector<1x16xf32>,
        %swap3A_895 = vector.shape_cast %swap3A_894 : vector<1x16xf32> to vector<16xf32>
        %swap3A_896 = vector.shape_cast %broadcast_in_dim3A_891 : vector<16xf32> to vector<1x16xf32>
        tpu.vector_store %arg7[%swap3A_892, %swap3A_893], %swap3A_896 {strides = array<i32>} : memref<80x384xf32, #tpu.memory_space<vmem>>, vector<1x16xf32>,
        %broadcast_in_dim3A_897 = arith.constant 0.000000e+00 : f32
        %broadcast_in_dim3A_898 = vector.broadcast %broadcast_in_dim3A_897 : f32 to vector<16xf32>
        %swap3A_899 = arith.index_cast %while3A_770 : i32 to index
        %swap3A_900 = arith.constant 288 : index
        %swap3A_901 = tpu.vector_load %arg7[%swap3A_899, %swap3A_900] {strides = array<i32>} : memref<80x384xf32, #tpu.memory_space<vmem>>, vector<1x16xf32>,
        %swap3A_902 = vector.shape_cast %swap3A_901 : vector<1x16xf32> to vector<16xf32>
        %swap3A_903 = vector.shape_cast %broadcast_in_dim3A_898 : vector<16xf32> to vector<1x16xf32>
        tpu.vector_store %arg7[%swap3A_899, %swap3A_900], %swap3A_903 {strides = array<i32>} : memref<80x384xf32, #tpu.memory_space<vmem>>, vector<1x16xf32>,
        %broadcast_in_dim3A_904 = arith.constant 0.000000e+00 : f32
        %broadcast_in_dim3A_905 = vector.broadcast %broadcast_in_dim3A_904 : f32 to vector<16xf32>
        %swap3A_906 = arith.index_cast %while3A_770 : i32 to index
        %swap3A_907 = arith.constant 304 : index
        %swap3A_908 = tpu.vector_load %arg7[%swap3A_906, %swap3A_907] {strides = array<i32>} : memref<80x384xf32, #tpu.memory_space<vmem>>, vector<1x16xf32>,
        %swap3A_909 = vector.shape_cast %swap3A_908 : vector<1x16xf32> to vector<16xf32>
        %swap3A_910 = vector.shape_cast %broadcast_in_dim3A_905 : vector<16xf32> to vector<1x16xf32>
        tpu.vector_store %arg7[%swap3A_906, %swap3A_907], %swap3A_910 {strides = array<i32>} : memref<80x384xf32, #tpu.memory_space<vmem>>, vector<1x16xf32>,
        %broadcast_in_dim3A_911 = arith.constant 0.000000e+00 : f32
        %broadcast_in_dim3A_912 = vector.broadcast %broadcast_in_dim3A_911 : f32 to vector<16xf32>
        %swap3A_913 = arith.index_cast %while3A_770 : i32 to index
        %swap3A_914 = arith.constant 320 : index
        %swap3A_915 = tpu.vector_load %arg7[%swap3A_913, %swap3A_914] {strides = array<i32>} : memref<80x384xf32, #tpu.memory_space<vmem>>, vector<1x16xf32>,
        %swap3A_916 = vector.shape_cast %swap3A_915 : vector<1x16xf32> to vector<16xf32>
        %swap3A_917 = vector.shape_cast %broadcast_in_dim3A_912 : vector<16xf32> to vector<1x16xf32>
        tpu.vector_store %arg7[%swap3A_913, %swap3A_914], %swap3A_917 {strides = array<i32>} : memref<80x384xf32, #tpu.memory_space<vmem>>, vector<1x16xf32>,
        %broadcast_in_dim3A_918 = arith.constant 0.000000e+00 : f32
        %broadcast_in_dim3A_919 = vector.broadcast %broadcast_in_dim3A_918 : f32 to vector<16xf32>
        %swap3A_920 = arith.index_cast %while3A_770 : i32 to index
        %swap3A_921 = arith.constant 336 : index
        %swap3A_922 = tpu.vector_load %arg7[%swap3A_920, %swap3A_921] {strides = array<i32>} : memref<80x384xf32, #tpu.memory_space<vmem>>, vector<1x16xf32>,
        %swap3A_923 = vector.shape_cast %swap3A_922 : vector<1x16xf32> to vector<16xf32>
        %swap3A_924 = vector.shape_cast %broadcast_in_dim3A_919 : vector<16xf32> to vector<1x16xf32>
        tpu.vector_store %arg7[%swap3A_920, %swap3A_921], %swap3A_924 {strides = array<i32>} : memref<80x384xf32, #tpu.memory_space<vmem>>, vector<1x16xf32>,
        %broadcast_in_dim3A_925 = arith.constant 0.000000e+00 : f32
        %broadcast_in_dim3A_926 = vector.broadcast %broadcast_in_dim3A_925 : f32 to vector<16xf32>
        %swap3A_927 = arith.index_cast %while3A_770 : i32 to index
        %swap3A_928 = arith.constant 352 : index
        %swap3A_929 = tpu.vector_load %arg7[%swap3A_927, %swap3A_928] {strides = array<i32>} : memref<80x384xf32, #tpu.memory_space<vmem>>, vector<1x16xf32>,
        %swap3A_930 = vector.shape_cast %swap3A_929 : vector<1x16xf32> to vector<16xf32>
        %swap3A_931 = vector.shape_cast %broadcast_in_dim3A_926 : vector<16xf32> to vector<1x16xf32>
        tpu.vector_store %arg7[%swap3A_927, %swap3A_928], %swap3A_931 {strides = array<i32>} : memref<80x384xf32, #tpu.memory_space<vmem>>, vector<1x16xf32>,
        %broadcast_in_dim3A_932 = arith.constant 0.000000e+00 : f32
        %broadcast_in_dim3A_933 = vector.broadcast %broadcast_in_dim3A_932 : f32 to vector<16xf32>
        %swap3A_934 = arith.index_cast %while3A_770 : i32 to index
        %swap3A_935 = arith.constant 368 : index
        %swap3A_936 = tpu.vector_load %arg7[%swap3A_934, %swap3A_935] {strides = array<i32>} : memref<80x384xf32, #tpu.memory_space<vmem>>, vector<1x16xf32>,
        %swap3A_937 = vector.shape_cast %swap3A_936 : vector<1x16xf32> to vector<16xf32>
        %swap3A_938 = vector.shape_cast %broadcast_in_dim3A_933 : vector<16xf32> to vector<1x16xf32>
        tpu.vector_store %arg7[%swap3A_934, %swap3A_935], %swap3A_938 {strides = array<i32>} : memref<80x384xf32, #tpu.memory_space<vmem>>, vector<1x16xf32>,
      }
    } else {
    }
    %add3A_656 = arith.constant 0 : i32
    %add3A_657 = arith.addi %mul3A_2, %add3A_656 : i32
    %dma_start3A_658 = arith.constant 0 : i32
    %dma_start3A_659 = tpu.memref_slice %arg4[%add3A_657, %dma_start3A_658] : memref<12800x384xf32, #tpu.memory_space<hbm>> -> memref<80x384xf32, #tpu.memory_space<hbm>>
    %dma_start3A_660 = arith.constant 0 : i32
    %dma_start3A_661 = tpu.memref_slice %arg4[%add3A_657, %dma_start3A_660] : memref<12800x384xf32, #tpu.memory_space<hbm>> -> memref<80x384xf32, #tpu.memory_space<hbm>>
    tpu.enqueue_dma source(%arg7 : memref<80x384xf32, #tpu.memory_space<vmem>>) target(%dma_start3A_661 : memref<80x384xf32, #tpu.memory_space<hbm>>) target_semaphore(%arg11 : memref<!tpu.dma_semaphore, #tpu.memory_space<semaphore_mem>>)
    %dma_wait3A_662 = arith.constant 0 : i32
    %dma_wait3A_663 = tpu.memref_slice %arg4[%add3A_657, %dma_wait3A_662] : memref<12800x384xf32, #tpu.memory_space<hbm>> -> memref<80x384xf32, #tpu.memory_space<hbm>>
    %dma_wait3A_664 = arith.constant 0 : i32
    %dma_wait3A_665 = tpu.memref_slice %arg4[%add3A_657, %dma_wait3A_664] : memref<12800x384xf32, #tpu.memory_space<hbm>> -> memref<80x384xf32, #tpu.memory_space<hbm>>
    tpu.wait_dma2 semaphore(%arg11 : memref<!tpu.dma_semaphore, #tpu.memory_space<semaphore_mem>>) src(%arg7 : memref<80x384xf32, #tpu.memory_space<vmem>>) dst(%dma_wait3A_665 : memref<80x384xf32, #tpu.memory_space<hbm>>)
    %dma_start3A_666 = arith.constant 160 : i32
    %dma_start3A_667 = tpu.memref_slice %arg6[%dma_start3A_666] : memref<400xi32, #tpu.memory_space<vmem>> -> memref<80xi32, #tpu.memory_space<vmem>>
    %dma_start3A_668 = arith.constant 0 : i32
    %dma_start3A_669 = arith.constant 0 : i32
    %dma_start3A_670 = tpu.memref_slice %arg2[%dma_start3A_668, %dma_start3A_669] : memref<4096x384xf32, #tpu.memory_space<hbm>> -> memref<4096x384xf32, #tpu.memory_space<hbm>>
    tpu.enqueue_indirect_dma source(%dma_start3A_670 : memref<4096x384xf32, #tpu.memory_space<hbm>>) target(%arg7 : memref<80x384xf32, #tpu.memory_space<vmem>>) offsets(%dma_start3A_667 : memref<80xi32, #tpu.memory_space<vmem>>) semaphore(%arg9 : memref<!tpu.dma_semaphore, #tpu.memory_space<semaphore_mem>>)
    %dma_wait3A_671 = arith.constant 80 : i32
    %dma_wait3A_672 = tpu.memref_slice %arg6[%dma_wait3A_671] : memref<400xi32, #tpu.memory_space<vmem>> -> memref<80xi32, #tpu.memory_space<vmem>>
    %dma_wait3A_673 = arith.constant 0 : i32
    %dma_wait3A_674 = arith.constant 0 : i32
    %dma_wait3A_675 = tpu.memref_slice %arg2[%dma_wait3A_673, %dma_wait3A_674] : memref<4096x384xf32, #tpu.memory_space<hbm>> -> memref<4096x384xf32, #tpu.memory_space<hbm>>
    tpu.wait_indirect_dma semaphore(%arg10 : memref<!tpu.dma_semaphore, #tpu.memory_space<semaphore_mem>>) src(%dma_wait3A_675 : memref<4096x384xf32, #tpu.memory_space<hbm>>) dst(%arg8 : memref<80x384xf32, #tpu.memory_space<vmem>>)
    %lt3A_676 = arith.constant 80 : i32
    %lt3A_677 = arith.cmpi slt, %min3A_621, %lt3A_676 : i32
    %convert_element_type3A_678 = arith.extui %lt3A_677 : i1 to i32
    %cond3A_679 = arith.constant 0 : i32
    %cond3A_680 = arith.cmpi ne, %convert_element_type3A_678, %cond3A_679 : i32
    scf.if %cond3A_680 {
      %while3A = arith.constant 0 : i32
      %while3A_761 = arith.constant 80 : i32
      %while3A_762 = arith.subi %while3A_761, %min3A_621 : i32
      %while3A_763 = arith.addi %min3A_621, %while3A_762 : i32
      %while3A_764 = arith.constant 1 : i32
      %while3A_765 = arith.divsi %while3A_762, %while3A_764 : i32
      %while3A_766 = arith.muli %while3A_765, %while3A_764 : i32
      %while3A_767 = arith.addi %min3A_621, %while3A_766 : i32
      %while3A_768 = arith.constant 1 : i32
      scf.for %while3A_770 = %min3A_621 to %while3A_767 step %while3A_768  : i32 {
        %broadcast_in_dim3A_771 = arith.constant 0.000000e+00 : f32
        %broadcast_in_dim3A_772 = vector.broadcast %broadcast_in_dim3A_771 : f32 to vector<16xf32>
        %swap3A_773 = arith.index_cast %while3A_770 : i32 to index
        %swap3A_774 = arith.constant 0 : index
        %swap3A_775 = tpu.vector_load %arg8[%swap3A_773, %swap3A_774] {strides = array<i32>} : memref<80x384xf32, #tpu.memory_space<vmem>>, vector<1x16xf32>,
        %swap3A_776 = vector.shape_cast %swap3A_775 : vector<1x16xf32> to vector<16xf32>
        %swap3A_777 = vector.shape_cast %broadcast_in_dim3A_772 : vector<16xf32> to vector<1x16xf32>
        tpu.vector_store %arg8[%swap3A_773, %swap3A_774], %swap3A_777 {strides = array<i32>} : memref<80x384xf32, #tpu.memory_space<vmem>>, vector<1x16xf32>,
        %broadcast_in_dim3A_778 = arith.constant 0.000000e+00 : f32
        %broadcast_in_dim3A_779 = vector.broadcast %broadcast_in_dim3A_778 : f32 to vector<16xf32>
        %swap3A_780 = arith.index_cast %while3A_770 : i32 to index
        %swap3A_781 = arith.constant 16 : index
        %swap3A_782 = tpu.vector_load %arg8[%swap3A_780, %swap3A_781] {strides = array<i32>} : memref<80x384xf32, #tpu.memory_space<vmem>>, vector<1x16xf32>,
        %swap3A_783 = vector.shape_cast %swap3A_782 : vector<1x16xf32> to vector<16xf32>
        %swap3A_784 = vector.shape_cast %broadcast_in_dim3A_779 : vector<16xf32> to vector<1x16xf32>
        tpu.vector_store %arg8[%swap3A_780, %swap3A_781], %swap3A_784 {strides = array<i32>} : memref<80x384xf32, #tpu.memory_space<vmem>>, vector<1x16xf32>,
        %broadcast_in_dim3A_785 = arith.constant 0.000000e+00 : f32
        %broadcast_in_dim3A_786 = vector.broadcast %broadcast_in_dim3A_785 : f32 to vector<16xf32>
        %swap3A_787 = arith.index_cast %while3A_770 : i32 to index
        %swap3A_788 = arith.constant 32 : index
        %swap3A_789 = tpu.vector_load %arg8[%swap3A_787, %swap3A_788] {strides = array<i32>} : memref<80x384xf32, #tpu.memory_space<vmem>>, vector<1x16xf32>,
        %swap3A_790 = vector.shape_cast %swap3A_789 : vector<1x16xf32> to vector<16xf32>
        %swap3A_791 = vector.shape_cast %broadcast_in_dim3A_786 : vector<16xf32> to vector<1x16xf32>
        tpu.vector_store %arg8[%swap3A_787, %swap3A_788], %swap3A_791 {strides = array<i32>} : memref<80x384xf32, #tpu.memory_space<vmem>>, vector<1x16xf32>,
        %broadcast_in_dim3A_792 = arith.constant 0.000000e+00 : f32
        %broadcast_in_dim3A_793 = vector.broadcast %broadcast_in_dim3A_792 : f32 to vector<16xf32>
        %swap3A_794 = arith.index_cast %while3A_770 : i32 to index
        %swap3A_795 = arith.constant 48 : index
        %swap3A_796 = tpu.vector_load %arg8[%swap3A_794, %swap3A_795] {strides = array<i32>} : memref<80x384xf32, #tpu.memory_space<vmem>>, vector<1x16xf32>,
        %swap3A_797 = vector.shape_cast %swap3A_796 : vector<1x16xf32> to vector<16xf32>
        %swap3A_798 = vector.shape_cast %broadcast_in_dim3A_793 : vector<16xf32> to vector<1x16xf32>
        tpu.vector_store %arg8[%swap3A_794, %swap3A_795], %swap3A_798 {strides = array<i32>} : memref<80x384xf32, #tpu.memory_space<vmem>>, vector<1x16xf32>,
        %broadcast_in_dim3A_799 = arith.constant 0.000000e+00 : f32
        %broadcast_in_dim3A_800 = vector.broadcast %broadcast_in_dim3A_799 : f32 to vector<16xf32>
        %swap3A_801 = arith.index_cast %while3A_770 : i32 to index
        %swap3A_802 = arith.constant 64 : index
        %swap3A_803 = tpu.vector_load %arg8[%swap3A_801, %swap3A_802] {strides = array<i32>} : memref<80x384xf32, #tpu.memory_space<vmem>>, vector<1x16xf32>,
        %swap3A_804 = vector.shape_cast %swap3A_803 : vector<1x16xf32> to vector<16xf32>
        %swap3A_805 = vector.shape_cast %broadcast_in_dim3A_800 : vector<16xf32> to vector<1x16xf32>
        tpu.vector_store %arg8[%swap3A_801, %swap3A_802], %swap3A_805 {strides = array<i32>} : memref<80x384xf32, #tpu.memory_space<vmem>>, vector<1x16xf32>,
        %broadcast_in_dim3A_806 = arith.constant 0.000000e+00 : f32
        %broadcast_in_dim3A_807 = vector.broadcast %broadcast_in_dim3A_806 : f32 to vector<16xf32>
        %swap3A_808 = arith.index_cast %while3A_770 : i32 to index
        %swap3A_809 = arith.constant 80 : index
        %swap3A_810 = tpu.vector_load %arg8[%swap3A_808, %swap3A_809] {strides = array<i32>} : memref<80x384xf32, #tpu.memory_space<vmem>>, vector<1x16xf32>,
        %swap3A_811 = vector.shape_cast %swap3A_810 : vector<1x16xf32> to vector<16xf32>
        %swap3A_812 = vector.shape_cast %broadcast_in_dim3A_807 : vector<16xf32> to vector<1x16xf32>
        tpu.vector_store %arg8[%swap3A_808, %swap3A_809], %swap3A_812 {strides = array<i32>} : memref<80x384xf32, #tpu.memory_space<vmem>>, vector<1x16xf32>,
        %broadcast_in_dim3A_813 = arith.constant 0.000000e+00 : f32
        %broadcast_in_dim3A_814 = vector.broadcast %broadcast_in_dim3A_813 : f32 to vector<16xf32>
        %swap3A_815 = arith.index_cast %while3A_770 : i32 to index
        %swap3A_816 = arith.constant 96 : index
        %swap3A_817 = tpu.vector_load %arg8[%swap3A_815, %swap3A_816] {strides = array<i32>} : memref<80x384xf32, #tpu.memory_space<vmem>>, vector<1x16xf32>,
        %swap3A_818 = vector.shape_cast %swap3A_817 : vector<1x16xf32> to vector<16xf32>
        %swap3A_819 = vector.shape_cast %broadcast_in_dim3A_814 : vector<16xf32> to vector<1x16xf32>
        tpu.vector_store %arg8[%swap3A_815, %swap3A_816], %swap3A_819 {strides = array<i32>} : memref<80x384xf32, #tpu.memory_space<vmem>>, vector<1x16xf32>,
        %broadcast_in_dim3A_820 = arith.constant 0.000000e+00 : f32
        %broadcast_in_dim3A_821 = vector.broadcast %broadcast_in_dim3A_820 : f32 to vector<16xf32>
        %swap3A_822 = arith.index_cast %while3A_770 : i32 to index
        %swap3A_823 = arith.constant 112 : index
        %swap3A_824 = tpu.vector_load %arg8[%swap3A_822, %swap3A_823] {strides = array<i32>} : memref<80x384xf32, #tpu.memory_space<vmem>>, vector<1x16xf32>,
        %swap3A_825 = vector.shape_cast %swap3A_824 : vector<1x16xf32> to vector<16xf32>
        %swap3A_826 = vector.shape_cast %broadcast_in_dim3A_821 : vector<16xf32> to vector<1x16xf32>
        tpu.vector_store %arg8[%swap3A_822, %swap3A_823], %swap3A_826 {strides = array<i32>} : memref<80x384xf32, #tpu.memory_space<vmem>>, vector<1x16xf32>,
        %broadcast_in_dim3A_827 = arith.constant 0.000000e+00 : f32
        %broadcast_in_dim3A_828 = vector.broadcast %broadcast_in_dim3A_827 : f32 to vector<16xf32>
        %swap3A_829 = arith.index_cast %while3A_770 : i32 to index
        %swap3A_830 = arith.constant 128 : index
        %swap3A_831 = tpu.vector_load %arg8[%swap3A_829, %swap3A_830] {strides = array<i32>} : memref<80x384xf32, #tpu.memory_space<vmem>>, vector<1x16xf32>,
        %swap3A_832 = vector.shape_cast %swap3A_831 : vector<1x16xf32> to vector<16xf32>
        %swap3A_833 = vector.shape_cast %broadcast_in_dim3A_828 : vector<16xf32> to vector<1x16xf32>
        tpu.vector_store %arg8[%swap3A_829, %swap3A_830], %swap3A_833 {strides = array<i32>} : memref<80x384xf32, #tpu.memory_space<vmem>>, vector<1x16xf32>,
        %broadcast_in_dim3A_834 = arith.constant 0.000000e+00 : f32
        %broadcast_in_dim3A_835 = vector.broadcast %broadcast_in_dim3A_834 : f32 to vector<16xf32>
        %swap3A_836 = arith.index_cast %while3A_770 : i32 to index
        %swap3A_837 = arith.constant 144 : index
        %swap3A_838 = tpu.vector_load %arg8[%swap3A_836, %swap3A_837] {strides = array<i32>} : memref<80x384xf32, #tpu.memory_space<vmem>>, vector<1x16xf32>,
        %swap3A_839 = vector.shape_cast %swap3A_838 : vector<1x16xf32> to vector<16xf32>
        %swap3A_840 = vector.shape_cast %broadcast_in_dim3A_835 : vector<16xf32> to vector<1x16xf32>
        tpu.vector_store %arg8[%swap3A_836, %swap3A_837], %swap3A_840 {strides = array<i32>} : memref<80x384xf32, #tpu.memory_space<vmem>>, vector<1x16xf32>,
        %broadcast_in_dim3A_841 = arith.constant 0.000000e+00 : f32
        %broadcast_in_dim3A_842 = vector.broadcast %broadcast_in_dim3A_841 : f32 to vector<16xf32>
        %swap3A_843 = arith.index_cast %while3A_770 : i32 to index
        %swap3A_844 = arith.constant 160 : index
        %swap3A_845 = tpu.vector_load %arg8[%swap3A_843, %swap3A_844] {strides = array<i32>} : memref<80x384xf32, #tpu.memory_space<vmem>>, vector<1x16xf32>,
        %swap3A_846 = vector.shape_cast %swap3A_845 : vector<1x16xf32> to vector<16xf32>
        %swap3A_847 = vector.shape_cast %broadcast_in_dim3A_842 : vector<16xf32> to vector<1x16xf32>
        tpu.vector_store %arg8[%swap3A_843, %swap3A_844], %swap3A_847 {strides = array<i32>} : memref<80x384xf32, #tpu.memory_space<vmem>>, vector<1x16xf32>,
        %broadcast_in_dim3A_848 = arith.constant 0.000000e+00 : f32
        %broadcast_in_dim3A_849 = vector.broadcast %broadcast_in_dim3A_848 : f32 to vector<16xf32>
        %swap3A_850 = arith.index_cast %while3A_770 : i32 to index
        %swap3A_851 = arith.constant 176 : index
        %swap3A_852 = tpu.vector_load %arg8[%swap3A_850, %swap3A_851] {strides = array<i32>} : memref<80x384xf32, #tpu.memory_space<vmem>>, vector<1x16xf32>,
        %swap3A_853 = vector.shape_cast %swap3A_852 : vector<1x16xf32> to vector<16xf32>
        %swap3A_854 = vector.shape_cast %broadcast_in_dim3A_849 : vector<16xf32> to vector<1x16xf32>
        tpu.vector_store %arg8[%swap3A_850, %swap3A_851], %swap3A_854 {strides = array<i32>} : memref<80x384xf32, #tpu.memory_space<vmem>>, vector<1x16xf32>,
        %broadcast_in_dim3A_855 = arith.constant 0.000000e+00 : f32
        %broadcast_in_dim3A_856 = vector.broadcast %broadcast_in_dim3A_855 : f32 to vector<16xf32>
        %swap3A_857 = arith.index_cast %while3A_770 : i32 to index
        %swap3A_858 = arith.constant 192 : index
        %swap3A_859 = tpu.vector_load %arg8[%swap3A_857, %swap3A_858] {strides = array<i32>} : memref<80x384xf32, #tpu.memory_space<vmem>>, vector<1x16xf32>,
        %swap3A_860 = vector.shape_cast %swap3A_859 : vector<1x16xf32> to vector<16xf32>
        %swap3A_861 = vector.shape_cast %broadcast_in_dim3A_856 : vector<16xf32> to vector<1x16xf32>
        tpu.vector_store %arg8[%swap3A_857, %swap3A_858], %swap3A_861 {strides = array<i32>} : memref<80x384xf32, #tpu.memory_space<vmem>>, vector<1x16xf32>,
        %broadcast_in_dim3A_862 = arith.constant 0.000000e+00 : f32
        %broadcast_in_dim3A_863 = vector.broadcast %broadcast_in_dim3A_862 : f32 to vector<16xf32>
        %swap3A_864 = arith.index_cast %while3A_770 : i32 to index
        %swap3A_865 = arith.constant 208 : index
        %swap3A_866 = tpu.vector_load %arg8[%swap3A_864, %swap3A_865] {strides = array<i32>} : memref<80x384xf32, #tpu.memory_space<vmem>>, vector<1x16xf32>,
        %swap3A_867 = vector.shape_cast %swap3A_866 : vector<1x16xf32> to vector<16xf32>
        %swap3A_868 = vector.shape_cast %broadcast_in_dim3A_863 : vector<16xf32> to vector<1x16xf32>
        tpu.vector_store %arg8[%swap3A_864, %swap3A_865], %swap3A_868 {strides = array<i32>} : memref<80x384xf32, #tpu.memory_space<vmem>>, vector<1x16xf32>,
        %broadcast_in_dim3A_869 = arith.constant 0.000000e+00 : f32
        %broadcast_in_dim3A_870 = vector.broadcast %broadcast_in_dim3A_869 : f32 to vector<16xf32>
        %swap3A_871 = arith.index_cast %while3A_770 : i32 to index
        %swap3A_872 = arith.constant 224 : index
        %swap3A_873 = tpu.vector_load %arg8[%swap3A_871, %swap3A_872] {strides = array<i32>} : memref<80x384xf32, #tpu.memory_space<vmem>>, vector<1x16xf32>,
        %swap3A_874 = vector.shape_cast %swap3A_873 : vector<1x16xf32> to vector<16xf32>
        %swap3A_875 = vector.shape_cast %broadcast_in_dim3A_870 : vector<16xf32> to vector<1x16xf32>
        tpu.vector_store %arg8[%swap3A_871, %swap3A_872], %swap3A_875 {strides = array<i32>} : memref<80x384xf32, #tpu.memory_space<vmem>>, vector<1x16xf32>,
        %broadcast_in_dim3A_876 = arith.constant 0.000000e+00 : f32
        %broadcast_in_dim3A_877 = vector.broadcast %broadcast_in_dim3A_876 : f32 to vector<16xf32>
        %swap3A_878 = arith.index_cast %while3A_770 : i32 to index
        %swap3A_879 = arith.constant 240 : index
        %swap3A_880 = tpu.vector_load %arg8[%swap3A_878, %swap3A_879] {strides = array<i32>} : memref<80x384xf32, #tpu.memory_space<vmem>>, vector<1x16xf32>,
        %swap3A_881 = vector.shape_cast %swap3A_880 : vector<1x16xf32> to vector<16xf32>
        %swap3A_882 = vector.shape_cast %broadcast_in_dim3A_877 : vector<16xf32> to vector<1x16xf32>
        tpu.vector_store %arg8[%swap3A_878, %swap3A_879], %swap3A_882 {strides = array<i32>} : memref<80x384xf32, #tpu.memory_space<vmem>>, vector<1x16xf32>,
        %broadcast_in_dim3A_883 = arith.constant 0.000000e+00 : f32
        %broadcast_in_dim3A_884 = vector.broadcast %broadcast_in_dim3A_883 : f32 to vector<16xf32>
        %swap3A_885 = arith.index_cast %while3A_770 : i32 to index
        %swap3A_886 = arith.constant 256 : index
        %swap3A_887 = tpu.vector_load %arg8[%swap3A_885, %swap3A_886] {strides = array<i32>} : memref<80x384xf32, #tpu.memory_space<vmem>>, vector<1x16xf32>,
        %swap3A_888 = vector.shape_cast %swap3A_887 : vector<1x16xf32> to vector<16xf32>
        %swap3A_889 = vector.shape_cast %broadcast_in_dim3A_884 : vector<16xf32> to vector<1x16xf32>
        tpu.vector_store %arg8[%swap3A_885, %swap3A_886], %swap3A_889 {strides = array<i32>} : memref<80x384xf32, #tpu.memory_space<vmem>>, vector<1x16xf32>,
        %broadcast_in_dim3A_890 = arith.constant 0.000000e+00 : f32
        %broadcast_in_dim3A_891 = vector.broadcast %broadcast_in_dim3A_890 : f32 to vector<16xf32>
        %swap3A_892 = arith.index_cast %while3A_770 : i32 to index
        %swap3A_893 = arith.constant 272 : index
        %swap3A_894 = tpu.vector_load %arg8[%swap3A_892, %swap3A_893] {strides = array<i32>} : memref<80x384xf32, #tpu.memory_space<vmem>>, vector<1x16xf32>,
        %swap3A_895 = vector.shape_cast %swap3A_894 : vector<1x16xf32> to vector<16xf32>
        %swap3A_896 = vector.shape_cast %broadcast_in_dim3A_891 : vector<16xf32> to vector<1x16xf32>
        tpu.vector_store %arg8[%swap3A_892, %swap3A_893], %swap3A_896 {strides = array<i32>} : memref<80x384xf32, #tpu.memory_space<vmem>>, vector<1x16xf32>,
        %broadcast_in_dim3A_897 = arith.constant 0.000000e+00 : f32
        %broadcast_in_dim3A_898 = vector.broadcast %broadcast_in_dim3A_897 : f32 to vector<16xf32>
        %swap3A_899 = arith.index_cast %while3A_770 : i32 to index
        %swap3A_900 = arith.constant 288 : index
        %swap3A_901 = tpu.vector_load %arg8[%swap3A_899, %swap3A_900] {strides = array<i32>} : memref<80x384xf32, #tpu.memory_space<vmem>>, vector<1x16xf32>,
        %swap3A_902 = vector.shape_cast %swap3A_901 : vector<1x16xf32> to vector<16xf32>
        %swap3A_903 = vector.shape_cast %broadcast_in_dim3A_898 : vector<16xf32> to vector<1x16xf32>
        tpu.vector_store %arg8[%swap3A_899, %swap3A_900], %swap3A_903 {strides = array<i32>} : memref<80x384xf32, #tpu.memory_space<vmem>>, vector<1x16xf32>,
        %broadcast_in_dim3A_904 = arith.constant 0.000000e+00 : f32
        %broadcast_in_dim3A_905 = vector.broadcast %broadcast_in_dim3A_904 : f32 to vector<16xf32>
        %swap3A_906 = arith.index_cast %while3A_770 : i32 to index
        %swap3A_907 = arith.constant 304 : index
        %swap3A_908 = tpu.vector_load %arg8[%swap3A_906, %swap3A_907] {strides = array<i32>} : memref<80x384xf32, #tpu.memory_space<vmem>>, vector<1x16xf32>,
        %swap3A_909 = vector.shape_cast %swap3A_908 : vector<1x16xf32> to vector<16xf32>
        %swap3A_910 = vector.shape_cast %broadcast_in_dim3A_905 : vector<16xf32> to vector<1x16xf32>
        tpu.vector_store %arg8[%swap3A_906, %swap3A_907], %swap3A_910 {strides = array<i32>} : memref<80x384xf32, #tpu.memory_space<vmem>>, vector<1x16xf32>,
        %broadcast_in_dim3A_911 = arith.constant 0.000000e+00 : f32
        %broadcast_in_dim3A_912 = vector.broadcast %broadcast_in_dim3A_911 : f32 to vector<16xf32>
        %swap3A_913 = arith.index_cast %while3A_770 : i32 to index
        %swap3A_914 = arith.constant 320 : index
        %swap3A_915 = tpu.vector_load %arg8[%swap3A_913, %swap3A_914] {strides = array<i32>} : memref<80x384xf32, #tpu.memory_space<vmem>>, vector<1x16xf32>,
        %swap3A_916 = vector.shape_cast %swap3A_915 : vector<1x16xf32> to vector<16xf32>
        %swap3A_917 = vector.shape_cast %broadcast_in_dim3A_912 : vector<16xf32> to vector<1x16xf32>
        tpu.vector_store %arg8[%swap3A_913, %swap3A_914], %swap3A_917 {strides = array<i32>} : memref<80x384xf32, #tpu.memory_space<vmem>>, vector<1x16xf32>,
        %broadcast_in_dim3A_918 = arith.constant 0.000000e+00 : f32
        %broadcast_in_dim3A_919 = vector.broadcast %broadcast_in_dim3A_918 : f32 to vector<16xf32>
        %swap3A_920 = arith.index_cast %while3A_770 : i32 to index
        %swap3A_921 = arith.constant 336 : index
        %swap3A_922 = tpu.vector_load %arg8[%swap3A_920, %swap3A_921] {strides = array<i32>} : memref<80x384xf32, #tpu.memory_space<vmem>>, vector<1x16xf32>,
        %swap3A_923 = vector.shape_cast %swap3A_922 : vector<1x16xf32> to vector<16xf32>
        %swap3A_924 = vector.shape_cast %broadcast_in_dim3A_919 : vector<16xf32> to vector<1x16xf32>
        tpu.vector_store %arg8[%swap3A_920, %swap3A_921], %swap3A_924 {strides = array<i32>} : memref<80x384xf32, #tpu.memory_space<vmem>>, vector<1x16xf32>,
        %broadcast_in_dim3A_925 = arith.constant 0.000000e+00 : f32
        %broadcast_in_dim3A_926 = vector.broadcast %broadcast_in_dim3A_925 : f32 to vector<16xf32>
        %swap3A_927 = arith.index_cast %while3A_770 : i32 to index
        %swap3A_928 = arith.constant 352 : index
        %swap3A_929 = tpu.vector_load %arg8[%swap3A_927, %swap3A_928] {strides = array<i32>} : memref<80x384xf32, #tpu.memory_space<vmem>>, vector<1x16xf32>,
        %swap3A_930 = vector.shape_cast %swap3A_929 : vector<1x16xf32> to vector<16xf32>
        %swap3A_931 = vector.shape_cast %broadcast_in_dim3A_926 : vector<16xf32> to vector<1x16xf32>
        tpu.vector_store %arg8[%swap3A_927, %swap3A_928], %swap3A_931 {strides = array<i32>} : memref<80x384xf32, #tpu.memory_space<vmem>>, vector<1x16xf32>,
        %broadcast_in_dim3A_932 = arith.constant 0.000000e+00 : f32
        %broadcast_in_dim3A_933 = vector.broadcast %broadcast_in_dim3A_932 : f32 to vector<16xf32>
        %swap3A_934 = arith.index_cast %while3A_770 : i32 to index
        %swap3A_935 = arith.constant 368 : index
        %swap3A_936 = tpu.vector_load %arg8[%swap3A_934, %swap3A_935] {strides = array<i32>} : memref<80x384xf32, #tpu.memory_space<vmem>>, vector<1x16xf32>,
        %swap3A_937 = vector.shape_cast %swap3A_936 : vector<1x16xf32> to vector<16xf32>
        %swap3A_938 = vector.shape_cast %broadcast_in_dim3A_933 : vector<16xf32> to vector<1x16xf32>
        tpu.vector_store %arg8[%swap3A_934, %swap3A_935], %swap3A_938 {strides = array<i32>} : memref<80x384xf32, #tpu.memory_space<vmem>>, vector<1x16xf32>,
      }
      %while3A_769 = arith.constant 1 : i32
      scf.for %while3A_770 = %while3A_767 to %while3A_763 step %while3A_769  : i32 {
        %broadcast_in_dim3A_771 = arith.constant 0.000000e+00 : f32
        %broadcast_in_dim3A_772 = vector.broadcast %broadcast_in_dim3A_771 : f32 to vector<16xf32>
        %swap3A_773 = arith.index_cast %while3A_770 : i32 to index
        %swap3A_774 = arith.constant 0 : index
        %swap3A_775 = tpu.vector_load %arg8[%swap3A_773, %swap3A_774] {strides = array<i32>} : memref<80x384xf32, #tpu.memory_space<vmem>>, vector<1x16xf32>,
        %swap3A_776 = vector.shape_cast %swap3A_775 : vector<1x16xf32> to vector<16xf32>
        %swap3A_777 = vector.shape_cast %broadcast_in_dim3A_772 : vector<16xf32> to vector<1x16xf32>
        tpu.vector_store %arg8[%swap3A_773, %swap3A_774], %swap3A_777 {strides = array<i32>} : memref<80x384xf32, #tpu.memory_space<vmem>>, vector<1x16xf32>,
        %broadcast_in_dim3A_778 = arith.constant 0.000000e+00 : f32
        %broadcast_in_dim3A_779 = vector.broadcast %broadcast_in_dim3A_778 : f32 to vector<16xf32>
        %swap3A_780 = arith.index_cast %while3A_770 : i32 to index
        %swap3A_781 = arith.constant 16 : index
        %swap3A_782 = tpu.vector_load %arg8[%swap3A_780, %swap3A_781] {strides = array<i32>} : memref<80x384xf32, #tpu.memory_space<vmem>>, vector<1x16xf32>,
        %swap3A_783 = vector.shape_cast %swap3A_782 : vector<1x16xf32> to vector<16xf32>
        %swap3A_784 = vector.shape_cast %broadcast_in_dim3A_779 : vector<16xf32> to vector<1x16xf32>
        tpu.vector_store %arg8[%swap3A_780, %swap3A_781], %swap3A_784 {strides = array<i32>} : memref<80x384xf32, #tpu.memory_space<vmem>>, vector<1x16xf32>,
        %broadcast_in_dim3A_785 = arith.constant 0.000000e+00 : f32
        %broadcast_in_dim3A_786 = vector.broadcast %broadcast_in_dim3A_785 : f32 to vector<16xf32>
        %swap3A_787 = arith.index_cast %while3A_770 : i32 to index
        %swap3A_788 = arith.constant 32 : index
        %swap3A_789 = tpu.vector_load %arg8[%swap3A_787, %swap3A_788] {strides = array<i32>} : memref<80x384xf32, #tpu.memory_space<vmem>>, vector<1x16xf32>,
        %swap3A_790 = vector.shape_cast %swap3A_789 : vector<1x16xf32> to vector<16xf32>
        %swap3A_791 = vector.shape_cast %broadcast_in_dim3A_786 : vector<16xf32> to vector<1x16xf32>
        tpu.vector_store %arg8[%swap3A_787, %swap3A_788], %swap3A_791 {strides = array<i32>} : memref<80x384xf32, #tpu.memory_space<vmem>>, vector<1x16xf32>,
        %broadcast_in_dim3A_792 = arith.constant 0.000000e+00 : f32
        %broadcast_in_dim3A_793 = vector.broadcast %broadcast_in_dim3A_792 : f32 to vector<16xf32>
        %swap3A_794 = arith.index_cast %while3A_770 : i32 to index
        %swap3A_795 = arith.constant 48 : index
        %swap3A_796 = tpu.vector_load %arg8[%swap3A_794, %swap3A_795] {strides = array<i32>} : memref<80x384xf32, #tpu.memory_space<vmem>>, vector<1x16xf32>,
        %swap3A_797 = vector.shape_cast %swap3A_796 : vector<1x16xf32> to vector<16xf32>
        %swap3A_798 = vector.shape_cast %broadcast_in_dim3A_793 : vector<16xf32> to vector<1x16xf32>
        tpu.vector_store %arg8[%swap3A_794, %swap3A_795], %swap3A_798 {strides = array<i32>} : memref<80x384xf32, #tpu.memory_space<vmem>>, vector<1x16xf32>,
        %broadcast_in_dim3A_799 = arith.constant 0.000000e+00 : f32
        %broadcast_in_dim3A_800 = vector.broadcast %broadcast_in_dim3A_799 : f32 to vector<16xf32>
        %swap3A_801 = arith.index_cast %while3A_770 : i32 to index
        %swap3A_802 = arith.constant 64 : index
        %swap3A_803 = tpu.vector_load %arg8[%swap3A_801, %swap3A_802] {strides = array<i32>} : memref<80x384xf32, #tpu.memory_space<vmem>>, vector<1x16xf32>,
        %swap3A_804 = vector.shape_cast %swap3A_803 : vector<1x16xf32> to vector<16xf32>
        %swap3A_805 = vector.shape_cast %broadcast_in_dim3A_800 : vector<16xf32> to vector<1x16xf32>
        tpu.vector_store %arg8[%swap3A_801, %swap3A_802], %swap3A_805 {strides = array<i32>} : memref<80x384xf32, #tpu.memory_space<vmem>>, vector<1x16xf32>,
        %broadcast_in_dim3A_806 = arith.constant 0.000000e+00 : f32
        %broadcast_in_dim3A_807 = vector.broadcast %broadcast_in_dim3A_806 : f32 to vector<16xf32>
        %swap3A_808 = arith.index_cast %while3A_770 : i32 to index
        %swap3A_809 = arith.constant 80 : index
        %swap3A_810 = tpu.vector_load %arg8[%swap3A_808, %swap3A_809] {strides = array<i32>} : memref<80x384xf32, #tpu.memory_space<vmem>>, vector<1x16xf32>,
        %swap3A_811 = vector.shape_cast %swap3A_810 : vector<1x16xf32> to vector<16xf32>
        %swap3A_812 = vector.shape_cast %broadcast_in_dim3A_807 : vector<16xf32> to vector<1x16xf32>
        tpu.vector_store %arg8[%swap3A_808, %swap3A_809], %swap3A_812 {strides = array<i32>} : memref<80x384xf32, #tpu.memory_space<vmem>>, vector<1x16xf32>,
        %broadcast_in_dim3A_813 = arith.constant 0.000000e+00 : f32
        %broadcast_in_dim3A_814 = vector.broadcast %broadcast_in_dim3A_813 : f32 to vector<16xf32>
        %swap3A_815 = arith.index_cast %while3A_770 : i32 to index
        %swap3A_816 = arith.constant 96 : index
        %swap3A_817 = tpu.vector_load %arg8[%swap3A_815, %swap3A_816] {strides = array<i32>} : memref<80x384xf32, #tpu.memory_space<vmem>>, vector<1x16xf32>,
        %swap3A_818 = vector.shape_cast %swap3A_817 : vector<1x16xf32> to vector<16xf32>
        %swap3A_819 = vector.shape_cast %broadcast_in_dim3A_814 : vector<16xf32> to vector<1x16xf32>
        tpu.vector_store %arg8[%swap3A_815, %swap3A_816], %swap3A_819 {strides = array<i32>} : memref<80x384xf32, #tpu.memory_space<vmem>>, vector<1x16xf32>,
        %broadcast_in_dim3A_820 = arith.constant 0.000000e+00 : f32
        %broadcast_in_dim3A_821 = vector.broadcast %broadcast_in_dim3A_820 : f32 to vector<16xf32>
        %swap3A_822 = arith.index_cast %while3A_770 : i32 to index
        %swap3A_823 = arith.constant 112 : index
        %swap3A_824 = tpu.vector_load %arg8[%swap3A_822, %swap3A_823] {strides = array<i32>} : memref<80x384xf32, #tpu.memory_space<vmem>>, vector<1x16xf32>,
        %swap3A_825 = vector.shape_cast %swap3A_824 : vector<1x16xf32> to vector<16xf32>
        %swap3A_826 = vector.shape_cast %broadcast_in_dim3A_821 : vector<16xf32> to vector<1x16xf32>
        tpu.vector_store %arg8[%swap3A_822, %swap3A_823], %swap3A_826 {strides = array<i32>} : memref<80x384xf32, #tpu.memory_space<vmem>>, vector<1x16xf32>,
        %broadcast_in_dim3A_827 = arith.constant 0.000000e+00 : f32
        %broadcast_in_dim3A_828 = vector.broadcast %broadcast_in_dim3A_827 : f32 to vector<16xf32>
        %swap3A_829 = arith.index_cast %while3A_770 : i32 to index
        %swap3A_830 = arith.constant 128 : index
        %swap3A_831 = tpu.vector_load %arg8[%swap3A_829, %swap3A_830] {strides = array<i32>} : memref<80x384xf32, #tpu.memory_space<vmem>>, vector<1x16xf32>,
        %swap3A_832 = vector.shape_cast %swap3A_831 : vector<1x16xf32> to vector<16xf32>
        %swap3A_833 = vector.shape_cast %broadcast_in_dim3A_828 : vector<16xf32> to vector<1x16xf32>
        tpu.vector_store %arg8[%swap3A_829, %swap3A_830], %swap3A_833 {strides = array<i32>} : memref<80x384xf32, #tpu.memory_space<vmem>>, vector<1x16xf32>,
        %broadcast_in_dim3A_834 = arith.constant 0.000000e+00 : f32
        %broadcast_in_dim3A_835 = vector.broadcast %broadcast_in_dim3A_834 : f32 to vector<16xf32>
        %swap3A_836 = arith.index_cast %while3A_770 : i32 to index
        %swap3A_837 = arith.constant 144 : index
        %swap3A_838 = tpu.vector_load %arg8[%swap3A_836, %swap3A_837] {strides = array<i32>} : memref<80x384xf32, #tpu.memory_space<vmem>>, vector<1x16xf32>,
        %swap3A_839 = vector.shape_cast %swap3A_838 : vector<1x16xf32> to vector<16xf32>
        %swap3A_840 = vector.shape_cast %broadcast_in_dim3A_835 : vector<16xf32> to vector<1x16xf32>
        tpu.vector_store %arg8[%swap3A_836, %swap3A_837], %swap3A_840 {strides = array<i32>} : memref<80x384xf32, #tpu.memory_space<vmem>>, vector<1x16xf32>,
        %broadcast_in_dim3A_841 = arith.constant 0.000000e+00 : f32
        %broadcast_in_dim3A_842 = vector.broadcast %broadcast_in_dim3A_841 : f32 to vector<16xf32>
        %swap3A_843 = arith.index_cast %while3A_770 : i32 to index
        %swap3A_844 = arith.constant 160 : index
        %swap3A_845 = tpu.vector_load %arg8[%swap3A_843, %swap3A_844] {strides = array<i32>} : memref<80x384xf32, #tpu.memory_space<vmem>>, vector<1x16xf32>,
        %swap3A_846 = vector.shape_cast %swap3A_845 : vector<1x16xf32> to vector<16xf32>
        %swap3A_847 = vector.shape_cast %broadcast_in_dim3A_842 : vector<16xf32> to vector<1x16xf32>
        tpu.vector_store %arg8[%swap3A_843, %swap3A_844], %swap3A_847 {strides = array<i32>} : memref<80x384xf32, #tpu.memory_space<vmem>>, vector<1x16xf32>,
        %broadcast_in_dim3A_848 = arith.constant 0.000000e+00 : f32
        %broadcast_in_dim3A_849 = vector.broadcast %broadcast_in_dim3A_848 : f32 to vector<16xf32>
        %swap3A_850 = arith.index_cast %while3A_770 : i32 to index
        %swap3A_851 = arith.constant 176 : index
        %swap3A_852 = tpu.vector_load %arg8[%swap3A_850, %swap3A_851] {strides = array<i32>} : memref<80x384xf32, #tpu.memory_space<vmem>>, vector<1x16xf32>,
        %swap3A_853 = vector.shape_cast %swap3A_852 : vector<1x16xf32> to vector<16xf32>
        %swap3A_854 = vector.shape_cast %broadcast_in_dim3A_849 : vector<16xf32> to vector<1x16xf32>
        tpu.vector_store %arg8[%swap3A_850, %swap3A_851], %swap3A_854 {strides = array<i32>} : memref<80x384xf32, #tpu.memory_space<vmem>>, vector<1x16xf32>,
        %broadcast_in_dim3A_855 = arith.constant 0.000000e+00 : f32
        %broadcast_in_dim3A_856 = vector.broadcast %broadcast_in_dim3A_855 : f32 to vector<16xf32>
        %swap3A_857 = arith.index_cast %while3A_770 : i32 to index
        %swap3A_858 = arith.constant 192 : index
        %swap3A_859 = tpu.vector_load %arg8[%swap3A_857, %swap3A_858] {strides = array<i32>} : memref<80x384xf32, #tpu.memory_space<vmem>>, vector<1x16xf32>,
        %swap3A_860 = vector.shape_cast %swap3A_859 : vector<1x16xf32> to vector<16xf32>
        %swap3A_861 = vector.shape_cast %broadcast_in_dim3A_856 : vector<16xf32> to vector<1x16xf32>
        tpu.vector_store %arg8[%swap3A_857, %swap3A_858], %swap3A_861 {strides = array<i32>} : memref<80x384xf32, #tpu.memory_space<vmem>>, vector<1x16xf32>,
        %broadcast_in_dim3A_862 = arith.constant 0.000000e+00 : f32
        %broadcast_in_dim3A_863 = vector.broadcast %broadcast_in_dim3A_862 : f32 to vector<16xf32>
        %swap3A_864 = arith.index_cast %while3A_770 : i32 to index
        %swap3A_865 = arith.constant 208 : index
        %swap3A_866 = tpu.vector_load %arg8[%swap3A_864, %swap3A_865] {strides = array<i32>} : memref<80x384xf32, #tpu.memory_space<vmem>>, vector<1x16xf32>,
        %swap3A_867 = vector.shape_cast %swap3A_866 : vector<1x16xf32> to vector<16xf32>
        %swap3A_868 = vector.shape_cast %broadcast_in_dim3A_863 : vector<16xf32> to vector<1x16xf32>
        tpu.vector_store %arg8[%swap3A_864, %swap3A_865], %swap3A_868 {strides = array<i32>} : memref<80x384xf32, #tpu.memory_space<vmem>>, vector<1x16xf32>,
        %broadcast_in_dim3A_869 = arith.constant 0.000000e+00 : f32
        %broadcast_in_dim3A_870 = vector.broadcast %broadcast_in_dim3A_869 : f32 to vector<16xf32>
        %swap3A_871 = arith.index_cast %while3A_770 : i32 to index
        %swap3A_872 = arith.constant 224 : index
        %swap3A_873 = tpu.vector_load %arg8[%swap3A_871, %swap3A_872] {strides = array<i32>} : memref<80x384xf32, #tpu.memory_space<vmem>>, vector<1x16xf32>,
        %swap3A_874 = vector.shape_cast %swap3A_873 : vector<1x16xf32> to vector<16xf32>
        %swap3A_875 = vector.shape_cast %broadcast_in_dim3A_870 : vector<16xf32> to vector<1x16xf32>
        tpu.vector_store %arg8[%swap3A_871, %swap3A_872], %swap3A_875 {strides = array<i32>} : memref<80x384xf32, #tpu.memory_space<vmem>>, vector<1x16xf32>,
        %broadcast_in_dim3A_876 = arith.constant 0.000000e+00 : f32
        %broadcast_in_dim3A_877 = vector.broadcast %broadcast_in_dim3A_876 : f32 to vector<16xf32>
        %swap3A_878 = arith.index_cast %while3A_770 : i32 to index
        %swap3A_879 = arith.constant 240 : index
        %swap3A_880 = tpu.vector_load %arg8[%swap3A_878, %swap3A_879] {strides = array<i32>} : memref<80x384xf32, #tpu.memory_space<vmem>>, vector<1x16xf32>,
        %swap3A_881 = vector.shape_cast %swap3A_880 : vector<1x16xf32> to vector<16xf32>
        %swap3A_882 = vector.shape_cast %broadcast_in_dim3A_877 : vector<16xf32> to vector<1x16xf32>
        tpu.vector_store %arg8[%swap3A_878, %swap3A_879], %swap3A_882 {strides = array<i32>} : memref<80x384xf32, #tpu.memory_space<vmem>>, vector<1x16xf32>,
        %broadcast_in_dim3A_883 = arith.constant 0.000000e+00 : f32
        %broadcast_in_dim3A_884 = vector.broadcast %broadcast_in_dim3A_883 : f32 to vector<16xf32>
        %swap3A_885 = arith.index_cast %while3A_770 : i32 to index
        %swap3A_886 = arith.constant 256 : index
        %swap3A_887 = tpu.vector_load %arg8[%swap3A_885, %swap3A_886] {strides = array<i32>} : memref<80x384xf32, #tpu.memory_space<vmem>>, vector<1x16xf32>,
        %swap3A_888 = vector.shape_cast %swap3A_887 : vector<1x16xf32> to vector<16xf32>
        %swap3A_889 = vector.shape_cast %broadcast_in_dim3A_884 : vector<16xf32> to vector<1x16xf32>
        tpu.vector_store %arg8[%swap3A_885, %swap3A_886], %swap3A_889 {strides = array<i32>} : memref<80x384xf32, #tpu.memory_space<vmem>>, vector<1x16xf32>,
        %broadcast_in_dim3A_890 = arith.constant 0.000000e+00 : f32
        %broadcast_in_dim3A_891 = vector.broadcast %broadcast_in_dim3A_890 : f32 to vector<16xf32>
        %swap3A_892 = arith.index_cast %while3A_770 : i32 to index
        %swap3A_893 = arith.constant 272 : index
        %swap3A_894 = tpu.vector_load %arg8[%swap3A_892, %swap3A_893] {strides = array<i32>} : memref<80x384xf32, #tpu.memory_space<vmem>>, vector<1x16xf32>,
        %swap3A_895 = vector.shape_cast %swap3A_894 : vector<1x16xf32> to vector<16xf32>
        %swap3A_896 = vector.shape_cast %broadcast_in_dim3A_891 : vector<16xf32> to vector<1x16xf32>
        tpu.vector_store %arg8[%swap3A_892, %swap3A_893], %swap3A_896 {strides = array<i32>} : memref<80x384xf32, #tpu.memory_space<vmem>>, vector<1x16xf32>,
        %broadcast_in_dim3A_897 = arith.constant 0.000000e+00 : f32
        %broadcast_in_dim3A_898 = vector.broadcast %broadcast_in_dim3A_897 : f32 to vector<16xf32>
        %swap3A_899 = arith.index_cast %while3A_770 : i32 to index
        %swap3A_900 = arith.constant 288 : index
        %swap3A_901 = tpu.vector_load %arg8[%swap3A_899, %swap3A_900] {strides = array<i32>} : memref<80x384xf32, #tpu.memory_space<vmem>>, vector<1x16xf32>,
        %swap3A_902 = vector.shape_cast %swap3A_901 : vector<1x16xf32> to vector<16xf32>
        %swap3A_903 = vector.shape_cast %broadcast_in_dim3A_898 : vector<16xf32> to vector<1x16xf32>
        tpu.vector_store %arg8[%swap3A_899, %swap3A_900], %swap3A_903 {strides = array<i32>} : memref<80x384xf32, #tpu.memory_space<vmem>>, vector<1x16xf32>,
        %broadcast_in_dim3A_904 = arith.constant 0.000000e+00 : f32
        %broadcast_in_dim3A_905 = vector.broadcast %broadcast_in_dim3A_904 : f32 to vector<16xf32>
        %swap3A_906 = arith.index_cast %while3A_770 : i32 to index
        %swap3A_907 = arith.constant 304 : index
        %swap3A_908 = tpu.vector_load %arg8[%swap3A_906, %swap3A_907] {strides = array<i32>} : memref<80x384xf32, #tpu.memory_space<vmem>>, vector<1x16xf32>,
        %swap3A_909 = vector.shape_cast %swap3A_908 : vector<1x16xf32> to vector<16xf32>
        %swap3A_910 = vector.shape_cast %broadcast_in_dim3A_905 : vector<16xf32> to vector<1x16xf32>
        tpu.vector_store %arg8[%swap3A_906, %swap3A_907], %swap3A_910 {strides = array<i32>} : memref<80x384xf32, #tpu.memory_space<vmem>>, vector<1x16xf32>,
        %broadcast_in_dim3A_911 = arith.constant 0.000000e+00 : f32
        %broadcast_in_dim3A_912 = vector.broadcast %broadcast_in_dim3A_911 : f32 to vector<16xf32>
        %swap3A_913 = arith.index_cast %while3A_770 : i32 to index
        %swap3A_914 = arith.constant 320 : index
        %swap3A_915 = tpu.vector_load %arg8[%swap3A_913, %swap3A_914] {strides = array<i32>} : memref<80x384xf32, #tpu.memory_space<vmem>>, vector<1x16xf32>,
        %swap3A_916 = vector.shape_cast %swap3A_915 : vector<1x16xf32> to vector<16xf32>
        %swap3A_917 = vector.shape_cast %broadcast_in_dim3A_912 : vector<16xf32> to vector<1x16xf32>
        tpu.vector_store %arg8[%swap3A_913, %swap3A_914], %swap3A_917 {strides = array<i32>} : memref<80x384xf32, #tpu.memory_space<vmem>>, vector<1x16xf32>,
        %broadcast_in_dim3A_918 = arith.constant 0.000000e+00 : f32
        %broadcast_in_dim3A_919 = vector.broadcast %broadcast_in_dim3A_918 : f32 to vector<16xf32>
        %swap3A_920 = arith.index_cast %while3A_770 : i32 to index
        %swap3A_921 = arith.constant 336 : index
        %swap3A_922 = tpu.vector_load %arg8[%swap3A_920, %swap3A_921] {strides = array<i32>} : memref<80x384xf32, #tpu.memory_space<vmem>>, vector<1x16xf32>,
        %swap3A_923 = vector.shape_cast %swap3A_922 : vector<1x16xf32> to vector<16xf32>
        %swap3A_924 = vector.shape_cast %broadcast_in_dim3A_919 : vector<16xf32> to vector<1x16xf32>
        tpu.vector_store %arg8[%swap3A_920, %swap3A_921], %swap3A_924 {strides = array<i32>} : memref<80x384xf32, #tpu.memory_space<vmem>>, vector<1x16xf32>,
        %broadcast_in_dim3A_925 = arith.constant 0.000000e+00 : f32
        %broadcast_in_dim3A_926 = vector.broadcast %broadcast_in_dim3A_925 : f32 to vector<16xf32>
        %swap3A_927 = arith.index_cast %while3A_770 : i32 to index
        %swap3A_928 = arith.constant 352 : index
        %swap3A_929 = tpu.vector_load %arg8[%swap3A_927, %swap3A_928] {strides = array<i32>} : memref<80x384xf32, #tpu.memory_space<vmem>>, vector<1x16xf32>,
        %swap3A_930 = vector.shape_cast %swap3A_929 : vector<1x16xf32> to vector<16xf32>
        %swap3A_931 = vector.shape_cast %broadcast_in_dim3A_926 : vector<16xf32> to vector<1x16xf32>
        tpu.vector_store %arg8[%swap3A_927, %swap3A_928], %swap3A_931 {strides = array<i32>} : memref<80x384xf32, #tpu.memory_space<vmem>>, vector<1x16xf32>,
        %broadcast_in_dim3A_932 = arith.constant 0.000000e+00 : f32
        %broadcast_in_dim3A_933 = vector.broadcast %broadcast_in_dim3A_932 : f32 to vector<16xf32>
        %swap3A_934 = arith.index_cast %while3A_770 : i32 to index
        %swap3A_935 = arith.constant 368 : index
        %swap3A_936 = tpu.vector_load %arg8[%swap3A_934, %swap3A_935] {strides = array<i32>} : memref<80x384xf32, #tpu.memory_space<vmem>>, vector<1x16xf32>,
        %swap3A_937 = vector.shape_cast %swap3A_936 : vector<1x16xf32> to vector<16xf32>
        %swap3A_938 = vector.shape_cast %broadcast_in_dim3A_933 : vector<16xf32> to vector<1x16xf32>
        tpu.vector_store %arg8[%swap3A_934, %swap3A_935], %swap3A_938 {strides = array<i32>} : memref<80x384xf32, #tpu.memory_space<vmem>>, vector<1x16xf32>,
      }
    } else {
    }
    %add3A_681 = arith.constant 80 : i32
    %add3A_682 = arith.addi %mul3A_2, %add3A_681 : i32
    %dma_start3A_683 = arith.constant 0 : i32
    %dma_start3A_684 = tpu.memref_slice %arg4[%add3A_682, %dma_start3A_683] : memref<12800x384xf32, #tpu.memory_space<hbm>> -> memref<80x384xf32, #tpu.memory_space<hbm>>
    %dma_start3A_685 = arith.constant 0 : i32
    %dma_start3A_686 = tpu.memref_slice %arg4[%add3A_682, %dma_start3A_685] : memref<12800x384xf32, #tpu.memory_space<hbm>> -> memref<80x384xf32, #tpu.memory_space<hbm>>
    tpu.enqueue_dma source(%arg8 : memref<80x384xf32, #tpu.memory_space<vmem>>) target(%dma_start3A_686 : memref<80x384xf32, #tpu.memory_space<hbm>>) target_semaphore(%arg12 : memref<!tpu.dma_semaphore, #tpu.memory_space<semaphore_mem>>)
    %dma_wait3A_687 = arith.constant 0 : i32
    %dma_wait3A_688 = tpu.memref_slice %arg4[%add3A_682, %dma_wait3A_687] : memref<12800x384xf32, #tpu.memory_space<hbm>> -> memref<80x384xf32, #tpu.memory_space<hbm>>
    %dma_wait3A_689 = arith.constant 0 : i32
    %dma_wait3A_690 = tpu.memref_slice %arg4[%add3A_682, %dma_wait3A_689] : memref<12800x384xf32, #tpu.memory_space<hbm>> -> memref<80x384xf32, #tpu.memory_space<hbm>>
    tpu.wait_dma2 semaphore(%arg12 : memref<!tpu.dma_semaphore, #tpu.memory_space<semaphore_mem>>) src(%arg8 : memref<80x384xf32, #tpu.memory_space<vmem>>) dst(%dma_wait3A_690 : memref<80x384xf32, #tpu.memory_space<hbm>>)
    %dma_start3A_691 = arith.constant 240 : i32
    %dma_start3A_692 = tpu.memref_slice %arg6[%dma_start3A_691] : memref<400xi32, #tpu.memory_space<vmem>> -> memref<80xi32, #tpu.memory_space<vmem>>
    %dma_start3A_693 = arith.constant 0 : i32
    %dma_start3A_694 = arith.constant 0 : i32
    %dma_start3A_695 = tpu.memref_slice %arg2[%dma_start3A_693, %dma_start3A_694] : memref<4096x384xf32, #tpu.memory_space<hbm>> -> memref<4096x384xf32, #tpu.memory_space<hbm>>
    tpu.enqueue_indirect_dma source(%dma_start3A_695 : memref<4096x384xf32, #tpu.memory_space<hbm>>) target(%arg8 : memref<80x384xf32, #tpu.memory_space<vmem>>) offsets(%dma_start3A_692 : memref<80xi32, #tpu.memory_space<vmem>>) semaphore(%arg10 : memref<!tpu.dma_semaphore, #tpu.memory_space<semaphore_mem>>)
    %dma_wait3A_696 = arith.constant 160 : i32
    %dma_wait3A_697 = tpu.memref_slice %arg6[%dma_wait3A_696] : memref<400xi32, #tpu.memory_space<vmem>> -> memref<80xi32, #tpu.memory_space<vmem>>
    %dma_wait3A_698 = arith.constant 0 : i32
    %dma_wait3A_699 = arith.constant 0 : i32
    %dma_wait3A_700 = tpu.memref_slice %arg2[%dma_wait3A_698, %dma_wait3A_699] : memref<4096x384xf32, #tpu.memory_space<hbm>> -> memref<4096x384xf32, #tpu.memory_space<hbm>>
    tpu.wait_indirect_dma semaphore(%arg9 : memref<!tpu.dma_semaphore, #tpu.memory_space<semaphore_mem>>) src(%dma_wait3A_700 : memref<4096x384xf32, #tpu.memory_space<hbm>>) dst(%arg7 : memref<80x384xf32, #tpu.memory_space<vmem>>)
    %lt3A_701 = arith.constant 80 : i32
    %lt3A_702 = arith.cmpi slt, %min3A_627, %lt3A_701 : i32
    %convert_element_type3A_703 = arith.extui %lt3A_702 : i1 to i32
    %cond3A_704 = arith.constant 0 : i32
    %cond3A_705 = arith.cmpi ne, %convert_element_type3A_703, %cond3A_704 : i32
    scf.if %cond3A_705 {
      %while3A = arith.constant 0 : i32
      %while3A_761 = arith.constant 80 : i32
      %while3A_762 = arith.subi %while3A_761, %min3A_627 : i32
      %while3A_763 = arith.addi %min3A_627, %while3A_762 : i32
      %while3A_764 = arith.constant 1 : i32
      %while3A_765 = arith.divsi %while3A_762, %while3A_764 : i32
      %while3A_766 = arith.muli %while3A_765, %while3A_764 : i32
      %while3A_767 = arith.addi %min3A_627, %while3A_766 : i32
      %while3A_768 = arith.constant 1 : i32
      scf.for %while3A_770 = %min3A_627 to %while3A_767 step %while3A_768  : i32 {
        %broadcast_in_dim3A_771 = arith.constant 0.000000e+00 : f32
        %broadcast_in_dim3A_772 = vector.broadcast %broadcast_in_dim3A_771 : f32 to vector<16xf32>
        %swap3A_773 = arith.index_cast %while3A_770 : i32 to index
        %swap3A_774 = arith.constant 0 : index
        %swap3A_775 = tpu.vector_load %arg7[%swap3A_773, %swap3A_774] {strides = array<i32>} : memref<80x384xf32, #tpu.memory_space<vmem>>, vector<1x16xf32>,
        %swap3A_776 = vector.shape_cast %swap3A_775 : vector<1x16xf32> to vector<16xf32>
        %swap3A_777 = vector.shape_cast %broadcast_in_dim3A_772 : vector<16xf32> to vector<1x16xf32>
        tpu.vector_store %arg7[%swap3A_773, %swap3A_774], %swap3A_777 {strides = array<i32>} : memref<80x384xf32, #tpu.memory_space<vmem>>, vector<1x16xf32>,
        %broadcast_in_dim3A_778 = arith.constant 0.000000e+00 : f32
        %broadcast_in_dim3A_779 = vector.broadcast %broadcast_in_dim3A_778 : f32 to vector<16xf32>
        %swap3A_780 = arith.index_cast %while3A_770 : i32 to index
        %swap3A_781 = arith.constant 16 : index
        %swap3A_782 = tpu.vector_load %arg7[%swap3A_780, %swap3A_781] {strides = array<i32>} : memref<80x384xf32, #tpu.memory_space<vmem>>, vector<1x16xf32>,
        %swap3A_783 = vector.shape_cast %swap3A_782 : vector<1x16xf32> to vector<16xf32>
        %swap3A_784 = vector.shape_cast %broadcast_in_dim3A_779 : vector<16xf32> to vector<1x16xf32>
        tpu.vector_store %arg7[%swap3A_780, %swap3A_781], %swap3A_784 {strides = array<i32>} : memref<80x384xf32, #tpu.memory_space<vmem>>, vector<1x16xf32>,
        %broadcast_in_dim3A_785 = arith.constant 0.000000e+00 : f32
        %broadcast_in_dim3A_786 = vector.broadcast %broadcast_in_dim3A_785 : f32 to vector<16xf32>
        %swap3A_787 = arith.index_cast %while3A_770 : i32 to index
        %swap3A_788 = arith.constant 32 : index
        %swap3A_789 = tpu.vector_load %arg7[%swap3A_787, %swap3A_788] {strides = array<i32>} : memref<80x384xf32, #tpu.memory_space<vmem>>, vector<1x16xf32>,
        %swap3A_790 = vector.shape_cast %swap3A_789 : vector<1x16xf32> to vector<16xf32>
        %swap3A_791 = vector.shape_cast %broadcast_in_dim3A_786 : vector<16xf32> to vector<1x16xf32>
        tpu.vector_store %arg7[%swap3A_787, %swap3A_788], %swap3A_791 {strides = array<i32>} : memref<80x384xf32, #tpu.memory_space<vmem>>, vector<1x16xf32>,
        %broadcast_in_dim3A_792 = arith.constant 0.000000e+00 : f32
        %broadcast_in_dim3A_793 = vector.broadcast %broadcast_in_dim3A_792 : f32 to vector<16xf32>
        %swap3A_794 = arith.index_cast %while3A_770 : i32 to index
        %swap3A_795 = arith.constant 48 : index
        %swap3A_796 = tpu.vector_load %arg7[%swap3A_794, %swap3A_795] {strides = array<i32>} : memref<80x384xf32, #tpu.memory_space<vmem>>, vector<1x16xf32>,
        %swap3A_797 = vector.shape_cast %swap3A_796 : vector<1x16xf32> to vector<16xf32>
        %swap3A_798 = vector.shape_cast %broadcast_in_dim3A_793 : vector<16xf32> to vector<1x16xf32>
        tpu.vector_store %arg7[%swap3A_794, %swap3A_795], %swap3A_798 {strides = array<i32>} : memref<80x384xf32, #tpu.memory_space<vmem>>, vector<1x16xf32>,
        %broadcast_in_dim3A_799 = arith.constant 0.000000e+00 : f32
        %broadcast_in_dim3A_800 = vector.broadcast %broadcast_in_dim3A_799 : f32 to vector<16xf32>
        %swap3A_801 = arith.index_cast %while3A_770 : i32 to index
        %swap3A_802 = arith.constant 64 : index
        %swap3A_803 = tpu.vector_load %arg7[%swap3A_801, %swap3A_802] {strides = array<i32>} : memref<80x384xf32, #tpu.memory_space<vmem>>, vector<1x16xf32>,
        %swap3A_804 = vector.shape_cast %swap3A_803 : vector<1x16xf32> to vector<16xf32>
        %swap3A_805 = vector.shape_cast %broadcast_in_dim3A_800 : vector<16xf32> to vector<1x16xf32>
        tpu.vector_store %arg7[%swap3A_801, %swap3A_802], %swap3A_805 {strides = array<i32>} : memref<80x384xf32, #tpu.memory_space<vmem>>, vector<1x16xf32>,
        %broadcast_in_dim3A_806 = arith.constant 0.000000e+00 : f32
        %broadcast_in_dim3A_807 = vector.broadcast %broadcast_in_dim3A_806 : f32 to vector<16xf32>
        %swap3A_808 = arith.index_cast %while3A_770 : i32 to index
        %swap3A_809 = arith.constant 80 : index
        %swap3A_810 = tpu.vector_load %arg7[%swap3A_808, %swap3A_809] {strides = array<i32>} : memref<80x384xf32, #tpu.memory_space<vmem>>, vector<1x16xf32>,
        %swap3A_811 = vector.shape_cast %swap3A_810 : vector<1x16xf32> to vector<16xf32>
        %swap3A_812 = vector.shape_cast %broadcast_in_dim3A_807 : vector<16xf32> to vector<1x16xf32>
        tpu.vector_store %arg7[%swap3A_808, %swap3A_809], %swap3A_812 {strides = array<i32>} : memref<80x384xf32, #tpu.memory_space<vmem>>, vector<1x16xf32>,
        %broadcast_in_dim3A_813 = arith.constant 0.000000e+00 : f32
        %broadcast_in_dim3A_814 = vector.broadcast %broadcast_in_dim3A_813 : f32 to vector<16xf32>
        %swap3A_815 = arith.index_cast %while3A_770 : i32 to index
        %swap3A_816 = arith.constant 96 : index
        %swap3A_817 = tpu.vector_load %arg7[%swap3A_815, %swap3A_816] {strides = array<i32>} : memref<80x384xf32, #tpu.memory_space<vmem>>, vector<1x16xf32>,
        %swap3A_818 = vector.shape_cast %swap3A_817 : vector<1x16xf32> to vector<16xf32>
        %swap3A_819 = vector.shape_cast %broadcast_in_dim3A_814 : vector<16xf32> to vector<1x16xf32>
        tpu.vector_store %arg7[%swap3A_815, %swap3A_816], %swap3A_819 {strides = array<i32>} : memref<80x384xf32, #tpu.memory_space<vmem>>, vector<1x16xf32>,
        %broadcast_in_dim3A_820 = arith.constant 0.000000e+00 : f32
        %broadcast_in_dim3A_821 = vector.broadcast %broadcast_in_dim3A_820 : f32 to vector<16xf32>
        %swap3A_822 = arith.index_cast %while3A_770 : i32 to index
        %swap3A_823 = arith.constant 112 : index
        %swap3A_824 = tpu.vector_load %arg7[%swap3A_822, %swap3A_823] {strides = array<i32>} : memref<80x384xf32, #tpu.memory_space<vmem>>, vector<1x16xf32>,
        %swap3A_825 = vector.shape_cast %swap3A_824 : vector<1x16xf32> to vector<16xf32>
        %swap3A_826 = vector.shape_cast %broadcast_in_dim3A_821 : vector<16xf32> to vector<1x16xf32>
        tpu.vector_store %arg7[%swap3A_822, %swap3A_823], %swap3A_826 {strides = array<i32>} : memref<80x384xf32, #tpu.memory_space<vmem>>, vector<1x16xf32>,
        %broadcast_in_dim3A_827 = arith.constant 0.000000e+00 : f32
        %broadcast_in_dim3A_828 = vector.broadcast %broadcast_in_dim3A_827 : f32 to vector<16xf32>
        %swap3A_829 = arith.index_cast %while3A_770 : i32 to index
        %swap3A_830 = arith.constant 128 : index
        %swap3A_831 = tpu.vector_load %arg7[%swap3A_829, %swap3A_830] {strides = array<i32>} : memref<80x384xf32, #tpu.memory_space<vmem>>, vector<1x16xf32>,
        %swap3A_832 = vector.shape_cast %swap3A_831 : vector<1x16xf32> to vector<16xf32>
        %swap3A_833 = vector.shape_cast %broadcast_in_dim3A_828 : vector<16xf32> to vector<1x16xf32>
        tpu.vector_store %arg7[%swap3A_829, %swap3A_830], %swap3A_833 {strides = array<i32>} : memref<80x384xf32, #tpu.memory_space<vmem>>, vector<1x16xf32>,
        %broadcast_in_dim3A_834 = arith.constant 0.000000e+00 : f32
        %broadcast_in_dim3A_835 = vector.broadcast %broadcast_in_dim3A_834 : f32 to vector<16xf32>
        %swap3A_836 = arith.index_cast %while3A_770 : i32 to index
        %swap3A_837 = arith.constant 144 : index
        %swap3A_838 = tpu.vector_load %arg7[%swap3A_836, %swap3A_837] {strides = array<i32>} : memref<80x384xf32, #tpu.memory_space<vmem>>, vector<1x16xf32>,
        %swap3A_839 = vector.shape_cast %swap3A_838 : vector<1x16xf32> to vector<16xf32>
        %swap3A_840 = vector.shape_cast %broadcast_in_dim3A_835 : vector<16xf32> to vector<1x16xf32>
        tpu.vector_store %arg7[%swap3A_836, %swap3A_837], %swap3A_840 {strides = array<i32>} : memref<80x384xf32, #tpu.memory_space<vmem>>, vector<1x16xf32>,
        %broadcast_in_dim3A_841 = arith.constant 0.000000e+00 : f32
        %broadcast_in_dim3A_842 = vector.broadcast %broadcast_in_dim3A_841 : f32 to vector<16xf32>
        %swap3A_843 = arith.index_cast %while3A_770 : i32 to index
        %swap3A_844 = arith.constant 160 : index
        %swap3A_845 = tpu.vector_load %arg7[%swap3A_843, %swap3A_844] {strides = array<i32>} : memref<80x384xf32, #tpu.memory_space<vmem>>, vector<1x16xf32>,
        %swap3A_846 = vector.shape_cast %swap3A_845 : vector<1x16xf32> to vector<16xf32>
        %swap3A_847 = vector.shape_cast %broadcast_in_dim3A_842 : vector<16xf32> to vector<1x16xf32>
        tpu.vector_store %arg7[%swap3A_843, %swap3A_844], %swap3A_847 {strides = array<i32>} : memref<80x384xf32, #tpu.memory_space<vmem>>, vector<1x16xf32>,
        %broadcast_in_dim3A_848 = arith.constant 0.000000e+00 : f32
        %broadcast_in_dim3A_849 = vector.broadcast %broadcast_in_dim3A_848 : f32 to vector<16xf32>
        %swap3A_850 = arith.index_cast %while3A_770 : i32 to index
        %swap3A_851 = arith.constant 176 : index
        %swap3A_852 = tpu.vector_load %arg7[%swap3A_850, %swap3A_851] {strides = array<i32>} : memref<80x384xf32, #tpu.memory_space<vmem>>, vector<1x16xf32>,
        %swap3A_853 = vector.shape_cast %swap3A_852 : vector<1x16xf32> to vector<16xf32>
        %swap3A_854 = vector.shape_cast %broadcast_in_dim3A_849 : vector<16xf32> to vector<1x16xf32>
        tpu.vector_store %arg7[%swap3A_850, %swap3A_851], %swap3A_854 {strides = array<i32>} : memref<80x384xf32, #tpu.memory_space<vmem>>, vector<1x16xf32>,
        %broadcast_in_dim3A_855 = arith.constant 0.000000e+00 : f32
        %broadcast_in_dim3A_856 = vector.broadcast %broadcast_in_dim3A_855 : f32 to vector<16xf32>
        %swap3A_857 = arith.index_cast %while3A_770 : i32 to index
        %swap3A_858 = arith.constant 192 : index
        %swap3A_859 = tpu.vector_load %arg7[%swap3A_857, %swap3A_858] {strides = array<i32>} : memref<80x384xf32, #tpu.memory_space<vmem>>, vector<1x16xf32>,
        %swap3A_860 = vector.shape_cast %swap3A_859 : vector<1x16xf32> to vector<16xf32>
        %swap3A_861 = vector.shape_cast %broadcast_in_dim3A_856 : vector<16xf32> to vector<1x16xf32>
        tpu.vector_store %arg7[%swap3A_857, %swap3A_858], %swap3A_861 {strides = array<i32>} : memref<80x384xf32, #tpu.memory_space<vmem>>, vector<1x16xf32>,
        %broadcast_in_dim3A_862 = arith.constant 0.000000e+00 : f32
        %broadcast_in_dim3A_863 = vector.broadcast %broadcast_in_dim3A_862 : f32 to vector<16xf32>
        %swap3A_864 = arith.index_cast %while3A_770 : i32 to index
        %swap3A_865 = arith.constant 208 : index
        %swap3A_866 = tpu.vector_load %arg7[%swap3A_864, %swap3A_865] {strides = array<i32>} : memref<80x384xf32, #tpu.memory_space<vmem>>, vector<1x16xf32>,
        %swap3A_867 = vector.shape_cast %swap3A_866 : vector<1x16xf32> to vector<16xf32>
        %swap3A_868 = vector.shape_cast %broadcast_in_dim3A_863 : vector<16xf32> to vector<1x16xf32>
        tpu.vector_store %arg7[%swap3A_864, %swap3A_865], %swap3A_868 {strides = array<i32>} : memref<80x384xf32, #tpu.memory_space<vmem>>, vector<1x16xf32>,
        %broadcast_in_dim3A_869 = arith.constant 0.000000e+00 : f32
        %broadcast_in_dim3A_870 = vector.broadcast %broadcast_in_dim3A_869 : f32 to vector<16xf32>
        %swap3A_871 = arith.index_cast %while3A_770 : i32 to index
        %swap3A_872 = arith.constant 224 : index
        %swap3A_873 = tpu.vector_load %arg7[%swap3A_871, %swap3A_872] {strides = array<i32>} : memref<80x384xf32, #tpu.memory_space<vmem>>, vector<1x16xf32>,
        %swap3A_874 = vector.shape_cast %swap3A_873 : vector<1x16xf32> to vector<16xf32>
        %swap3A_875 = vector.shape_cast %broadcast_in_dim3A_870 : vector<16xf32> to vector<1x16xf32>
        tpu.vector_store %arg7[%swap3A_871, %swap3A_872], %swap3A_875 {strides = array<i32>} : memref<80x384xf32, #tpu.memory_space<vmem>>, vector<1x16xf32>,
        %broadcast_in_dim3A_876 = arith.constant 0.000000e+00 : f32
        %broadcast_in_dim3A_877 = vector.broadcast %broadcast_in_dim3A_876 : f32 to vector<16xf32>
        %swap3A_878 = arith.index_cast %while3A_770 : i32 to index
        %swap3A_879 = arith.constant 240 : index
        %swap3A_880 = tpu.vector_load %arg7[%swap3A_878, %swap3A_879] {strides = array<i32>} : memref<80x384xf32, #tpu.memory_space<vmem>>, vector<1x16xf32>,
        %swap3A_881 = vector.shape_cast %swap3A_880 : vector<1x16xf32> to vector<16xf32>
        %swap3A_882 = vector.shape_cast %broadcast_in_dim3A_877 : vector<16xf32> to vector<1x16xf32>
        tpu.vector_store %arg7[%swap3A_878, %swap3A_879], %swap3A_882 {strides = array<i32>} : memref<80x384xf32, #tpu.memory_space<vmem>>, vector<1x16xf32>,
        %broadcast_in_dim3A_883 = arith.constant 0.000000e+00 : f32
        %broadcast_in_dim3A_884 = vector.broadcast %broadcast_in_dim3A_883 : f32 to vector<16xf32>
        %swap3A_885 = arith.index_cast %while3A_770 : i32 to index
        %swap3A_886 = arith.constant 256 : index
        %swap3A_887 = tpu.vector_load %arg7[%swap3A_885, %swap3A_886] {strides = array<i32>} : memref<80x384xf32, #tpu.memory_space<vmem>>, vector<1x16xf32>,
        %swap3A_888 = vector.shape_cast %swap3A_887 : vector<1x16xf32> to vector<16xf32>
        %swap3A_889 = vector.shape_cast %broadcast_in_dim3A_884 : vector<16xf32> to vector<1x16xf32>
        tpu.vector_store %arg7[%swap3A_885, %swap3A_886], %swap3A_889 {strides = array<i32>} : memref<80x384xf32, #tpu.memory_space<vmem>>, vector<1x16xf32>,
        %broadcast_in_dim3A_890 = arith.constant 0.000000e+00 : f32
        %broadcast_in_dim3A_891 = vector.broadcast %broadcast_in_dim3A_890 : f32 to vector<16xf32>
        %swap3A_892 = arith.index_cast %while3A_770 : i32 to index
        %swap3A_893 = arith.constant 272 : index
        %swap3A_894 = tpu.vector_load %arg7[%swap3A_892, %swap3A_893] {strides = array<i32>} : memref<80x384xf32, #tpu.memory_space<vmem>>, vector<1x16xf32>,
        %swap3A_895 = vector.shape_cast %swap3A_894 : vector<1x16xf32> to vector<16xf32>
        %swap3A_896 = vector.shape_cast %broadcast_in_dim3A_891 : vector<16xf32> to vector<1x16xf32>
        tpu.vector_store %arg7[%swap3A_892, %swap3A_893], %swap3A_896 {strides = array<i32>} : memref<80x384xf32, #tpu.memory_space<vmem>>, vector<1x16xf32>,
        %broadcast_in_dim3A_897 = arith.constant 0.000000e+00 : f32
        %broadcast_in_dim3A_898 = vector.broadcast %broadcast_in_dim3A_897 : f32 to vector<16xf32>
        %swap3A_899 = arith.index_cast %while3A_770 : i32 to index
        %swap3A_900 = arith.constant 288 : index
        %swap3A_901 = tpu.vector_load %arg7[%swap3A_899, %swap3A_900] {strides = array<i32>} : memref<80x384xf32, #tpu.memory_space<vmem>>, vector<1x16xf32>,
        %swap3A_902 = vector.shape_cast %swap3A_901 : vector<1x16xf32> to vector<16xf32>
        %swap3A_903 = vector.shape_cast %broadcast_in_dim3A_898 : vector<16xf32> to vector<1x16xf32>
        tpu.vector_store %arg7[%swap3A_899, %swap3A_900], %swap3A_903 {strides = array<i32>} : memref<80x384xf32, #tpu.memory_space<vmem>>, vector<1x16xf32>,
        %broadcast_in_dim3A_904 = arith.constant 0.000000e+00 : f32
        %broadcast_in_dim3A_905 = vector.broadcast %broadcast_in_dim3A_904 : f32 to vector<16xf32>
        %swap3A_906 = arith.index_cast %while3A_770 : i32 to index
        %swap3A_907 = arith.constant 304 : index
        %swap3A_908 = tpu.vector_load %arg7[%swap3A_906, %swap3A_907] {strides = array<i32>} : memref<80x384xf32, #tpu.memory_space<vmem>>, vector<1x16xf32>,
        %swap3A_909 = vector.shape_cast %swap3A_908 : vector<1x16xf32> to vector<16xf32>
        %swap3A_910 = vector.shape_cast %broadcast_in_dim3A_905 : vector<16xf32> to vector<1x16xf32>
        tpu.vector_store %arg7[%swap3A_906, %swap3A_907], %swap3A_910 {strides = array<i32>} : memref<80x384xf32, #tpu.memory_space<vmem>>, vector<1x16xf32>,
        %broadcast_in_dim3A_911 = arith.constant 0.000000e+00 : f32
        %broadcast_in_dim3A_912 = vector.broadcast %broadcast_in_dim3A_911 : f32 to vector<16xf32>
        %swap3A_913 = arith.index_cast %while3A_770 : i32 to index
        %swap3A_914 = arith.constant 320 : index
        %swap3A_915 = tpu.vector_load %arg7[%swap3A_913, %swap3A_914] {strides = array<i32>} : memref<80x384xf32, #tpu.memory_space<vmem>>, vector<1x16xf32>,
        %swap3A_916 = vector.shape_cast %swap3A_915 : vector<1x16xf32> to vector<16xf32>
        %swap3A_917 = vector.shape_cast %broadcast_in_dim3A_912 : vector<16xf32> to vector<1x16xf32>
        tpu.vector_store %arg7[%swap3A_913, %swap3A_914], %swap3A_917 {strides = array<i32>} : memref<80x384xf32, #tpu.memory_space<vmem>>, vector<1x16xf32>,
        %broadcast_in_dim3A_918 = arith.constant 0.000000e+00 : f32
        %broadcast_in_dim3A_919 = vector.broadcast %broadcast_in_dim3A_918 : f32 to vector<16xf32>
        %swap3A_920 = arith.index_cast %while3A_770 : i32 to index
        %swap3A_921 = arith.constant 336 : index
        %swap3A_922 = tpu.vector_load %arg7[%swap3A_920, %swap3A_921] {strides = array<i32>} : memref<80x384xf32, #tpu.memory_space<vmem>>, vector<1x16xf32>,
        %swap3A_923 = vector.shape_cast %swap3A_922 : vector<1x16xf32> to vector<16xf32>
        %swap3A_924 = vector.shape_cast %broadcast_in_dim3A_919 : vector<16xf32> to vector<1x16xf32>
        tpu.vector_store %arg7[%swap3A_920, %swap3A_921], %swap3A_924 {strides = array<i32>} : memref<80x384xf32, #tpu.memory_space<vmem>>, vector<1x16xf32>,
        %broadcast_in_dim3A_925 = arith.constant 0.000000e+00 : f32
        %broadcast_in_dim3A_926 = vector.broadcast %broadcast_in_dim3A_925 : f32 to vector<16xf32>
        %swap3A_927 = arith.index_cast %while3A_770 : i32 to index
        %swap3A_928 = arith.constant 352 : index
        %swap3A_929 = tpu.vector_load %arg7[%swap3A_927, %swap3A_928] {strides = array<i32>} : memref<80x384xf32, #tpu.memory_space<vmem>>, vector<1x16xf32>,
        %swap3A_930 = vector.shape_cast %swap3A_929 : vector<1x16xf32> to vector<16xf32>
        %swap3A_931 = vector.shape_cast %broadcast_in_dim3A_926 : vector<16xf32> to vector<1x16xf32>
        tpu.vector_store %arg7[%swap3A_927, %swap3A_928], %swap3A_931 {strides = array<i32>} : memref<80x384xf32, #tpu.memory_space<vmem>>, vector<1x16xf32>,
        %broadcast_in_dim3A_932 = arith.constant 0.000000e+00 : f32
        %broadcast_in_dim3A_933 = vector.broadcast %broadcast_in_dim3A_932 : f32 to vector<16xf32>
        %swap3A_934 = arith.index_cast %while3A_770 : i32 to index
        %swap3A_935 = arith.constant 368 : index
        %swap3A_936 = tpu.vector_load %arg7[%swap3A_934, %swap3A_935] {strides = array<i32>} : memref<80x384xf32, #tpu.memory_space<vmem>>, vector<1x16xf32>,
        %swap3A_937 = vector.shape_cast %swap3A_936 : vector<1x16xf32> to vector<16xf32>
        %swap3A_938 = vector.shape_cast %broadcast_in_dim3A_933 : vector<16xf32> to vector<1x16xf32>
        tpu.vector_store %arg7[%swap3A_934, %swap3A_935], %swap3A_938 {strides = array<i32>} : memref<80x384xf32, #tpu.memory_space<vmem>>, vector<1x16xf32>,
      }
      %while3A_769 = arith.constant 1 : i32
      scf.for %while3A_770 = %while3A_767 to %while3A_763 step %while3A_769  : i32 {
        %broadcast_in_dim3A_771 = arith.constant 0.000000e+00 : f32
        %broadcast_in_dim3A_772 = vector.broadcast %broadcast_in_dim3A_771 : f32 to vector<16xf32>
        %swap3A_773 = arith.index_cast %while3A_770 : i32 to index
        %swap3A_774 = arith.constant 0 : index
        %swap3A_775 = tpu.vector_load %arg7[%swap3A_773, %swap3A_774] {strides = array<i32>} : memref<80x384xf32, #tpu.memory_space<vmem>>, vector<1x16xf32>,
        %swap3A_776 = vector.shape_cast %swap3A_775 : vector<1x16xf32> to vector<16xf32>
        %swap3A_777 = vector.shape_cast %broadcast_in_dim3A_772 : vector<16xf32> to vector<1x16xf32>
        tpu.vector_store %arg7[%swap3A_773, %swap3A_774], %swap3A_777 {strides = array<i32>} : memref<80x384xf32, #tpu.memory_space<vmem>>, vector<1x16xf32>,
        %broadcast_in_dim3A_778 = arith.constant 0.000000e+00 : f32
        %broadcast_in_dim3A_779 = vector.broadcast %broadcast_in_dim3A_778 : f32 to vector<16xf32>
        %swap3A_780 = arith.index_cast %while3A_770 : i32 to index
        %swap3A_781 = arith.constant 16 : index
        %swap3A_782 = tpu.vector_load %arg7[%swap3A_780, %swap3A_781] {strides = array<i32>} : memref<80x384xf32, #tpu.memory_space<vmem>>, vector<1x16xf32>,
        %swap3A_783 = vector.shape_cast %swap3A_782 : vector<1x16xf32> to vector<16xf32>
        %swap3A_784 = vector.shape_cast %broadcast_in_dim3A_779 : vector<16xf32> to vector<1x16xf32>
        tpu.vector_store %arg7[%swap3A_780, %swap3A_781], %swap3A_784 {strides = array<i32>} : memref<80x384xf32, #tpu.memory_space<vmem>>, vector<1x16xf32>,
        %broadcast_in_dim3A_785 = arith.constant 0.000000e+00 : f32
        %broadcast_in_dim3A_786 = vector.broadcast %broadcast_in_dim3A_785 : f32 to vector<16xf32>
        %swap3A_787 = arith.index_cast %while3A_770 : i32 to index
        %swap3A_788 = arith.constant 32 : index
        %swap3A_789 = tpu.vector_load %arg7[%swap3A_787, %swap3A_788] {strides = array<i32>} : memref<80x384xf32, #tpu.memory_space<vmem>>, vector<1x16xf32>,
        %swap3A_790 = vector.shape_cast %swap3A_789 : vector<1x16xf32> to vector<16xf32>
        %swap3A_791 = vector.shape_cast %broadcast_in_dim3A_786 : vector<16xf32> to vector<1x16xf32>
        tpu.vector_store %arg7[%swap3A_787, %swap3A_788], %swap3A_791 {strides = array<i32>} : memref<80x384xf32, #tpu.memory_space<vmem>>, vector<1x16xf32>,
        %broadcast_in_dim3A_792 = arith.constant 0.000000e+00 : f32
        %broadcast_in_dim3A_793 = vector.broadcast %broadcast_in_dim3A_792 : f32 to vector<16xf32>
        %swap3A_794 = arith.index_cast %while3A_770 : i32 to index
        %swap3A_795 = arith.constant 48 : index
        %swap3A_796 = tpu.vector_load %arg7[%swap3A_794, %swap3A_795] {strides = array<i32>} : memref<80x384xf32, #tpu.memory_space<vmem>>, vector<1x16xf32>,
        %swap3A_797 = vector.shape_cast %swap3A_796 : vector<1x16xf32> to vector<16xf32>
        %swap3A_798 = vector.shape_cast %broadcast_in_dim3A_793 : vector<16xf32> to vector<1x16xf32>
        tpu.vector_store %arg7[%swap3A_794, %swap3A_795], %swap3A_798 {strides = array<i32>} : memref<80x384xf32, #tpu.memory_space<vmem>>, vector<1x16xf32>,
        %broadcast_in_dim3A_799 = arith.constant 0.000000e+00 : f32
        %broadcast_in_dim3A_800 = vector.broadcast %broadcast_in_dim3A_799 : f32 to vector<16xf32>
        %swap3A_801 = arith.index_cast %while3A_770 : i32 to index
        %swap3A_802 = arith.constant 64 : index
        %swap3A_803 = tpu.vector_load %arg7[%swap3A_801, %swap3A_802] {strides = array<i32>} : memref<80x384xf32, #tpu.memory_space<vmem>>, vector<1x16xf32>,
        %swap3A_804 = vector.shape_cast %swap3A_803 : vector<1x16xf32> to vector<16xf32>
        %swap3A_805 = vector.shape_cast %broadcast_in_dim3A_800 : vector<16xf32> to vector<1x16xf32>
        tpu.vector_store %arg7[%swap3A_801, %swap3A_802], %swap3A_805 {strides = array<i32>} : memref<80x384xf32, #tpu.memory_space<vmem>>, vector<1x16xf32>,
        %broadcast_in_dim3A_806 = arith.constant 0.000000e+00 : f32
        %broadcast_in_dim3A_807 = vector.broadcast %broadcast_in_dim3A_806 : f32 to vector<16xf32>
        %swap3A_808 = arith.index_cast %while3A_770 : i32 to index
        %swap3A_809 = arith.constant 80 : index
        %swap3A_810 = tpu.vector_load %arg7[%swap3A_808, %swap3A_809] {strides = array<i32>} : memref<80x384xf32, #tpu.memory_space<vmem>>, vector<1x16xf32>,
        %swap3A_811 = vector.shape_cast %swap3A_810 : vector<1x16xf32> to vector<16xf32>
        %swap3A_812 = vector.shape_cast %broadcast_in_dim3A_807 : vector<16xf32> to vector<1x16xf32>
        tpu.vector_store %arg7[%swap3A_808, %swap3A_809], %swap3A_812 {strides = array<i32>} : memref<80x384xf32, #tpu.memory_space<vmem>>, vector<1x16xf32>,
        %broadcast_in_dim3A_813 = arith.constant 0.000000e+00 : f32
        %broadcast_in_dim3A_814 = vector.broadcast %broadcast_in_dim3A_813 : f32 to vector<16xf32>
        %swap3A_815 = arith.index_cast %while3A_770 : i32 to index
        %swap3A_816 = arith.constant 96 : index
        %swap3A_817 = tpu.vector_load %arg7[%swap3A_815, %swap3A_816] {strides = array<i32>} : memref<80x384xf32, #tpu.memory_space<vmem>>, vector<1x16xf32>,
        %swap3A_818 = vector.shape_cast %swap3A_817 : vector<1x16xf32> to vector<16xf32>
        %swap3A_819 = vector.shape_cast %broadcast_in_dim3A_814 : vector<16xf32> to vector<1x16xf32>
        tpu.vector_store %arg7[%swap3A_815, %swap3A_816], %swap3A_819 {strides = array<i32>} : memref<80x384xf32, #tpu.memory_space<vmem>>, vector<1x16xf32>,
        %broadcast_in_dim3A_820 = arith.constant 0.000000e+00 : f32
        %broadcast_in_dim3A_821 = vector.broadcast %broadcast_in_dim3A_820 : f32 to vector<16xf32>
        %swap3A_822 = arith.index_cast %while3A_770 : i32 to index
        %swap3A_823 = arith.constant 112 : index
        %swap3A_824 = tpu.vector_load %arg7[%swap3A_822, %swap3A_823] {strides = array<i32>} : memref<80x384xf32, #tpu.memory_space<vmem>>, vector<1x16xf32>,
        %swap3A_825 = vector.shape_cast %swap3A_824 : vector<1x16xf32> to vector<16xf32>
        %swap3A_826 = vector.shape_cast %broadcast_in_dim3A_821 : vector<16xf32> to vector<1x16xf32>
        tpu.vector_store %arg7[%swap3A_822, %swap3A_823], %swap3A_826 {strides = array<i32>} : memref<80x384xf32, #tpu.memory_space<vmem>>, vector<1x16xf32>,
        %broadcast_in_dim3A_827 = arith.constant 0.000000e+00 : f32
        %broadcast_in_dim3A_828 = vector.broadcast %broadcast_in_dim3A_827 : f32 to vector<16xf32>
        %swap3A_829 = arith.index_cast %while3A_770 : i32 to index
        %swap3A_830 = arith.constant 128 : index
        %swap3A_831 = tpu.vector_load %arg7[%swap3A_829, %swap3A_830] {strides = array<i32>} : memref<80x384xf32, #tpu.memory_space<vmem>>, vector<1x16xf32>,
        %swap3A_832 = vector.shape_cast %swap3A_831 : vector<1x16xf32> to vector<16xf32>
        %swap3A_833 = vector.shape_cast %broadcast_in_dim3A_828 : vector<16xf32> to vector<1x16xf32>
        tpu.vector_store %arg7[%swap3A_829, %swap3A_830], %swap3A_833 {strides = array<i32>} : memref<80x384xf32, #tpu.memory_space<vmem>>, vector<1x16xf32>,
        %broadcast_in_dim3A_834 = arith.constant 0.000000e+00 : f32
        %broadcast_in_dim3A_835 = vector.broadcast %broadcast_in_dim3A_834 : f32 to vector<16xf32>
        %swap3A_836 = arith.index_cast %while3A_770 : i32 to index
        %swap3A_837 = arith.constant 144 : index
        %swap3A_838 = tpu.vector_load %arg7[%swap3A_836, %swap3A_837] {strides = array<i32>} : memref<80x384xf32, #tpu.memory_space<vmem>>, vector<1x16xf32>,
        %swap3A_839 = vector.shape_cast %swap3A_838 : vector<1x16xf32> to vector<16xf32>
        %swap3A_840 = vector.shape_cast %broadcast_in_dim3A_835 : vector<16xf32> to vector<1x16xf32>
        tpu.vector_store %arg7[%swap3A_836, %swap3A_837], %swap3A_840 {strides = array<i32>} : memref<80x384xf32, #tpu.memory_space<vmem>>, vector<1x16xf32>,
        %broadcast_in_dim3A_841 = arith.constant 0.000000e+00 : f32
        %broadcast_in_dim3A_842 = vector.broadcast %broadcast_in_dim3A_841 : f32 to vector<16xf32>
        %swap3A_843 = arith.index_cast %while3A_770 : i32 to index
        %swap3A_844 = arith.constant 160 : index
        %swap3A_845 = tpu.vector_load %arg7[%swap3A_843, %swap3A_844] {strides = array<i32>} : memref<80x384xf32, #tpu.memory_space<vmem>>, vector<1x16xf32>,
        %swap3A_846 = vector.shape_cast %swap3A_845 : vector<1x16xf32> to vector<16xf32>
        %swap3A_847 = vector.shape_cast %broadcast_in_dim3A_842 : vector<16xf32> to vector<1x16xf32>
        tpu.vector_store %arg7[%swap3A_843, %swap3A_844], %swap3A_847 {strides = array<i32>} : memref<80x384xf32, #tpu.memory_space<vmem>>, vector<1x16xf32>,
        %broadcast_in_dim3A_848 = arith.constant 0.000000e+00 : f32
        %broadcast_in_dim3A_849 = vector.broadcast %broadcast_in_dim3A_848 : f32 to vector<16xf32>
        %swap3A_850 = arith.index_cast %while3A_770 : i32 to index
        %swap3A_851 = arith.constant 176 : index
        %swap3A_852 = tpu.vector_load %arg7[%swap3A_850, %swap3A_851] {strides = array<i32>} : memref<80x384xf32, #tpu.memory_space<vmem>>, vector<1x16xf32>,
        %swap3A_853 = vector.shape_cast %swap3A_852 : vector<1x16xf32> to vector<16xf32>
        %swap3A_854 = vector.shape_cast %broadcast_in_dim3A_849 : vector<16xf32> to vector<1x16xf32>
        tpu.vector_store %arg7[%swap3A_850, %swap3A_851], %swap3A_854 {strides = array<i32>} : memref<80x384xf32, #tpu.memory_space<vmem>>, vector<1x16xf32>,
        %broadcast_in_dim3A_855 = arith.constant 0.000000e+00 : f32
        %broadcast_in_dim3A_856 = vector.broadcast %broadcast_in_dim3A_855 : f32 to vector<16xf32>
        %swap3A_857 = arith.index_cast %while3A_770 : i32 to index
        %swap3A_858 = arith.constant 192 : index
        %swap3A_859 = tpu.vector_load %arg7[%swap3A_857, %swap3A_858] {strides = array<i32>} : memref<80x384xf32, #tpu.memory_space<vmem>>, vector<1x16xf32>,
        %swap3A_860 = vector.shape_cast %swap3A_859 : vector<1x16xf32> to vector<16xf32>
        %swap3A_861 = vector.shape_cast %broadcast_in_dim3A_856 : vector<16xf32> to vector<1x16xf32>
        tpu.vector_store %arg7[%swap3A_857, %swap3A_858], %swap3A_861 {strides = array<i32>} : memref<80x384xf32, #tpu.memory_space<vmem>>, vector<1x16xf32>,
        %broadcast_in_dim3A_862 = arith.constant 0.000000e+00 : f32
        %broadcast_in_dim3A_863 = vector.broadcast %broadcast_in_dim3A_862 : f32 to vector<16xf32>
        %swap3A_864 = arith.index_cast %while3A_770 : i32 to index
        %swap3A_865 = arith.constant 208 : index
        %swap3A_866 = tpu.vector_load %arg7[%swap3A_864, %swap3A_865] {strides = array<i32>} : memref<80x384xf32, #tpu.memory_space<vmem>>, vector<1x16xf32>,
        %swap3A_867 = vector.shape_cast %swap3A_866 : vector<1x16xf32> to vector<16xf32>
        %swap3A_868 = vector.shape_cast %broadcast_in_dim3A_863 : vector<16xf32> to vector<1x16xf32>
        tpu.vector_store %arg7[%swap3A_864, %swap3A_865], %swap3A_868 {strides = array<i32>} : memref<80x384xf32, #tpu.memory_space<vmem>>, vector<1x16xf32>,
        %broadcast_in_dim3A_869 = arith.constant 0.000000e+00 : f32
        %broadcast_in_dim3A_870 = vector.broadcast %broadcast_in_dim3A_869 : f32 to vector<16xf32>
        %swap3A_871 = arith.index_cast %while3A_770 : i32 to index
        %swap3A_872 = arith.constant 224 : index
        %swap3A_873 = tpu.vector_load %arg7[%swap3A_871, %swap3A_872] {strides = array<i32>} : memref<80x384xf32, #tpu.memory_space<vmem>>, vector<1x16xf32>,
        %swap3A_874 = vector.shape_cast %swap3A_873 : vector<1x16xf32> to vector<16xf32>
        %swap3A_875 = vector.shape_cast %broadcast_in_dim3A_870 : vector<16xf32> to vector<1x16xf32>
        tpu.vector_store %arg7[%swap3A_871, %swap3A_872], %swap3A_875 {strides = array<i32>} : memref<80x384xf32, #tpu.memory_space<vmem>>, vector<1x16xf32>,
        %broadcast_in_dim3A_876 = arith.constant 0.000000e+00 : f32
        %broadcast_in_dim3A_877 = vector.broadcast %broadcast_in_dim3A_876 : f32 to vector<16xf32>
        %swap3A_878 = arith.index_cast %while3A_770 : i32 to index
        %swap3A_879 = arith.constant 240 : index
        %swap3A_880 = tpu.vector_load %arg7[%swap3A_878, %swap3A_879] {strides = array<i32>} : memref<80x384xf32, #tpu.memory_space<vmem>>, vector<1x16xf32>,
        %swap3A_881 = vector.shape_cast %swap3A_880 : vector<1x16xf32> to vector<16xf32>
        %swap3A_882 = vector.shape_cast %broadcast_in_dim3A_877 : vector<16xf32> to vector<1x16xf32>
        tpu.vector_store %arg7[%swap3A_878, %swap3A_879], %swap3A_882 {strides = array<i32>} : memref<80x384xf32, #tpu.memory_space<vmem>>, vector<1x16xf32>,
        %broadcast_in_dim3A_883 = arith.constant 0.000000e+00 : f32
        %broadcast_in_dim3A_884 = vector.broadcast %broadcast_in_dim3A_883 : f32 to vector<16xf32>
        %swap3A_885 = arith.index_cast %while3A_770 : i32 to index
        %swap3A_886 = arith.constant 256 : index
        %swap3A_887 = tpu.vector_load %arg7[%swap3A_885, %swap3A_886] {strides = array<i32>} : memref<80x384xf32, #tpu.memory_space<vmem>>, vector<1x16xf32>,
        %swap3A_888 = vector.shape_cast %swap3A_887 : vector<1x16xf32> to vector<16xf32>
        %swap3A_889 = vector.shape_cast %broadcast_in_dim3A_884 : vector<16xf32> to vector<1x16xf32>
        tpu.vector_store %arg7[%swap3A_885, %swap3A_886], %swap3A_889 {strides = array<i32>} : memref<80x384xf32, #tpu.memory_space<vmem>>, vector<1x16xf32>,
        %broadcast_in_dim3A_890 = arith.constant 0.000000e+00 : f32
        %broadcast_in_dim3A_891 = vector.broadcast %broadcast_in_dim3A_890 : f32 to vector<16xf32>
        %swap3A_892 = arith.index_cast %while3A_770 : i32 to index
        %swap3A_893 = arith.constant 272 : index
        %swap3A_894 = tpu.vector_load %arg7[%swap3A_892, %swap3A_893] {strides = array<i32>} : memref<80x384xf32, #tpu.memory_space<vmem>>, vector<1x16xf32>,
        %swap3A_895 = vector.shape_cast %swap3A_894 : vector<1x16xf32> to vector<16xf32>
        %swap3A_896 = vector.shape_cast %broadcast_in_dim3A_891 : vector<16xf32> to vector<1x16xf32>
        tpu.vector_store %arg7[%swap3A_892, %swap3A_893], %swap3A_896 {strides = array<i32>} : memref<80x384xf32, #tpu.memory_space<vmem>>, vector<1x16xf32>,
        %broadcast_in_dim3A_897 = arith.constant 0.000000e+00 : f32
        %broadcast_in_dim3A_898 = vector.broadcast %broadcast_in_dim3A_897 : f32 to vector<16xf32>
        %swap3A_899 = arith.index_cast %while3A_770 : i32 to index
        %swap3A_900 = arith.constant 288 : index
        %swap3A_901 = tpu.vector_load %arg7[%swap3A_899, %swap3A_900] {strides = array<i32>} : memref<80x384xf32, #tpu.memory_space<vmem>>, vector<1x16xf32>,
        %swap3A_902 = vector.shape_cast %swap3A_901 : vector<1x16xf32> to vector<16xf32>
        %swap3A_903 = vector.shape_cast %broadcast_in_dim3A_898 : vector<16xf32> to vector<1x16xf32>
        tpu.vector_store %arg7[%swap3A_899, %swap3A_900], %swap3A_903 {strides = array<i32>} : memref<80x384xf32, #tpu.memory_space<vmem>>, vector<1x16xf32>,
        %broadcast_in_dim3A_904 = arith.constant 0.000000e+00 : f32
        %broadcast_in_dim3A_905 = vector.broadcast %broadcast_in_dim3A_904 : f32 to vector<16xf32>
        %swap3A_906 = arith.index_cast %while3A_770 : i32 to index
        %swap3A_907 = arith.constant 304 : index
        %swap3A_908 = tpu.vector_load %arg7[%swap3A_906, %swap3A_907] {strides = array<i32>} : memref<80x384xf32, #tpu.memory_space<vmem>>, vector<1x16xf32>,
        %swap3A_909 = vector.shape_cast %swap3A_908 : vector<1x16xf32> to vector<16xf32>
        %swap3A_910 = vector.shape_cast %broadcast_in_dim3A_905 : vector<16xf32> to vector<1x16xf32>
        tpu.vector_store %arg7[%swap3A_906, %swap3A_907], %swap3A_910 {strides = array<i32>} : memref<80x384xf32, #tpu.memory_space<vmem>>, vector<1x16xf32>,
        %broadcast_in_dim3A_911 = arith.constant 0.000000e+00 : f32
        %broadcast_in_dim3A_912 = vector.broadcast %broadcast_in_dim3A_911 : f32 to vector<16xf32>
        %swap3A_913 = arith.index_cast %while3A_770 : i32 to index
        %swap3A_914 = arith.constant 320 : index
        %swap3A_915 = tpu.vector_load %arg7[%swap3A_913, %swap3A_914] {strides = array<i32>} : memref<80x384xf32, #tpu.memory_space<vmem>>, vector<1x16xf32>,
        %swap3A_916 = vector.shape_cast %swap3A_915 : vector<1x16xf32> to vector<16xf32>
        %swap3A_917 = vector.shape_cast %broadcast_in_dim3A_912 : vector<16xf32> to vector<1x16xf32>
        tpu.vector_store %arg7[%swap3A_913, %swap3A_914], %swap3A_917 {strides = array<i32>} : memref<80x384xf32, #tpu.memory_space<vmem>>, vector<1x16xf32>,
        %broadcast_in_dim3A_918 = arith.constant 0.000000e+00 : f32
        %broadcast_in_dim3A_919 = vector.broadcast %broadcast_in_dim3A_918 : f32 to vector<16xf32>
        %swap3A_920 = arith.index_cast %while3A_770 : i32 to index
        %swap3A_921 = arith.constant 336 : index
        %swap3A_922 = tpu.vector_load %arg7[%swap3A_920, %swap3A_921] {strides = array<i32>} : memref<80x384xf32, #tpu.memory_space<vmem>>, vector<1x16xf32>,
        %swap3A_923 = vector.shape_cast %swap3A_922 : vector<1x16xf32> to vector<16xf32>
        %swap3A_924 = vector.shape_cast %broadcast_in_dim3A_919 : vector<16xf32> to vector<1x16xf32>
        tpu.vector_store %arg7[%swap3A_920, %swap3A_921], %swap3A_924 {strides = array<i32>} : memref<80x384xf32, #tpu.memory_space<vmem>>, vector<1x16xf32>,
        %broadcast_in_dim3A_925 = arith.constant 0.000000e+00 : f32
        %broadcast_in_dim3A_926 = vector.broadcast %broadcast_in_dim3A_925 : f32 to vector<16xf32>
        %swap3A_927 = arith.index_cast %while3A_770 : i32 to index
        %swap3A_928 = arith.constant 352 : index
        %swap3A_929 = tpu.vector_load %arg7[%swap3A_927, %swap3A_928] {strides = array<i32>} : memref<80x384xf32, #tpu.memory_space<vmem>>, vector<1x16xf32>,
        %swap3A_930 = vector.shape_cast %swap3A_929 : vector<1x16xf32> to vector<16xf32>
        %swap3A_931 = vector.shape_cast %broadcast_in_dim3A_926 : vector<16xf32> to vector<1x16xf32>
        tpu.vector_store %arg7[%swap3A_927, %swap3A_928], %swap3A_931 {strides = array<i32>} : memref<80x384xf32, #tpu.memory_space<vmem>>, vector<1x16xf32>,
        %broadcast_in_dim3A_932 = arith.constant 0.000000e+00 : f32
        %broadcast_in_dim3A_933 = vector.broadcast %broadcast_in_dim3A_932 : f32 to vector<16xf32>
        %swap3A_934 = arith.index_cast %while3A_770 : i32 to index
        %swap3A_935 = arith.constant 368 : index
        %swap3A_936 = tpu.vector_load %arg7[%swap3A_934, %swap3A_935] {strides = array<i32>} : memref<80x384xf32, #tpu.memory_space<vmem>>, vector<1x16xf32>,
        %swap3A_937 = vector.shape_cast %swap3A_936 : vector<1x16xf32> to vector<16xf32>
        %swap3A_938 = vector.shape_cast %broadcast_in_dim3A_933 : vector<16xf32> to vector<1x16xf32>
        tpu.vector_store %arg7[%swap3A_934, %swap3A_935], %swap3A_938 {strides = array<i32>} : memref<80x384xf32, #tpu.memory_space<vmem>>, vector<1x16xf32>,
      }
    } else {
    }
    %add3A_706 = arith.constant 160 : i32
    %add3A_707 = arith.addi %mul3A_2, %add3A_706 : i32
    %dma_start3A_708 = arith.constant 0 : i32
    %dma_start3A_709 = tpu.memref_slice %arg4[%add3A_707, %dma_start3A_708] : memref<12800x384xf32, #tpu.memory_space<hbm>> -> memref<80x384xf32, #tpu.memory_space<hbm>>
    %dma_start3A_710 = arith.constant 0 : i32
    %dma_start3A_711 = tpu.memref_slice %arg4[%add3A_707, %dma_start3A_710] : memref<12800x384xf32, #tpu.memory_space<hbm>> -> memref<80x384xf32, #tpu.memory_space<hbm>>
    tpu.enqueue_dma source(%arg7 : memref<80x384xf32, #tpu.memory_space<vmem>>) target(%dma_start3A_711 : memref<80x384xf32, #tpu.memory_space<hbm>>) target_semaphore(%arg11 : memref<!tpu.dma_semaphore, #tpu.memory_space<semaphore_mem>>)
    %dma_wait3A_712 = arith.constant 0 : i32
    %dma_wait3A_713 = tpu.memref_slice %arg4[%add3A_707, %dma_wait3A_712] : memref<12800x384xf32, #tpu.memory_space<hbm>> -> memref<80x384xf32, #tpu.memory_space<hbm>>
    %dma_wait3A_714 = arith.constant 0 : i32
    %dma_wait3A_715 = tpu.memref_slice %arg4[%add3A_707, %dma_wait3A_714] : memref<12800x384xf32, #tpu.memory_space<hbm>> -> memref<80x384xf32, #tpu.memory_space<hbm>>
    tpu.wait_dma2 semaphore(%arg11 : memref<!tpu.dma_semaphore, #tpu.memory_space<semaphore_mem>>) src(%arg7 : memref<80x384xf32, #tpu.memory_space<vmem>>) dst(%dma_wait3A_715 : memref<80x384xf32, #tpu.memory_space<hbm>>)
    %dma_start3A_716 = arith.constant 320 : i32
    %dma_start3A_717 = tpu.memref_slice %arg6[%dma_start3A_716] : memref<400xi32, #tpu.memory_space<vmem>> -> memref<80xi32, #tpu.memory_space<vmem>>
    %dma_start3A_718 = arith.constant 0 : i32
    %dma_start3A_719 = arith.constant 0 : i32
    %dma_start3A_720 = tpu.memref_slice %arg2[%dma_start3A_718, %dma_start3A_719] : memref<4096x384xf32, #tpu.memory_space<hbm>> -> memref<4096x384xf32, #tpu.memory_space<hbm>>
    tpu.enqueue_indirect_dma source(%dma_start3A_720 : memref<4096x384xf32, #tpu.memory_space<hbm>>) target(%arg7 : memref<80x384xf32, #tpu.memory_space<vmem>>) offsets(%dma_start3A_717 : memref<80xi32, #tpu.memory_space<vmem>>) semaphore(%arg9 : memref<!tpu.dma_semaphore, #tpu.memory_space<semaphore_mem>>)
    %dma_wait3A_721 = arith.constant 240 : i32
    %dma_wait3A_722 = tpu.memref_slice %arg6[%dma_wait3A_721] : memref<400xi32, #tpu.memory_space<vmem>> -> memref<80xi32, #tpu.memory_space<vmem>>
    %dma_wait3A_723 = arith.constant 0 : i32
    %dma_wait3A_724 = arith.constant 0 : i32
    %dma_wait3A_725 = tpu.memref_slice %arg2[%dma_wait3A_723, %dma_wait3A_724] : memref<4096x384xf32, #tpu.memory_space<hbm>> -> memref<4096x384xf32, #tpu.memory_space<hbm>>
    tpu.wait_indirect_dma semaphore(%arg10 : memref<!tpu.dma_semaphore, #tpu.memory_space<semaphore_mem>>) src(%dma_wait3A_725 : memref<4096x384xf32, #tpu.memory_space<hbm>>) dst(%arg8 : memref<80x384xf32, #tpu.memory_space<vmem>>)
    %lt3A_726 = arith.constant 80 : i32
    %lt3A_727 = arith.cmpi slt, %min3A_633, %lt3A_726 : i32
    %convert_element_type3A_728 = arith.extui %lt3A_727 : i1 to i32
    %cond3A_729 = arith.constant 0 : i32
    %cond3A_730 = arith.cmpi ne, %convert_element_type3A_728, %cond3A_729 : i32
    scf.if %cond3A_730 {
      %while3A = arith.constant 0 : i32
      %while3A_761 = arith.constant 80 : i32
      %while3A_762 = arith.subi %while3A_761, %min3A_633 : i32
      %while3A_763 = arith.addi %min3A_633, %while3A_762 : i32
      %while3A_764 = arith.constant 1 : i32
      %while3A_765 = arith.divsi %while3A_762, %while3A_764 : i32
      %while3A_766 = arith.muli %while3A_765, %while3A_764 : i32
      %while3A_767 = arith.addi %min3A_633, %while3A_766 : i32
      %while3A_768 = arith.constant 1 : i32
      scf.for %while3A_770 = %min3A_633 to %while3A_767 step %while3A_768  : i32 {
        %broadcast_in_dim3A_771 = arith.constant 0.000000e+00 : f32
        %broadcast_in_dim3A_772 = vector.broadcast %broadcast_in_dim3A_771 : f32 to vector<16xf32>
        %swap3A_773 = arith.index_cast %while3A_770 : i32 to index
        %swap3A_774 = arith.constant 0 : index
        %swap3A_775 = tpu.vector_load %arg8[%swap3A_773, %swap3A_774] {strides = array<i32>} : memref<80x384xf32, #tpu.memory_space<vmem>>, vector<1x16xf32>,
        %swap3A_776 = vector.shape_cast %swap3A_775 : vector<1x16xf32> to vector<16xf32>
        %swap3A_777 = vector.shape_cast %broadcast_in_dim3A_772 : vector<16xf32> to vector<1x16xf32>
        tpu.vector_store %arg8[%swap3A_773, %swap3A_774], %swap3A_777 {strides = array<i32>} : memref<80x384xf32, #tpu.memory_space<vmem>>, vector<1x16xf32>,
        %broadcast_in_dim3A_778 = arith.constant 0.000000e+00 : f32
        %broadcast_in_dim3A_779 = vector.broadcast %broadcast_in_dim3A_778 : f32 to vector<16xf32>
        %swap3A_780 = arith.index_cast %while3A_770 : i32 to index
        %swap3A_781 = arith.constant 16 : index
        %swap3A_782 = tpu.vector_load %arg8[%swap3A_780, %swap3A_781] {strides = array<i32>} : memref<80x384xf32, #tpu.memory_space<vmem>>, vector<1x16xf32>,
        %swap3A_783 = vector.shape_cast %swap3A_782 : vector<1x16xf32> to vector<16xf32>
        %swap3A_784 = vector.shape_cast %broadcast_in_dim3A_779 : vector<16xf32> to vector<1x16xf32>
        tpu.vector_store %arg8[%swap3A_780, %swap3A_781], %swap3A_784 {strides = array<i32>} : memref<80x384xf32, #tpu.memory_space<vmem>>, vector<1x16xf32>,
        %broadcast_in_dim3A_785 = arith.constant 0.000000e+00 : f32
        %broadcast_in_dim3A_786 = vector.broadcast %broadcast_in_dim3A_785 : f32 to vector<16xf32>
        %swap3A_787 = arith.index_cast %while3A_770 : i32 to index
        %swap3A_788 = arith.constant 32 : index
        %swap3A_789 = tpu.vector_load %arg8[%swap3A_787, %swap3A_788] {strides = array<i32>} : memref<80x384xf32, #tpu.memory_space<vmem>>, vector<1x16xf32>,
        %swap3A_790 = vector.shape_cast %swap3A_789 : vector<1x16xf32> to vector<16xf32>
        %swap3A_791 = vector.shape_cast %broadcast_in_dim3A_786 : vector<16xf32> to vector<1x16xf32>
        tpu.vector_store %arg8[%swap3A_787, %swap3A_788], %swap3A_791 {strides = array<i32>} : memref<80x384xf32, #tpu.memory_space<vmem>>, vector<1x16xf32>,
        %broadcast_in_dim3A_792 = arith.constant 0.000000e+00 : f32
        %broadcast_in_dim3A_793 = vector.broadcast %broadcast_in_dim3A_792 : f32 to vector<16xf32>
        %swap3A_794 = arith.index_cast %while3A_770 : i32 to index
        %swap3A_795 = arith.constant 48 : index
        %swap3A_796 = tpu.vector_load %arg8[%swap3A_794, %swap3A_795] {strides = array<i32>} : memref<80x384xf32, #tpu.memory_space<vmem>>, vector<1x16xf32>,
        %swap3A_797 = vector.shape_cast %swap3A_796 : vector<1x16xf32> to vector<16xf32>
        %swap3A_798 = vector.shape_cast %broadcast_in_dim3A_793 : vector<16xf32> to vector<1x16xf32>
        tpu.vector_store %arg8[%swap3A_794, %swap3A_795], %swap3A_798 {strides = array<i32>} : memref<80x384xf32, #tpu.memory_space<vmem>>, vector<1x16xf32>,
        %broadcast_in_dim3A_799 = arith.constant 0.000000e+00 : f32
        %broadcast_in_dim3A_800 = vector.broadcast %broadcast_in_dim3A_799 : f32 to vector<16xf32>
        %swap3A_801 = arith.index_cast %while3A_770 : i32 to index
        %swap3A_802 = arith.constant 64 : index
        %swap3A_803 = tpu.vector_load %arg8[%swap3A_801, %swap3A_802] {strides = array<i32>} : memref<80x384xf32, #tpu.memory_space<vmem>>, vector<1x16xf32>,
        %swap3A_804 = vector.shape_cast %swap3A_803 : vector<1x16xf32> to vector<16xf32>
        %swap3A_805 = vector.shape_cast %broadcast_in_dim3A_800 : vector<16xf32> to vector<1x16xf32>
        tpu.vector_store %arg8[%swap3A_801, %swap3A_802], %swap3A_805 {strides = array<i32>} : memref<80x384xf32, #tpu.memory_space<vmem>>, vector<1x16xf32>,
        %broadcast_in_dim3A_806 = arith.constant 0.000000e+00 : f32
        %broadcast_in_dim3A_807 = vector.broadcast %broadcast_in_dim3A_806 : f32 to vector<16xf32>
        %swap3A_808 = arith.index_cast %while3A_770 : i32 to index
        %swap3A_809 = arith.constant 80 : index
        %swap3A_810 = tpu.vector_load %arg8[%swap3A_808, %swap3A_809] {strides = array<i32>} : memref<80x384xf32, #tpu.memory_space<vmem>>, vector<1x16xf32>,
        %swap3A_811 = vector.shape_cast %swap3A_810 : vector<1x16xf32> to vector<16xf32>
        %swap3A_812 = vector.shape_cast %broadcast_in_dim3A_807 : vector<16xf32> to vector<1x16xf32>
        tpu.vector_store %arg8[%swap3A_808, %swap3A_809], %swap3A_812 {strides = array<i32>} : memref<80x384xf32, #tpu.memory_space<vmem>>, vector<1x16xf32>,
        %broadcast_in_dim3A_813 = arith.constant 0.000000e+00 : f32
        %broadcast_in_dim3A_814 = vector.broadcast %broadcast_in_dim3A_813 : f32 to vector<16xf32>
        %swap3A_815 = arith.index_cast %while3A_770 : i32 to index
        %swap3A_816 = arith.constant 96 : index
        %swap3A_817 = tpu.vector_load %arg8[%swap3A_815, %swap3A_816] {strides = array<i32>} : memref<80x384xf32, #tpu.memory_space<vmem>>, vector<1x16xf32>,
        %swap3A_818 = vector.shape_cast %swap3A_817 : vector<1x16xf32> to vector<16xf32>
        %swap3A_819 = vector.shape_cast %broadcast_in_dim3A_814 : vector<16xf32> to vector<1x16xf32>
        tpu.vector_store %arg8[%swap3A_815, %swap3A_816], %swap3A_819 {strides = array<i32>} : memref<80x384xf32, #tpu.memory_space<vmem>>, vector<1x16xf32>,
        %broadcast_in_dim3A_820 = arith.constant 0.000000e+00 : f32
        %broadcast_in_dim3A_821 = vector.broadcast %broadcast_in_dim3A_820 : f32 to vector<16xf32>
        %swap3A_822 = arith.index_cast %while3A_770 : i32 to index
        %swap3A_823 = arith.constant 112 : index
        %swap3A_824 = tpu.vector_load %arg8[%swap3A_822, %swap3A_823] {strides = array<i32>} : memref<80x384xf32, #tpu.memory_space<vmem>>, vector<1x16xf32>,
        %swap3A_825 = vector.shape_cast %swap3A_824 : vector<1x16xf32> to vector<16xf32>
        %swap3A_826 = vector.shape_cast %broadcast_in_dim3A_821 : vector<16xf32> to vector<1x16xf32>
        tpu.vector_store %arg8[%swap3A_822, %swap3A_823], %swap3A_826 {strides = array<i32>} : memref<80x384xf32, #tpu.memory_space<vmem>>, vector<1x16xf32>,
        %broadcast_in_dim3A_827 = arith.constant 0.000000e+00 : f32
        %broadcast_in_dim3A_828 = vector.broadcast %broadcast_in_dim3A_827 : f32 to vector<16xf32>
        %swap3A_829 = arith.index_cast %while3A_770 : i32 to index
        %swap3A_830 = arith.constant 128 : index
        %swap3A_831 = tpu.vector_load %arg8[%swap3A_829, %swap3A_830] {strides = array<i32>} : memref<80x384xf32, #tpu.memory_space<vmem>>, vector<1x16xf32>,
        %swap3A_832 = vector.shape_cast %swap3A_831 : vector<1x16xf32> to vector<16xf32>
        %swap3A_833 = vector.shape_cast %broadcast_in_dim3A_828 : vector<16xf32> to vector<1x16xf32>
        tpu.vector_store %arg8[%swap3A_829, %swap3A_830], %swap3A_833 {strides = array<i32>} : memref<80x384xf32, #tpu.memory_space<vmem>>, vector<1x16xf32>,
        %broadcast_in_dim3A_834 = arith.constant 0.000000e+00 : f32
        %broadcast_in_dim3A_835 = vector.broadcast %broadcast_in_dim3A_834 : f32 to vector<16xf32>
        %swap3A_836 = arith.index_cast %while3A_770 : i32 to index
        %swap3A_837 = arith.constant 144 : index
        %swap3A_838 = tpu.vector_load %arg8[%swap3A_836, %swap3A_837] {strides = array<i32>} : memref<80x384xf32, #tpu.memory_space<vmem>>, vector<1x16xf32>,
        %swap3A_839 = vector.shape_cast %swap3A_838 : vector<1x16xf32> to vector<16xf32>
        %swap3A_840 = vector.shape_cast %broadcast_in_dim3A_835 : vector<16xf32> to vector<1x16xf32>
        tpu.vector_store %arg8[%swap3A_836, %swap3A_837], %swap3A_840 {strides = array<i32>} : memref<80x384xf32, #tpu.memory_space<vmem>>, vector<1x16xf32>,
        %broadcast_in_dim3A_841 = arith.constant 0.000000e+00 : f32
        %broadcast_in_dim3A_842 = vector.broadcast %broadcast_in_dim3A_841 : f32 to vector<16xf32>
        %swap3A_843 = arith.index_cast %while3A_770 : i32 to index
        %swap3A_844 = arith.constant 160 : index
        %swap3A_845 = tpu.vector_load %arg8[%swap3A_843, %swap3A_844] {strides = array<i32>} : memref<80x384xf32, #tpu.memory_space<vmem>>, vector<1x16xf32>,
        %swap3A_846 = vector.shape_cast %swap3A_845 : vector<1x16xf32> to vector<16xf32>
        %swap3A_847 = vector.shape_cast %broadcast_in_dim3A_842 : vector<16xf32> to vector<1x16xf32>
        tpu.vector_store %arg8[%swap3A_843, %swap3A_844], %swap3A_847 {strides = array<i32>} : memref<80x384xf32, #tpu.memory_space<vmem>>, vector<1x16xf32>,
        %broadcast_in_dim3A_848 = arith.constant 0.000000e+00 : f32
        %broadcast_in_dim3A_849 = vector.broadcast %broadcast_in_dim3A_848 : f32 to vector<16xf32>
        %swap3A_850 = arith.index_cast %while3A_770 : i32 to index
        %swap3A_851 = arith.constant 176 : index
        %swap3A_852 = tpu.vector_load %arg8[%swap3A_850, %swap3A_851] {strides = array<i32>} : memref<80x384xf32, #tpu.memory_space<vmem>>, vector<1x16xf32>,
        %swap3A_853 = vector.shape_cast %swap3A_852 : vector<1x16xf32> to vector<16xf32>
        %swap3A_854 = vector.shape_cast %broadcast_in_dim3A_849 : vector<16xf32> to vector<1x16xf32>
        tpu.vector_store %arg8[%swap3A_850, %swap3A_851], %swap3A_854 {strides = array<i32>} : memref<80x384xf32, #tpu.memory_space<vmem>>, vector<1x16xf32>,
        %broadcast_in_dim3A_855 = arith.constant 0.000000e+00 : f32
        %broadcast_in_dim3A_856 = vector.broadcast %broadcast_in_dim3A_855 : f32 to vector<16xf32>
        %swap3A_857 = arith.index_cast %while3A_770 : i32 to index
        %swap3A_858 = arith.constant 192 : index
        %swap3A_859 = tpu.vector_load %arg8[%swap3A_857, %swap3A_858] {strides = array<i32>} : memref<80x384xf32, #tpu.memory_space<vmem>>, vector<1x16xf32>,
        %swap3A_860 = vector.shape_cast %swap3A_859 : vector<1x16xf32> to vector<16xf32>
        %swap3A_861 = vector.shape_cast %broadcast_in_dim3A_856 : vector<16xf32> to vector<1x16xf32>
        tpu.vector_store %arg8[%swap3A_857, %swap3A_858], %swap3A_861 {strides = array<i32>} : memref<80x384xf32, #tpu.memory_space<vmem>>, vector<1x16xf32>,
        %broadcast_in_dim3A_862 = arith.constant 0.000000e+00 : f32
        %broadcast_in_dim3A_863 = vector.broadcast %broadcast_in_dim3A_862 : f32 to vector<16xf32>
        %swap3A_864 = arith.index_cast %while3A_770 : i32 to index
        %swap3A_865 = arith.constant 208 : index
        %swap3A_866 = tpu.vector_load %arg8[%swap3A_864, %swap3A_865] {strides = array<i32>} : memref<80x384xf32, #tpu.memory_space<vmem>>, vector<1x16xf32>,
        %swap3A_867 = vector.shape_cast %swap3A_866 : vector<1x16xf32> to vector<16xf32>
        %swap3A_868 = vector.shape_cast %broadcast_in_dim3A_863 : vector<16xf32> to vector<1x16xf32>
        tpu.vector_store %arg8[%swap3A_864, %swap3A_865], %swap3A_868 {strides = array<i32>} : memref<80x384xf32, #tpu.memory_space<vmem>>, vector<1x16xf32>,
        %broadcast_in_dim3A_869 = arith.constant 0.000000e+00 : f32
        %broadcast_in_dim3A_870 = vector.broadcast %broadcast_in_dim3A_869 : f32 to vector<16xf32>
        %swap3A_871 = arith.index_cast %while3A_770 : i32 to index
        %swap3A_872 = arith.constant 224 : index
        %swap3A_873 = tpu.vector_load %arg8[%swap3A_871, %swap3A_872] {strides = array<i32>} : memref<80x384xf32, #tpu.memory_space<vmem>>, vector<1x16xf32>,
        %swap3A_874 = vector.shape_cast %swap3A_873 : vector<1x16xf32> to vector<16xf32>
        %swap3A_875 = vector.shape_cast %broadcast_in_dim3A_870 : vector<16xf32> to vector<1x16xf32>
        tpu.vector_store %arg8[%swap3A_871, %swap3A_872], %swap3A_875 {strides = array<i32>} : memref<80x384xf32, #tpu.memory_space<vmem>>, vector<1x16xf32>,
        %broadcast_in_dim3A_876 = arith.constant 0.000000e+00 : f32
        %broadcast_in_dim3A_877 = vector.broadcast %broadcast_in_dim3A_876 : f32 to vector<16xf32>
        %swap3A_878 = arith.index_cast %while3A_770 : i32 to index
        %swap3A_879 = arith.constant 240 : index
        %swap3A_880 = tpu.vector_load %arg8[%swap3A_878, %swap3A_879] {strides = array<i32>} : memref<80x384xf32, #tpu.memory_space<vmem>>, vector<1x16xf32>,
        %swap3A_881 = vector.shape_cast %swap3A_880 : vector<1x16xf32> to vector<16xf32>
        %swap3A_882 = vector.shape_cast %broadcast_in_dim3A_877 : vector<16xf32> to vector<1x16xf32>
        tpu.vector_store %arg8[%swap3A_878, %swap3A_879], %swap3A_882 {strides = array<i32>} : memref<80x384xf32, #tpu.memory_space<vmem>>, vector<1x16xf32>,
        %broadcast_in_dim3A_883 = arith.constant 0.000000e+00 : f32
        %broadcast_in_dim3A_884 = vector.broadcast %broadcast_in_dim3A_883 : f32 to vector<16xf32>
        %swap3A_885 = arith.index_cast %while3A_770 : i32 to index
        %swap3A_886 = arith.constant 256 : index
        %swap3A_887 = tpu.vector_load %arg8[%swap3A_885, %swap3A_886] {strides = array<i32>} : memref<80x384xf32, #tpu.memory_space<vmem>>, vector<1x16xf32>,
        %swap3A_888 = vector.shape_cast %swap3A_887 : vector<1x16xf32> to vector<16xf32>
        %swap3A_889 = vector.shape_cast %broadcast_in_dim3A_884 : vector<16xf32> to vector<1x16xf32>
        tpu.vector_store %arg8[%swap3A_885, %swap3A_886], %swap3A_889 {strides = array<i32>} : memref<80x384xf32, #tpu.memory_space<vmem>>, vector<1x16xf32>,
        %broadcast_in_dim3A_890 = arith.constant 0.000000e+00 : f32
        %broadcast_in_dim3A_891 = vector.broadcast %broadcast_in_dim3A_890 : f32 to vector<16xf32>
        %swap3A_892 = arith.index_cast %while3A_770 : i32 to index
        %swap3A_893 = arith.constant 272 : index
        %swap3A_894 = tpu.vector_load %arg8[%swap3A_892, %swap3A_893] {strides = array<i32>} : memref<80x384xf32, #tpu.memory_space<vmem>>, vector<1x16xf32>,
        %swap3A_895 = vector.shape_cast %swap3A_894 : vector<1x16xf32> to vector<16xf32>
        %swap3A_896 = vector.shape_cast %broadcast_in_dim3A_891 : vector<16xf32> to vector<1x16xf32>
        tpu.vector_store %arg8[%swap3A_892, %swap3A_893], %swap3A_896 {strides = array<i32>} : memref<80x384xf32, #tpu.memory_space<vmem>>, vector<1x16xf32>,
        %broadcast_in_dim3A_897 = arith.constant 0.000000e+00 : f32
        %broadcast_in_dim3A_898 = vector.broadcast %broadcast_in_dim3A_897 : f32 to vector<16xf32>
        %swap3A_899 = arith.index_cast %while3A_770 : i32 to index
        %swap3A_900 = arith.constant 288 : index
        %swap3A_901 = tpu.vector_load %arg8[%swap3A_899, %swap3A_900] {strides = array<i32>} : memref<80x384xf32, #tpu.memory_space<vmem>>, vector<1x16xf32>,
        %swap3A_902 = vector.shape_cast %swap3A_901 : vector<1x16xf32> to vector<16xf32>
        %swap3A_903 = vector.shape_cast %broadcast_in_dim3A_898 : vector<16xf32> to vector<1x16xf32>
        tpu.vector_store %arg8[%swap3A_899, %swap3A_900], %swap3A_903 {strides = array<i32>} : memref<80x384xf32, #tpu.memory_space<vmem>>, vector<1x16xf32>,
        %broadcast_in_dim3A_904 = arith.constant 0.000000e+00 : f32
        %broadcast_in_dim3A_905 = vector.broadcast %broadcast_in_dim3A_904 : f32 to vector<16xf32>
        %swap3A_906 = arith.index_cast %while3A_770 : i32 to index
        %swap3A_907 = arith.constant 304 : index
        %swap3A_908 = tpu.vector_load %arg8[%swap3A_906, %swap3A_907] {strides = array<i32>} : memref<80x384xf32, #tpu.memory_space<vmem>>, vector<1x16xf32>,
        %swap3A_909 = vector.shape_cast %swap3A_908 : vector<1x16xf32> to vector<16xf32>
        %swap3A_910 = vector.shape_cast %broadcast_in_dim3A_905 : vector<16xf32> to vector<1x16xf32>
        tpu.vector_store %arg8[%swap3A_906, %swap3A_907], %swap3A_910 {strides = array<i32>} : memref<80x384xf32, #tpu.memory_space<vmem>>, vector<1x16xf32>,
        %broadcast_in_dim3A_911 = arith.constant 0.000000e+00 : f32
        %broadcast_in_dim3A_912 = vector.broadcast %broadcast_in_dim3A_911 : f32 to vector<16xf32>
        %swap3A_913 = arith.index_cast %while3A_770 : i32 to index
        %swap3A_914 = arith.constant 320 : index
        %swap3A_915 = tpu.vector_load %arg8[%swap3A_913, %swap3A_914] {strides = array<i32>} : memref<80x384xf32, #tpu.memory_space<vmem>>, vector<1x16xf32>,
        %swap3A_916 = vector.shape_cast %swap3A_915 : vector<1x16xf32> to vector<16xf32>
        %swap3A_917 = vector.shape_cast %broadcast_in_dim3A_912 : vector<16xf32> to vector<1x16xf32>
        tpu.vector_store %arg8[%swap3A_913, %swap3A_914], %swap3A_917 {strides = array<i32>} : memref<80x384xf32, #tpu.memory_space<vmem>>, vector<1x16xf32>,
        %broadcast_in_dim3A_918 = arith.constant 0.000000e+00 : f32
        %broadcast_in_dim3A_919 = vector.broadcast %broadcast_in_dim3A_918 : f32 to vector<16xf32>
        %swap3A_920 = arith.index_cast %while3A_770 : i32 to index
        %swap3A_921 = arith.constant 336 : index
        %swap3A_922 = tpu.vector_load %arg8[%swap3A_920, %swap3A_921] {strides = array<i32>} : memref<80x384xf32, #tpu.memory_space<vmem>>, vector<1x16xf32>,
        %swap3A_923 = vector.shape_cast %swap3A_922 : vector<1x16xf32> to vector<16xf32>
        %swap3A_924 = vector.shape_cast %broadcast_in_dim3A_919 : vector<16xf32> to vector<1x16xf32>
        tpu.vector_store %arg8[%swap3A_920, %swap3A_921], %swap3A_924 {strides = array<i32>} : memref<80x384xf32, #tpu.memory_space<vmem>>, vector<1x16xf32>,
        %broadcast_in_dim3A_925 = arith.constant 0.000000e+00 : f32
        %broadcast_in_dim3A_926 = vector.broadcast %broadcast_in_dim3A_925 : f32 to vector<16xf32>
        %swap3A_927 = arith.index_cast %while3A_770 : i32 to index
        %swap3A_928 = arith.constant 352 : index
        %swap3A_929 = tpu.vector_load %arg8[%swap3A_927, %swap3A_928] {strides = array<i32>} : memref<80x384xf32, #tpu.memory_space<vmem>>, vector<1x16xf32>,
        %swap3A_930 = vector.shape_cast %swap3A_929 : vector<1x16xf32> to vector<16xf32>
        %swap3A_931 = vector.shape_cast %broadcast_in_dim3A_926 : vector<16xf32> to vector<1x16xf32>
        tpu.vector_store %arg8[%swap3A_927, %swap3A_928], %swap3A_931 {strides = array<i32>} : memref<80x384xf32, #tpu.memory_space<vmem>>, vector<1x16xf32>,
        %broadcast_in_dim3A_932 = arith.constant 0.000000e+00 : f32
        %broadcast_in_dim3A_933 = vector.broadcast %broadcast_in_dim3A_932 : f32 to vector<16xf32>
        %swap3A_934 = arith.index_cast %while3A_770 : i32 to index
        %swap3A_935 = arith.constant 368 : index
        %swap3A_936 = tpu.vector_load %arg8[%swap3A_934, %swap3A_935] {strides = array<i32>} : memref<80x384xf32, #tpu.memory_space<vmem>>, vector<1x16xf32>,
        %swap3A_937 = vector.shape_cast %swap3A_936 : vector<1x16xf32> to vector<16xf32>
        %swap3A_938 = vector.shape_cast %broadcast_in_dim3A_933 : vector<16xf32> to vector<1x16xf32>
        tpu.vector_store %arg8[%swap3A_934, %swap3A_935], %swap3A_938 {strides = array<i32>} : memref<80x384xf32, #tpu.memory_space<vmem>>, vector<1x16xf32>,
      }
      %while3A_769 = arith.constant 1 : i32
      scf.for %while3A_770 = %while3A_767 to %while3A_763 step %while3A_769  : i32 {
        %broadcast_in_dim3A_771 = arith.constant 0.000000e+00 : f32
        %broadcast_in_dim3A_772 = vector.broadcast %broadcast_in_dim3A_771 : f32 to vector<16xf32>
        %swap3A_773 = arith.index_cast %while3A_770 : i32 to index
        %swap3A_774 = arith.constant 0 : index
        %swap3A_775 = tpu.vector_load %arg8[%swap3A_773, %swap3A_774] {strides = array<i32>} : memref<80x384xf32, #tpu.memory_space<vmem>>, vector<1x16xf32>,
        %swap3A_776 = vector.shape_cast %swap3A_775 : vector<1x16xf32> to vector<16xf32>
        %swap3A_777 = vector.shape_cast %broadcast_in_dim3A_772 : vector<16xf32> to vector<1x16xf32>
        tpu.vector_store %arg8[%swap3A_773, %swap3A_774], %swap3A_777 {strides = array<i32>} : memref<80x384xf32, #tpu.memory_space<vmem>>, vector<1x16xf32>,
        %broadcast_in_dim3A_778 = arith.constant 0.000000e+00 : f32
        %broadcast_in_dim3A_779 = vector.broadcast %broadcast_in_dim3A_778 : f32 to vector<16xf32>
        %swap3A_780 = arith.index_cast %while3A_770 : i32 to index
        %swap3A_781 = arith.constant 16 : index
        %swap3A_782 = tpu.vector_load %arg8[%swap3A_780, %swap3A_781] {strides = array<i32>} : memref<80x384xf32, #tpu.memory_space<vmem>>, vector<1x16xf32>,
        %swap3A_783 = vector.shape_cast %swap3A_782 : vector<1x16xf32> to vector<16xf32>
        %swap3A_784 = vector.shape_cast %broadcast_in_dim3A_779 : vector<16xf32> to vector<1x16xf32>
        tpu.vector_store %arg8[%swap3A_780, %swap3A_781], %swap3A_784 {strides = array<i32>} : memref<80x384xf32, #tpu.memory_space<vmem>>, vector<1x16xf32>,
        %broadcast_in_dim3A_785 = arith.constant 0.000000e+00 : f32
        %broadcast_in_dim3A_786 = vector.broadcast %broadcast_in_dim3A_785 : f32 to vector<16xf32>
        %swap3A_787 = arith.index_cast %while3A_770 : i32 to index
        %swap3A_788 = arith.constant 32 : index
        %swap3A_789 = tpu.vector_load %arg8[%swap3A_787, %swap3A_788] {strides = array<i32>} : memref<80x384xf32, #tpu.memory_space<vmem>>, vector<1x16xf32>,
        %swap3A_790 = vector.shape_cast %swap3A_789 : vector<1x16xf32> to vector<16xf32>
        %swap3A_791 = vector.shape_cast %broadcast_in_dim3A_786 : vector<16xf32> to vector<1x16xf32>
        tpu.vector_store %arg8[%swap3A_787, %swap3A_788], %swap3A_791 {strides = array<i32>} : memref<80x384xf32, #tpu.memory_space<vmem>>, vector<1x16xf32>,
        %broadcast_in_dim3A_792 = arith.constant 0.000000e+00 : f32
        %broadcast_in_dim3A_793 = vector.broadcast %broadcast_in_dim3A_792 : f32 to vector<16xf32>
        %swap3A_794 = arith.index_cast %while3A_770 : i32 to index
        %swap3A_795 = arith.constant 48 : index
        %swap3A_796 = tpu.vector_load %arg8[%swap3A_794, %swap3A_795] {strides = array<i32>} : memref<80x384xf32, #tpu.memory_space<vmem>>, vector<1x16xf32>,
        %swap3A_797 = vector.shape_cast %swap3A_796 : vector<1x16xf32> to vector<16xf32>
        %swap3A_798 = vector.shape_cast %broadcast_in_dim3A_793 : vector<16xf32> to vector<1x16xf32>
        tpu.vector_store %arg8[%swap3A_794, %swap3A_795], %swap3A_798 {strides = array<i32>} : memref<80x384xf32, #tpu.memory_space<vmem>>, vector<1x16xf32>,
        %broadcast_in_dim3A_799 = arith.constant 0.000000e+00 : f32
        %broadcast_in_dim3A_800 = vector.broadcast %broadcast_in_dim3A_799 : f32 to vector<16xf32>
        %swap3A_801 = arith.index_cast %while3A_770 : i32 to index
        %swap3A_802 = arith.constant 64 : index
        %swap3A_803 = tpu.vector_load %arg8[%swap3A_801, %swap3A_802] {strides = array<i32>} : memref<80x384xf32, #tpu.memory_space<vmem>>, vector<1x16xf32>,
        %swap3A_804 = vector.shape_cast %swap3A_803 : vector<1x16xf32> to vector<16xf32>
        %swap3A_805 = vector.shape_cast %broadcast_in_dim3A_800 : vector<16xf32> to vector<1x16xf32>
        tpu.vector_store %arg8[%swap3A_801, %swap3A_802], %swap3A_805 {strides = array<i32>} : memref<80x384xf32, #tpu.memory_space<vmem>>, vector<1x16xf32>,
        %broadcast_in_dim3A_806 = arith.constant 0.000000e+00 : f32
        %broadcast_in_dim3A_807 = vector.broadcast %broadcast_in_dim3A_806 : f32 to vector<16xf32>
        %swap3A_808 = arith.index_cast %while3A_770 : i32 to index
        %swap3A_809 = arith.constant 80 : index
        %swap3A_810 = tpu.vector_load %arg8[%swap3A_808, %swap3A_809] {strides = array<i32>} : memref<80x384xf32, #tpu.memory_space<vmem>>, vector<1x16xf32>,
        %swap3A_811 = vector.shape_cast %swap3A_810 : vector<1x16xf32> to vector<16xf32>
        %swap3A_812 = vector.shape_cast %broadcast_in_dim3A_807 : vector<16xf32> to vector<1x16xf32>
        tpu.vector_store %arg8[%swap3A_808, %swap3A_809], %swap3A_812 {strides = array<i32>} : memref<80x384xf32, #tpu.memory_space<vmem>>, vector<1x16xf32>,
        %broadcast_in_dim3A_813 = arith.constant 0.000000e+00 : f32
        %broadcast_in_dim3A_814 = vector.broadcast %broadcast_in_dim3A_813 : f32 to vector<16xf32>
        %swap3A_815 = arith.index_cast %while3A_770 : i32 to index
        %swap3A_816 = arith.constant 96 : index
        %swap3A_817 = tpu.vector_load %arg8[%swap3A_815, %swap3A_816] {strides = array<i32>} : memref<80x384xf32, #tpu.memory_space<vmem>>, vector<1x16xf32>,
        %swap3A_818 = vector.shape_cast %swap3A_817 : vector<1x16xf32> to vector<16xf32>
        %swap3A_819 = vector.shape_cast %broadcast_in_dim3A_814 : vector<16xf32> to vector<1x16xf32>
        tpu.vector_store %arg8[%swap3A_815, %swap3A_816], %swap3A_819 {strides = array<i32>} : memref<80x384xf32, #tpu.memory_space<vmem>>, vector<1x16xf32>,
        %broadcast_in_dim3A_820 = arith.constant 0.000000e+00 : f32
        %broadcast_in_dim3A_821 = vector.broadcast %broadcast_in_dim3A_820 : f32 to vector<16xf32>
        %swap3A_822 = arith.index_cast %while3A_770 : i32 to index
        %swap3A_823 = arith.constant 112 : index
        %swap3A_824 = tpu.vector_load %arg8[%swap3A_822, %swap3A_823] {strides = array<i32>} : memref<80x384xf32, #tpu.memory_space<vmem>>, vector<1x16xf32>,
        %swap3A_825 = vector.shape_cast %swap3A_824 : vector<1x16xf32> to vector<16xf32>
        %swap3A_826 = vector.shape_cast %broadcast_in_dim3A_821 : vector<16xf32> to vector<1x16xf32>
        tpu.vector_store %arg8[%swap3A_822, %swap3A_823], %swap3A_826 {strides = array<i32>} : memref<80x384xf32, #tpu.memory_space<vmem>>, vector<1x16xf32>,
        %broadcast_in_dim3A_827 = arith.constant 0.000000e+00 : f32
        %broadcast_in_dim3A_828 = vector.broadcast %broadcast_in_dim3A_827 : f32 to vector<16xf32>
        %swap3A_829 = arith.index_cast %while3A_770 : i32 to index
        %swap3A_830 = arith.constant 128 : index
        %swap3A_831 = tpu.vector_load %arg8[%swap3A_829, %swap3A_830] {strides = array<i32>} : memref<80x384xf32, #tpu.memory_space<vmem>>, vector<1x16xf32>,
        %swap3A_832 = vector.shape_cast %swap3A_831 : vector<1x16xf32> to vector<16xf32>
        %swap3A_833 = vector.shape_cast %broadcast_in_dim3A_828 : vector<16xf32> to vector<1x16xf32>
        tpu.vector_store %arg8[%swap3A_829, %swap3A_830], %swap3A_833 {strides = array<i32>} : memref<80x384xf32, #tpu.memory_space<vmem>>, vector<1x16xf32>,
        %broadcast_in_dim3A_834 = arith.constant 0.000000e+00 : f32
        %broadcast_in_dim3A_835 = vector.broadcast %broadcast_in_dim3A_834 : f32 to vector<16xf32>
        %swap3A_836 = arith.index_cast %while3A_770 : i32 to index
        %swap3A_837 = arith.constant 144 : index
        %swap3A_838 = tpu.vector_load %arg8[%swap3A_836, %swap3A_837] {strides = array<i32>} : memref<80x384xf32, #tpu.memory_space<vmem>>, vector<1x16xf32>,
        %swap3A_839 = vector.shape_cast %swap3A_838 : vector<1x16xf32> to vector<16xf32>
        %swap3A_840 = vector.shape_cast %broadcast_in_dim3A_835 : vector<16xf32> to vector<1x16xf32>
        tpu.vector_store %arg8[%swap3A_836, %swap3A_837], %swap3A_840 {strides = array<i32>} : memref<80x384xf32, #tpu.memory_space<vmem>>, vector<1x16xf32>,
        %broadcast_in_dim3A_841 = arith.constant 0.000000e+00 : f32
        %broadcast_in_dim3A_842 = vector.broadcast %broadcast_in_dim3A_841 : f32 to vector<16xf32>
        %swap3A_843 = arith.index_cast %while3A_770 : i32 to index
        %swap3A_844 = arith.constant 160 : index
        %swap3A_845 = tpu.vector_load %arg8[%swap3A_843, %swap3A_844] {strides = array<i32>} : memref<80x384xf32, #tpu.memory_space<vmem>>, vector<1x16xf32>,
        %swap3A_846 = vector.shape_cast %swap3A_845 : vector<1x16xf32> to vector<16xf32>
        %swap3A_847 = vector.shape_cast %broadcast_in_dim3A_842 : vector<16xf32> to vector<1x16xf32>
        tpu.vector_store %arg8[%swap3A_843, %swap3A_844], %swap3A_847 {strides = array<i32>} : memref<80x384xf32, #tpu.memory_space<vmem>>, vector<1x16xf32>,
        %broadcast_in_dim3A_848 = arith.constant 0.000000e+00 : f32
        %broadcast_in_dim3A_849 = vector.broadcast %broadcast_in_dim3A_848 : f32 to vector<16xf32>
        %swap3A_850 = arith.index_cast %while3A_770 : i32 to index
        %swap3A_851 = arith.constant 176 : index
        %swap3A_852 = tpu.vector_load %arg8[%swap3A_850, %swap3A_851] {strides = array<i32>} : memref<80x384xf32, #tpu.memory_space<vmem>>, vector<1x16xf32>,
        %swap3A_853 = vector.shape_cast %swap3A_852 : vector<1x16xf32> to vector<16xf32>
        %swap3A_854 = vector.shape_cast %broadcast_in_dim3A_849 : vector<16xf32> to vector<1x16xf32>
        tpu.vector_store %arg8[%swap3A_850, %swap3A_851], %swap3A_854 {strides = array<i32>} : memref<80x384xf32, #tpu.memory_space<vmem>>, vector<1x16xf32>,
        %broadcast_in_dim3A_855 = arith.constant 0.000000e+00 : f32
        %broadcast_in_dim3A_856 = vector.broadcast %broadcast_in_dim3A_855 : f32 to vector<16xf32>
        %swap3A_857 = arith.index_cast %while3A_770 : i32 to index
        %swap3A_858 = arith.constant 192 : index
        %swap3A_859 = tpu.vector_load %arg8[%swap3A_857, %swap3A_858] {strides = array<i32>} : memref<80x384xf32, #tpu.memory_space<vmem>>, vector<1x16xf32>,
        %swap3A_860 = vector.shape_cast %swap3A_859 : vector<1x16xf32> to vector<16xf32>
        %swap3A_861 = vector.shape_cast %broadcast_in_dim3A_856 : vector<16xf32> to vector<1x16xf32>
        tpu.vector_store %arg8[%swap3A_857, %swap3A_858], %swap3A_861 {strides = array<i32>} : memref<80x384xf32, #tpu.memory_space<vmem>>, vector<1x16xf32>,
        %broadcast_in_dim3A_862 = arith.constant 0.000000e+00 : f32
        %broadcast_in_dim3A_863 = vector.broadcast %broadcast_in_dim3A_862 : f32 to vector<16xf32>
        %swap3A_864 = arith.index_cast %while3A_770 : i32 to index
        %swap3A_865 = arith.constant 208 : index
        %swap3A_866 = tpu.vector_load %arg8[%swap3A_864, %swap3A_865] {strides = array<i32>} : memref<80x384xf32, #tpu.memory_space<vmem>>, vector<1x16xf32>,
        %swap3A_867 = vector.shape_cast %swap3A_866 : vector<1x16xf32> to vector<16xf32>
        %swap3A_868 = vector.shape_cast %broadcast_in_dim3A_863 : vector<16xf32> to vector<1x16xf32>
        tpu.vector_store %arg8[%swap3A_864, %swap3A_865], %swap3A_868 {strides = array<i32>} : memref<80x384xf32, #tpu.memory_space<vmem>>, vector<1x16xf32>,
        %broadcast_in_dim3A_869 = arith.constant 0.000000e+00 : f32
        %broadcast_in_dim3A_870 = vector.broadcast %broadcast_in_dim3A_869 : f32 to vector<16xf32>
        %swap3A_871 = arith.index_cast %while3A_770 : i32 to index
        %swap3A_872 = arith.constant 224 : index
        %swap3A_873 = tpu.vector_load %arg8[%swap3A_871, %swap3A_872] {strides = array<i32>} : memref<80x384xf32, #tpu.memory_space<vmem>>, vector<1x16xf32>,
        %swap3A_874 = vector.shape_cast %swap3A_873 : vector<1x16xf32> to vector<16xf32>
        %swap3A_875 = vector.shape_cast %broadcast_in_dim3A_870 : vector<16xf32> to vector<1x16xf32>
        tpu.vector_store %arg8[%swap3A_871, %swap3A_872], %swap3A_875 {strides = array<i32>} : memref<80x384xf32, #tpu.memory_space<vmem>>, vector<1x16xf32>,
        %broadcast_in_dim3A_876 = arith.constant 0.000000e+00 : f32
        %broadcast_in_dim3A_877 = vector.broadcast %broadcast_in_dim3A_876 : f32 to vector<16xf32>
        %swap3A_878 = arith.index_cast %while3A_770 : i32 to index
        %swap3A_879 = arith.constant 240 : index
        %swap3A_880 = tpu.vector_load %arg8[%swap3A_878, %swap3A_879] {strides = array<i32>} : memref<80x384xf32, #tpu.memory_space<vmem>>, vector<1x16xf32>,
        %swap3A_881 = vector.shape_cast %swap3A_880 : vector<1x16xf32> to vector<16xf32>
        %swap3A_882 = vector.shape_cast %broadcast_in_dim3A_877 : vector<16xf32> to vector<1x16xf32>
        tpu.vector_store %arg8[%swap3A_878, %swap3A_879], %swap3A_882 {strides = array<i32>} : memref<80x384xf32, #tpu.memory_space<vmem>>, vector<1x16xf32>,
        %broadcast_in_dim3A_883 = arith.constant 0.000000e+00 : f32
        %broadcast_in_dim3A_884 = vector.broadcast %broadcast_in_dim3A_883 : f32 to vector<16xf32>
        %swap3A_885 = arith.index_cast %while3A_770 : i32 to index
        %swap3A_886 = arith.constant 256 : index
        %swap3A_887 = tpu.vector_load %arg8[%swap3A_885, %swap3A_886] {strides = array<i32>} : memref<80x384xf32, #tpu.memory_space<vmem>>, vector<1x16xf32>,
        %swap3A_888 = vector.shape_cast %swap3A_887 : vector<1x16xf32> to vector<16xf32>
        %swap3A_889 = vector.shape_cast %broadcast_in_dim3A_884 : vector<16xf32> to vector<1x16xf32>
        tpu.vector_store %arg8[%swap3A_885, %swap3A_886], %swap3A_889 {strides = array<i32>} : memref<80x384xf32, #tpu.memory_space<vmem>>, vector<1x16xf32>,
        %broadcast_in_dim3A_890 = arith.constant 0.000000e+00 : f32
        %broadcast_in_dim3A_891 = vector.broadcast %broadcast_in_dim3A_890 : f32 to vector<16xf32>
        %swap3A_892 = arith.index_cast %while3A_770 : i32 to index
        %swap3A_893 = arith.constant 272 : index
        %swap3A_894 = tpu.vector_load %arg8[%swap3A_892, %swap3A_893] {strides = array<i32>} : memref<80x384xf32, #tpu.memory_space<vmem>>, vector<1x16xf32>,
        %swap3A_895 = vector.shape_cast %swap3A_894 : vector<1x16xf32> to vector<16xf32>
        %swap3A_896 = vector.shape_cast %broadcast_in_dim3A_891 : vector<16xf32> to vector<1x16xf32>
        tpu.vector_store %arg8[%swap3A_892, %swap3A_893], %swap3A_896 {strides = array<i32>} : memref<80x384xf32, #tpu.memory_space<vmem>>, vector<1x16xf32>,
        %broadcast_in_dim3A_897 = arith.constant 0.000000e+00 : f32
        %broadcast_in_dim3A_898 = vector.broadcast %broadcast_in_dim3A_897 : f32 to vector<16xf32>
        %swap3A_899 = arith.index_cast %while3A_770 : i32 to index
        %swap3A_900 = arith.constant 288 : index
        %swap3A_901 = tpu.vector_load %arg8[%swap3A_899, %swap3A_900] {strides = array<i32>} : memref<80x384xf32, #tpu.memory_space<vmem>>, vector<1x16xf32>,
        %swap3A_902 = vector.shape_cast %swap3A_901 : vector<1x16xf32> to vector<16xf32>
        %swap3A_903 = vector.shape_cast %broadcast_in_dim3A_898 : vector<16xf32> to vector<1x16xf32>
        tpu.vector_store %arg8[%swap3A_899, %swap3A_900], %swap3A_903 {strides = array<i32>} : memref<80x384xf32, #tpu.memory_space<vmem>>, vector<1x16xf32>,
        %broadcast_in_dim3A_904 = arith.constant 0.000000e+00 : f32
        %broadcast_in_dim3A_905 = vector.broadcast %broadcast_in_dim3A_904 : f32 to vector<16xf32>
        %swap3A_906 = arith.index_cast %while3A_770 : i32 to index
        %swap3A_907 = arith.constant 304 : index
        %swap3A_908 = tpu.vector_load %arg8[%swap3A_906, %swap3A_907] {strides = array<i32>} : memref<80x384xf32, #tpu.memory_space<vmem>>, vector<1x16xf32>,
        %swap3A_909 = vector.shape_cast %swap3A_908 : vector<1x16xf32> to vector<16xf32>
        %swap3A_910 = vector.shape_cast %broadcast_in_dim3A_905 : vector<16xf32> to vector<1x16xf32>
        tpu.vector_store %arg8[%swap3A_906, %swap3A_907], %swap3A_910 {strides = array<i32>} : memref<80x384xf32, #tpu.memory_space<vmem>>, vector<1x16xf32>,
        %broadcast_in_dim3A_911 = arith.constant 0.000000e+00 : f32
        %broadcast_in_dim3A_912 = vector.broadcast %broadcast_in_dim3A_911 : f32 to vector<16xf32>
        %swap3A_913 = arith.index_cast %while3A_770 : i32 to index
        %swap3A_914 = arith.constant 320 : index
        %swap3A_915 = tpu.vector_load %arg8[%swap3A_913, %swap3A_914] {strides = array<i32>} : memref<80x384xf32, #tpu.memory_space<vmem>>, vector<1x16xf32>,
        %swap3A_916 = vector.shape_cast %swap3A_915 : vector<1x16xf32> to vector<16xf32>
        %swap3A_917 = vector.shape_cast %broadcast_in_dim3A_912 : vector<16xf32> to vector<1x16xf32>
        tpu.vector_store %arg8[%swap3A_913, %swap3A_914], %swap3A_917 {strides = array<i32>} : memref<80x384xf32, #tpu.memory_space<vmem>>, vector<1x16xf32>,
        %broadcast_in_dim3A_918 = arith.constant 0.000000e+00 : f32
        %broadcast_in_dim3A_919 = vector.broadcast %broadcast_in_dim3A_918 : f32 to vector<16xf32>
        %swap3A_920 = arith.index_cast %while3A_770 : i32 to index
        %swap3A_921 = arith.constant 336 : index
        %swap3A_922 = tpu.vector_load %arg8[%swap3A_920, %swap3A_921] {strides = array<i32>} : memref<80x384xf32, #tpu.memory_space<vmem>>, vector<1x16xf32>,
        %swap3A_923 = vector.shape_cast %swap3A_922 : vector<1x16xf32> to vector<16xf32>
        %swap3A_924 = vector.shape_cast %broadcast_in_dim3A_919 : vector<16xf32> to vector<1x16xf32>
        tpu.vector_store %arg8[%swap3A_920, %swap3A_921], %swap3A_924 {strides = array<i32>} : memref<80x384xf32, #tpu.memory_space<vmem>>, vector<1x16xf32>,
        %broadcast_in_dim3A_925 = arith.constant 0.000000e+00 : f32
        %broadcast_in_dim3A_926 = vector.broadcast %broadcast_in_dim3A_925 : f32 to vector<16xf32>
        %swap3A_927 = arith.index_cast %while3A_770 : i32 to index
        %swap3A_928 = arith.constant 352 : index
        %swap3A_929 = tpu.vector_load %arg8[%swap3A_927, %swap3A_928] {strides = array<i32>} : memref<80x384xf32, #tpu.memory_space<vmem>>, vector<1x16xf32>,
        %swap3A_930 = vector.shape_cast %swap3A_929 : vector<1x16xf32> to vector<16xf32>
        %swap3A_931 = vector.shape_cast %broadcast_in_dim3A_926 : vector<16xf32> to vector<1x16xf32>
        tpu.vector_store %arg8[%swap3A_927, %swap3A_928], %swap3A_931 {strides = array<i32>} : memref<80x384xf32, #tpu.memory_space<vmem>>, vector<1x16xf32>,
        %broadcast_in_dim3A_932 = arith.constant 0.000000e+00 : f32
        %broadcast_in_dim3A_933 = vector.broadcast %broadcast_in_dim3A_932 : f32 to vector<16xf32>
        %swap3A_934 = arith.index_cast %while3A_770 : i32 to index
        %swap3A_935 = arith.constant 368 : index
        %swap3A_936 = tpu.vector_load %arg8[%swap3A_934, %swap3A_935] {strides = array<i32>} : memref<80x384xf32, #tpu.memory_space<vmem>>, vector<1x16xf32>,
        %swap3A_937 = vector.shape_cast %swap3A_936 : vector<1x16xf32> to vector<16xf32>
        %swap3A_938 = vector.shape_cast %broadcast_in_dim3A_933 : vector<16xf32> to vector<1x16xf32>
        tpu.vector_store %arg8[%swap3A_934, %swap3A_935], %swap3A_938 {strides = array<i32>} : memref<80x384xf32, #tpu.memory_space<vmem>>, vector<1x16xf32>,
      }
    } else {
    }
    %add3A_731 = arith.constant 240 : i32
    %add3A_732 = arith.addi %mul3A_2, %add3A_731 : i32
    %dma_start3A_733 = arith.constant 0 : i32
    %dma_start3A_734 = tpu.memref_slice %arg4[%add3A_732, %dma_start3A_733] : memref<12800x384xf32, #tpu.memory_space<hbm>> -> memref<80x384xf32, #tpu.memory_space<hbm>>
    %dma_start3A_735 = arith.constant 0 : i32
    %dma_start3A_736 = tpu.memref_slice %arg4[%add3A_732, %dma_start3A_735] : memref<12800x384xf32, #tpu.memory_space<hbm>> -> memref<80x384xf32, #tpu.memory_space<hbm>>
    tpu.enqueue_dma source(%arg8 : memref<80x384xf32, #tpu.memory_space<vmem>>) target(%dma_start3A_736 : memref<80x384xf32, #tpu.memory_space<hbm>>) target_semaphore(%arg12 : memref<!tpu.dma_semaphore, #tpu.memory_space<semaphore_mem>>)
    %dma_wait3A_737 = arith.constant 320 : i32
    %dma_wait3A_738 = tpu.memref_slice %arg6[%dma_wait3A_737] : memref<400xi32, #tpu.memory_space<vmem>> -> memref<80xi32, #tpu.memory_space<vmem>>
    %dma_wait3A_739 = arith.constant 0 : i32
    %dma_wait3A_740 = arith.constant 0 : i32
    %dma_wait3A_741 = tpu.memref_slice %arg2[%dma_wait3A_739, %dma_wait3A_740] : memref<4096x384xf32, #tpu.memory_space<hbm>> -> memref<4096x384xf32, #tpu.memory_space<hbm>>
    tpu.wait_indirect_dma semaphore(%arg9 : memref<!tpu.dma_semaphore, #tpu.memory_space<semaphore_mem>>) src(%dma_wait3A_741 : memref<4096x384xf32, #tpu.memory_space<hbm>>) dst(%arg7 : memref<80x384xf32, #tpu.memory_space<vmem>>)
    %lt3A_742 = arith.constant 80 : i32
    %lt3A_743 = arith.cmpi slt, %min3A_639, %lt3A_742 : i32
    %convert_element_type3A_744 = arith.extui %lt3A_743 : i1 to i32
    %cond3A_745 = arith.constant 0 : i32
    %cond3A_746 = arith.cmpi ne, %convert_element_type3A_744, %cond3A_745 : i32
    scf.if %cond3A_746 {
      %while3A = arith.constant 0 : i32
      %while3A_761 = arith.constant 80 : i32
      %while3A_762 = arith.subi %while3A_761, %min3A_639 : i32
      %while3A_763 = arith.addi %min3A_639, %while3A_762 : i32
      %while3A_764 = arith.constant 1 : i32
      %while3A_765 = arith.divsi %while3A_762, %while3A_764 : i32
      %while3A_766 = arith.muli %while3A_765, %while3A_764 : i32
      %while3A_767 = arith.addi %min3A_639, %while3A_766 : i32
      %while3A_768 = arith.constant 1 : i32
      scf.for %while3A_770 = %min3A_639 to %while3A_767 step %while3A_768  : i32 {
        %broadcast_in_dim3A_771 = arith.constant 0.000000e+00 : f32
        %broadcast_in_dim3A_772 = vector.broadcast %broadcast_in_dim3A_771 : f32 to vector<16xf32>
        %swap3A_773 = arith.index_cast %while3A_770 : i32 to index
        %swap3A_774 = arith.constant 0 : index
        %swap3A_775 = tpu.vector_load %arg7[%swap3A_773, %swap3A_774] {strides = array<i32>} : memref<80x384xf32, #tpu.memory_space<vmem>>, vector<1x16xf32>,
        %swap3A_776 = vector.shape_cast %swap3A_775 : vector<1x16xf32> to vector<16xf32>
        %swap3A_777 = vector.shape_cast %broadcast_in_dim3A_772 : vector<16xf32> to vector<1x16xf32>
        tpu.vector_store %arg7[%swap3A_773, %swap3A_774], %swap3A_777 {strides = array<i32>} : memref<80x384xf32, #tpu.memory_space<vmem>>, vector<1x16xf32>,
        %broadcast_in_dim3A_778 = arith.constant 0.000000e+00 : f32
        %broadcast_in_dim3A_779 = vector.broadcast %broadcast_in_dim3A_778 : f32 to vector<16xf32>
        %swap3A_780 = arith.index_cast %while3A_770 : i32 to index
        %swap3A_781 = arith.constant 16 : index
        %swap3A_782 = tpu.vector_load %arg7[%swap3A_780, %swap3A_781] {strides = array<i32>} : memref<80x384xf32, #tpu.memory_space<vmem>>, vector<1x16xf32>,
        %swap3A_783 = vector.shape_cast %swap3A_782 : vector<1x16xf32> to vector<16xf32>
        %swap3A_784 = vector.shape_cast %broadcast_in_dim3A_779 : vector<16xf32> to vector<1x16xf32>
        tpu.vector_store %arg7[%swap3A_780, %swap3A_781], %swap3A_784 {strides = array<i32>} : memref<80x384xf32, #tpu.memory_space<vmem>>, vector<1x16xf32>,
        %broadcast_in_dim3A_785 = arith.constant 0.000000e+00 : f32
        %broadcast_in_dim3A_786 = vector.broadcast %broadcast_in_dim3A_785 : f32 to vector<16xf32>
        %swap3A_787 = arith.index_cast %while3A_770 : i32 to index
        %swap3A_788 = arith.constant 32 : index
        %swap3A_789 = tpu.vector_load %arg7[%swap3A_787, %swap3A_788] {strides = array<i32>} : memref<80x384xf32, #tpu.memory_space<vmem>>, vector<1x16xf32>,
        %swap3A_790 = vector.shape_cast %swap3A_789 : vector<1x16xf32> to vector<16xf32>
        %swap3A_791 = vector.shape_cast %broadcast_in_dim3A_786 : vector<16xf32> to vector<1x16xf32>
        tpu.vector_store %arg7[%swap3A_787, %swap3A_788], %swap3A_791 {strides = array<i32>} : memref<80x384xf32, #tpu.memory_space<vmem>>, vector<1x16xf32>,
        %broadcast_in_dim3A_792 = arith.constant 0.000000e+00 : f32
        %broadcast_in_dim3A_793 = vector.broadcast %broadcast_in_dim3A_792 : f32 to vector<16xf32>
        %swap3A_794 = arith.index_cast %while3A_770 : i32 to index
        %swap3A_795 = arith.constant 48 : index
        %swap3A_796 = tpu.vector_load %arg7[%swap3A_794, %swap3A_795] {strides = array<i32>} : memref<80x384xf32, #tpu.memory_space<vmem>>, vector<1x16xf32>,
        %swap3A_797 = vector.shape_cast %swap3A_796 : vector<1x16xf32> to vector<16xf32>
        %swap3A_798 = vector.shape_cast %broadcast_in_dim3A_793 : vector<16xf32> to vector<1x16xf32>
        tpu.vector_store %arg7[%swap3A_794, %swap3A_795], %swap3A_798 {strides = array<i32>} : memref<80x384xf32, #tpu.memory_space<vmem>>, vector<1x16xf32>,
        %broadcast_in_dim3A_799 = arith.constant 0.000000e+00 : f32
        %broadcast_in_dim3A_800 = vector.broadcast %broadcast_in_dim3A_799 : f32 to vector<16xf32>
        %swap3A_801 = arith.index_cast %while3A_770 : i32 to index
        %swap3A_802 = arith.constant 64 : index
        %swap3A_803 = tpu.vector_load %arg7[%swap3A_801, %swap3A_802] {strides = array<i32>} : memref<80x384xf32, #tpu.memory_space<vmem>>, vector<1x16xf32>,
        %swap3A_804 = vector.shape_cast %swap3A_803 : vector<1x16xf32> to vector<16xf32>
        %swap3A_805 = vector.shape_cast %broadcast_in_dim3A_800 : vector<16xf32> to vector<1x16xf32>
        tpu.vector_store %arg7[%swap3A_801, %swap3A_802], %swap3A_805 {strides = array<i32>} : memref<80x384xf32, #tpu.memory_space<vmem>>, vector<1x16xf32>,
        %broadcast_in_dim3A_806 = arith.constant 0.000000e+00 : f32
        %broadcast_in_dim3A_807 = vector.broadcast %broadcast_in_dim3A_806 : f32 to vector<16xf32>
        %swap3A_808 = arith.index_cast %while3A_770 : i32 to index
        %swap3A_809 = arith.constant 80 : index
        %swap3A_810 = tpu.vector_load %arg7[%swap3A_808, %swap3A_809] {strides = array<i32>} : memref<80x384xf32, #tpu.memory_space<vmem>>, vector<1x16xf32>,
        %swap3A_811 = vector.shape_cast %swap3A_810 : vector<1x16xf32> to vector<16xf32>
        %swap3A_812 = vector.shape_cast %broadcast_in_dim3A_807 : vector<16xf32> to vector<1x16xf32>
        tpu.vector_store %arg7[%swap3A_808, %swap3A_809], %swap3A_812 {strides = array<i32>} : memref<80x384xf32, #tpu.memory_space<vmem>>, vector<1x16xf32>,
        %broadcast_in_dim3A_813 = arith.constant 0.000000e+00 : f32
        %broadcast_in_dim3A_814 = vector.broadcast %broadcast_in_dim3A_813 : f32 to vector<16xf32>
        %swap3A_815 = arith.index_cast %while3A_770 : i32 to index
        %swap3A_816 = arith.constant 96 : index
        %swap3A_817 = tpu.vector_load %arg7[%swap3A_815, %swap3A_816] {strides = array<i32>} : memref<80x384xf32, #tpu.memory_space<vmem>>, vector<1x16xf32>,
        %swap3A_818 = vector.shape_cast %swap3A_817 : vector<1x16xf32> to vector<16xf32>
        %swap3A_819 = vector.shape_cast %broadcast_in_dim3A_814 : vector<16xf32> to vector<1x16xf32>
        tpu.vector_store %arg7[%swap3A_815, %swap3A_816], %swap3A_819 {strides = array<i32>} : memref<80x384xf32, #tpu.memory_space<vmem>>, vector<1x16xf32>,
        %broadcast_in_dim3A_820 = arith.constant 0.000000e+00 : f32
        %broadcast_in_dim3A_821 = vector.broadcast %broadcast_in_dim3A_820 : f32 to vector<16xf32>
        %swap3A_822 = arith.index_cast %while3A_770 : i32 to index
        %swap3A_823 = arith.constant 112 : index
        %swap3A_824 = tpu.vector_load %arg7[%swap3A_822, %swap3A_823] {strides = array<i32>} : memref<80x384xf32, #tpu.memory_space<vmem>>, vector<1x16xf32>,
        %swap3A_825 = vector.shape_cast %swap3A_824 : vector<1x16xf32> to vector<16xf32>
        %swap3A_826 = vector.shape_cast %broadcast_in_dim3A_821 : vector<16xf32> to vector<1x16xf32>
        tpu.vector_store %arg7[%swap3A_822, %swap3A_823], %swap3A_826 {strides = array<i32>} : memref<80x384xf32, #tpu.memory_space<vmem>>, vector<1x16xf32>,
        %broadcast_in_dim3A_827 = arith.constant 0.000000e+00 : f32
        %broadcast_in_dim3A_828 = vector.broadcast %broadcast_in_dim3A_827 : f32 to vector<16xf32>
        %swap3A_829 = arith.index_cast %while3A_770 : i32 to index
        %swap3A_830 = arith.constant 128 : index
        %swap3A_831 = tpu.vector_load %arg7[%swap3A_829, %swap3A_830] {strides = array<i32>} : memref<80x384xf32, #tpu.memory_space<vmem>>, vector<1x16xf32>,
        %swap3A_832 = vector.shape_cast %swap3A_831 : vector<1x16xf32> to vector<16xf32>
        %swap3A_833 = vector.shape_cast %broadcast_in_dim3A_828 : vector<16xf32> to vector<1x16xf32>
        tpu.vector_store %arg7[%swap3A_829, %swap3A_830], %swap3A_833 {strides = array<i32>} : memref<80x384xf32, #tpu.memory_space<vmem>>, vector<1x16xf32>,
        %broadcast_in_dim3A_834 = arith.constant 0.000000e+00 : f32
        %broadcast_in_dim3A_835 = vector.broadcast %broadcast_in_dim3A_834 : f32 to vector<16xf32>
        %swap3A_836 = arith.index_cast %while3A_770 : i32 to index
        %swap3A_837 = arith.constant 144 : index
        %swap3A_838 = tpu.vector_load %arg7[%swap3A_836, %swap3A_837] {strides = array<i32>} : memref<80x384xf32, #tpu.memory_space<vmem>>, vector<1x16xf32>,
        %swap3A_839 = vector.shape_cast %swap3A_838 : vector<1x16xf32> to vector<16xf32>
        %swap3A_840 = vector.shape_cast %broadcast_in_dim3A_835 : vector<16xf32> to vector<1x16xf32>
        tpu.vector_store %arg7[%swap3A_836, %swap3A_837], %swap3A_840 {strides = array<i32>} : memref<80x384xf32, #tpu.memory_space<vmem>>, vector<1x16xf32>,
        %broadcast_in_dim3A_841 = arith.constant 0.000000e+00 : f32
        %broadcast_in_dim3A_842 = vector.broadcast %broadcast_in_dim3A_841 : f32 to vector<16xf32>
        %swap3A_843 = arith.index_cast %while3A_770 : i32 to index
        %swap3A_844 = arith.constant 160 : index
        %swap3A_845 = tpu.vector_load %arg7[%swap3A_843, %swap3A_844] {strides = array<i32>} : memref<80x384xf32, #tpu.memory_space<vmem>>, vector<1x16xf32>,
        %swap3A_846 = vector.shape_cast %swap3A_845 : vector<1x16xf32> to vector<16xf32>
        %swap3A_847 = vector.shape_cast %broadcast_in_dim3A_842 : vector<16xf32> to vector<1x16xf32>
        tpu.vector_store %arg7[%swap3A_843, %swap3A_844], %swap3A_847 {strides = array<i32>} : memref<80x384xf32, #tpu.memory_space<vmem>>, vector<1x16xf32>,
        %broadcast_in_dim3A_848 = arith.constant 0.000000e+00 : f32
        %broadcast_in_dim3A_849 = vector.broadcast %broadcast_in_dim3A_848 : f32 to vector<16xf32>
        %swap3A_850 = arith.index_cast %while3A_770 : i32 to index
        %swap3A_851 = arith.constant 176 : index
        %swap3A_852 = tpu.vector_load %arg7[%swap3A_850, %swap3A_851] {strides = array<i32>} : memref<80x384xf32, #tpu.memory_space<vmem>>, vector<1x16xf32>,
        %swap3A_853 = vector.shape_cast %swap3A_852 : vector<1x16xf32> to vector<16xf32>
        %swap3A_854 = vector.shape_cast %broadcast_in_dim3A_849 : vector<16xf32> to vector<1x16xf32>
        tpu.vector_store %arg7[%swap3A_850, %swap3A_851], %swap3A_854 {strides = array<i32>} : memref<80x384xf32, #tpu.memory_space<vmem>>, vector<1x16xf32>,
        %broadcast_in_dim3A_855 = arith.constant 0.000000e+00 : f32
        %broadcast_in_dim3A_856 = vector.broadcast %broadcast_in_dim3A_855 : f32 to vector<16xf32>
        %swap3A_857 = arith.index_cast %while3A_770 : i32 to index
        %swap3A_858 = arith.constant 192 : index
        %swap3A_859 = tpu.vector_load %arg7[%swap3A_857, %swap3A_858] {strides = array<i32>} : memref<80x384xf32, #tpu.memory_space<vmem>>, vector<1x16xf32>,
        %swap3A_860 = vector.shape_cast %swap3A_859 : vector<1x16xf32> to vector<16xf32>
        %swap3A_861 = vector.shape_cast %broadcast_in_dim3A_856 : vector<16xf32> to vector<1x16xf32>
        tpu.vector_store %arg7[%swap3A_857, %swap3A_858], %swap3A_861 {strides = array<i32>} : memref<80x384xf32, #tpu.memory_space<vmem>>, vector<1x16xf32>,
        %broadcast_in_dim3A_862 = arith.constant 0.000000e+00 : f32
        %broadcast_in_dim3A_863 = vector.broadcast %broadcast_in_dim3A_862 : f32 to vector<16xf32>
        %swap3A_864 = arith.index_cast %while3A_770 : i32 to index
        %swap3A_865 = arith.constant 208 : index
        %swap3A_866 = tpu.vector_load %arg7[%swap3A_864, %swap3A_865] {strides = array<i32>} : memref<80x384xf32, #tpu.memory_space<vmem>>, vector<1x16xf32>,
        %swap3A_867 = vector.shape_cast %swap3A_866 : vector<1x16xf32> to vector<16xf32>
        %swap3A_868 = vector.shape_cast %broadcast_in_dim3A_863 : vector<16xf32> to vector<1x16xf32>
        tpu.vector_store %arg7[%swap3A_864, %swap3A_865], %swap3A_868 {strides = array<i32>} : memref<80x384xf32, #tpu.memory_space<vmem>>, vector<1x16xf32>,
        %broadcast_in_dim3A_869 = arith.constant 0.000000e+00 : f32
        %broadcast_in_dim3A_870 = vector.broadcast %broadcast_in_dim3A_869 : f32 to vector<16xf32>
        %swap3A_871 = arith.index_cast %while3A_770 : i32 to index
        %swap3A_872 = arith.constant 224 : index
        %swap3A_873 = tpu.vector_load %arg7[%swap3A_871, %swap3A_872] {strides = array<i32>} : memref<80x384xf32, #tpu.memory_space<vmem>>, vector<1x16xf32>,
        %swap3A_874 = vector.shape_cast %swap3A_873 : vector<1x16xf32> to vector<16xf32>
        %swap3A_875 = vector.shape_cast %broadcast_in_dim3A_870 : vector<16xf32> to vector<1x16xf32>
        tpu.vector_store %arg7[%swap3A_871, %swap3A_872], %swap3A_875 {strides = array<i32>} : memref<80x384xf32, #tpu.memory_space<vmem>>, vector<1x16xf32>,
        %broadcast_in_dim3A_876 = arith.constant 0.000000e+00 : f32
        %broadcast_in_dim3A_877 = vector.broadcast %broadcast_in_dim3A_876 : f32 to vector<16xf32>
        %swap3A_878 = arith.index_cast %while3A_770 : i32 to index
        %swap3A_879 = arith.constant 240 : index
        %swap3A_880 = tpu.vector_load %arg7[%swap3A_878, %swap3A_879] {strides = array<i32>} : memref<80x384xf32, #tpu.memory_space<vmem>>, vector<1x16xf32>,
        %swap3A_881 = vector.shape_cast %swap3A_880 : vector<1x16xf32> to vector<16xf32>
        %swap3A_882 = vector.shape_cast %broadcast_in_dim3A_877 : vector<16xf32> to vector<1x16xf32>
        tpu.vector_store %arg7[%swap3A_878, %swap3A_879], %swap3A_882 {strides = array<i32>} : memref<80x384xf32, #tpu.memory_space<vmem>>, vector<1x16xf32>,
        %broadcast_in_dim3A_883 = arith.constant 0.000000e+00 : f32
        %broadcast_in_dim3A_884 = vector.broadcast %broadcast_in_dim3A_883 : f32 to vector<16xf32>
        %swap3A_885 = arith.index_cast %while3A_770 : i32 to index
        %swap3A_886 = arith.constant 256 : index
        %swap3A_887 = tpu.vector_load %arg7[%swap3A_885, %swap3A_886] {strides = array<i32>} : memref<80x384xf32, #tpu.memory_space<vmem>>, vector<1x16xf32>,
        %swap3A_888 = vector.shape_cast %swap3A_887 : vector<1x16xf32> to vector<16xf32>
        %swap3A_889 = vector.shape_cast %broadcast_in_dim3A_884 : vector<16xf32> to vector<1x16xf32>
        tpu.vector_store %arg7[%swap3A_885, %swap3A_886], %swap3A_889 {strides = array<i32>} : memref<80x384xf32, #tpu.memory_space<vmem>>, vector<1x16xf32>,
        %broadcast_in_dim3A_890 = arith.constant 0.000000e+00 : f32
        %broadcast_in_dim3A_891 = vector.broadcast %broadcast_in_dim3A_890 : f32 to vector<16xf32>
        %swap3A_892 = arith.index_cast %while3A_770 : i32 to index
        %swap3A_893 = arith.constant 272 : index
        %swap3A_894 = tpu.vector_load %arg7[%swap3A_892, %swap3A_893] {strides = array<i32>} : memref<80x384xf32, #tpu.memory_space<vmem>>, vector<1x16xf32>,
        %swap3A_895 = vector.shape_cast %swap3A_894 : vector<1x16xf32> to vector<16xf32>
        %swap3A_896 = vector.shape_cast %broadcast_in_dim3A_891 : vector<16xf32> to vector<1x16xf32>
        tpu.vector_store %arg7[%swap3A_892, %swap3A_893], %swap3A_896 {strides = array<i32>} : memref<80x384xf32, #tpu.memory_space<vmem>>, vector<1x16xf32>,
        %broadcast_in_dim3A_897 = arith.constant 0.000000e+00 : f32
        %broadcast_in_dim3A_898 = vector.broadcast %broadcast_in_dim3A_897 : f32 to vector<16xf32>
        %swap3A_899 = arith.index_cast %while3A_770 : i32 to index
        %swap3A_900 = arith.constant 288 : index
        %swap3A_901 = tpu.vector_load %arg7[%swap3A_899, %swap3A_900] {strides = array<i32>} : memref<80x384xf32, #tpu.memory_space<vmem>>, vector<1x16xf32>,
        %swap3A_902 = vector.shape_cast %swap3A_901 : vector<1x16xf32> to vector<16xf32>
        %swap3A_903 = vector.shape_cast %broadcast_in_dim3A_898 : vector<16xf32> to vector<1x16xf32>
        tpu.vector_store %arg7[%swap3A_899, %swap3A_900], %swap3A_903 {strides = array<i32>} : memref<80x384xf32, #tpu.memory_space<vmem>>, vector<1x16xf32>,
        %broadcast_in_dim3A_904 = arith.constant 0.000000e+00 : f32
        %broadcast_in_dim3A_905 = vector.broadcast %broadcast_in_dim3A_904 : f32 to vector<16xf32>
        %swap3A_906 = arith.index_cast %while3A_770 : i32 to index
        %swap3A_907 = arith.constant 304 : index
        %swap3A_908 = tpu.vector_load %arg7[%swap3A_906, %swap3A_907] {strides = array<i32>} : memref<80x384xf32, #tpu.memory_space<vmem>>, vector<1x16xf32>,
        %swap3A_909 = vector.shape_cast %swap3A_908 : vector<1x16xf32> to vector<16xf32>
        %swap3A_910 = vector.shape_cast %broadcast_in_dim3A_905 : vector<16xf32> to vector<1x16xf32>
        tpu.vector_store %arg7[%swap3A_906, %swap3A_907], %swap3A_910 {strides = array<i32>} : memref<80x384xf32, #tpu.memory_space<vmem>>, vector<1x16xf32>,
        %broadcast_in_dim3A_911 = arith.constant 0.000000e+00 : f32
        %broadcast_in_dim3A_912 = vector.broadcast %broadcast_in_dim3A_911 : f32 to vector<16xf32>
        %swap3A_913 = arith.index_cast %while3A_770 : i32 to index
        %swap3A_914 = arith.constant 320 : index
        %swap3A_915 = tpu.vector_load %arg7[%swap3A_913, %swap3A_914] {strides = array<i32>} : memref<80x384xf32, #tpu.memory_space<vmem>>, vector<1x16xf32>,
        %swap3A_916 = vector.shape_cast %swap3A_915 : vector<1x16xf32> to vector<16xf32>
        %swap3A_917 = vector.shape_cast %broadcast_in_dim3A_912 : vector<16xf32> to vector<1x16xf32>
        tpu.vector_store %arg7[%swap3A_913, %swap3A_914], %swap3A_917 {strides = array<i32>} : memref<80x384xf32, #tpu.memory_space<vmem>>, vector<1x16xf32>,
        %broadcast_in_dim3A_918 = arith.constant 0.000000e+00 : f32
        %broadcast_in_dim3A_919 = vector.broadcast %broadcast_in_dim3A_918 : f32 to vector<16xf32>
        %swap3A_920 = arith.index_cast %while3A_770 : i32 to index
        %swap3A_921 = arith.constant 336 : index
        %swap3A_922 = tpu.vector_load %arg7[%swap3A_920, %swap3A_921] {strides = array<i32>} : memref<80x384xf32, #tpu.memory_space<vmem>>, vector<1x16xf32>,
        %swap3A_923 = vector.shape_cast %swap3A_922 : vector<1x16xf32> to vector<16xf32>
        %swap3A_924 = vector.shape_cast %broadcast_in_dim3A_919 : vector<16xf32> to vector<1x16xf32>
        tpu.vector_store %arg7[%swap3A_920, %swap3A_921], %swap3A_924 {strides = array<i32>} : memref<80x384xf32, #tpu.memory_space<vmem>>, vector<1x16xf32>,
        %broadcast_in_dim3A_925 = arith.constant 0.000000e+00 : f32
        %broadcast_in_dim3A_926 = vector.broadcast %broadcast_in_dim3A_925 : f32 to vector<16xf32>
        %swap3A_927 = arith.index_cast %while3A_770 : i32 to index
        %swap3A_928 = arith.constant 352 : index
        %swap3A_929 = tpu.vector_load %arg7[%swap3A_927, %swap3A_928] {strides = array<i32>} : memref<80x384xf32, #tpu.memory_space<vmem>>, vector<1x16xf32>,
        %swap3A_930 = vector.shape_cast %swap3A_929 : vector<1x16xf32> to vector<16xf32>
        %swap3A_931 = vector.shape_cast %broadcast_in_dim3A_926 : vector<16xf32> to vector<1x16xf32>
        tpu.vector_store %arg7[%swap3A_927, %swap3A_928], %swap3A_931 {strides = array<i32>} : memref<80x384xf32, #tpu.memory_space<vmem>>, vector<1x16xf32>,
        %broadcast_in_dim3A_932 = arith.constant 0.000000e+00 : f32
        %broadcast_in_dim3A_933 = vector.broadcast %broadcast_in_dim3A_932 : f32 to vector<16xf32>
        %swap3A_934 = arith.index_cast %while3A_770 : i32 to index
        %swap3A_935 = arith.constant 368 : index
        %swap3A_936 = tpu.vector_load %arg7[%swap3A_934, %swap3A_935] {strides = array<i32>} : memref<80x384xf32, #tpu.memory_space<vmem>>, vector<1x16xf32>,
        %swap3A_937 = vector.shape_cast %swap3A_936 : vector<1x16xf32> to vector<16xf32>
        %swap3A_938 = vector.shape_cast %broadcast_in_dim3A_933 : vector<16xf32> to vector<1x16xf32>
        tpu.vector_store %arg7[%swap3A_934, %swap3A_935], %swap3A_938 {strides = array<i32>} : memref<80x384xf32, #tpu.memory_space<vmem>>, vector<1x16xf32>,
      }
      %while3A_769 = arith.constant 1 : i32
      scf.for %while3A_770 = %while3A_767 to %while3A_763 step %while3A_769  : i32 {
        %broadcast_in_dim3A_771 = arith.constant 0.000000e+00 : f32
        %broadcast_in_dim3A_772 = vector.broadcast %broadcast_in_dim3A_771 : f32 to vector<16xf32>
        %swap3A_773 = arith.index_cast %while3A_770 : i32 to index
        %swap3A_774 = arith.constant 0 : index
        %swap3A_775 = tpu.vector_load %arg7[%swap3A_773, %swap3A_774] {strides = array<i32>} : memref<80x384xf32, #tpu.memory_space<vmem>>, vector<1x16xf32>,
        %swap3A_776 = vector.shape_cast %swap3A_775 : vector<1x16xf32> to vector<16xf32>
        %swap3A_777 = vector.shape_cast %broadcast_in_dim3A_772 : vector<16xf32> to vector<1x16xf32>
        tpu.vector_store %arg7[%swap3A_773, %swap3A_774], %swap3A_777 {strides = array<i32>} : memref<80x384xf32, #tpu.memory_space<vmem>>, vector<1x16xf32>,
        %broadcast_in_dim3A_778 = arith.constant 0.000000e+00 : f32
        %broadcast_in_dim3A_779 = vector.broadcast %broadcast_in_dim3A_778 : f32 to vector<16xf32>
        %swap3A_780 = arith.index_cast %while3A_770 : i32 to index
        %swap3A_781 = arith.constant 16 : index
        %swap3A_782 = tpu.vector_load %arg7[%swap3A_780, %swap3A_781] {strides = array<i32>} : memref<80x384xf32, #tpu.memory_space<vmem>>, vector<1x16xf32>,
        %swap3A_783 = vector.shape_cast %swap3A_782 : vector<1x16xf32> to vector<16xf32>
        %swap3A_784 = vector.shape_cast %broadcast_in_dim3A_779 : vector<16xf32> to vector<1x16xf32>
        tpu.vector_store %arg7[%swap3A_780, %swap3A_781], %swap3A_784 {strides = array<i32>} : memref<80x384xf32, #tpu.memory_space<vmem>>, vector<1x16xf32>,
        %broadcast_in_dim3A_785 = arith.constant 0.000000e+00 : f32
        %broadcast_in_dim3A_786 = vector.broadcast %broadcast_in_dim3A_785 : f32 to vector<16xf32>
        %swap3A_787 = arith.index_cast %while3A_770 : i32 to index
        %swap3A_788 = arith.constant 32 : index
        %swap3A_789 = tpu.vector_load %arg7[%swap3A_787, %swap3A_788] {strides = array<i32>} : memref<80x384xf32, #tpu.memory_space<vmem>>, vector<1x16xf32>,
        %swap3A_790 = vector.shape_cast %swap3A_789 : vector<1x16xf32> to vector<16xf32>
        %swap3A_791 = vector.shape_cast %broadcast_in_dim3A_786 : vector<16xf32> to vector<1x16xf32>
        tpu.vector_store %arg7[%swap3A_787, %swap3A_788], %swap3A_791 {strides = array<i32>} : memref<80x384xf32, #tpu.memory_space<vmem>>, vector<1x16xf32>,
        %broadcast_in_dim3A_792 = arith.constant 0.000000e+00 : f32
        %broadcast_in_dim3A_793 = vector.broadcast %broadcast_in_dim3A_792 : f32 to vector<16xf32>
        %swap3A_794 = arith.index_cast %while3A_770 : i32 to index
        %swap3A_795 = arith.constant 48 : index
        %swap3A_796 = tpu.vector_load %arg7[%swap3A_794, %swap3A_795] {strides = array<i32>} : memref<80x384xf32, #tpu.memory_space<vmem>>, vector<1x16xf32>,
        %swap3A_797 = vector.shape_cast %swap3A_796 : vector<1x16xf32> to vector<16xf32>
        %swap3A_798 = vector.shape_cast %broadcast_in_dim3A_793 : vector<16xf32> to vector<1x16xf32>
        tpu.vector_store %arg7[%swap3A_794, %swap3A_795], %swap3A_798 {strides = array<i32>} : memref<80x384xf32, #tpu.memory_space<vmem>>, vector<1x16xf32>,
        %broadcast_in_dim3A_799 = arith.constant 0.000000e+00 : f32
        %broadcast_in_dim3A_800 = vector.broadcast %broadcast_in_dim3A_799 : f32 to vector<16xf32>
        %swap3A_801 = arith.index_cast %while3A_770 : i32 to index
        %swap3A_802 = arith.constant 64 : index
        %swap3A_803 = tpu.vector_load %arg7[%swap3A_801, %swap3A_802] {strides = array<i32>} : memref<80x384xf32, #tpu.memory_space<vmem>>, vector<1x16xf32>,
        %swap3A_804 = vector.shape_cast %swap3A_803 : vector<1x16xf32> to vector<16xf32>
        %swap3A_805 = vector.shape_cast %broadcast_in_dim3A_800 : vector<16xf32> to vector<1x16xf32>
        tpu.vector_store %arg7[%swap3A_801, %swap3A_802], %swap3A_805 {strides = array<i32>} : memref<80x384xf32, #tpu.memory_space<vmem>>, vector<1x16xf32>,
        %broadcast_in_dim3A_806 = arith.constant 0.000000e+00 : f32
        %broadcast_in_dim3A_807 = vector.broadcast %broadcast_in_dim3A_806 : f32 to vector<16xf32>
        %swap3A_808 = arith.index_cast %while3A_770 : i32 to index
        %swap3A_809 = arith.constant 80 : index
        %swap3A_810 = tpu.vector_load %arg7[%swap3A_808, %swap3A_809] {strides = array<i32>} : memref<80x384xf32, #tpu.memory_space<vmem>>, vector<1x16xf32>,
        %swap3A_811 = vector.shape_cast %swap3A_810 : vector<1x16xf32> to vector<16xf32>
        %swap3A_812 = vector.shape_cast %broadcast_in_dim3A_807 : vector<16xf32> to vector<1x16xf32>
        tpu.vector_store %arg7[%swap3A_808, %swap3A_809], %swap3A_812 {strides = array<i32>} : memref<80x384xf32, #tpu.memory_space<vmem>>, vector<1x16xf32>,
        %broadcast_in_dim3A_813 = arith.constant 0.000000e+00 : f32
        %broadcast_in_dim3A_814 = vector.broadcast %broadcast_in_dim3A_813 : f32 to vector<16xf32>
        %swap3A_815 = arith.index_cast %while3A_770 : i32 to index
        %swap3A_816 = arith.constant 96 : index
        %swap3A_817 = tpu.vector_load %arg7[%swap3A_815, %swap3A_816] {strides = array<i32>} : memref<80x384xf32, #tpu.memory_space<vmem>>, vector<1x16xf32>,
        %swap3A_818 = vector.shape_cast %swap3A_817 : vector<1x16xf32> to vector<16xf32>
        %swap3A_819 = vector.shape_cast %broadcast_in_dim3A_814 : vector<16xf32> to vector<1x16xf32>
        tpu.vector_store %arg7[%swap3A_815, %swap3A_816], %swap3A_819 {strides = array<i32>} : memref<80x384xf32, #tpu.memory_space<vmem>>, vector<1x16xf32>,
        %broadcast_in_dim3A_820 = arith.constant 0.000000e+00 : f32
        %broadcast_in_dim3A_821 = vector.broadcast %broadcast_in_dim3A_820 : f32 to vector<16xf32>
        %swap3A_822 = arith.index_cast %while3A_770 : i32 to index
        %swap3A_823 = arith.constant 112 : index
        %swap3A_824 = tpu.vector_load %arg7[%swap3A_822, %swap3A_823] {strides = array<i32>} : memref<80x384xf32, #tpu.memory_space<vmem>>, vector<1x16xf32>,
        %swap3A_825 = vector.shape_cast %swap3A_824 : vector<1x16xf32> to vector<16xf32>
        %swap3A_826 = vector.shape_cast %broadcast_in_dim3A_821 : vector<16xf32> to vector<1x16xf32>
        tpu.vector_store %arg7[%swap3A_822, %swap3A_823], %swap3A_826 {strides = array<i32>} : memref<80x384xf32, #tpu.memory_space<vmem>>, vector<1x16xf32>,
        %broadcast_in_dim3A_827 = arith.constant 0.000000e+00 : f32
        %broadcast_in_dim3A_828 = vector.broadcast %broadcast_in_dim3A_827 : f32 to vector<16xf32>
        %swap3A_829 = arith.index_cast %while3A_770 : i32 to index
        %swap3A_830 = arith.constant 128 : index
        %swap3A_831 = tpu.vector_load %arg7[%swap3A_829, %swap3A_830] {strides = array<i32>} : memref<80x384xf32, #tpu.memory_space<vmem>>, vector<1x16xf32>,
        %swap3A_832 = vector.shape_cast %swap3A_831 : vector<1x16xf32> to vector<16xf32>
        %swap3A_833 = vector.shape_cast %broadcast_in_dim3A_828 : vector<16xf32> to vector<1x16xf32>
        tpu.vector_store %arg7[%swap3A_829, %swap3A_830], %swap3A_833 {strides = array<i32>} : memref<80x384xf32, #tpu.memory_space<vmem>>, vector<1x16xf32>,
        %broadcast_in_dim3A_834 = arith.constant 0.000000e+00 : f32
        %broadcast_in_dim3A_835 = vector.broadcast %broadcast_in_dim3A_834 : f32 to vector<16xf32>
        %swap3A_836 = arith.index_cast %while3A_770 : i32 to index
        %swap3A_837 = arith.constant 144 : index
        %swap3A_838 = tpu.vector_load %arg7[%swap3A_836, %swap3A_837] {strides = array<i32>} : memref<80x384xf32, #tpu.memory_space<vmem>>, vector<1x16xf32>,
        %swap3A_839 = vector.shape_cast %swap3A_838 : vector<1x16xf32> to vector<16xf32>
        %swap3A_840 = vector.shape_cast %broadcast_in_dim3A_835 : vector<16xf32> to vector<1x16xf32>
        tpu.vector_store %arg7[%swap3A_836, %swap3A_837], %swap3A_840 {strides = array<i32>} : memref<80x384xf32, #tpu.memory_space<vmem>>, vector<1x16xf32>,
        %broadcast_in_dim3A_841 = arith.constant 0.000000e+00 : f32
        %broadcast_in_dim3A_842 = vector.broadcast %broadcast_in_dim3A_841 : f32 to vector<16xf32>
        %swap3A_843 = arith.index_cast %while3A_770 : i32 to index
        %swap3A_844 = arith.constant 160 : index
        %swap3A_845 = tpu.vector_load %arg7[%swap3A_843, %swap3A_844] {strides = array<i32>} : memref<80x384xf32, #tpu.memory_space<vmem>>, vector<1x16xf32>,
        %swap3A_846 = vector.shape_cast %swap3A_845 : vector<1x16xf32> to vector<16xf32>
        %swap3A_847 = vector.shape_cast %broadcast_in_dim3A_842 : vector<16xf32> to vector<1x16xf32>
        tpu.vector_store %arg7[%swap3A_843, %swap3A_844], %swap3A_847 {strides = array<i32>} : memref<80x384xf32, #tpu.memory_space<vmem>>, vector<1x16xf32>,
        %broadcast_in_dim3A_848 = arith.constant 0.000000e+00 : f32
        %broadcast_in_dim3A_849 = vector.broadcast %broadcast_in_dim3A_848 : f32 to vector<16xf32>
        %swap3A_850 = arith.index_cast %while3A_770 : i32 to index
        %swap3A_851 = arith.constant 176 : index
        %swap3A_852 = tpu.vector_load %arg7[%swap3A_850, %swap3A_851] {strides = array<i32>} : memref<80x384xf32, #tpu.memory_space<vmem>>, vector<1x16xf32>,
        %swap3A_853 = vector.shape_cast %swap3A_852 : vector<1x16xf32> to vector<16xf32>
        %swap3A_854 = vector.shape_cast %broadcast_in_dim3A_849 : vector<16xf32> to vector<1x16xf32>
        tpu.vector_store %arg7[%swap3A_850, %swap3A_851], %swap3A_854 {strides = array<i32>} : memref<80x384xf32, #tpu.memory_space<vmem>>, vector<1x16xf32>,
        %broadcast_in_dim3A_855 = arith.constant 0.000000e+00 : f32
        %broadcast_in_dim3A_856 = vector.broadcast %broadcast_in_dim3A_855 : f32 to vector<16xf32>
        %swap3A_857 = arith.index_cast %while3A_770 : i32 to index
        %swap3A_858 = arith.constant 192 : index
        %swap3A_859 = tpu.vector_load %arg7[%swap3A_857, %swap3A_858] {strides = array<i32>} : memref<80x384xf32, #tpu.memory_space<vmem>>, vector<1x16xf32>,
        %swap3A_860 = vector.shape_cast %swap3A_859 : vector<1x16xf32> to vector<16xf32>
        %swap3A_861 = vector.shape_cast %broadcast_in_dim3A_856 : vector<16xf32> to vector<1x16xf32>
        tpu.vector_store %arg7[%swap3A_857, %swap3A_858], %swap3A_861 {strides = array<i32>} : memref<80x384xf32, #tpu.memory_space<vmem>>, vector<1x16xf32>,
        %broadcast_in_dim3A_862 = arith.constant 0.000000e+00 : f32
        %broadcast_in_dim3A_863 = vector.broadcast %broadcast_in_dim3A_862 : f32 to vector<16xf32>
        %swap3A_864 = arith.index_cast %while3A_770 : i32 to index
        %swap3A_865 = arith.constant 208 : index
        %swap3A_866 = tpu.vector_load %arg7[%swap3A_864, %swap3A_865] {strides = array<i32>} : memref<80x384xf32, #tpu.memory_space<vmem>>, vector<1x16xf32>,
        %swap3A_867 = vector.shape_cast %swap3A_866 : vector<1x16xf32> to vector<16xf32>
        %swap3A_868 = vector.shape_cast %broadcast_in_dim3A_863 : vector<16xf32> to vector<1x16xf32>
        tpu.vector_store %arg7[%swap3A_864, %swap3A_865], %swap3A_868 {strides = array<i32>} : memref<80x384xf32, #tpu.memory_space<vmem>>, vector<1x16xf32>,
        %broadcast_in_dim3A_869 = arith.constant 0.000000e+00 : f32
        %broadcast_in_dim3A_870 = vector.broadcast %broadcast_in_dim3A_869 : f32 to vector<16xf32>
        %swap3A_871 = arith.index_cast %while3A_770 : i32 to index
        %swap3A_872 = arith.constant 224 : index
        %swap3A_873 = tpu.vector_load %arg7[%swap3A_871, %swap3A_872] {strides = array<i32>} : memref<80x384xf32, #tpu.memory_space<vmem>>, vector<1x16xf32>,
        %swap3A_874 = vector.shape_cast %swap3A_873 : vector<1x16xf32> to vector<16xf32>
        %swap3A_875 = vector.shape_cast %broadcast_in_dim3A_870 : vector<16xf32> to vector<1x16xf32>
        tpu.vector_store %arg7[%swap3A_871, %swap3A_872], %swap3A_875 {strides = array<i32>} : memref<80x384xf32, #tpu.memory_space<vmem>>, vector<1x16xf32>,
        %broadcast_in_dim3A_876 = arith.constant 0.000000e+00 : f32
        %broadcast_in_dim3A_877 = vector.broadcast %broadcast_in_dim3A_876 : f32 to vector<16xf32>
        %swap3A_878 = arith.index_cast %while3A_770 : i32 to index
        %swap3A_879 = arith.constant 240 : index
        %swap3A_880 = tpu.vector_load %arg7[%swap3A_878, %swap3A_879] {strides = array<i32>} : memref<80x384xf32, #tpu.memory_space<vmem>>, vector<1x16xf32>,
        %swap3A_881 = vector.shape_cast %swap3A_880 : vector<1x16xf32> to vector<16xf32>
        %swap3A_882 = vector.shape_cast %broadcast_in_dim3A_877 : vector<16xf32> to vector<1x16xf32>
        tpu.vector_store %arg7[%swap3A_878, %swap3A_879], %swap3A_882 {strides = array<i32>} : memref<80x384xf32, #tpu.memory_space<vmem>>, vector<1x16xf32>,
        %broadcast_in_dim3A_883 = arith.constant 0.000000e+00 : f32
        %broadcast_in_dim3A_884 = vector.broadcast %broadcast_in_dim3A_883 : f32 to vector<16xf32>
        %swap3A_885 = arith.index_cast %while3A_770 : i32 to index
        %swap3A_886 = arith.constant 256 : index
        %swap3A_887 = tpu.vector_load %arg7[%swap3A_885, %swap3A_886] {strides = array<i32>} : memref<80x384xf32, #tpu.memory_space<vmem>>, vector<1x16xf32>,
        %swap3A_888 = vector.shape_cast %swap3A_887 : vector<1x16xf32> to vector<16xf32>
        %swap3A_889 = vector.shape_cast %broadcast_in_dim3A_884 : vector<16xf32> to vector<1x16xf32>
        tpu.vector_store %arg7[%swap3A_885, %swap3A_886], %swap3A_889 {strides = array<i32>} : memref<80x384xf32, #tpu.memory_space<vmem>>, vector<1x16xf32>,
        %broadcast_in_dim3A_890 = arith.constant 0.000000e+00 : f32
        %broadcast_in_dim3A_891 = vector.broadcast %broadcast_in_dim3A_890 : f32 to vector<16xf32>
        %swap3A_892 = arith.index_cast %while3A_770 : i32 to index
        %swap3A_893 = arith.constant 272 : index
        %swap3A_894 = tpu.vector_load %arg7[%swap3A_892, %swap3A_893] {strides = array<i32>} : memref<80x384xf32, #tpu.memory_space<vmem>>, vector<1x16xf32>,
        %swap3A_895 = vector.shape_cast %swap3A_894 : vector<1x16xf32> to vector<16xf32>
        %swap3A_896 = vector.shape_cast %broadcast_in_dim3A_891 : vector<16xf32> to vector<1x16xf32>
        tpu.vector_store %arg7[%swap3A_892, %swap3A_893], %swap3A_896 {strides = array<i32>} : memref<80x384xf32, #tpu.memory_space<vmem>>, vector<1x16xf32>,
        %broadcast_in_dim3A_897 = arith.constant 0.000000e+00 : f32
        %broadcast_in_dim3A_898 = vector.broadcast %broadcast_in_dim3A_897 : f32 to vector<16xf32>
        %swap3A_899 = arith.index_cast %while3A_770 : i32 to index
        %swap3A_900 = arith.constant 288 : index
        %swap3A_901 = tpu.vector_load %arg7[%swap3A_899, %swap3A_900] {strides = array<i32>} : memref<80x384xf32, #tpu.memory_space<vmem>>, vector<1x16xf32>,
        %swap3A_902 = vector.shape_cast %swap3A_901 : vector<1x16xf32> to vector<16xf32>
        %swap3A_903 = vector.shape_cast %broadcast_in_dim3A_898 : vector<16xf32> to vector<1x16xf32>
        tpu.vector_store %arg7[%swap3A_899, %swap3A_900], %swap3A_903 {strides = array<i32>} : memref<80x384xf32, #tpu.memory_space<vmem>>, vector<1x16xf32>,
        %broadcast_in_dim3A_904 = arith.constant 0.000000e+00 : f32
        %broadcast_in_dim3A_905 = vector.broadcast %broadcast_in_dim3A_904 : f32 to vector<16xf32>
        %swap3A_906 = arith.index_cast %while3A_770 : i32 to index
        %swap3A_907 = arith.constant 304 : index
        %swap3A_908 = tpu.vector_load %arg7[%swap3A_906, %swap3A_907] {strides = array<i32>} : memref<80x384xf32, #tpu.memory_space<vmem>>, vector<1x16xf32>,
        %swap3A_909 = vector.shape_cast %swap3A_908 : vector<1x16xf32> to vector<16xf32>
        %swap3A_910 = vector.shape_cast %broadcast_in_dim3A_905 : vector<16xf32> to vector<1x16xf32>
        tpu.vector_store %arg7[%swap3A_906, %swap3A_907], %swap3A_910 {strides = array<i32>} : memref<80x384xf32, #tpu.memory_space<vmem>>, vector<1x16xf32>,
        %broadcast_in_dim3A_911 = arith.constant 0.000000e+00 : f32
        %broadcast_in_dim3A_912 = vector.broadcast %broadcast_in_dim3A_911 : f32 to vector<16xf32>
        %swap3A_913 = arith.index_cast %while3A_770 : i32 to index
        %swap3A_914 = arith.constant 320 : index
        %swap3A_915 = tpu.vector_load %arg7[%swap3A_913, %swap3A_914] {strides = array<i32>} : memref<80x384xf32, #tpu.memory_space<vmem>>, vector<1x16xf32>,
        %swap3A_916 = vector.shape_cast %swap3A_915 : vector<1x16xf32> to vector<16xf32>
        %swap3A_917 = vector.shape_cast %broadcast_in_dim3A_912 : vector<16xf32> to vector<1x16xf32>
        tpu.vector_store %arg7[%swap3A_913, %swap3A_914], %swap3A_917 {strides = array<i32>} : memref<80x384xf32, #tpu.memory_space<vmem>>, vector<1x16xf32>,
        %broadcast_in_dim3A_918 = arith.constant 0.000000e+00 : f32
        %broadcast_in_dim3A_919 = vector.broadcast %broadcast_in_dim3A_918 : f32 to vector<16xf32>
        %swap3A_920 = arith.index_cast %while3A_770 : i32 to index
        %swap3A_921 = arith.constant 336 : index
        %swap3A_922 = tpu.vector_load %arg7[%swap3A_920, %swap3A_921] {strides = array<i32>} : memref<80x384xf32, #tpu.memory_space<vmem>>, vector<1x16xf32>,
        %swap3A_923 = vector.shape_cast %swap3A_922 : vector<1x16xf32> to vector<16xf32>
        %swap3A_924 = vector.shape_cast %broadcast_in_dim3A_919 : vector<16xf32> to vector<1x16xf32>
        tpu.vector_store %arg7[%swap3A_920, %swap3A_921], %swap3A_924 {strides = array<i32>} : memref<80x384xf32, #tpu.memory_space<vmem>>, vector<1x16xf32>,
        %broadcast_in_dim3A_925 = arith.constant 0.000000e+00 : f32
        %broadcast_in_dim3A_926 = vector.broadcast %broadcast_in_dim3A_925 : f32 to vector<16xf32>
        %swap3A_927 = arith.index_cast %while3A_770 : i32 to index
        %swap3A_928 = arith.constant 352 : index
        %swap3A_929 = tpu.vector_load %arg7[%swap3A_927, %swap3A_928] {strides = array<i32>} : memref<80x384xf32, #tpu.memory_space<vmem>>, vector<1x16xf32>,
        %swap3A_930 = vector.shape_cast %swap3A_929 : vector<1x16xf32> to vector<16xf32>
        %swap3A_931 = vector.shape_cast %broadcast_in_dim3A_926 : vector<16xf32> to vector<1x16xf32>
        tpu.vector_store %arg7[%swap3A_927, %swap3A_928], %swap3A_931 {strides = array<i32>} : memref<80x384xf32, #tpu.memory_space<vmem>>, vector<1x16xf32>,
        %broadcast_in_dim3A_932 = arith.constant 0.000000e+00 : f32
        %broadcast_in_dim3A_933 = vector.broadcast %broadcast_in_dim3A_932 : f32 to vector<16xf32>
        %swap3A_934 = arith.index_cast %while3A_770 : i32 to index
        %swap3A_935 = arith.constant 368 : index
        %swap3A_936 = tpu.vector_load %arg7[%swap3A_934, %swap3A_935] {strides = array<i32>} : memref<80x384xf32, #tpu.memory_space<vmem>>, vector<1x16xf32>,
        %swap3A_937 = vector.shape_cast %swap3A_936 : vector<1x16xf32> to vector<16xf32>
        %swap3A_938 = vector.shape_cast %broadcast_in_dim3A_933 : vector<16xf32> to vector<1x16xf32>
        tpu.vector_store %arg7[%swap3A_934, %swap3A_935], %swap3A_938 {strides = array<i32>} : memref<80x384xf32, #tpu.memory_space<vmem>>, vector<1x16xf32>,
      }
    } else {
    }
    %add3A_747 = arith.constant 320 : i32
    %add3A_748 = arith.addi %mul3A_2, %add3A_747 : i32
    %dma_start3A_749 = arith.constant 0 : i32
    %dma_start3A_750 = tpu.memref_slice %arg4[%add3A_748, %dma_start3A_749] : memref<12800x384xf32, #tpu.memory_space<hbm>> -> memref<80x384xf32, #tpu.memory_space<hbm>>
    %dma_start3A_751 = arith.constant 0 : i32
    %dma_start3A_752 = tpu.memref_slice %arg4[%add3A_748, %dma_start3A_751] : memref<12800x384xf32, #tpu.memory_space<hbm>> -> memref<80x384xf32, #tpu.memory_space<hbm>>
    tpu.enqueue_dma source(%arg7 : memref<80x384xf32, #tpu.memory_space<vmem>>) target(%dma_start3A_752 : memref<80x384xf32, #tpu.memory_space<hbm>>) target_semaphore(%arg11 : memref<!tpu.dma_semaphore, #tpu.memory_space<semaphore_mem>>)
    %dma_wait3A_753 = arith.constant 0 : i32
    %dma_wait3A_754 = tpu.memref_slice %arg4[%add3A_732, %dma_wait3A_753] : memref<12800x384xf32, #tpu.memory_space<hbm>> -> memref<80x384xf32, #tpu.memory_space<hbm>>
    %dma_wait3A_755 = arith.constant 0 : i32
    %dma_wait3A_756 = tpu.memref_slice %arg4[%add3A_732, %dma_wait3A_755] : memref<12800x384xf32, #tpu.memory_space<hbm>> -> memref<80x384xf32, #tpu.memory_space<hbm>>
    tpu.wait_dma2 semaphore(%arg12 : memref<!tpu.dma_semaphore, #tpu.memory_space<semaphore_mem>>) src(%arg8 : memref<80x384xf32, #tpu.memory_space<vmem>>) dst(%dma_wait3A_756 : memref<80x384xf32, #tpu.memory_space<hbm>>)
    %dma_wait3A_757 = arith.constant 0 : i32
    %dma_wait3A_758 = tpu.memref_slice %arg4[%add3A_748, %dma_wait3A_757] : memref<12800x384xf32, #tpu.memory_space<hbm>> -> memref<80x384xf32, #tpu.memory_space<hbm>>
    %dma_wait3A_759 = arith.constant 0 : i32
    %dma_wait3A_760 = tpu.memref_slice %arg4[%add3A_748, %dma_wait3A_759] : memref<12800x384xf32, #tpu.memory_space<hbm>> -> memref<80x384xf32, #tpu.memory_space<hbm>>
    tpu.wait_dma2 semaphore(%arg11 : memref<!tpu.dma_semaphore, #tpu.memory_space<semaphore_mem>>) src(%arg7 : memref<80x384xf32, #tpu.memory_space<vmem>>) dst(%dma_wait3A_760 : memref<80x384xf32, #tpu.memory_space<hbm>>)
    return
  }
}

module attributes {stable_mosaic.version = 14 : i64} {
  func.func @_idx_body(%arg0: i32, %arg1: memref<1x512x1xf32, #tpu.memory_space<vmem>>, %arg2: memref<1x1x1600xi32, #tpu.memory_space<vmem>>) attributes {dimension_semantics = [#tpu.dimension_semantics<arbitrary>], iteration_bounds = array<i64: 8>, scalar_prefetch = 0 : i64, scratch_operands = 0 : i64, tpu.core_type = #tpu.core_type<tc>, window_params = [{transform_indices = @transform_0, window_bounds = array<i64: 1, 512, 1>}, {transform_indices = @transform_1, window_bounds = array<i64: 1, 1, 1600>}]} {
    %get3A = arith.constant 0 : index
    %get3A_0 = arith.constant 0 : index
    %get3A_1 = arith.constant 0 : index
    %get3A_2 = vector.load %arg1[%get3A, %get3A_0, %get3A_1] : memref<1x512x1xf32, #tpu.memory_space<vmem>>, vector<1x512x1xf32>
    %jit3A = arith.constant 1.000000e+00 : f32
    %jit3A_3 = arith.constant 2.000000e+01 : f32
    %max3A = vector.broadcast %jit3A : f32 to vector<1x512x1xf32>
    %max3A_4 = arith.maximumf %max3A, %get3A_2 : vector<1x512x1xf32>
    %min3A = vector.broadcast %jit3A_3 : f32 to vector<1x512x1xf32>
    %min3A_5 = arith.minimumf %min3A, %max3A_4 : vector<1x512x1xf32>
    %round3A = math.roundeven %min3A_5 : vector<1x512x1xf32>
    %reshape3A = vector.shape_cast %round3A : vector<1x512x1xf32> to vector<512x1xf32>
    %iota3A = tpu.iota {dimensions = array<i32: 0>} : vector<512x512xi32>
    %iota3A_6 = tpu.iota {dimensions = array<i32: 1>} : vector<512x512xi32>
    %ge3A = arith.cmpi sge, %iota3A, %iota3A_6 : vector<512x512xi32>
    %convert_element_type3A = arith.extui %ge3A : vector<512x512xi1> to vector<512x512xi32>
    %convert_element_type3A_7 = arith.sitofp %convert_element_type3A : vector<512x512xi32> to vector<512x512xf32>
    %dot_general3A = arith.constant dense<0.000000e+00> : vector<512x1xf32>
    %dot_general3A_8 = tpu.matmul %convert_element_type3A_7, %reshape3A, %dot_general3A {dimension_numbers = #tpu.dot_dimension_numbers<[1], [0], [0], [1], [0, 0, 1, 1], [], []>, transpose_lhs_hint = false} : vector<512x512xf32>, vector<512x1xf32>, vector<512x1xf32> -> vector<512x1xf32>
    %iota3A_9 = tpu.iota {dimensions = array<i32: 1>} : vector<512x1600xi32>
    %convert_element_type3A_10 = arith.sitofp %iota3A_9 : vector<512x1600xi32> to vector<512x1600xf32>
    %ge3A_11 = vector.broadcast %dot_general3A_8 : vector<512x1xf32> to vector<512x1600xf32>
    %ge3A_12 = arith.cmpf oge, %convert_element_type3A_10, %ge3A_11 : vector<512x1600xf32>
    %convert_element_type3A_13 = arith.extui %ge3A_12 : vector<512x1600xi1> to vector<512x1600xi32>
    %convert_element_type3A_14 = arith.sitofp %convert_element_type3A_13 : vector<512x1600xi32> to vector<512x1600xf32>
    %broadcast_in_dim3A = arith.constant 1.000000e+00 : f32
    %broadcast_in_dim3A_15 = vector.broadcast %broadcast_in_dim3A : f32 to vector<1x512xf32>
    %dot_general3A_16 = arith.constant dense<0.000000e+00> : vector<1x1600xf32>
    %dot_general3A_17 = tpu.matmul %broadcast_in_dim3A_15, %convert_element_type3A_14, %dot_general3A_16 {dimension_numbers = #tpu.dot_dimension_numbers<[1], [0], [0], [1], [0, 0, 1, 1], [], []>, transpose_lhs_hint = false} : vector<1x512xf32>, vector<512x1600xf32>, vector<1x1600xf32> -> vector<1x1600xf32>
    %convert_element_type3A_18 = arith.fptosi %dot_general3A_17 : vector<1x1600xf32> to vector<1x1600xi32>
    %lt3A = arith.constant 512 : i32
    %lt3A_19 = vector.broadcast %lt3A : i32 to vector<1x1600xi32>
    %lt3A_20 = arith.cmpi slt, %convert_element_type3A_18, %lt3A_19 : vector<1x1600xi32>
    %mul3A = arith.constant 512 : i32
    %mul3A_21 = arith.muli %arg0, %mul3A : i32
    %add3A = vector.broadcast %mul3A_21 : i32 to vector<1x1600xi32>
    %add3A_22 = arith.addi %add3A, %convert_element_type3A_18 : vector<1x1600xi32>
    %jit3A_23 = arith.constant 4096 : i32
    %broadcast_in_dim3A_24 = vector.broadcast %jit3A_23 : i32 to vector<1x1600xi32>
    %select_n3A = arith.select %lt3A_20, %add3A_22, %broadcast_in_dim3A_24 : vector<1x1600xi1>, vector<1x1600xi32>
    %reshape3A_25 = vector.shape_cast %select_n3A : vector<1x1600xi32> to vector<1x1x1600xi32>
    %swap3A = arith.constant 0 : index
    %swap3A_26 = arith.constant 0 : index
    %swap3A_27 = arith.constant 0 : index
    %swap3A_28 = vector.load %arg2[%swap3A, %swap3A_26, %swap3A_27] : memref<1x1x1600xi32, #tpu.memory_space<vmem>>, vector<1x1x1600xi32>
    tpu.vector_store %arg2[%swap3A, %swap3A_26, %swap3A_27], %reshape3A_25 {strides = array<i32>} : memref<1x1x1600xi32, #tpu.memory_space<vmem>>, vector<1x1x1600xi32>,
    return
  }
  func.func @transform_0(%arg0: i32) -> (i32, i32, i32) {
    %c0_i32 = arith.constant 0 : i32
    %c0_i32_0 = arith.constant 0 : i32
    %c0_i32_1 = arith.constant 0 : i32
    return %arg0, %c0_i32, %c0_i32_0 : i32, i32, i32
  }
  func.func @transform_1(%arg0: i32) -> (i32, i32, i32) {
    %c0_i32 = arith.constant 0 : i32
    %c0_i32_0 = arith.constant 0 : i32
    %c0_i32_1 = arith.constant 0 : i32
    return %arg0, %c0_i32, %c0_i32_0 : i32, i32, i32
  }
}

</mosaic_0001>

<sc_bundles>
// kernel: kernel.4.cloned.1.call-start
scs
__scs_entry_jumppad:
0x0: {  	(pc) =	sbr.rel $0x88, $3  }
0x1: {  	(tag) =	ssettag $0x0;
	lr =	simm.s32 $0x1  }
0x2: {  	[smem:$0x3F9F] =	sst lr;
	_ =	strace $0xD0000000  }
0x3: {  	_ = 	snop  }
0x4: {  	_ = 	snop  }
0x5: {  	_ = 	snop  }
0x6: {  	_ = 	snop  }
0x7: {  	_ = 	snop  }
__scs_overlays_trampoline_lowered:
0x8: {  	[smem:$0x3FAE] =	sst s0  }
0x9: {  	[smem:$0x3FAF] =	sst s1  }
0xa: {  	[smem:$0x3FB0] =	sst s2  }
0xb: {  	[smem:$0x3FB1] =	sst s3  }
0xc: {  	[smem:$0x3FB2] =	sst s4  }
0xd: {  	[smem:$0x3FB3] =	sst s5  }
0xe: {  	[smem:$0x3FB4] =	sst s6  }
0xf: {  	[smem:$0x3FB5] =	sst s7  }
0x10: {  	[smem:$0x3FB6] =	sst s8  }
0x11: {  	[smem:$0x3FB7] =	sst s9;
	s0 =	simm.s32 @!p0 $0x0  }
0x12: {  	s1 =	sld [smem:$0x3F9D];
	s0 =	simm.s32 @p0 $0x1  }
0x13: {  	[smem:$0x3FB8] =	sst s0;
	s0 =	simm.s32 @!p1 $0x0  }
0x14: {  	s2 =	sld [smem:$0x3F9C];
	s0 =	simm.s32 @p1 $0x1  }
0x15: {  	[smem:$0x3FB9] =	sst s0;
	s0 =	simm.s32 @!p2 $0x0  }
0x16: {  	s3 =	sld [smem:$0x3FDB];
	s0 =	simm.s32 @p2 $0x1  }
0x17: {  	s4 =	simm.s32 $0x1BF5;
	[smem:$0x3FBB] =	sst s0  }
0x18: {  	s0 =	sld [smem:$0x3F9E];
	_ =	swait.ge [sflag:s4], $0x0  }
0x19: {  	s7 =	sld [smem:$0x3F9F]  }
0x1a: {  	s8 =	sadd.s32 $0xFFFFE003, lr  }
0x1b: {  	s9 =	sadd.s32 $0xFFFFFEF7, lr;
	s5 =	simm.s32 $0xFFFFFFFF;
	p2 =	slt.u32 s8, $0xFFFFF086  }
0x1c: {  	p1 =	slt.u32 s9, $0xF7A;
	s5 =	simm.s32 @!p2 $0x0  }
0x1d: {  	s5 =	simm.s32 @p1 $0x1;
	p0 =	seq.s32 s7, s2  }
0x1e: {  	s7 =	smul.u32 @!p0 $0xF7A, s2;
	p2 =	seq.s32 @!p0 s5, $0x0  }
0x1f: {  	s9 =	smul.u32 $0xF7A, s1;
	s8 =	simm.s32 @!p0 $0x1BF5;
	p2 =	por !p2, p0  }
0x20: {  	[sflag:s8] =	ssyncset.s32 @!p0 $0xFFFFF086;
	s6 =	sadd.s32 @!p0 s3, s7;
	s7 =	simm.s32 @!p0 $0x108  }
0x21: {  	s3 =	sadd.s32 s3, s9;
	s6 =	sadd.s32 @!p0 $0x88, s6;
	s7 =	simm.s32 @p2 $0x1082  }
0x22: {  	[simem:s7], [sflag:s8] =	dma.local @!p0 [hbm:s6], $0xF7A  }
0x23: {  	s9 =	sor.u32 $0xD0000000, s2;
	s6 =	simm.s32 $0x108;
	_ =	swait.ge @!p0 [sflag:s8], $0x0  }
0x24: {  	s3 =	sadd.s32 $0x88, s3;
	s6 =	simm.s32 @!p1 $0x1082;
	[sflag:s4] =	ssyncset.s32 $0xFFFFF086  }
0x25: {  	[simem:s6], [sflag:s4] =	dma.local [hbm:s3], $0xF7A  }
0x26: {  	[smem:$0x3F9F] =	sst s1;
	(tag) =	ssettag s2;
	_ =	strace s9  }
0x27: {  	s1 =	sld [smem:$0x3FAF]  }
0x28: {  	s2 =	sld [smem:$0x3FB0]  }
0x29: {  	s4 =	sld [smem:$0x3FB2]  }
0x2a: {  	p0 =	seq.s32 s5, $0x0;
	s5 =	sld [smem:$0x3FB3]  }
0x2b: {  	s6 =	sld [smem:$0x3FB4]  }
0x2c: {  	s7 =	sld [smem:$0x3FB5]  }
0x2d: {  	s3 =	simm.s32 $0x108;
	s8 =	sld [smem:$0x3FB6]  }
0x2e: {  	s3 =	simm.s32 @!p0 $0x1082;
	s9 =	sld [smem:$0x3FB7]  }
0x2f: {  	lr =	sadd.s32 s0, s3;
	s0 =	sld [smem:$0x3FAE]  }
0x30: {  	s3 =	sld [smem:$0x3FB1]  }
0x31: {  	[smem:$0x3FBA] =	sst s10  }
0x32: {  	s10 =	sld [smem:$0x3FB8];
	_ =	sdelay $0x3  }
0x33: {  	p0 =	seq.s32 s10, $0x1;
	s10 =	sld [smem:$0x3FBA];
	_ =	sdelay $0x3  }
0x34: {  	[smem:$0x3FBA] =	sst s10  }
0x35: {  	s10 =	sld [smem:$0x3FB9];
	_ =	sdelay $0x3  }
0x36: {  	p1 =	seq.s32 s10, $0x1;
	s10 =	sld [smem:$0x3FBA];
	_ =	sdelay $0x3  }
0x37: {  	[smem:$0x3FBA] =	sst s10  }
0x38: {  	s10 =	sld [smem:$0x3FBB]  }
0x39: {  	_ = 	snop;
	(pc) =	sbr.ind lr, $3  }
0x3a: {  	_ = 	snop  }
0x3b: {  	_ = 	snop  }
0x3c: {  	p2 =	seq.s32 s10, $0x1;
	s10 =	sld [smem:$0x3FBA]  }
0x3d: {  	_ =	shalt  }
0x3e: {  	_ =	shalt  }
0x3f: {  	_ =	shalt  }
0x40: {  	_ =	shalt  }
0x41: {  	_ =	shalt  }
0x42: {  	_ =	shalt  }
0x43: {  	_ =	shalt  }
0x44: {  	_ =	shalt  }
0x45: {  	_ =	shalt  }
0x46: {  	_ =	shalt  }
0x47: {  	_ =	shalt  }
0x48: {  	_ =	shalt  }
0x49: {  	_ =	shalt  }
0x4a: {  	_ =	shalt  }
0x4b: {  	_ =	shalt  }
0x4c: {  	_ =	shalt  }
0x4d: {  	_ =	shalt  }
0x4e: {  	_ =	shalt  }
0x4f: {  	_ =	shalt  }
0x50: {  	_ =	shalt  }
0x51: {  	_ =	shalt  }
0x52: {  	_ =	shalt  }
0x53: {  	_ =	shalt  }
0x54: {  	_ =	shalt  }
0x55: {  	_ =	shalt  }
0x56: {  	_ =	shalt  }
0x57: {  	_ =	shalt  }
0x58: {  	_ =	shalt  }
0x59: {  	_ =	shalt  }
0x5a: {  	_ =	shalt  }
0x5b: {  	_ =	shalt  }
0x5c: {  	_ =	shalt  }
0x5d: {  	_ =	shalt  }
0x5e: {  	_ =	shalt  }
0x5f: {  	_ =	shalt  }
0x60: {  	_ =	shalt  }
0x61: {  	_ =	shalt  }
0x62: {  	_ =	shalt  }
0x63: {  	_ =	shalt  }
0x64: {  	_ =	shalt  }
0x65: {  	_ =	shalt  }
0x66: {  	_ =	shalt  }
0x67: {  	_ =	shalt  }
0x68: {  	_ =	shalt  }
0x69: {  	_ =	shalt  }
0x6a: {  	_ =	shalt  }
0x6b: {  	_ =	shalt  }
0x6c: {  	_ =	shalt  }
0x6d: {  	_ =	shalt  }
0x6e: {  	_ =	shalt  }
0x6f: {  	_ =	shalt  }
0x70: {  	_ =	shalt  }
0x71: {  	_ =	shalt  }
0x72: {  	_ =	shalt  }
0x73: {  	_ =	shalt  }
0x74: {  	_ =	shalt  }
0x75: {  	_ =	shalt  }
0x76: {  	_ =	shalt  }
0x77: {  	_ =	shalt  }
0x78: {  	_ =	shalt  }
0x79: {  	_ =	shalt  }
0x7a: {  	_ =	shalt  }
0x7b: {  	_ =	shalt  }
0x7c: {  	_ =	shalt  }
0x7d: {  	_ =	shalt  }
0x7e: {  	_ =	shalt  }
0x7f: {  	_ =	shalt  }
0x80: {  	_ =	shalt  }
0x81: {  	_ =	shalt  }
0x82: {  	_ =	shalt  }
0x83: {  	_ =	shalt  }
0x84: {  	_ =	shalt  }
0x85: {  	_ =	shalt  }
0x86: {  	_ =	shalt  }
0x87: {  	_ =	shalt  }
.Lfunc_end0:
.L_simem_size_0:
called_computation_lowered:
.L_overlay_start_0:
0x88: {  	s2 =	sld [smem:$0x3FD9]  }
0x89: {  	s3 =	sld [smem:$0x3FFE];
	_ =	sdelay $0x1  }
0x8a: {  	s1 =	srdreg.scid  }
0x8b: {  	s0 =	sand.u32 $0x1, s1  }
0x8c: {  	s17 =	sshll.u32 s0, $0xA;
	s2 =	sadd.s32 s3, s2  }
0x8d: {  	s2 =	sadd.s32 s2, s17  }
0x8e: {  	[smem:$0x3FC6] =	sst s2  }
0x8f: {  	_ = 	snop  }
0x90: {  	s2 =	sld [smem:$0x3FC9]  }
0x91: {  	s18 =	sld [smem:$0x3FD0];
	(tm) =	ssettm $0x1  }
0x92: {  	s4 =	sld [smem:$0x3FFB];
	_ =	sdelay $0x3  }
0x93: {  	_ =	strace s4  }
0x94: {  	s4 =	sld [smem:$0x3FFC];
	_ =	sdelay $0x3  }
0x95: {  	_ =	strace s4  }
0x96: {  	s4 =	sld [smem:$0x3FFD];
	_ =	sdelay $0x3  }
0x97: {  	_ =	strace s4  }
0x98: {  	_ =	strace $0x8FFFFFFF  }
0x99: {  	s19 =	sld [smem:$0x3FDB];
	_ =	sdelay $0x1  }
0x9a: {  	s5 =	simm.s32 $_scs_section_size  }
0x9b: {  	s6 =	simm.s32 $_size__tile_overlayer_lowered;
	s7 =	simm.s32 $_tile_overlayer_lowered  }
0x9c: {  	s22 =	simm.s32 $0x1BFF;
	s21 =	sshll.u32 s7, $0x1;
	s4 =	sadd.s32 s5, s19  }
0x9d: {  	s8 =	simm.s32 $0x0;
	s20 =	sshll.u32 s6, $0x1;
	s6 =	sadd.s32 s21, s4  }
0x9e: {  	[timem:s8], [sflag:s22] =	dma.local [hbm:s6], s20  }
0x9f: {  	_ =	swait.ge [sflag:s22], s20  }
0xa0: {  	s5 =	ssub.s32 $0x0, s20;
	[sflag:s22] =	ssyncset.done $0x0  }
0xa1: {  	[sflag:s22] =	ssyncadd.s32 s5;
	_ =	sdelay $0x1  }
0xa2: {  	s23 =	simm.s32 $0x1B8B  }
0xa3: {  	_ =	swait.ge [sflag:s23], $0x1  }
0xa4: {  	[sflag:s23] =	ssyncset.done $0x0  }
0xa5: {  	s25 =	simm.s32 $0x1B8E;
	s24 =	sld [smem:$0x3FFE];
	[sflag:s23] =	ssyncadd.s32 $0xFFFFFFFF  }
0xa6: {  	s26 =	simm.s32 $execute0_lowered;
	[smem:$0x3FD2] =	sst s25  }
0xa7: {  	s6 =	sshll.u32 s26, $0x1;
	_ =	strace $0x80000046;
	[dreg:$0x1] =	wrdreg $0xFFFFFFFF  }
0xa8: {  	s28 =	simm.s32 $_size_execute0_lowered;
	s4 =	sadd.s32 s4, s6;
	[dreg:$0x0] =	wrdreg $0x0  }
0xa9: {  	s6 =	sshll.u32 s28, $0x1;
	[dreg:$0x2] =	wrdreg s4  }
0xaa: {  	[dreg:$0x3] =	wrdreg s6  }
0xab: {  	[dreg:$0x4] =	wrdreg $0xC0  }
0xac: {  	_ =	task [dreg:s8], $0x5FFFF  }
0xad: {  	[dreg:$0x1] =	wrdreg $0xFFFFFFFF  }
0xae: {  	[dreg:$0x0] =	wrdreg $0x60  }
0xaf: {  	[dreg:$0x2] =	wrdreg s2  }
0xb0: {  	[dreg:$0x3] =	wrdreg s24  }
0xb1: {  	[dreg:$0x4] =	wrdreg s18  }
0xb2: {  	[dreg:$0x5] =	wrdreg $0x9  }
0xb3: {  	_ =	task.clear_ibuf [dreg:s8], $0x6FFFF;
	_ =	strace $0x90000046  }
0xb4: {  	s29 =	simm.s32 $0x9;
	_ =	strace $0x80000048  }
0xb5: {  	_ =	swait.ge [sflag:s29], $0x1  }
0xb6: {  	[sflag:s29] =	ssyncadd.s32 $0xFFFFFFFF  }
0xb7: {  	_ =	strace $0x90000048  }
0xb8: {  	_ =	sfence  }
0xb9: {  	s30 =	sld [smem:$0x0];
	_ =	sdelay $0x2  }
0xba: {  	s31 =	sshll.u32 s1, $0xD;
	s1 =	sshrl.u32 s1, $0x2  }
0xbb: {  	s3 =	sand.u32 $0x4000, s31;
	s1 =	sadd.s32 s1, s30  }
0xbc: {  	s0 =	sor.u32 s3, s0;
	s1 =	sshll.u32 s1, $0x11  }
0xbd: {  	s0 =	sor.u32 s1, s0  }
0xbe: {  	s0 =	sadd.s32 $0x8F2B, s0  }
0xbf: {  	[sflag:s0] =	ssyncadd.remote.s32 $0x1  }
0xc0: {  	_ =	sfence.sel $0xFFFF  }
0xc1: {  	[dreg:$0x0] =	wrdreg $0xFFFFFFFF;
	(pc) =	sbr.abs _section_cstart, $3  }
0xc2: {  	[dreg:$0x1] =	wrdreg $0xFFFFFFFF  }
0xc3: {  	_ =	task.clear_ibuf [dreg:s8], $0x2FFFF;
	_ =	strace $0x9FFFFFFF  }
0xc4: {  	(tm) =	ssettm $0x7FFFFFFF  }
0xc5: {  	_ =	shalt  }
tec
execute0_lowered:
.L_overlay_start_1:
0x0: {  	(tag) =	ssettag $0x1  }
0x1: {  	s1 =	rddreg [dreg:$0x0]  }
0x2: {  	s0 =	srdreg.scid;
	s4 =	rddreg [dreg:$0x1]  }
0x3: {  	s2 =	stileid.u32;
	s6 =	rddreg [dreg:$0x2];
	s3 =	simm.s32 $0x0  }
0x4: {  	s13 =	simm.s32 $0x400;
	s19 =	simm.s32 $0xC00;
	s20 =	simm.s32 $0x3000  }
0x5: {  	s21 =	simm.s32 $0x3400;
	s22 =	simm.s32 $0x3C00;
	s28 =	simm.s32 $0x5800  }
0x6: {  	v0 =	vimm.s32 $0x76543210;
	s29 =	simm.s32 $0x6000;
	s0 =	sand.u32 $0x1, s0;
	s2 =	sshll.u32 s2, $0x1  }
0x7: {  	v1 =	vimm.s32 $0xFEDCBA98;
	v2 =	vimm.s32 $0x3210FEDC;
	s30 =	simm.s32 $0x6400;
	s31 =	simm.s32 $0x6C00;
	s2 =	sor.u32 s0, s2  }
0x8: {  	v4 =	vimm.s32 $0xBA987654;
	v5 =	vimm.s32 $0x10FEDCBA;
	s11 =	simm.s32 $0x1;
	s0 =	ssub.s32 $0x2, s0;
	s2 =	smul.u32 $0x190, s2  }
0x9: {  	v6 =	vimm.s32 $0x98765432;
	v7 =	vimm.s32 $0xFEDCBA9;
	v8 =	vimm.s32 $0x87654321;
	s8 =	simm.s32 $0x2;
	s9 =	simm.s32 $0x4;
	s5 =	sshrl.u32 s0, $0x1  }
0xa: {  	v9 =	vlaneseq.u32;
	vm0 =	vmmov $0xffff;
	vm1 =	vmmov $0xff;
	s10 =	simm.s32 $0x0;
	s0 =	ssub.s32 s0, s5;
	s2 =	sshrl.u32 s2, $0x3  }
0xb: {  	[smem:$0x7FF] =	sst s3;
	v1 =	vunpack.c.l.s4.s8 v1;
	v3 =	vunpack.c.l.s4.s8 v0;
	v0 =	vimm.s32 $0x0;
	s0 =	smax.u32 s0, $0x1;
	s7 =	smul.u32 $0x180, s2  }
0xc: {  	v2 =	vunpack.c.l.s4.s8 v2;
	v4 =	vunpack.c.l.s4.s8 v4;
	v5 =	vunpack.c.l.s4.s8 v5;
	_ =	strace $0x80000047;
	s2 =	sadd.s32 s4, s2;
	[dreg:$0xa] =	wrdreg s0  }
0xd: {  	v6 =	vunpack.c.l.s4.s8 v6;
	v7 =	vunpack.c.l.s4.s8 v7;
	v8 =	vunpack.c.l.s4.s8 v8;
	s5 =	sadd.s32 $0x100, s1;
	[dreg:$0x4] =	wrdreg s2;
	s23 =	sadd.s32 s6, s7  }
0xe: {  	v1 =	vunpack.c.0.s8.s32 v1;
	v3 =	vunpack.c.0.s8.s32 v3;
	v2 =	vunpack.c.0.s8.s32 v2;
	s0 =	simm.s32 $0x7800;
	s24 =	sadd.s32 $0xF00, s23;
	[dreg:$0x5] =	wrdreg s23  }
.Ltmp0:
0xf: {  	v4 =	vunpack.c.0.s8.s32 v4;
	v7 =	vunpack.c.0.s8.s32 v7;
	v8 =	vunpack.c.0.s8.s32 v8;
	s25 =	sadd.s32 $0x1E00, s23;
	[dreg:$0x6] =	wrdreg s24;
	(pc) =	sbr.rel .LBB2_1-.Ltmp0, $4  }
0x10: {  	v5 =	vunpack.c.0.s8.s32 v5;
	v6 =	vunpack.c.0.s8.s32 v6;
	v1 =	vand.u32 $0xF, v1;
	s4 =	simm.s32 $0x7C00;
	s26 =	sadd.s32 $0x2D00, s23;
	[dreg:$0x7] =	wrdreg s25  }
0x11: {  	v2 =	vcombine.low v4, v2;
	v4 =	vcombine.low v8, v7;
	v7 =	vor.u32 $0x8, v9;
	s7 =	simm.s32 $0x3;
	s2 =	sadd.s32 $0x3C00, s23;
	[dreg:$0x8] =	wrdreg s26  }
0x12: {  	v1 =	vcombine.low v1, v3;
	v3 =	vcombine.low v6, v5;
	v6 =	vshrl.u32 v9, $0x3;
	s23 =	simm.s32 $0x4000;
	[dreg:$0x9] =	wrdreg s2;
	s24 =	simm.s32 $0x4800  }
0x13: {  	v8 =	vimm.f32 $0.0e+00;
	v5 =	vand.u32 $0x7, v9;
	v6 =	vmul.u32 $0x8, v6;
	s25 =	simm.s32 $0x4C00;
	s26 =	simm.s32 $0x5400;
	s2 =	simm.s32 $0x7000  }
.LBB2_24:
0x14: {  	[tilespmem:s6+$0xC20] =	vst v8  }
0x15: {  	[tilespmem:s6+$0xC30] =	vst v8  }
0x16: {  	[tilespmem:s6+$0xC40] =	vst v8  }
0x17: {  	[tilespmem:s6+$0xC50] =	vst v8  }
0x18: {  	[tilespmem:s6+$0xC60] =	vst v8  }
.LBB2_25:
0x19: {  	s6 =	rddreg [dreg:$0x9]  }
0x1a: {  	[hbm4b:s6+s3] =	stream.linear.scatter [tilespmem:s13], [sflag:$0x3], $0x7800, $0x38;
	[tilespmem:$0xF400] =	vst v63  }
0x1b: {  	_ =	swait.ge [sflag:s9], $0x7800  }
0x1c: {  	[sflag:s9] =	ssyncset.done $0x0  }
0x1d: {  	[sflag:s9] =	ssyncadd.s32 $0xFFFF8800  }
0x1e: {  	_ =	swait.ge [sflag:s7], $0x7800  }
0x1f: {  	s10 =	sadd.s32 $0x1, s10;
	s18 =	rddreg [dreg:$0xa]  }
0x20: {  	p0 =	sne.s32 s10, s18  }
.Ltmp1:
0x21: {  	_ = 	snop;
	(pc) =	sbr.rel @!p0 .LBB2_26-.Ltmp1, $3  }
0x22: {  	_ =	sdelay $0x1  }
0x23: {  	[sflag:s7] =	ssyncset.done $0x0  }
0x24: {  	[sflag:s7] =	ssyncadd.s32 $0xFFFF8800  }
.LBB2_1:
0x25: {  	s6 =	rddreg [dreg:$0x4];
	s12 =	simm.s32 $0x5  }
0x26: {  	[tilespmem:s3], [sflag:$0x5] =	stream.linear.gather [hbm4b:s6+s3], $0x190, $0x38;
	[tilespmem:$0xF400] =	vst v63  }
0x27: {  	_ =	swait.ge [sflag:s12], $0x190  }
0x28: {  	[sflag:s12] =	ssyncset.done $0x0  }
0x29: {  	[sflag:s12] =	ssyncadd.s32 $0xFFFFFE70  }
0x2a: {  	v33 =	vld [tilespmem:$0x0]  }
0x2b: {  	v31 =	vld [tilespmem:$0x10]  }
0x2c: {  	v29 =	vld [tilespmem:$0x20]  }
0x2d: {  	v22 =	vld [tilespmem:$0x30]  }
0x2e: {  	v11 =	vld [tilespmem:$0x40]  }
0x2f: {  	v12 =	vld [tilespmem:$0x50];
	vm2 =	vlt.s32 v33, $0xFFF  }
0x30: {  	v9 =	vld [tilespmem:$0x60];
	v32 =	vnsel vm2, $0xFFF, v33;
	vm2 =	vlt.s32 v31, $0xFFF  }
0x31: {  	v10 =	vld [tilespmem:$0x70];
	[tilespmem:$0x200] =	vst v32;
	v13 =	vnsel vm2, $0xFFF, v31;
	vm2 =	vlt.s32 v29, $0xFFF  }
0x32: {  	[tilespmem:$0x210] =	vst v13;
	v14 =	vnsel vm2, $0xFFF, v29;
	vm2 =	vlt.s32 v22, $0xFFF;
	v13 =	vld [tilespmem:$0x80]  }
0x33: {  	[tilespmem:$0x220] =	vst v14;
	v15 =	vnsel vm2, $0xFFF, v22;
	vm2 =	vlt.s32 v11, $0xFFF;
	v14 =	vld [tilespmem:$0x90]  }
0x34: {  	[tilespmem:$0x230] =	vst v15;
	v16 =	vnsel vm2, $0xFFF, v11;
	vm2 =	vlt.s32 v12, $0xFFF;
	v15 =	vld [tilespmem:$0xA0]  }
0x35: {  	[tilespmem:$0x240] =	vst v16;
	v17 =	vnsel vm2, $0xFFF, v12;
	vm2 =	vlt.s32 v9, $0xFFF;
	v16 =	vld [tilespmem:$0xB0]  }
0x36: {  	[tilespmem:$0x250] =	vst v17;
	v18 =	vnsel vm2, $0xFFF, v9;
	vm2 =	vlt.s32 v10, $0xFFF;
	v17 =	vld [tilespmem:$0xC0]  }
0x37: {  	[tilespmem:$0x260] =	vst v18;
	v19 =	vnsel vm2, $0xFFF, v10;
	vm2 =	vlt.s32 v13, $0xFFF;
	v18 =	vld [tilespmem:$0xD0]  }
0x38: {  	[tilespmem:$0x270] =	vst v19;
	v20 =	vnsel vm2, $0xFFF, v13;
	vm2 =	vlt.s32 v14, $0xFFF;
	v19 =	vld [tilespmem:$0xE0]  }
0x39: {  	[tilespmem:$0x280] =	vst v20;
	v21 =	vnsel vm2, $0xFFF, v14;
	vm2 =	vlt.s32 v15, $0xFFF;
	v20 =	vld [tilespmem:$0xF0]  }
0x3a: {  	v23 =	vld [tilespmem:$0x100];
	[tilespmem:$0x290] =	vst v21;
	v58 =	vnsel vm2, $0xFFF, v15;
	vm2 =	vlt.s32 v16, $0xFFF  }
0x3b: {  	v24 =	vld [tilespmem:$0x110];
	[tilespmem:$0x2A0] =	vst v58;
	v59 =	vnsel vm2, $0xFFF, v16;
	vm2 =	vlt.s32 v17, $0xFFF  }
0x3c: {  	v28 =	vld [tilespmem:$0x120];
	[tilespmem:$0x2B0] =	vst v59;
	v60 =	vnsel vm2, $0xFFF, v17;
	vm2 =	vlt.s32 v18, $0xFFF  }
0x3d: {  	v21 =	vld [tilespmem:$0x130];
	[tilespmem:$0x2C0] =	vst v60;
	v25 =	vnsel vm2, $0xFFF, v18;
	vm2 =	vlt.s32 v19, $0xFFF  }
0x3e: {  	[tilespmem:$0x2D0] =	vst v25;
	v26 =	vnsel vm2, $0xFFF, v19;
	vm2 =	vlt.s32 v20, $0xFFF;
	v25 =	vld [tilespmem:$0x140]  }
0x3f: {  	v30 =	vshrl.u32 v32, $0x3;
	[tilespmem:$0x2E0] =	vst v26;
	v27 =	vnsel vm2, $0xFFF, v20;
	vm2 =	vlt.s32 v23, $0xFFF;
	v26 =	vld [tilespmem:$0x150]  }
0x40: {  	v35 =	vmul.u32 $0x18, v30;
	[tilespmem:$0x2F0] =	vst v27;
	v34 =	vnsel vm2, $0xFFF, v23;
	vm2 =	vlt.s32 v24, $0xFFF;
	v27 =	vld [tilespmem:$0x160]  }
0x41: {  	v36 =	vand.u32 $0x7, v32;
	v30 =	vld [tilespmem:$0x170];
	[tilespmem:$0x300] =	vst v34;
	v61 =	vnsel vm2, $0xFFF, v24;
	vm2 =	vlt.s32 v28, $0xFFF  }
0x42: {  	v32 =	vld [tilespmem:$0x180];
	v35 =	vor.u32 v36, v35;
	[tilespmem:$0x310] =	vst v61;
	v62 =	vnsel vm2, $0xFFF, v28;
	vm2 =	vlt.s32 v21, $0xFFF  }
0x43: {  	v36 =	vperm.xlane v35, v5;
	[tilespmem:$0x320] =	vst v62;
	v63 =	vnsel vm2, $0xFFF, v21;
	vm2 =	vlt.s32 v25, $0xFFF  }
0x44: {  	[tilespmem:$0x330] =	vst v63;
	v39 =	vnsel vm2, $0xFFF, v25;
	vm2 =	vlt.s32 v26, $0xFFF  }
0x45: {  	v36 =	vadd.s32 v6, v36;
	[tilespmem:$0x340] =	vst v39;
	v40 =	vnsel vm2, $0xFFF, v26;
	vm2 =	vlt.s32 v27, $0xFFF  }
0x46: {  	[tilespmem:$0x350] =	vst v40;
	v41 =	vnsel vm2, $0xFFF, v27;
	vm2 =	vlt.s32 v30, $0xFFF  }
0x47: {  	v35 =	vperm.xlane v35, v7;
	[tilespmem:$0x360] =	vst v41;
	v42 =	vnsel vm2, $0xFFF, v30;
	vm2 =	vlt.s32 v32, $0xFFF  }
0x48: {  	[tilespmem:$0x370] =	vst v42;
	v43 =	vnsel vm2, $0xFFF, v32  }
0x49: {  	v44 =	vadd.s32 v6, v35;
	[tilespmem:$0x380] =	vst v43  }
0x4a: {  	[tilespmem:s13], [sflag:$0x1] =	stream.indirect_vreg.gather [hbm4b:s1+s3], $0x80, v36, vm0, $0xb8;
	[tilespmem:$0xF400] =	vst v63  }
0x4b: {  	_ = 	snop  }
0x4c: {  	[tilespmem:s19], [sflag:$0x1] =	stream.indirect_vreg.gather [hbm4b:s5+s3], $0x80, v36, vm1, $0xb8;
	[tilespmem:$0xF400] =	vst v63  }
0x4d: {  	s14 =	simm.s32 $0x1000  }
0x4e: {  	[tilespmem:s14], [sflag:$0x1] =	stream.indirect_vreg.gather [hbm4b:s1+s3], $0x80, v44, vm0, $0xb8;
	[tilespmem:$0xF400] =	vst v63  }
0x4f: {  	s15 =	simm.s32 $0x1800  }
0x50: {  	[tilespmem:s15], [sflag:$0x1] =	stream.indirect_vreg.gather [hbm4b:s5+s3], $0x80, v44, vm1, $0xb8;
	[tilespmem:$0xF400] =	vst v63  }
0x51: {  	v34 =	vld [tilespmem:$0x210];
	_ =	sdelay $0x4  }
0x52: {  	v45 =	vshrl.u32 v34, $0x3  }
0x53: {  	v35 =	vmul.u32 $0x18, v45  }
0x54: {  	v34 =	vand.u32 $0x7, v34  }
0x55: {  	v34 =	vor.u32 v34, v35  }
0x56: {  	v35 =	vperm.xlane v34, v5;
	_ =	sdelay $0x1  }
0x57: {  	v35 =	vadd.s32 v6, v35;
	_ =	sdelay $0x1  }
0x58: {  	v34 =	vperm.xlane v34, v7;
	_ =	sdelay $0x1  }
0x59: {  	s16 =	simm.s32 $0x1C00;
	v34 =	vadd.s32 v6, v34  }
0x5a: {  	[tilespmem:s16], [sflag:$0x1] =	stream.indirect_vreg.gather [hbm4b:s1+s3], $0x80, v35, vm0, $0xb8;
	[tilespmem:$0xF400] =	vst v63  }
0x5b: {  	s17 =	simm.s32 $0x2400  }
0x5c: {  	[tilespmem:s17], [sflag:$0x1] =	stream.indirect_vreg.gather [hbm4b:s5+s3], $0x80, v35, vm1, $0xb8;
	[tilespmem:$0xF400] =	vst v63  }
0x5d: {  	s18 =	simm.s32 $0x2800  }
0x5e: {  	[tilespmem:s18], [sflag:$0x1] =	stream.indirect_vreg.gather [hbm4b:s1+s3], $0x80, v34, vm0, $0xb8;
	[tilespmem:$0xF400] =	vst v63  }
0x5f: {  	_ = 	snop  }
0x60: {  	[tilespmem:s20], [sflag:$0x1] =	stream.indirect_vreg.gather [hbm4b:s5+s3], $0x80, v34, vm1, $0xb8;
	[tilespmem:$0xF400] =	vst v63  }
0x61: {  	v34 =	vld [tilespmem:$0x220];
	_ =	sdelay $0x4  }
0x62: {  	v46 =	vshrl.u32 v34, $0x3  }
0x63: {  	v35 =	vmul.u32 $0x18, v46  }
0x64: {  	v34 =	vand.u32 $0x7, v34  }
0x65: {  	v34 =	vor.u32 v34, v35  }
0x66: {  	v35 =	vperm.xlane v34, v5;
	_ =	sdelay $0x1  }
0x67: {  	v35 =	vadd.s32 v6, v35;
	_ =	sdelay $0x1  }
0x68: {  	v34 =	vperm.xlane v34, v7;
	_ =	sdelay $0x1  }
0x69: {  	v34 =	vadd.s32 v6, v34  }
0x6a: {  	[tilespmem:s21], [sflag:$0x1] =	stream.indirect_vreg.gather [hbm4b:s1+s3], $0x80, v35, vm0, $0xb8;
	[tilespmem:$0xF400] =	vst v63  }
0x6b: {  	_ = 	snop  }
0x6c: {  	[tilespmem:s22], [sflag:$0x1] =	stream.indirect_vreg.gather [hbm4b:s5+s3], $0x80, v35, vm1, $0xb8;
	[tilespmem:$0xF400] =	vst v63  }
0x6d: {  	_ = 	snop  }
0x6e: {  	[tilespmem:s23], [sflag:$0x1] =	stream.indirect_vreg.gather [hbm4b:s1+s3], $0x80, v34, vm0, $0xb8;
	[tilespmem:$0xF400] =	vst v63  }
0x6f: {  	_ = 	snop  }
0x70: {  	[tilespmem:s24], [sflag:$0x1] =	stream.indirect_vreg.gather [hbm4b:s5+s3], $0x80, v34, vm1, $0xb8;
	[tilespmem:$0xF400] =	vst v63  }
0x71: {  	v34 =	vld [tilespmem:$0x230];
	_ =	sdelay $0x4  }
0x72: {  	v47 =	vshrl.u32 v34, $0x3  }
0x73: {  	v35 =	vmul.u32 $0x18, v47  }
0x74: {  	v34 =	vand.u32 $0x7, v34  }
0x75: {  	v34 =	vor.u32 v34, v35  }
0x76: {  	v35 =	vperm.xlane v34, v5;
	_ =	sdelay $0x1  }
0x77: {  	v35 =	vadd.s32 v6, v35;
	_ =	sdelay $0x1  }
0x78: {  	v34 =	vperm.xlane v34, v7;
	_ =	sdelay $0x1  }
0x79: {  	v34 =	vadd.s32 v6, v34  }
0x7a: {  	[tilespmem:s25], [sflag:$0x1] =	stream.indirect_vreg.gather [hbm4b:s1+s3], $0x80, v35, vm0, $0xb8;
	[tilespmem:$0xF400] =	vst v63  }
0x7b: {  	_ = 	snop  }
0x7c: {  	[tilespmem:s26], [sflag:$0x1] =	stream.indirect_vreg.gather [hbm4b:s5+s3], $0x80, v35, vm1, $0xb8;
	[tilespmem:$0xF400] =	vst v63  }
0x7d: {  	_ = 	snop  }
0x7e: {  	[tilespmem:s28], [sflag:$0x1] =	stream.indirect_vreg.gather [hbm4b:s1+s3], $0x80, v34, vm0, $0xb8;
	[tilespmem:$0xF400] =	vst v63  }
0x7f: {  	_ = 	snop  }
0x80: {  	[tilespmem:s29], [sflag:$0x1] =	stream.indirect_vreg.gather [hbm4b:s5+s3], $0x80, v34, vm1, $0xb8;
	[tilespmem:$0xF400] =	vst v63  }
0x81: {  	v34 =	vld [tilespmem:$0x240];
	_ =	sdelay $0x4  }
0x82: {  	v48 =	vshrl.u32 v34, $0x3  }
0x83: {  	v35 =	vmul.u32 $0x18, v48  }
0x84: {  	v34 =	vand.u32 $0x7, v34  }
0x85: {  	v34 =	vor.u32 v34, v35  }
0x86: {  	v35 =	vperm.xlane v34, v5;
	_ =	sdelay $0x1  }
0x87: {  	v35 =	vadd.s32 v6, v35;
	_ =	sdelay $0x1  }
0x88: {  	v34 =	vperm.xlane v34, v7;
	_ =	sdelay $0x1  }
0x89: {  	v34 =	vadd.s32 v6, v34  }
0x8a: {  	[tilespmem:s30], [sflag:$0x1] =	stream.indirect_vreg.gather [hbm4b:s1+s3], $0x80, v35, vm0, $0xb8;
	[tilespmem:$0xF400] =	vst v63  }
0x8b: {  	_ = 	snop  }
0x8c: {  	[tilespmem:s31], [sflag:$0x1] =	stream.indirect_vreg.gather [hbm4b:s5+s3], $0x80, v35, vm1, $0xb8;
	[tilespmem:$0xF400] =	vst v63  }
0x8d: {  	_ = 	snop  }
0x8e: {  	[tilespmem:s2], [sflag:$0x1] =	stream.indirect_vreg.gather [hbm4b:s1+s3], $0x80, v34, vm0, $0xb8;
	[tilespmem:$0xF400] =	vst v63  }
0x8f: {  	_ = 	snop  }
0x90: {  	[tilespmem:s0], [sflag:$0x1] =	stream.indirect_vreg.gather [hbm4b:s5+s3], $0x80, v34, vm1, $0xb8;
	[tilespmem:$0xF400] =	vst v63  }
0x91: {  	v34 =	vld [tilespmem:$0x250];
	_ =	sdelay $0x4  }
0x92: {  	v49 =	vshrl.u32 v34, $0x3  }
0x93: {  	v35 =	vmul.u32 $0x18, v49  }
0x94: {  	v34 =	vand.u32 $0x7, v34  }
0x95: {  	v34 =	vor.u32 v34, v35  }
0x96: {  	v35 =	vperm.xlane v34, v5;
	_ =	sdelay $0x1  }
0x97: {  	v35 =	vadd.s32 v6, v35;
	_ =	sdelay $0x1  }
0x98: {  	v34 =	vperm.xlane v34, v7;
	_ =	sdelay $0x1  }
0x99: {  	v34 =	vadd.s32 v6, v34  }
0x9a: {  	[tilespmem:s4], [sflag:$0x2] =	stream.indirect_vreg.gather [hbm4b:s1+s3], $0x80, v35, vm0, $0xb8;
	[tilespmem:$0xF400] =	vst v63  }
0x9b: {  	s12 =	simm.s32 $0x8400  }
0x9c: {  	[tilespmem:s12], [sflag:$0x2] =	stream.indirect_vreg.gather [hbm4b:s5+s3], $0x80, v35, vm1, $0xb8;
	[tilespmem:$0xF400] =	vst v63  }
0x9d: {  	s14 =	simm.s32 $0x8800  }
0x9e: {  	[tilespmem:s14], [sflag:$0x2] =	stream.indirect_vreg.gather [hbm4b:s1+s3], $0x80, v34, vm0, $0xb8;
	[tilespmem:$0xF400] =	vst v63  }
0x9f: {  	s15 =	simm.s32 $0x9000  }
0xa0: {  	[tilespmem:s15], [sflag:$0x2] =	stream.indirect_vreg.gather [hbm4b:s5+s3], $0x80, v34, vm1, $0xb8;
	[tilespmem:$0xF400] =	vst v63  }
0xa1: {  	v34 =	vld [tilespmem:$0x260];
	_ =	sdelay $0x4  }
0xa2: {  	v50 =	vshrl.u32 v34, $0x3  }
0xa3: {  	v35 =	vmul.u32 $0x18, v50  }
0xa4: {  	v34 =	vand.u32 $0x7, v34  }
0xa5: {  	v34 =	vor.u32 v34, v35  }
0xa6: {  	v35 =	vperm.xlane v34, v5;
	_ =	sdelay $0x1  }
0xa7: {  	v35 =	vadd.s32 v6, v35;
	_ =	sdelay $0x1  }
0xa8: {  	v34 =	vperm.xlane v34, v7;
	_ =	sdelay $0x1  }
0xa9: {  	s16 =	simm.s32 $0x9400;
	v34 =	vadd.s32 v6, v34  }
0xaa: {  	[tilespmem:s16], [sflag:$0x2] =	stream.indirect_vreg.gather [hbm4b:s1+s3], $0x80, v35, vm0, $0xb8;
	[tilespmem:$0xF400] =	vst v63  }
0xab: {  	s17 =	simm.s32 $0x9C00  }
0xac: {  	[tilespmem:s17], [sflag:$0x2] =	stream.indirect_vreg.gather [hbm4b:s5+s3], $0x80, v35, vm1, $0xb8;
	[tilespmem:$0xF400] =	vst v63  }
0xad: {  	s18 =	simm.s32 $0xA000  }
0xae: {  	[tilespmem:s18], [sflag:$0x2] =	stream.indirect_vreg.gather [hbm4b:s1+s3], $0x80, v34, vm0, $0xb8;
	[tilespmem:$0xF400] =	vst v63  }
0xaf: {  	s12 =	simm.s32 $0xA800  }
0xb0: {  	[tilespmem:s12], [sflag:$0x2] =	stream.indirect_vreg.gather [hbm4b:s5+s3], $0x80, v34, vm1, $0xb8;
	[tilespmem:$0xF400] =	vst v63  }
0xb1: {  	v34 =	vld [tilespmem:$0x270];
	_ =	sdelay $0x4  }
0xb2: {  	v51 =	vshrl.u32 v34, $0x3  }
0xb3: {  	v35 =	vmul.u32 $0x18, v51  }
0xb4: {  	v34 =	vand.u32 $0x7, v34  }
0xb5: {  	v34 =	vor.u32 v34, v35  }
0xb6: {  	vm2 =	vlt.s32 v33, $0x1000;
	v52 =	vperm.xlane v34, v5  }
0xb7: {  	v53 =	vsel vm2, $0x1, v0;
	vm2 =	vlt.s32 v31, $0x1000  }
0xb8: {  	v31 =	vsel vm2, $0x1, v0;
	vm2 =	vlt.s32 v29, $0x1000;
	v54 =	vadd.s32 v6, v52  }
0xb9: {  	v31 =	vadd.s32 v53, v31;
	v55 =	vsel vm2, $0x1, v0;
	vm2 =	vlt.s32 v22, $0x1000  }
0xba: {  	v56 =	vadd.s32 v55, v31;
	v57 =	vsel vm2, $0x1, v0;
	v58 =	vperm.xlane v34, v7  }
0xbb: {  	vm2 =	vlt.s32 v11, $0x1000;
	v22 =	vadd.s32 v57, v56  }
0xbc: {  	v11 =	vsel vm2, $0x1, v0;
	vm2 =	vlt.s32 v12, $0x1000;
	s14 =	simm.s32 $0xAC00;
	v59 =	vadd.s32 v6, v58  }
0xbd: {  	v11 =	vadd.s32 v11, v22;
	v60 =	vsel vm2, $0x1, v0;
	vm2 =	vlt.s32 v9, $0x1000;
	[tilespmem:s14], [sflag:$0x2] =	stream.indirect_vreg.gather [hbm4b:s1+s3], $0x80, v54, vm0, $0xb8;
	[tilespmem:$0xF400] =	vst v63  }
0xbe: {  	v9 =	vadd.s32 v60, v11;
	v11 =	vsel vm2, $0x1, v0;
	vm2 =	vlt.s32 v10, $0x1000;
	s15 =	simm.s32 $0xB400  }
0xbf: {  	v9 =	vadd.s32 v11, v9;
	v10 =	vsel vm2, $0x1, v0;
	vm2 =	vlt.s32 v13, $0x1000;
	[tilespmem:s15], [sflag:$0x2] =	stream.indirect_vreg.gather [hbm4b:s5+s3], $0x80, v54, vm1, $0xb8;
	[tilespmem:$0xF400] =	vst v63  }
0xc0: {  	v9 =	vadd.s32 v10, v9;
	v10 =	vsel vm2, $0x1, v0;
	vm2 =	vlt.s32 v14, $0x1000;
	s16 =	simm.s32 $0xB800  }
0xc1: {  	v9 =	vadd.s32 v10, v9;
	v10 =	vsel vm2, $0x1, v0;
	vm2 =	vlt.s32 v15, $0x1000;
	[tilespmem:s16], [sflag:$0x2] =	stream.indirect_vreg.gather [hbm4b:s1+s3], $0x80, v59, vm0, $0xb8;
	[tilespmem:$0xF400] =	vst v63  }
0xc2: {  	v9 =	vadd.s32 v10, v9;
	v10 =	vsel vm2, $0x1, v0;
	vm2 =	vlt.s32 v16, $0x1000;
	s17 =	simm.s32 $0xC000  }
0xc3: {  	v9 =	vadd.s32 v10, v9;
	v10 =	vsel vm2, $0x1, v0;
	vm2 =	vlt.s32 v17, $0x1000;
	[tilespmem:s17], [sflag:$0x2] =	stream.indirect_vreg.gather [hbm4b:s5+s3], $0x80, v59, vm1, $0xb8;
	[tilespmem:$0xF400] =	vst v63  }
0xc4: {  	v9 =	vadd.s32 v10, v9;
	v10 =	vsel vm2, $0x1, v0;
	vm2 =	vlt.s32 v18, $0x1000;
	v11 =	vld [tilespmem:$0x280]  }
0xc5: {  	v9 =	vadd.s32 v10, v9;
	v10 =	vsel vm2, $0x1, v0;
	vm2 =	vlt.s32 v19, $0x1000  }
0xc6: {  	v9 =	vadd.s32 v10, v9;
	v10 =	vsel vm2, $0x1, v0;
	vm2 =	vlt.s32 v20, $0x1000  }
0xc7: {  	v9 =	vadd.s32 v10, v9;
	v10 =	vsel vm2, $0x1, v0;
	vm2 =	vlt.s32 v23, $0x1000  }
0xc8: {  	v9 =	vadd.s32 v10, v9;
	v10 =	vsel vm2, $0x1, v0  }
0xc9: {  	vm2 =	vlt.s32 v24, $0x1000;
	v9 =	vadd.s32 v10, v9;
	v10 =	vshrl.u32 v11, $0x3  }
0xca: {  	v61 =	vsel vm2, $0x1, v0;
	vm2 =	vlt.s32 v28, $0x1000;
	v10 =	vmul.u32 $0x18, v10  }
0xcb: {  	v9 =	vadd.s32 v61, v9;
	v62 =	vsel vm2, $0x1, v0;
	v11 =	vand.u32 $0x7, v11  }
0xcc: {  	vm2 =	vlt.s32 v21, $0x1000;
	v9 =	vadd.s32 v62, v9;
	v10 =	vor.u32 v11, v10  }
0xcd: {  	v11 =	vsel vm2, $0x1, v0;
	vm2 =	vlt.s32 v25, $0x1000;
	v63 =	vperm.xlane v10, v5  }
0xce: {  	v9 =	vadd.s32 v11, v9;
	v11 =	vsel vm2, $0x1, v0  }
0xcf: {  	vm2 =	vlt.s32 v26, $0x1000;
	v10 =	vperm.xlane v10, v7;
	v12 =	vadd.s32 v6, v63  }
0xd0: {  	v9 =	vadd.s32 v11, v9;
	v11 =	vsel vm2, $0x1, v0;
	vm2 =	vlt.s32 v27, $0x1000  }
0xd1: {  	v9 =	vadd.s32 v11, v9;
	v11 =	vsel vm2, $0x1, v0;
	vm2 =	vlt.s32 v30, $0x1000  }
0xd2: {  	v9 =	vadd.s32 v11, v9;
	v11 =	vsel vm2, $0x1, v0;
	vm2 =	vlt.s32 v32, $0x1000  }
0xd3: {  	s18 =	simm.s32 $0xC400;
	v10 =	vadd.s32 v6, v10;
	v9 =	vadd.s32 v11, v9;
	v11 =	vsel vm2, $0x1, v0  }
0xd4: {  	v9 =	vadd.s32 v11, v9;
	[tilespmem:s18], [sflag:$0x2] =	stream.indirect_vreg.gather [hbm4b:s1+s3], $0x80, v12, vm0, $0xb8;
	[tilespmem:$0xF400] =	vst v63  }
0xd5: {  	s12 =	simm.s32 $0xCC00;
	v11 =	vperm.xlane v9, v1  }
0xd6: {  	[tilespmem:s12], [sflag:$0x2] =	stream.indirect_vreg.gather [hbm4b:s5+s3], $0x80, v12, vm1, $0xb8;
	[tilespmem:$0xF400] =	vst v63  }
0xd7: {  	s14 =	simm.s32 $0xD000;
	v9 =	vadd.s32 v11, v9  }
0xd8: {  	v11 =	vperm.xlane v9, v2;
	[tilespmem:s14], [sflag:$0x2] =	stream.indirect_vreg.gather [hbm4b:s1+s3], $0x80, v10, vm0, $0xb8;
	[tilespmem:$0xF400] =	vst v63  }
0xd9: {  	s15 =	simm.s32 $0xD800  }
0xda: {  	v9 =	vadd.s32 v11, v9;
	[tilespmem:s15], [sflag:$0x2] =	stream.indirect_vreg.gather [hbm4b:s5+s3], $0x80, v10, vm1, $0xb8;
	[tilespmem:$0xF400] =	vst v63  }
0xdb: {  	v10 =	vperm.xlane v9, v3;
	v11 =	vld [tilespmem:$0x290];
	_ =	sdelay $0x1  }
0xdc: {  	v9 =	vadd.s32 v10, v9  }
0xdd: {  	v10 =	vperm.xlane v9, v4;
	_ =	sdelay $0x1  }
0xde: {  	v9 =	vadd.s32 v10, v9;
	v10 =	vshrl.u32 v11, $0x3  }
0xdf: {  	(v2sf) =	vpush v9, $0x0;
	v9 =	vmul.u32 $0x18, v10  }
0xe0: {  	v10 =	vand.u32 $0x7, v11  }
0xe1: {  	v9 =	vor.u32 v10, v9  }
0xe2: {  	v10 =	vperm.xlane v9, v5;
	_ =	sdelay $0x1  }
0xe3: {  	v10 =	vadd.s32 v6, v10;
	_ =	sdelay $0x1  }
0xe4: {  	v9 =	vperm.xlane v9, v7;
	_ =	sdelay $0x1  }
0xe5: {  	s16 =	simm.s32 $0xDC00;
	v9 =	vadd.s32 v6, v9  }
0xe6: {  	[tilespmem:s16], [sflag:$0x2] =	stream.indirect_vreg.gather [hbm4b:s1+s3], $0x80, v10, vm0, $0xb8;
	[tilespmem:$0xF400] =	vst v63  }
0xe7: {  	s17 =	simm.s32 $0xE400  }
0xe8: {  	[tilespmem:s17], [sflag:$0x2] =	stream.indirect_vreg.gather [hbm4b:s5+s3], $0x80, v10, vm1, $0xb8;
	[tilespmem:$0xF400] =	vst v63  }
0xe9: {  	s18 =	simm.s32 $0xE800  }
0xea: {  	[tilespmem:s18], [sflag:$0x2] =	stream.indirect_vreg.gather [hbm4b:s1+s3], $0x80, v9, vm0, $0xb8;
	[tilespmem:$0xF400] =	vst v63  }
0xeb: {  	s6 =	spop (v2sf)  }
0xec: {  	p0 =	sgt.s32 s6, $0x4F  }
.Ltmp2:
0xed: {  	s12 =	simm.s32 $0xF000;
	(pc) =	sbr.rel @p0 .LBB2_9-.Ltmp2, $4  }
0xee: {  	[tilespmem:s12], [sflag:$0x2] =	stream.indirect_vreg.gather [hbm4b:s5+s3], $0x80, v9, vm1, $0xb8;
	[tilespmem:$0xF400] =	vst v63  }
0xef: {  	_ =	swait.ge [sflag:s11], $0x7800  }
0xf0: {  	[sflag:s11] =	ssyncset.done $0x0  }
0xf1: {  	s12 =	sadd.s32 $0xFFFFFFB0, s6;
	[sflag:s11] =	ssyncadd.s32 $0xFFFF8800  }
0xf2: {  	p0 =	sgt.s32 s6, $0x0;
	s14 =	smov.u32 s6  }
0xf3: {  	s14 =	simm.s32 @!p0 $0x0  }
0xf4: {  	p1 =	sne.s32 s14, $0x4F  }
.Ltmp3:
0xf5: {  	_ = 	snop;
	(pc) =	sbr.rel @!p1 .LBB2_3-.Ltmp3, $3  }
0xf6: {  	_ =	sdelay $0x1  }
0xf7: {  	p0 =	por $0x0, $0x0  }
0xf8: {  	s16 =	sshll.u32 s14, $0x7;
	s18 =	sshrl.u32 s14, $0x3;
	s14 =	sadd.s32 $0x1, s14  }
0xf9: {  	s15 =	smul.u32 $0x3000, s18;
	_ =	sdelay $0x1  }
0xfa: {  	s17 =	sand.u32 $0x380, s16;
	s15 =	sshra.s32 s15, $0x2  }
0xfb: {  	s15 =	sor.u32 s17, s15  }
0xfc: {  	[tilespmem:s15+$0xC70] =	vst v8  }
0xfd: {  	[tilespmem:s15+$0x400] =	vst v8  }
0xfe: {  	[tilespmem:s15+$0x410] =	vst v8  }
0xff: {  	[tilespmem:s15+$0x420] =	vst v8  }
0x100: {  	[tilespmem:s15+$0x430] =	vst v8  }
0x101: {  	[tilespmem:s15+$0x440] =	vst v8  }
0x102: {  	[tilespmem:s15+$0x450] =	vst v8  }
0x103: {  	[tilespmem:s15+$0x460] =	vst v8  }
0x104: {  	[tilespmem:s15+$0x470] =	vst v8  }
0x105: {  	[tilespmem:s15+$0x800] =	vst v8  }
0x106: {  	[tilespmem:s15+$0x810] =	vst v8  }
0x107: {  	[tilespmem:s15+$0x820] =	vst v8  }
0x108: {  	[tilespmem:s15+$0x830] =	vst v8  }
0x109: {  	[tilespmem:s15+$0x840] =	vst v8  }
0x10a: {  	p1 =	sne.s32 s14, $0x4F;
	[tilespmem:s15+$0x850] =	vst v8  }
.Ltmp4:
0x10b: {  	[tilespmem:s15+$0x860] =	vst v8;
	(pc) =	sbr.rel @!p1 .LBB2_5-.Ltmp4, $4  }
0x10c: {  	[tilespmem:s15+$0x870] =	vst v8  }
0x10d: {  	[tilespmem:s15+$0xC00] =	vst v8  }
0x10e: {  	s18 =	sshrl.u32 s14, $0x3;
	[tilespmem:s15+$0xC10] =	vst v8  }
0x10f: {  	p0 =	por $0x1, $0x1;
	s17 =	sadd.s32 $0x1, s14;
	s14 =	smov.u32 s16;
	[tilespmem:s15+$0xC20] =	vst v8  }
.LBB2_6:
0x110: {  	p1 =	sne.s32 s17, $0x4F;
	s18 =	smul.u32 $0x3000, s18;
	[tilespmem:s15+$0xC30] =	vst v8  }
0x111: {  	s14 =	sadd.s32 $0x80, s14;
	[tilespmem:s15+$0xC40] =	vst v8  }
0x112: {  	s19 =	sand.u32 $0x380, s14;
	s18 =	sshra.s32 s18, $0x2;
	[tilespmem:s15+$0xC50] =	vst v8  }
0x113: {  	[tilespmem:s15+$0xC60] =	vst v8;
	s15 =	sor.u32 s19, s18  }
0x114: {  	[tilespmem:s15+$0xC70] =	vst v8  }
0x115: {  	[tilespmem:s15+$0x400] =	vst v8  }
0x116: {  	[tilespmem:s15+$0x410] =	vst v8  }
0x117: {  	[tilespmem:s15+$0x420] =	vst v8  }
0x118: {  	[tilespmem:s15+$0x430] =	vst v8  }
0x119: {  	[tilespmem:s15+$0x440] =	vst v8  }
0x11a: {  	[tilespmem:s15+$0x450] =	vst v8  }
0x11b: {  	[tilespmem:s15+$0x460] =	vst v8  }
0x11c: {  	[tilespmem:s15+$0x470] =	vst v8  }
0x11d: {  	[tilespmem:s15+$0x800] =	vst v8  }
0x11e: {  	[tilespmem:s15+$0x810] =	vst v8  }
0x11f: {  	[tilespmem:s15+$0x820] =	vst v8  }
0x120: {  	[tilespmem:s15+$0x830] =	vst v8  }
0x121: {  	[tilespmem:s15+$0x840] =	vst v8  }
0x122: {  	[tilespmem:s15+$0x850] =	vst v8  }
.Ltmp5:
0x123: {  	[tilespmem:s15+$0x860] =	vst v8;
	(pc) =	sbr.rel @p1 .LBB2_6-.Ltmp5, $4  }
0x124: {  	[tilespmem:s15+$0x870] =	vst v8  }
0x125: {  	[tilespmem:s15+$0xC00] =	vst v8  }
0x126: {  	[tilespmem:s15+$0xC10] =	vst v8  }
0x127: {  	s18 =	sshrl.u32 s17, $0x3;
	s17 =	sadd.s32 $0x1, s17;
	[tilespmem:s15+$0xC20] =	vst v8  }
0x128: {  	s19 =	simm.s32 $0xC00  }
.LBB2_8:
0x129: {  	s17 =	smul.u32 $0x3000, s18;
	[tilespmem:s15+$0xC30] =	vst @p0 v8;
	s14 =	sadd.s32 @p0 $0x80, s14  }
0x12a: {  	[tilespmem:s15+$0xC40] =	vst @p0 v8;
	s16 =	smov.u32 @p0 s14  }
0x12b: {  	[tilespmem:s15+$0xC50] =	vst @p0 v8;
	s14 =	sand.u32 $0x380, s16;
	s18 =	sshra.s32 s17, $0x2  }
0x12c: {  	[tilespmem:s15+$0xC60] =	vst @p0 v8;
	s14 =	sor.u32 s14, s18  }
0x12d: {  	[tilespmem:s14+$0xC70] =	vst v8  }
0x12e: {  	[tilespmem:s14+$0x400] =	vst v8  }
0x12f: {  	[tilespmem:s14+$0x410] =	vst v8  }
0x130: {  	[tilespmem:s14+$0x420] =	vst v8  }
0x131: {  	[tilespmem:s14+$0x430] =	vst v8  }
0x132: {  	[tilespmem:s14+$0x440] =	vst v8  }
0x133: {  	[tilespmem:s14+$0x450] =	vst v8  }
0x134: {  	[tilespmem:s14+$0x460] =	vst v8  }
0x135: {  	[tilespmem:s14+$0x470] =	vst v8  }
0x136: {  	[tilespmem:s14+$0x800] =	vst v8  }
0x137: {  	[tilespmem:s14+$0x810] =	vst v8  }
0x138: {  	[tilespmem:s14+$0x820] =	vst v8  }
0x139: {  	[tilespmem:s14+$0x830] =	vst v8  }
0x13a: {  	[tilespmem:s14+$0x840] =	vst v8  }
0x13b: {  	[tilespmem:s14+$0x850] =	vst v8  }
0x13c: {  	[tilespmem:s14+$0x860] =	vst v8  }
0x13d: {  	[tilespmem:s14+$0x870] =	vst v8  }
0x13e: {  	[tilespmem:s14+$0xC00] =	vst v8  }
0x13f: {  	[tilespmem:s14+$0xC10] =	vst v8  }
0x140: {  	[tilespmem:s14+$0xC20] =	vst v8  }
0x141: {  	[tilespmem:s14+$0xC30] =	vst v8  }
0x142: {  	[tilespmem:s14+$0xC40] =	vst v8  }
0x143: {  	[tilespmem:s14+$0xC50] =	vst v8  }
0x144: {  	[tilespmem:s14+$0xC60] =	vst v8  }
.LBB2_9:
0x145: {  	s14 =	rddreg [dreg:$0x5]  }
0x146: {  	[hbm4b:s14+s3] =	stream.linear.scatter [tilespmem:s13], [sflag:$0x3], $0x7800, $0x38;
	[tilespmem:$0xF400] =	vst v63  }
0x147: {  	_ =	swait.ge [sflag:s7], $0x7800  }
0x148: {  	[sflag:s7] =	ssyncset.done $0x0  }
0x149: {  	[sflag:s7] =	ssyncadd.s32 $0xFFFF8800  }
0x14a: {  	v9 =	vld [tilespmem:$0x2A0];
	_ =	sdelay $0x4  }
0x14b: {  	v10 =	vshrl.u32 v9, $0x3  }
0x14c: {  	v10 =	vmul.u32 $0x18, v10  }
0x14d: {  	v9 =	vand.u32 $0x7, v9  }
0x14e: {  	v9 =	vor.u32 v9, v10  }
0x14f: {  	v10 =	vperm.xlane v9, v5;
	_ =	sdelay $0x1  }
0x150: {  	v10 =	vadd.s32 v6, v10;
	_ =	sdelay $0x1  }
0x151: {  	v9 =	vperm.xlane v9, v7;
	_ =	sdelay $0x1  }
0x152: {  	v9 =	vadd.s32 v6, v9  }
0x153: {  	[tilespmem:s13], [sflag:$0x1] =	stream.indirect_vreg.gather [hbm4b:s1+s3], $0x80, v10, vm0, $0xb8;
	[tilespmem:$0xF400] =	vst v63  }
0x154: {  	_ = 	snop  }
0x155: {  	[tilespmem:s19], [sflag:$0x1] =	stream.indirect_vreg.gather [hbm4b:s5+s3], $0x80, v10, vm1, $0xb8;
	[tilespmem:$0xF400] =	vst v63  }
0x156: {  	s18 =	simm.s32 $0x1000  }
0x157: {  	[tilespmem:s18], [sflag:$0x1] =	stream.indirect_vreg.gather [hbm4b:s1+s3], $0x80, v9, vm0, $0xb8;
	[tilespmem:$0xF400] =	vst v63  }
0x158: {  	s15 =	simm.s32 $0x1800  }
0x159: {  	[tilespmem:s15], [sflag:$0x1] =	stream.indirect_vreg.gather [hbm4b:s5+s3], $0x80, v9, vm1, $0xb8;
	[tilespmem:$0xF400] =	vst v63  }
0x15a: {  	v9 =	vld [tilespmem:$0x2B0];
	_ =	sdelay $0x4  }
0x15b: {  	v10 =	vshrl.u32 v9, $0x3  }
0x15c: {  	v10 =	vmul.u32 $0x18, v10  }
0x15d: {  	v9 =	vand.u32 $0x7, v9  }
0x15e: {  	v9 =	vor.u32 v9, v10  }
0x15f: {  	v10 =	vperm.xlane v9, v5;
	_ =	sdelay $0x1  }
0x160: {  	v10 =	vadd.s32 v6, v10;
	_ =	sdelay $0x1  }
0x161: {  	v9 =	vperm.xlane v9, v7;
	_ =	sdelay $0x1  }
0x162: {  	s16 =	simm.s32 $0x1C00;
	v9 =	vadd.s32 v6, v9  }
0x163: {  	[tilespmem:s16], [sflag:$0x1] =	stream.indirect_vreg.gather [hbm4b:s1+s3], $0x80, v10, vm0, $0xb8;
	[tilespmem:$0xF400] =	vst v63  }
0x164: {  	s17 =	simm.s32 $0x2400  }
0x165: {  	[tilespmem:s17], [sflag:$0x1] =	stream.indirect_vreg.gather [hbm4b:s5+s3], $0x80, v10, vm1, $0xb8;
	[tilespmem:$0xF400] =	vst v63  }
0x166: {  	s18 =	simm.s32 $0x2800  }
0x167: {  	[tilespmem:s18], [sflag:$0x1] =	stream.indirect_vreg.gather [hbm4b:s1+s3], $0x80, v9, vm0, $0xb8;
	[tilespmem:$0xF400] =	vst v63  }
0x168: {  	_ = 	snop  }
0x169: {  	[tilespmem:s20], [sflag:$0x1] =	stream.indirect_vreg.gather [hbm4b:s5+s3], $0x80, v9, vm1, $0xb8;
	[tilespmem:$0xF400] =	vst v63  }
0x16a: {  	v9 =	vld [tilespmem:$0x2C0];
	_ =	sdelay $0x4  }
0x16b: {  	v10 =	vshrl.u32 v9, $0x3  }
0x16c: {  	v10 =	vmul.u32 $0x18, v10  }
0x16d: {  	v9 =	vand.u32 $0x7, v9  }
0x16e: {  	v9 =	vor.u32 v9, v10  }
0x16f: {  	v10 =	vperm.xlane v9, v5;
	_ =	sdelay $0x1  }
0x170: {  	v10 =	vadd.s32 v6, v10;
	_ =	sdelay $0x1  }
0x171: {  	v9 =	vperm.xlane v9, v7;
	_ =	sdelay $0x1  }
0x172: {  	v9 =	vadd.s32 v6, v9  }
0x173: {  	[tilespmem:s21], [sflag:$0x1] =	stream.indirect_vreg.gather [hbm4b:s1+s3], $0x80, v10, vm0, $0xb8;
	[tilespmem:$0xF400] =	vst v63  }
0x174: {  	_ = 	snop  }
0x175: {  	[tilespmem:s22], [sflag:$0x1] =	stream.indirect_vreg.gather [hbm4b:s5+s3], $0x80, v10, vm1, $0xb8;
	[tilespmem:$0xF400] =	vst v63  }
0x176: {  	_ = 	snop  }
0x177: {  	[tilespmem:s23], [sflag:$0x1] =	stream.indirect_vreg.gather [hbm4b:s1+s3], $0x80, v9, vm0, $0xb8;
	[tilespmem:$0xF400] =	vst v63  }
0x178: {  	_ = 	snop  }
0x179: {  	[tilespmem:s24], [sflag:$0x1] =	stream.indirect_vreg.gather [hbm4b:s5+s3], $0x80, v9, vm1, $0xb8;
	[tilespmem:$0xF400] =	vst v63  }
0x17a: {  	v9 =	vld [tilespmem:$0x2D0];
	_ =	sdelay $0x4  }
0x17b: {  	v10 =	vshrl.u32 v9, $0x3  }
0x17c: {  	v10 =	vmul.u32 $0x18, v10  }
0x17d: {  	v9 =	vand.u32 $0x7, v9  }
0x17e: {  	v9 =	vor.u32 v9, v10  }
0x17f: {  	v10 =	vperm.xlane v9, v5;
	_ =	sdelay $0x1  }
0x180: {  	v10 =	vadd.s32 v6, v10;
	_ =	sdelay $0x1  }
0x181: {  	v9 =	vperm.xlane v9, v7;
	_ =	sdelay $0x1  }
0x182: {  	v9 =	vadd.s32 v6, v9  }
0x183: {  	[tilespmem:s25], [sflag:$0x1] =	stream.indirect_vreg.gather [hbm4b:s1+s3], $0x80, v10, vm0, $0xb8;
	[tilespmem:$0xF400] =	vst v63  }
0x184: {  	_ = 	snop  }
0x185: {  	[tilespmem:s26], [sflag:$0x1] =	stream.indirect_vreg.gather [hbm4b:s5+s3], $0x80, v10, vm1, $0xb8;
	[tilespmem:$0xF400] =	vst v63  }
0x186: {  	_ = 	snop  }
0x187: {  	[tilespmem:s28], [sflag:$0x1] =	stream.indirect_vreg.gather [hbm4b:s1+s3], $0x80, v9, vm0, $0xb8;
	[tilespmem:$0xF400] =	vst v63  }
0x188: {  	_ = 	snop  }
0x189: {  	[tilespmem:s29], [sflag:$0x1] =	stream.indirect_vreg.gather [hbm4b:s5+s3], $0x80, v9, vm1, $0xb8;
	[tilespmem:$0xF400] =	vst v63  }
0x18a: {  	v9 =	vld [tilespmem:$0x2E0];
	_ =	sdelay $0x4  }
0x18b: {  	v10 =	vshrl.u32 v9, $0x3  }
0x18c: {  	v10 =	vmul.u32 $0x18, v10  }
0x18d: {  	v9 =	vand.u32 $0x7, v9  }
0x18e: {  	v9 =	vor.u32 v9, v10  }
0x18f: {  	v10 =	vperm.xlane v9, v5;
	_ =	sdelay $0x1  }
0x190: {  	v10 =	vadd.s32 v6, v10;
	_ =	sdelay $0x1  }
0x191: {  	v9 =	vperm.xlane v9, v7;
	_ =	sdelay $0x1  }
0x192: {  	v9 =	vadd.s32 v6, v9  }
0x193: {  	[tilespmem:s30], [sflag:$0x1] =	stream.indirect_vreg.gather [hbm4b:s1+s3], $0x80, v10, vm0, $0xb8;
	[tilespmem:$0xF400] =	vst v63  }
0x194: {  	_ = 	snop  }
0x195: {  	[tilespmem:s31], [sflag:$0x1] =	stream.indirect_vreg.gather [hbm4b:s5+s3], $0x80, v10, vm1, $0xb8;
	[tilespmem:$0xF400] =	vst v63  }
0x196: {  	p0 =	sgt.s32 s12, $0x4F  }
0x197: {  	[tilespmem:s2], [sflag:$0x1] =	stream.indirect_vreg.gather [hbm4b:s1+s3], $0x80, v9, vm0, $0xb8;
	[tilespmem:$0xF400] =	vst v63  }
.Ltmp6:
0x198: {  	_ = 	snop;
	(pc) =	sbr.rel @p0 .LBB2_13-.Ltmp6, $4  }
0x199: {  	[tilespmem:s0], [sflag:$0x1] =	stream.indirect_vreg.gather [hbm4b:s5+s3], $0x80, v9, vm1, $0xb8;
	[tilespmem:$0xF400] =	vst v63  }
0x19a: {  	_ =	swait.ge [sflag:s8], $0x7800  }
0x19b: {  	[sflag:s8] =	ssyncset.done $0x0  }
0x19c: {  	s14 =	sadd.s32 $0xFFFFFF60, s6;
	[sflag:s8] =	ssyncadd.s32 $0xFFFF8800  }
0x19d: {  	p0 =	sgt.s32 s12, $0x0  }
0x19e: {  	s12 =	simm.s32 @!p0 $0x0  }
0x19f: {  	s17 =	smin.u32 s12, $0x50  }
0x1a0: {  	s12 =	sshrl.u32 s17, $0x3  }
0x1a1: {  	s12 =	smul.u32 $0x3000, s12  }
0x1a2: {  	s15 =	sshll.u32 s17, $0x7  }
0x1a3: {  	s16 =	sand.u32 $0x380, s15;
	s12 =	sshra.s32 s12, $0x2  }
0x1a4: {  	s12 =	sor.u32 s16, s12  }
0x1a5: {  	[tilespmem:s12+$0x8470] =	vst v8  }
0x1a6: {  	[tilespmem:s12+$0x7C00] =	vst v8  }
0x1a7: {  	[tilespmem:s12+$0x7C10] =	vst v8  }
0x1a8: {  	[tilespmem:s12+$0x7C20] =	vst v8  }
0x1a9: {  	[tilespmem:s12+$0x7C30] =	vst v8  }
0x1aa: {  	[tilespmem:s12+$0x7C40] =	vst v8  }
0x1ab: {  	[tilespmem:s12+$0x7C50] =	vst v8  }
0x1ac: {  	[tilespmem:s12+$0x7C60] =	vst v8  }
0x1ad: {  	[tilespmem:s12+$0x7C70] =	vst v8  }
0x1ae: {  	[tilespmem:s12+$0x8000] =	vst v8  }
0x1af: {  	[tilespmem:s12+$0x8010] =	vst v8  }
0x1b0: {  	s19 =	smax.u32 s17, $0x4F;
	[tilespmem:s12+$0x8020] =	vst v8  }
0x1b1: {  	s17 =	sadd.s32 $0x1, s17;
	s16 =	sadd.s32 $0x1, s19;
	[tilespmem:s12+$0x8030] =	vst v8  }
0x1b2: {  	[tilespmem:s12+$0x8040] =	vst v8;
	p0 =	sne.s32 s16, s17  }
.Ltmp7:
0x1b3: {  	[tilespmem:s12+$0x8050] =	vst v8;
	(pc) =	sbr.rel @!p0 .LBB2_12-.Ltmp7, $4  }
0x1b4: {  	[tilespmem:s12+$0x8060] =	vst v8  }
0x1b5: {  	[tilespmem:s12+$0x8070] =	vst v8  }
0x1b6: {  	[tilespmem:s12+$0x8400] =	vst v8  }
0x1b7: {  	[tilespmem:s12+$0x8410] =	vst v8  }
.LBB2_11:
0x1b8: {  	s18 =	sshrl.u32 s17, $0x3;
	s17 =	sadd.s32 $0x1, s17;
	[tilespmem:s12+$0x8420] =	vst v8  }
0x1b9: {  	s18 =	smul.u32 $0x3000, s18;
	p0 =	sne.s32 s16, s17;
	[tilespmem:s12+$0x8430] =	vst v8  }
0x1ba: {  	s15 =	sadd.s32 $0x80, s15;
	[tilespmem:s12+$0x8440] =	vst v8  }
0x1bb: {  	s19 =	sand.u32 $0x380, s15;
	s18 =	sshra.s32 s18, $0x2;
	[tilespmem:s12+$0x8450] =	vst v8  }
0x1bc: {  	[tilespmem:s12+$0x8460] =	vst v8;
	s12 =	sor.u32 s19, s18  }
0x1bd: {  	[tilespmem:s12+$0x8470] =	vst v8  }
0x1be: {  	[tilespmem:s12+$0x7C00] =	vst v8  }
0x1bf: {  	[tilespmem:s12+$0x7C10] =	vst v8  }
0x1c0: {  	[tilespmem:s12+$0x7C20] =	vst v8  }
0x1c1: {  	[tilespmem:s12+$0x7C30] =	vst v8  }
0x1c2: {  	[tilespmem:s12+$0x7C40] =	vst v8  }
0x1c3: {  	[tilespmem:s12+$0x7C50] =	vst v8  }
0x1c4: {  	[tilespmem:s12+$0x7C60] =	vst v8  }
0x1c5: {  	[tilespmem:s12+$0x7C70] =	vst v8  }
0x1c6: {  	[tilespmem:s12+$0x8000] =	vst v8  }
0x1c7: {  	[tilespmem:s12+$0x8010] =	vst v8  }
0x1c8: {  	[tilespmem:s12+$0x8020] =	vst v8  }
0x1c9: {  	[tilespmem:s12+$0x8030] =	vst v8  }
0x1ca: {  	[tilespmem:s12+$0x8040] =	vst v8  }
.Ltmp8:
0x1cb: {  	[tilespmem:s12+$0x8050] =	vst v8;
	(pc) =	sbr.rel @p0 .LBB2_11-.Ltmp8, $4  }
0x1cc: {  	[tilespmem:s12+$0x8060] =	vst v8  }
0x1cd: {  	[tilespmem:s12+$0x8070] =	vst v8  }
0x1ce: {  	[tilespmem:s12+$0x8400] =	vst v8  }
0x1cf: {  	[tilespmem:s12+$0x8410] =	vst v8  }
.LBB2_12:
0x1d0: {  	[tilespmem:s12+$0x8420] =	vst v8  }
0x1d1: {  	[tilespmem:s12+$0x8430] =	vst v8  }
0x1d2: {  	[tilespmem:s12+$0x8440] =	vst v8  }
0x1d3: {  	[tilespmem:s12+$0x8450] =	vst v8  }
0x1d4: {  	[tilespmem:s12+$0x8460] =	vst v8;
	s19 =	simm.s32 $0xC00  }
.LBB2_13:
0x1d5: {  	s12 =	rddreg [dreg:$0x6]  }
0x1d6: {  	[hbm4b:s12+s3] =	stream.linear.scatter [tilespmem:s4], [sflag:$0x4], $0x7800, $0x38;
	[tilespmem:$0xF400] =	vst v63  }
0x1d7: {  	_ =	swait.ge [sflag:s9], $0x7800  }
0x1d8: {  	[sflag:s9] =	ssyncset.done $0x0  }
0x1d9: {  	[sflag:s9] =	ssyncadd.s32 $0xFFFF8800  }
0x1da: {  	v9 =	vld [tilespmem:$0x2F0];
	_ =	sdelay $0x4  }
0x1db: {  	v10 =	vshrl.u32 v9, $0x3  }
0x1dc: {  	v10 =	vmul.u32 $0x18, v10  }
0x1dd: {  	v9 =	vand.u32 $0x7, v9  }
0x1de: {  	v9 =	vor.u32 v9, v10  }
0x1df: {  	v10 =	vperm.xlane v9, v5;
	_ =	sdelay $0x1  }
0x1e0: {  	v10 =	vadd.s32 v6, v10;
	_ =	sdelay $0x1  }
0x1e1: {  	v9 =	vperm.xlane v9, v7;
	_ =	sdelay $0x1  }
0x1e2: {  	v9 =	vadd.s32 v6, v9  }
0x1e3: {  	[tilespmem:s4], [sflag:$0x2] =	stream.indirect_vreg.gather [hbm4b:s1+s3], $0x80, v10, vm0, $0xb8;
	[tilespmem:$0xF400] =	vst v63  }
0x1e4: {  	s16 =	simm.s32 $0x8400  }
0x1e5: {  	[tilespmem:s16], [sflag:$0x2] =	stream.indirect_vreg.gather [hbm4b:s5+s3], $0x80, v10, vm1, $0xb8;
	[tilespmem:$0xF400] =	vst v63  }
0x1e6: {  	s17 =	simm.s32 $0x8800  }
0x1e7: {  	[tilespmem:s17], [sflag:$0x2] =	stream.indirect_vreg.gather [hbm4b:s1+s3], $0x80, v9, vm0, $0xb8;
	[tilespmem:$0xF400] =	vst v63  }
0x1e8: {  	s18 =	simm.s32 $0x9000  }
0x1e9: {  	[tilespmem:s18], [sflag:$0x2] =	stream.indirect_vreg.gather [hbm4b:s5+s3], $0x80, v9, vm1, $0xb8;
	[tilespmem:$0xF400] =	vst v63  }
0x1ea: {  	v9 =	vld [tilespmem:$0x300];
	_ =	sdelay $0x4  }
0x1eb: {  	v10 =	vshrl.u32 v9, $0x3  }
0x1ec: {  	v10 =	vmul.u32 $0x18, v10  }
0x1ed: {  	v9 =	vand.u32 $0x7, v9  }
0x1ee: {  	v9 =	vor.u32 v9, v10  }
0x1ef: {  	v10 =	vperm.xlane v9, v5;
	_ =	sdelay $0x1  }
0x1f0: {  	v10 =	vadd.s32 v6, v10;
	_ =	sdelay $0x1  }
0x1f1: {  	v9 =	vperm.xlane v9, v7;
	_ =	sdelay $0x1  }
0x1f2: {  	s15 =	simm.s32 $0x9400;
	v9 =	vadd.s32 v6, v9  }
0x1f3: {  	[tilespmem:s15], [sflag:$0x2] =	stream.indirect_vreg.gather [hbm4b:s1+s3], $0x80, v10, vm0, $0xb8;
	[tilespmem:$0xF400] =	vst v63  }
0x1f4: {  	s16 =	simm.s32 $0x9C00  }
0x1f5: {  	[tilespmem:s16], [sflag:$0x2] =	stream.indirect_vreg.gather [hbm4b:s5+s3], $0x80, v10, vm1, $0xb8;
	[tilespmem:$0xF400] =	vst v63  }
0x1f6: {  	s17 =	simm.s32 $0xA000  }
0x1f7: {  	[tilespmem:s17], [sflag:$0x2] =	stream.indirect_vreg.gather [hbm4b:s1+s3], $0x80, v9, vm0, $0xb8;
	[tilespmem:$0xF400] =	vst v63  }
0x1f8: {  	s18 =	simm.s32 $0xA800  }
0x1f9: {  	[tilespmem:s18], [sflag:$0x2] =	stream.indirect_vreg.gather [hbm4b:s5+s3], $0x80, v9, vm1, $0xb8;
	[tilespmem:$0xF400] =	vst v63  }
0x1fa: {  	v9 =	vld [tilespmem:$0x310];
	_ =	sdelay $0x4  }
0x1fb: {  	v10 =	vshrl.u32 v9, $0x3  }
0x1fc: {  	v10 =	vmul.u32 $0x18, v10  }
0x1fd: {  	v9 =	vand.u32 $0x7, v9  }
0x1fe: {  	v9 =	vor.u32 v9, v10  }
0x1ff: {  	v10 =	vperm.xlane v9, v5;
	_ =	sdelay $0x1  }
0x200: {  	v10 =	vadd.s32 v6, v10;
	_ =	sdelay $0x1  }
0x201: {  	v9 =	vperm.xlane v9, v7;
	_ =	sdelay $0x1  }
0x202: {  	s15 =	simm.s32 $0xAC00;
	v9 =	vadd.s32 v6, v9  }
0x203: {  	[tilespmem:s15], [sflag:$0x2] =	stream.indirect_vreg.gather [hbm4b:s1+s3], $0x80, v10, vm0, $0xb8;
	[tilespmem:$0xF400] =	vst v63  }
0x204: {  	s16 =	simm.s32 $0xB400  }
0x205: {  	[tilespmem:s16], [sflag:$0x2] =	stream.indirect_vreg.gather [hbm4b:s5+s3], $0x80, v10, vm1, $0xb8;
	[tilespmem:$0xF400] =	vst v63  }
0x206: {  	s17 =	simm.s32 $0xB800  }
0x207: {  	[tilespmem:s17], [sflag:$0x2] =	stream.indirect_vreg.gather [hbm4b:s1+s3], $0x80, v9, vm0, $0xb8;
	[tilespmem:$0xF400] =	vst v63  }
0x208: {  	s18 =	simm.s32 $0xC000  }
0x209: {  	[tilespmem:s18], [sflag:$0x2] =	stream.indirect_vreg.gather [hbm4b:s5+s3], $0x80, v9, vm1, $0xb8;
	[tilespmem:$0xF400] =	vst v63  }
0x20a: {  	v9 =	vld [tilespmem:$0x320];
	_ =	sdelay $0x4  }
0x20b: {  	v10 =	vshrl.u32 v9, $0x3  }
0x20c: {  	v10 =	vmul.u32 $0x18, v10  }
0x20d: {  	v9 =	vand.u32 $0x7, v9  }
0x20e: {  	v9 =	vor.u32 v9, v10  }
0x20f: {  	v10 =	vperm.xlane v9, v5;
	_ =	sdelay $0x1  }
0x210: {  	v10 =	vadd.s32 v6, v10;
	_ =	sdelay $0x1  }
0x211: {  	v9 =	vperm.xlane v9, v7;
	_ =	sdelay $0x1  }
0x212: {  	s15 =	simm.s32 $0xC400;
	v9 =	vadd.s32 v6, v9  }
0x213: {  	[tilespmem:s15], [sflag:$0x2] =	stream.indirect_vreg.gather [hbm4b:s1+s3], $0x80, v10, vm0, $0xb8;
	[tilespmem:$0xF400] =	vst v63  }
0x214: {  	s16 =	simm.s32 $0xCC00  }
0x215: {  	[tilespmem:s16], [sflag:$0x2] =	stream.indirect_vreg.gather [hbm4b:s5+s3], $0x80, v10, vm1, $0xb8;
	[tilespmem:$0xF400] =	vst v63  }
0x216: {  	s17 =	simm.s32 $0xD000  }
0x217: {  	[tilespmem:s17], [sflag:$0x2] =	stream.indirect_vreg.gather [hbm4b:s1+s3], $0x80, v9, vm0, $0xb8;
	[tilespmem:$0xF400] =	vst v63  }
0x218: {  	s18 =	simm.s32 $0xD800  }
0x219: {  	[tilespmem:s18], [sflag:$0x2] =	stream.indirect_vreg.gather [hbm4b:s5+s3], $0x80, v9, vm1, $0xb8;
	[tilespmem:$0xF400] =	vst v63  }
0x21a: {  	v9 =	vld [tilespmem:$0x330];
	_ =	sdelay $0x4  }
0x21b: {  	v10 =	vshrl.u32 v9, $0x3  }
0x21c: {  	v10 =	vmul.u32 $0x18, v10  }
0x21d: {  	v9 =	vand.u32 $0x7, v9  }
0x21e: {  	v9 =	vor.u32 v9, v10  }
0x21f: {  	v10 =	vperm.xlane v9, v5;
	_ =	sdelay $0x1  }
0x220: {  	v10 =	vadd.s32 v6, v10;
	_ =	sdelay $0x1  }
0x221: {  	v9 =	vperm.xlane v9, v7;
	_ =	sdelay $0x1  }
0x222: {  	s15 =	simm.s32 $0xDC00;
	v9 =	vadd.s32 v6, v9  }
0x223: {  	[tilespmem:s15], [sflag:$0x2] =	stream.indirect_vreg.gather [hbm4b:s1+s3], $0x80, v10, vm0, $0xb8;
	[tilespmem:$0xF400] =	vst v63  }
0x224: {  	s16 =	simm.s32 $0xE400  }
0x225: {  	[tilespmem:s16], [sflag:$0x2] =	stream.indirect_vreg.gather [hbm4b:s5+s3], $0x80, v10, vm1, $0xb8;
	[tilespmem:$0xF400] =	vst v63  }
0x226: {  	p0 =	sgt.s32 s14, $0x4F;
	s17 =	simm.s32 $0xE800  }
0x227: {  	[tilespmem:s17], [sflag:$0x2] =	stream.indirect_vreg.gather [hbm4b:s1+s3], $0x80, v9, vm0, $0xb8;
	[tilespmem:$0xF400] =	vst v63  }
.Ltmp9:
0x228: {  	s18 =	simm.s32 $0xF000;
	(pc) =	sbr.rel @p0 .LBB2_17-.Ltmp9, $4  }
0x229: {  	[tilespmem:s18], [sflag:$0x2] =	stream.indirect_vreg.gather [hbm4b:s5+s3], $0x80, v9, vm1, $0xb8;
	[tilespmem:$0xF400] =	vst v63  }
0x22a: {  	_ =	swait.ge [sflag:s11], $0x7800  }
0x22b: {  	[sflag:s11] =	ssyncset.done $0x0  }
0x22c: {  	s12 =	sadd.s32 $0xFFFFFF10, s6;
	[sflag:s11] =	ssyncadd.s32 $0xFFFF8800  }
0x22d: {  	p0 =	sgt.s32 s14, $0x0  }
0x22e: {  	s14 =	simm.s32 @!p0 $0x0  }
0x22f: {  	s17 =	smin.u32 s14, $0x50  }
0x230: {  	s14 =	sshrl.u32 s17, $0x3  }
0x231: {  	s14 =	smul.u32 $0x3000, s14  }
0x232: {  	s15 =	sshll.u32 s17, $0x7  }
0x233: {  	s16 =	sand.u32 $0x380, s15;
	s14 =	sshra.s32 s14, $0x2  }
0x234: {  	s14 =	sor.u32 s16, s14  }
0x235: {  	[tilespmem:s14+$0xC70] =	vst v8  }
0x236: {  	[tilespmem:s14+$0x400] =	vst v8  }
0x237: {  	[tilespmem:s14+$0x410] =	vst v8  }
0x238: {  	[tilespmem:s14+$0x420] =	vst v8  }
0x239: {  	[tilespmem:s14+$0x430] =	vst v8  }
0x23a: {  	[tilespmem:s14+$0x440] =	vst v8  }
0x23b: {  	[tilespmem:s14+$0x450] =	vst v8  }
0x23c: {  	[tilespmem:s14+$0x460] =	vst v8  }
0x23d: {  	[tilespmem:s14+$0x470] =	vst v8  }
0x23e: {  	[tilespmem:s14+$0x800] =	vst v8  }
0x23f: {  	[tilespmem:s14+$0x810] =	vst v8  }
0x240: {  	s19 =	smax.u32 s17, $0x4F;
	[tilespmem:s14+$0x820] =	vst v8  }
0x241: {  	s17 =	sadd.s32 $0x1, s17;
	s16 =	sadd.s32 $0x1, s19;
	[tilespmem:s14+$0x830] =	vst v8  }
0x242: {  	[tilespmem:s14+$0x840] =	vst v8;
	p0 =	sne.s32 s16, s17  }
.Ltmp10:
0x243: {  	[tilespmem:s14+$0x850] =	vst v8;
	(pc) =	sbr.rel @!p0 .LBB2_16-.Ltmp10, $4  }
0x244: {  	[tilespmem:s14+$0x860] =	vst v8  }
0x245: {  	[tilespmem:s14+$0x870] =	vst v8  }
0x246: {  	[tilespmem:s14+$0xC00] =	vst v8  }
0x247: {  	[tilespmem:s14+$0xC10] =	vst v8  }
.LBB2_15:
0x248: {  	s18 =	sshrl.u32 s17, $0x3;
	s17 =	sadd.s32 $0x1, s17;
	[tilespmem:s14+$0xC20] =	vst v8  }
0x249: {  	s18 =	smul.u32 $0x3000, s18;
	p0 =	sne.s32 s16, s17;
	[tilespmem:s14+$0xC30] =	vst v8  }
0x24a: {  	s15 =	sadd.s32 $0x80, s15;
	[tilespmem:s14+$0xC40] =	vst v8  }
0x24b: {  	s19 =	sand.u32 $0x380, s15;
	s18 =	sshra.s32 s18, $0x2;
	[tilespmem:s14+$0xC50] =	vst v8  }
0x24c: {  	[tilespmem:s14+$0xC60] =	vst v8;
	s14 =	sor.u32 s19, s18  }
0x24d: {  	[tilespmem:s14+$0xC70] =	vst v8  }
0x24e: {  	[tilespmem:s14+$0x400] =	vst v8  }
0x24f: {  	[tilespmem:s14+$0x410] =	vst v8  }
0x250: {  	[tilespmem:s14+$0x420] =	vst v8  }
0x251: {  	[tilespmem:s14+$0x430] =	vst v8  }
0x252: {  	[tilespmem:s14+$0x440] =	vst v8  }
0x253: {  	[tilespmem:s14+$0x450] =	vst v8  }
0x254: {  	[tilespmem:s14+$0x460] =	vst v8  }
0x255: {  	[tilespmem:s14+$0x470] =	vst v8  }
0x256: {  	[tilespmem:s14+$0x800] =	vst v8  }
0x257: {  	[tilespmem:s14+$0x810] =	vst v8  }
0x258: {  	[tilespmem:s14+$0x820] =	vst v8  }
0x259: {  	[tilespmem:s14+$0x830] =	vst v8  }
0x25a: {  	[tilespmem:s14+$0x840] =	vst v8  }
.Ltmp11:
0x25b: {  	[tilespmem:s14+$0x850] =	vst v8;
	(pc) =	sbr.rel @p0 .LBB2_15-.Ltmp11, $4  }
0x25c: {  	[tilespmem:s14+$0x860] =	vst v8  }
0x25d: {  	[tilespmem:s14+$0x870] =	vst v8  }
0x25e: {  	[tilespmem:s14+$0xC00] =	vst v8  }
0x25f: {  	[tilespmem:s14+$0xC10] =	vst v8  }
.LBB2_16:
0x260: {  	[tilespmem:s14+$0xC20] =	vst v8  }
0x261: {  	[tilespmem:s14+$0xC30] =	vst v8  }
0x262: {  	[tilespmem:s14+$0xC40] =	vst v8  }
0x263: {  	[tilespmem:s14+$0xC50] =	vst v8  }
0x264: {  	[tilespmem:s14+$0xC60] =	vst v8;
	s19 =	simm.s32 $0xC00  }
.LBB2_17:
0x265: {  	s14 =	rddreg [dreg:$0x7]  }
0x266: {  	[hbm4b:s14+s3] =	stream.linear.scatter [tilespmem:s13], [sflag:$0x3], $0x7800, $0x38;
	[tilespmem:$0xF400] =	vst v63  }
0x267: {  	_ =	swait.ge [sflag:s7], $0x7800  }
0x268: {  	[sflag:s7] =	ssyncset.done $0x0  }
0x269: {  	[sflag:s7] =	ssyncadd.s32 $0xFFFF8800  }
0x26a: {  	v9 =	vld [tilespmem:$0x340];
	_ =	sdelay $0x4  }
0x26b: {  	v10 =	vshrl.u32 v9, $0x3  }
0x26c: {  	v10 =	vmul.u32 $0x18, v10  }
0x26d: {  	v9 =	vand.u32 $0x7, v9  }
0x26e: {  	v9 =	vor.u32 v9, v10  }
0x26f: {  	v10 =	vperm.xlane v9, v5;
	_ =	sdelay $0x1  }
0x270: {  	v10 =	vadd.s32 v6, v10;
	_ =	sdelay $0x1  }
0x271: {  	v9 =	vperm.xlane v9, v7;
	_ =	sdelay $0x1  }
0x272: {  	v9 =	vadd.s32 v6, v9  }
0x273: {  	[tilespmem:s13], [sflag:$0x1] =	stream.indirect_vreg.gather [hbm4b:s1+s3], $0x80, v10, vm0, $0xb8;
	[tilespmem:$0xF400] =	vst v63  }
0x274: {  	_ = 	snop  }
0x275: {  	[tilespmem:s19], [sflag:$0x1] =	stream.indirect_vreg.gather [hbm4b:s5+s3], $0x80, v10, vm1, $0xb8;
	[tilespmem:$0xF400] =	vst v63  }
0x276: {  	s18 =	simm.s32 $0x1000  }
0x277: {  	[tilespmem:s18], [sflag:$0x1] =	stream.indirect_vreg.gather [hbm4b:s1+s3], $0x80, v9, vm0, $0xb8;
	[tilespmem:$0xF400] =	vst v63  }
0x278: {  	s15 =	simm.s32 $0x1800  }
0x279: {  	[tilespmem:s15], [sflag:$0x1] =	stream.indirect_vreg.gather [hbm4b:s5+s3], $0x80, v9, vm1, $0xb8;
	[tilespmem:$0xF400] =	vst v63  }
0x27a: {  	v9 =	vld [tilespmem:$0x350];
	_ =	sdelay $0x4  }
0x27b: {  	v10 =	vshrl.u32 v9, $0x3  }
0x27c: {  	v10 =	vmul.u32 $0x18, v10  }
0x27d: {  	v9 =	vand.u32 $0x7, v9  }
0x27e: {  	v9 =	vor.u32 v9, v10  }
0x27f: {  	v10 =	vperm.xlane v9, v5;
	_ =	sdelay $0x1  }
0x280: {  	v10 =	vadd.s32 v6, v10;
	_ =	sdelay $0x1  }
0x281: {  	v9 =	vperm.xlane v9, v7;
	_ =	sdelay $0x1  }
0x282: {  	s16 =	simm.s32 $0x1C00;
	v9 =	vadd.s32 v6, v9  }
0x283: {  	[tilespmem:s16], [sflag:$0x1] =	stream.indirect_vreg.gather [hbm4b:s1+s3], $0x80, v10, vm0, $0xb8;
	[tilespmem:$0xF400] =	vst v63  }
0x284: {  	s17 =	simm.s32 $0x2400  }
0x285: {  	[tilespmem:s17], [sflag:$0x1] =	stream.indirect_vreg.gather [hbm4b:s5+s3], $0x80, v10, vm1, $0xb8;
	[tilespmem:$0xF400] =	vst v63  }
0x286: {  	s18 =	simm.s32 $0x2800  }
0x287: {  	[tilespmem:s18], [sflag:$0x1] =	stream.indirect_vreg.gather [hbm4b:s1+s3], $0x80, v9, vm0, $0xb8;
	[tilespmem:$0xF400] =	vst v63  }
0x288: {  	_ = 	snop  }
0x289: {  	[tilespmem:s20], [sflag:$0x1] =	stream.indirect_vreg.gather [hbm4b:s5+s3], $0x80, v9, vm1, $0xb8;
	[tilespmem:$0xF400] =	vst v63  }
0x28a: {  	v9 =	vld [tilespmem:$0x360];
	_ =	sdelay $0x4  }
0x28b: {  	v10 =	vshrl.u32 v9, $0x3  }
0x28c: {  	v10 =	vmul.u32 $0x18, v10  }
0x28d: {  	v9 =	vand.u32 $0x7, v9  }
0x28e: {  	v9 =	vor.u32 v9, v10  }
0x28f: {  	v10 =	vperm.xlane v9, v5;
	_ =	sdelay $0x1  }
0x290: {  	v10 =	vadd.s32 v6, v10;
	_ =	sdelay $0x1  }
0x291: {  	v9 =	vperm.xlane v9, v7;
	_ =	sdelay $0x1  }
0x292: {  	v9 =	vadd.s32 v6, v9  }
0x293: {  	[tilespmem:s21], [sflag:$0x1] =	stream.indirect_vreg.gather [hbm4b:s1+s3], $0x80, v10, vm0, $0xb8;
	[tilespmem:$0xF400] =	vst v63  }
0x294: {  	_ = 	snop  }
0x295: {  	[tilespmem:s22], [sflag:$0x1] =	stream.indirect_vreg.gather [hbm4b:s5+s3], $0x80, v10, vm1, $0xb8;
	[tilespmem:$0xF400] =	vst v63  }
0x296: {  	_ = 	snop  }
0x297: {  	[tilespmem:s23], [sflag:$0x1] =	stream.indirect_vreg.gather [hbm4b:s1+s3], $0x80, v9, vm0, $0xb8;
	[tilespmem:$0xF400] =	vst v63  }
0x298: {  	_ = 	snop  }
0x299: {  	[tilespmem:s24], [sflag:$0x1] =	stream.indirect_vreg.gather [hbm4b:s5+s3], $0x80, v9, vm1, $0xb8;
	[tilespmem:$0xF400] =	vst v63  }
0x29a: {  	v9 =	vld [tilespmem:$0x370];
	_ =	sdelay $0x4  }
0x29b: {  	v10 =	vshrl.u32 v9, $0x3  }
0x29c: {  	v10 =	vmul.u32 $0x18, v10  }
0x29d: {  	v9 =	vand.u32 $0x7, v9  }
0x29e: {  	v9 =	vor.u32 v9, v10  }
0x29f: {  	v10 =	vperm.xlane v9, v5;
	_ =	sdelay $0x1  }
0x2a0: {  	v10 =	vadd.s32 v6, v10;
	_ =	sdelay $0x1  }
0x2a1: {  	v9 =	vperm.xlane v9, v7;
	_ =	sdelay $0x1  }
0x2a2: {  	v9 =	vadd.s32 v6, v9  }
0x2a3: {  	[tilespmem:s25], [sflag:$0x1] =	stream.indirect_vreg.gather [hbm4b:s1+s3], $0x80, v10, vm0, $0xb8;
	[tilespmem:$0xF400] =	vst v63  }
0x2a4: {  	_ = 	snop  }
0x2a5: {  	[tilespmem:s26], [sflag:$0x1] =	stream.indirect_vreg.gather [hbm4b:s5+s3], $0x80, v10, vm1, $0xb8;
	[tilespmem:$0xF400] =	vst v63  }
0x2a6: {  	_ = 	snop  }
0x2a7: {  	[tilespmem:s28], [sflag:$0x1] =	stream.indirect_vreg.gather [hbm4b:s1+s3], $0x80, v9, vm0, $0xb8;
	[tilespmem:$0xF400] =	vst v63  }
0x2a8: {  	_ = 	snop  }
0x2a9: {  	[tilespmem:s29], [sflag:$0x1] =	stream.indirect_vreg.gather [hbm4b:s5+s3], $0x80, v9, vm1, $0xb8;
	[tilespmem:$0xF400] =	vst v63  }
0x2aa: {  	v9 =	vld [tilespmem:$0x380];
	_ =	sdelay $0x4  }
0x2ab: {  	v10 =	vshrl.u32 v9, $0x3  }
0x2ac: {  	v10 =	vmul.u32 $0x18, v10  }
0x2ad: {  	v9 =	vand.u32 $0x7, v9  }
0x2ae: {  	v9 =	vor.u32 v9, v10  }
0x2af: {  	v10 =	vperm.xlane v9, v5;
	_ =	sdelay $0x1  }
0x2b0: {  	v10 =	vadd.s32 v6, v10;
	_ =	sdelay $0x1  }
0x2b1: {  	v9 =	vperm.xlane v9, v7;
	_ =	sdelay $0x1  }
0x2b2: {  	v9 =	vadd.s32 v6, v9  }
0x2b3: {  	[tilespmem:s30], [sflag:$0x1] =	stream.indirect_vreg.gather [hbm4b:s1+s3], $0x80, v10, vm0, $0xb8;
	[tilespmem:$0xF400] =	vst v63  }
0x2b4: {  	_ = 	snop  }
0x2b5: {  	[tilespmem:s31], [sflag:$0x1] =	stream.indirect_vreg.gather [hbm4b:s5+s3], $0x80, v10, vm1, $0xb8;
	[tilespmem:$0xF400] =	vst v63  }
0x2b6: {  	p0 =	sgt.s32 s12, $0x4F  }
0x2b7: {  	[tilespmem:s2], [sflag:$0x1] =	stream.indirect_vreg.gather [hbm4b:s1+s3], $0x80, v9, vm0, $0xb8;
	[tilespmem:$0xF400] =	vst v63  }
.Ltmp12:
0x2b8: {  	_ = 	snop;
	(pc) =	sbr.rel @p0 .LBB2_21-.Ltmp12, $4  }
0x2b9: {  	[tilespmem:s0], [sflag:$0x1] =	stream.indirect_vreg.gather [hbm4b:s5+s3], $0x80, v9, vm1, $0xb8;
	[tilespmem:$0xF400] =	vst v63  }
0x2ba: {  	_ =	swait.ge [sflag:s8], $0x7800  }
0x2bb: {  	[sflag:s8] =	ssyncset.done $0x0  }
0x2bc: {  	[sflag:s8] =	ssyncadd.s32 $0xFFFF8800  }
0x2bd: {  	p0 =	sgt.s32 s12, $0x0  }
0x2be: {  	s12 =	simm.s32 @!p0 $0x0  }
0x2bf: {  	s16 =	smin.u32 s12, $0x50  }
0x2c0: {  	s12 =	sshrl.u32 s16, $0x3  }
0x2c1: {  	s12 =	smul.u32 $0x3000, s12  }
0x2c2: {  	s14 =	sshll.u32 s16, $0x7  }
0x2c3: {  	s15 =	sand.u32 $0x380, s14;
	s12 =	sshra.s32 s12, $0x2  }
0x2c4: {  	s12 =	sor.u32 s15, s12  }
0x2c5: {  	[tilespmem:s12+$0x8470] =	vst v8  }
0x2c6: {  	[tilespmem:s12+$0x7C00] =	vst v8  }
0x2c7: {  	[tilespmem:s12+$0x7C10] =	vst v8  }
0x2c8: {  	[tilespmem:s12+$0x7C20] =	vst v8  }
0x2c9: {  	[tilespmem:s12+$0x7C30] =	vst v8  }
0x2ca: {  	[tilespmem:s12+$0x7C40] =	vst v8  }
0x2cb: {  	[tilespmem:s12+$0x7C50] =	vst v8  }
0x2cc: {  	[tilespmem:s12+$0x7C60] =	vst v8  }
0x2cd: {  	[tilespmem:s12+$0x7C70] =	vst v8  }
0x2ce: {  	[tilespmem:s12+$0x8000] =	vst v8  }
0x2cf: {  	[tilespmem:s12+$0x8010] =	vst v8  }
0x2d0: {  	s18 =	smax.u32 s16, $0x4F;
	[tilespmem:s12+$0x8020] =	vst v8  }
0x2d1: {  	s16 =	sadd.s32 $0x1, s16;
	s15 =	sadd.s32 $0x1, s18;
	[tilespmem:s12+$0x8030] =	vst v8  }
0x2d2: {  	[tilespmem:s12+$0x8040] =	vst v8;
	p0 =	sne.s32 s15, s16  }
.Ltmp13:
0x2d3: {  	[tilespmem:s12+$0x8050] =	vst v8;
	(pc) =	sbr.rel @!p0 .LBB2_20-.Ltmp13, $4  }
0x2d4: {  	[tilespmem:s12+$0x8060] =	vst v8  }
0x2d5: {  	[tilespmem:s12+$0x8070] =	vst v8  }
0x2d6: {  	[tilespmem:s12+$0x8400] =	vst v8  }
0x2d7: {  	[tilespmem:s12+$0x8410] =	vst v8  }
.LBB2_19:
0x2d8: {  	s17 =	sshrl.u32 s16, $0x3;
	s16 =	sadd.s32 $0x1, s16;
	[tilespmem:s12+$0x8420] =	vst v8  }
0x2d9: {  	s17 =	smul.u32 $0x3000, s17;
	p0 =	sne.s32 s15, s16;
	[tilespmem:s12+$0x8430] =	vst v8  }
0x2da: {  	s14 =	sadd.s32 $0x80, s14;
	[tilespmem:s12+$0x8440] =	vst v8  }
0x2db: {  	s18 =	sand.u32 $0x380, s14;
	s17 =	sshra.s32 s17, $0x2;
	[tilespmem:s12+$0x8450] =	vst v8  }
0x2dc: {  	[tilespmem:s12+$0x8460] =	vst v8;
	s12 =	sor.u32 s18, s17  }
0x2dd: {  	[tilespmem:s12+$0x8470] =	vst v8  }
0x2de: {  	[tilespmem:s12+$0x7C00] =	vst v8  }
0x2df: {  	[tilespmem:s12+$0x7C10] =	vst v8  }
0x2e0: {  	[tilespmem:s12+$0x7C20] =	vst v8  }
0x2e1: {  	[tilespmem:s12+$0x7C30] =	vst v8  }
0x2e2: {  	[tilespmem:s12+$0x7C40] =	vst v8  }
0x2e3: {  	[tilespmem:s12+$0x7C50] =	vst v8  }
0x2e4: {  	[tilespmem:s12+$0x7C60] =	vst v8  }
0x2e5: {  	[tilespmem:s12+$0x7C70] =	vst v8  }
0x2e6: {  	[tilespmem:s12+$0x8000] =	vst v8  }
0x2e7: {  	[tilespmem:s12+$0x8010] =	vst v8  }
0x2e8: {  	[tilespmem:s12+$0x8020] =	vst v8  }
0x2e9: {  	[tilespmem:s12+$0x8030] =	vst v8  }
0x2ea: {  	[tilespmem:s12+$0x8040] =	vst v8  }
.Ltmp14:
0x2eb: {  	[tilespmem:s12+$0x8050] =	vst v8;
	(pc) =	sbr.rel @p0 .LBB2_19-.Ltmp14, $4  }
0x2ec: {  	[tilespmem:s12+$0x8060] =	vst v8  }
0x2ed: {  	[tilespmem:s12+$0x8070] =	vst v8  }
0x2ee: {  	[tilespmem:s12+$0x8400] =	vst v8  }
0x2ef: {  	[tilespmem:s12+$0x8410] =	vst v8  }
.LBB2_20:
0x2f0: {  	[tilespmem:s12+$0x8420] =	vst v8  }
0x2f1: {  	[tilespmem:s12+$0x8430] =	vst v8  }
0x2f2: {  	[tilespmem:s12+$0x8440] =	vst v8  }
0x2f3: {  	[tilespmem:s12+$0x8450] =	vst v8  }
0x2f4: {  	[tilespmem:s12+$0x8460] =	vst v8  }
.LBB2_21:
0x2f5: {  	s6 =	sadd.s32 $0xFFFFFEC0, s6  }
0x2f6: {  	p0 =	sgt.s32 s6, $0x4F  }
.Ltmp15:
0x2f7: {  	s12 =	rddreg [dreg:$0x8];
	(pc) =	sbr.rel @p0 .LBB2_25-.Ltmp15, $4  }
0x2f8: {  	[hbm4b:s12+s3] =	stream.linear.scatter [tilespmem:s4], [sflag:$0x4], $0x7800, $0x38;
	[tilespmem:$0xF400] =	vst v63  }
0x2f9: {  	_ =	swait.ge [sflag:s11], $0x7800  }
0x2fa: {  	[sflag:s11] =	ssyncset.done $0x0  }
0x2fb: {  	[sflag:s11] =	ssyncadd.s32 $0xFFFF8800  }
0x2fc: {  	p0 =	sgt.s32 s6, $0x0  }
0x2fd: {  	s6 =	simm.s32 @!p0 $0x0  }
0x2fe: {  	s15 =	smin.u32 s6, $0x50  }
0x2ff: {  	s6 =	sshrl.u32 s15, $0x3  }
0x300: {  	s6 =	smul.u32 $0x3000, s6  }
0x301: {  	s12 =	sshll.u32 s15, $0x7  }
0x302: {  	s14 =	sand.u32 $0x380, s12;
	s6 =	sshra.s32 s6, $0x2  }
0x303: {  	s6 =	sor.u32 s14, s6  }
0x304: {  	[tilespmem:s6+$0xC70] =	vst v8  }
0x305: {  	[tilespmem:s6+$0x400] =	vst v8  }
0x306: {  	[tilespmem:s6+$0x410] =	vst v8  }
0x307: {  	[tilespmem:s6+$0x420] =	vst v8  }
0x308: {  	[tilespmem:s6+$0x430] =	vst v8  }
0x309: {  	[tilespmem:s6+$0x440] =	vst v8  }
0x30a: {  	[tilespmem:s6+$0x450] =	vst v8  }
0x30b: {  	[tilespmem:s6+$0x460] =	vst v8  }
0x30c: {  	[tilespmem:s6+$0x470] =	vst v8  }
0x30d: {  	[tilespmem:s6+$0x800] =	vst v8  }
0x30e: {  	[tilespmem:s6+$0x810] =	vst v8  }
0x30f: {  	s18 =	smax.u32 s15, $0x4F;
	[tilespmem:s6+$0x820] =	vst v8  }
0x310: {  	s15 =	sadd.s32 $0x1, s15;
	s14 =	sadd.s32 $0x1, s18;
	[tilespmem:s6+$0x830] =	vst v8  }
0x311: {  	[tilespmem:s6+$0x840] =	vst v8;
	p0 =	sne.s32 s14, s15  }
.Ltmp16:
0x312: {  	[tilespmem:s6+$0x850] =	vst v8;
	(pc) =	sbr.rel @!p0 .LBB2_24-.Ltmp16, $4  }
0x313: {  	[tilespmem:s6+$0x860] =	vst v8  }
0x314: {  	[tilespmem:s6+$0x870] =	vst v8  }
0x315: {  	[tilespmem:s6+$0xC00] =	vst v8  }
0x316: {  	[tilespmem:s6+$0xC10] =	vst v8  }
.LBB2_23:
0x317: {  	s16 =	sshrl.u32 s15, $0x3;
	s15 =	sadd.s32 $0x1, s15;
	[tilespmem:s6+$0xC20] =	vst v8  }
0x318: {  	s16 =	smul.u32 $0x3000, s16;
	p0 =	sne.s32 s14, s15;
	[tilespmem:s6+$0xC30] =	vst v8  }
0x319: {  	s12 =	sadd.s32 $0x80, s12;
	[tilespmem:s6+$0xC40] =	vst v8  }
0x31a: {  	s17 =	sand.u32 $0x380, s12;
	s16 =	sshra.s32 s16, $0x2;
	[tilespmem:s6+$0xC50] =	vst v8  }
0x31b: {  	[tilespmem:s6+$0xC60] =	vst v8;
	s6 =	sor.u32 s17, s16  }
0x31c: {  	[tilespmem:s6+$0xC70] =	vst v8  }
0x31d: {  	[tilespmem:s6+$0x400] =	vst v8  }
0x31e: {  	[tilespmem:s6+$0x410] =	vst v8  }
0x31f: {  	[tilespmem:s6+$0x420] =	vst v8  }
0x320: {  	[tilespmem:s6+$0x430] =	vst v8  }
0x321: {  	[tilespmem:s6+$0x440] =	vst v8  }
0x322: {  	[tilespmem:s6+$0x450] =	vst v8  }
0x323: {  	[tilespmem:s6+$0x460] =	vst v8  }
0x324: {  	[tilespmem:s6+$0x470] =	vst v8  }
0x325: {  	[tilespmem:s6+$0x800] =	vst v8  }
0x326: {  	[tilespmem:s6+$0x810] =	vst v8  }
0x327: {  	[tilespmem:s6+$0x820] =	vst v8  }
0x328: {  	[tilespmem:s6+$0x830] =	vst v8  }
0x329: {  	[tilespmem:s6+$0x840] =	vst v8  }
.Ltmp17:
0x32a: {  	[tilespmem:s6+$0x850] =	vst v8;
	(pc) =	sbr.rel @p0 .LBB2_23-.Ltmp17, $4  }
0x32b: {  	[tilespmem:s6+$0x860] =	vst v8  }
0x32c: {  	[tilespmem:s6+$0x870] =	vst v8  }
0x32d: {  	[tilespmem:s6+$0xC00] =	vst v8  }
0x32e: {  	[tilespmem:s6+$0xC10] =	vst v8  }
.Ltmp18:
0x32f: {  	_ = 	snop;
	(pc) =	sbr.rel .LBB2_24-.Ltmp18, $1  }
0x330: {  	_ =	sdelay $0x3  }
.LBB2_3:
.Ltmp19:
0x331: {  	(pc) =	sbr.rel .LBB2_8-.Ltmp19, $2  }
0x332: {  	_ =	sdelay $0x2  }
0x333: {  	s14 =	smov.u32 s16  }
.LBB2_5:
.Ltmp20:
0x334: {  	(pc) =	sbr.rel .LBB2_8-.Ltmp20, $2  }
0x335: {  	_ =	sdelay $0x2  }
0x336: {  	s14 =	smov.u32 s16;
	s19 =	simm.s32 $0xC00  }
.LBB2_26:
0x337: {  	_ =	sfence.sel $0x180000  }
0x338: {  	[bflag:$0x0] =	sbarrier.arrive $0xFFFF  }
0x339: {  	_ =	strace $0x90000047  }
0x33a: {  	s0 =	stileid.u32;
	[bflag:$0x2] =	sbarrier.arrive $0xFFFF  }
0x33b: {  	p0 =	sne.s32 s0, $0x0;
	s0 =	rddreg [dreg:$0x3]  }
0x33c: {  	s0 =	sadd.s32 @!p0 $0x100000, s0  }
0x33d: {  	[sflag:s0] =	ssyncadd.tile.s32 @!p0 $0x1;
	_ =	shalt  }
.Lfunc_end2:
_tile_overlayer_lowered:
.L_overlay_start_2:
0x33e: {  	(tag) =	ssettag $0x2  }
0x33f: {  	s0 =	rddreg [dreg:$0x0];
	s2 =	stileid.u32  }
0x340: {  	s1 =	rddreg [dreg:$0x1];
	p0 =	sne.s32 s2, $0x0  }
0x341: {  	s3 =	rddreg [dreg:$0x2];
	[bflag:$0x3] =	sbarrier.arrive $0xFFFF;
	s2 =	simm.s32 @!p0 $0x1C05  }
0x342: {  	[timem:s3], [sflag:s2] =	dma.local @!p0 [hbm:s0], s1  }
0x343: {  	s0 =	simm.s32 @!p0 $0x5  }
0x344: {  	_ =	swait.ge @!p0 [sflag:s0], s1  }
0x345: {  	s1 =	ssub.s32 @!p0 $0x0, s1;
	[sflag:s0] =	ssyncset.done @!p0 $0x0  }
0x346: {  	[sflag:s0] =	ssyncadd.s32 @!p0 s1  }
0x347: {  	[bflag:$0x3] =	sbarrier.arrive $0xFFFF  }
0x348: {  	_ =	shalt  }

</sc_bundles>
